<compile_context>
chip_gen: v7x
topology: tpu7x:2x2x1
jax: 0.10.2.dev20260603
libtpu: 0.0.44.dev20260713+nightly
codegen_flags: <defaults>
</compile_context>

<pallas_src>
import functools

import jax
import jax.numpy as jnp
from jax import lax
from jax.experimental import pallas as pl
from jax.experimental.pallas import tpu as pltpu
from jax.experimental.pallas import tpu_sc as plsc

N = 10000
IN_F = 128
F = 128
K = 32
L = 16
NC, NS = 2, 16
NW = NC * NS
RPW = -(-N // NW)
NCHUNK = N // L
GC = 4
NG = -(-NCHUNK // GC)
NGB = -(-NG // L)
PAD = NG * GC * L - N
BSTRIDE = N + PAD
HM_SHIFT = 19
HM_SIZE = 2048
HR_SHIFT = 11
RB = 256
MM_BLOCK = 400


def _mm_body(x_ref, w_ref, b_ref, o_ref):
    o_ref[...] = lax.dot_general(
        x_ref[...], w_ref[...], (((1,), (1,)), ((), ())),
        preferred_element_type=jnp.float32) + b_ref[...]


_matmul = pl.pallas_call(
    _mm_body,
    out_shape=jax.ShapeDtypeStruct((N, F), jnp.float32),
    grid=(N // MM_BLOCK,),
    in_specs=[
        pl.BlockSpec((MM_BLOCK, IN_F), lambda i: (i, 0)),
        pl.BlockSpec((F, IN_F), lambda i: (0, 0)),
        pl.BlockSpec((1, F), lambda i: (0, 0)),
    ],
    out_specs=pl.BlockSpec((MM_BLOCK, F), lambda i: (i, 0)),
)


_mesh = plsc.VectorSubcoreMesh(core_axis_name="c", subcore_axis_name="s")


@functools.partial(
    pl.kernel,
    out_type=jax.ShapeDtypeStruct((N, F), jnp.float32),
    mesh=_mesh,
    compiler_params=pltpu.CompilerParams(needs_layout_passes=False),
    scratch_types=[
        pltpu.VMEM((2 * (N + PAD),), jnp.float32),
        pltpu.VMEM((NG + L,), jnp.float32),
        pltpu.VMEM((HM_SIZE + L,), jnp.int32),
        pltpu.VMEM((NCHUNK + L,), jnp.int32),
        pltpu.VMEM((N + L,), jnp.int32),
        pltpu.VMEM((N + L,), jnp.int32),
        pltpu.VMEM((N + L,), jnp.int32),
        pltpu.VMEM((K + L,), jnp.int32),
        pltpu.VMEM((2, K), jnp.int32),
        pltpu.VMEM((2, K, F), jnp.float32),
        pltpu.VMEM((2, F), jnp.float32),
        pltpu.SemaphoreType.DMA((2,)),
        pltpu.SemaphoreType.DMA((2,)),
        pltpu.SemaphoreType.DMA((2,)),
    ],
)
def _sc_topk(adj_flat_hbm, h_hbm, out_hbm, rowbuf, maxbuf, hist, qid, cbits,
             cidx,
             eqidx, fpad, fidx, grows, orow, gsem, rsem, osem):
    wid = lax.axis_index("s") * NC + lax.axis_index("c")
    base = wid * RPW
    nrows = jnp.minimum(RPW, N - base)
    ones = jnp.ones((L,), jnp.int32)
    zeros = jnp.zeros((L,), jnp.int32)
    neg1 = jnp.full((L,), -1, jnp.int32)
    lanes = lax.iota(jnp.int32, L)
    last = lanes == (L - 1)

    def clear_hist(nbkt):
        def clr(j, carry):
            hist[pl.ds(j * L, L)] = zeros
            return carry
        lax.fori_loop(0, nbkt // L, clr, 0, unroll=4)

    def hist_scan(start_cnt, nbkt):
        def cond(st):
            _, cnt, _ = st
            return cnt < K

        def body(st):
            j, cnt, _ = st
            nj = j - 1
            v = hist[pl.ds(nj * L, L)]
            tot = plsc.cumsum(v)[L - 1]
            return nj, cnt + tot, cnt

        j, _, prev = lax.while_loop(
            cond, body, (jnp.int32(nbkt // L), start_cnt, start_cnt))
        v = hist[pl.ds(j * L, L)]
        cs = plsc.cumsum(v)
        tot = cs[L - 1]
        incl = (prev + tot) + (v - cs)
        w = jnp.where(incl >= K, lanes, neg1)
        lane = plsc.cummax(w)[L - 1]
        b = j * L + lane
        sel = jnp.where(lanes == lane, cs, zeros)
        above = prev + tot - plsc.cumsum(sel)[L - 1]
        return b, above

    fzeros = jnp.zeros((L,), jnp.float32)
    for t in range(PAD // L):
        rowbuf[pl.ds(N + t * L, L)] = fzeros
        rowbuf[pl.ds(BSTRIDE + N + t * L, L)] = fzeros

    pltpu.async_copy(adj_flat_hbm.at[pl.ds(base * N, N)],
                     rowbuf.at[pl.ds(0, N)], rsem.at[0])

    def finish(j):
        q = j & 1
        pltpu.make_async_copy(h_hbm.at[fidx.at[q]], grows.at[q],
                              gsem.at[q]).wait()

        @pl.when(j >= 2)
        def _wout():
            pltpu.make_async_copy(orow.at[q], out_hbm.at[base + j - 2],
                                  osem.at[q]).wait()

        def mx(k, accs):
            return tuple(
                jnp.maximum(a, grows[q, k, pl.ds(f * L, L)])
                for f, a in enumerate(accs))
        accs = lax.fori_loop(
            0, K, mx,
            tuple(jnp.full((L,), -jnp.inf, jnp.float32)
                  for _ in range(F // L)))
        for f in range(F // L):
            orow[q, pl.ds(f * L, L)] = accs[f]
        pltpu.async_copy(orow.at[q], out_hbm.at[base + j], osem.at[q])

    def row_body(i, carry):
        r = base + i
        bsel = i & 1
        roff = bsel * BSTRIDE
        pltpu.make_async_copy(adj_flat_hbm.at[pl.ds(r * N, N)],
                              rowbuf.at[pl.ds(roff, N)],
                              rsem.at[bsel]).wait()

        @pl.when(i + 1 < nrows)
        def _prefetch():
            pltpu.async_copy(adj_flat_hbm.at[pl.ds((r + 1) * N, N)],
                             rowbuf.at[pl.ds((1 - bsel) * BSTRIDE, N)],
                             rsem.at[1 - bsel])

        def pm(g, carry):
            c = g * GC
            v = rowbuf[pl.ds(roff + c * L, L)]
            for t in range(1, GC):
                v = jnp.maximum(v, rowbuf[pl.ds(roff + (c + t) * L, L)])
            mx = plsc.cummax(v)
            plsc.store_scatter(maxbuf, [lanes * 0 + g], mx, mask=last)
            return carry
        lax.fori_loop(0, NG, pm, 0, unroll=8)

        clear_hist(HM_SIZE)

        def hm(g, carry):
            bits = lax.bitcast_convert_type(maxbuf[pl.ds(g * L, L)],
                                            jnp.int32)
            valid = (lanes + g * L) < NG
            bkt = lax.shift_right_logical(bits, HM_SHIFT)
            plsc.addupdate_scatter(hist, [bkt], ones, mask=valid)
            return carry
        lax.fori_loop(0, NGB, hm, 0, unroll=4)
        bm, am = hist_scan(jnp.int32(0), HM_SIZE)

        clear_hist(RB)

        def hr(g, carry):
            bits = lax.bitcast_convert_type(maxbuf[pl.ds(g * L, L)],
                                            jnp.int32)
            valid = (lanes + g * L) < NG
            m = valid & (lax.shift_right_logical(bits, HM_SHIFT) == bm)
            bkt = lax.shift_right_logical(bits, HR_SHIFT) & (RB - 1)
            plsc.addupdate_scatter(hist, [bkt], ones, mask=m)
            return carry
        lax.fori_loop(0, NGB, hr, 0, unroll=4)
        bm2, _ = hist_scan(am, RB)
        thr = lax.shift_left(lax.shift_left(bm, 8) | bm2, HR_SHIFT)

        def qc(g, cnt):
            bits = lax.bitcast_convert_type(maxbuf[pl.ds(g * L, L)],
                                            jnp.int32)
            valid = (lanes + g * L) < NG
            m = valid & (bits >= thr)
            plsc.store_compressed(qid.at[pl.ds(cnt, L)], lanes + g * L,
                                  mask=m)
            return cnt + plsc.all_reduce_population_count(m)[0]
        nq = lax.fori_loop(0, NGB, qc, jnp.int32(0), unroll=2)

        def cc(q, cnt):
            c = qid[pl.ds(q, L)][0] * GC
            for t in range(GC):
                idx = lanes + (c + t) * L
                bits = lax.bitcast_convert_type(
                    rowbuf[pl.ds(roff + (c + t) * L, L)], jnp.int32)
                m = (bits >= thr) & (idx < N)
                plsc.store_compressed(cbits.at[pl.ds(cnt, L)], bits, mask=m)
                plsc.store_compressed(cidx.at[pl.ds(cnt, L)], idx, mask=m)
                cnt = cnt + plsc.all_reduce_population_count(m)[0]
            return cnt
        m_cnt = lax.fori_loop(0, nq, cc, jnp.int32(0))
        ncc = (m_cnt + L - 1) // L

        def cand_round(shift, prefix_shift, prefix, start_cnt):
            clear_hist(RB)

            def hb(c, carry):
                bits = cbits[pl.ds(c * L, L)]
                m = (lanes + c * L) < m_cnt
                if prefix_shift is not None:
                    m = m & (lax.shift_right_logical(bits, prefix_shift)
                             == prefix)
                bkt = lax.shift_right_logical(bits, shift) & (RB - 1)
                plsc.addupdate_scatter(hist, [bkt], ones, mask=m)
                return carry
            lax.fori_loop(0, ncc, hb, 0)
            return hist_scan(start_cnt, RB)

        b0, c0 = cand_round(24, None, None, jnp.int32(0))
        b1, c1 = cand_round(16, 24, b0, c0)
        p2 = lax.shift_left(b0, 8) | b1
        b2, c2 = cand_round(8, 16, p2, c1)
        p3 = lax.shift_left(p2, 8) | b2
        b3, c3 = cand_round(0, 8, p3, c2)
        tbits = lax.shift_left(p3, 8) | b3
        n_tie = K - c3

        def fc(c, carry):
            ngt_vec, neq_vec = carry
            bits = cbits[pl.ds(c * L, L)]
            iv = cidx[pl.ds(c * L, L)]
            valid = (lanes + c * L) < m_cnt
            mgt = valid & (bits > tbits)
            meq = valid & (bits == tbits)
            gi = jnp.where(mgt, 1, 0)
            ei = jnp.where(meq, 1, 0)
            gpos = ngt_vec + plsc.cumsum(gi) - gi
            epos = neq_vec + plsc.cumsum(ei) - ei
            plsc.store_scatter(fpad, [gpos], iv, mask=mgt)
            plsc.store_scatter(eqidx, [epos], iv, mask=meq)
            ngt_vec = ngt_vec + plsc.all_reduce_population_count(mgt)
            neq_vec = neq_vec + plsc.all_reduce_population_count(meq)
            return ngt_vec, neq_vec
        lax.fori_loop(0, ncc, fc, (zeros, zeros))

        e0 = eqidx[pl.ds(0, L)]
        plsc.store_compressed(fpad.at[pl.ds(c3, L)], e0,
                              mask=lanes < jnp.minimum(n_tie, L))
        e1 = eqidx[pl.ds(L, L)]
        plsc.store_compressed(
            fpad.at[pl.ds(c3 + jnp.minimum(n_tie, L), L)], e1,
            mask=lanes < (n_tie - L))

        fidx[bsel, pl.ds(0, L)] = fpad[pl.ds(0, L)]
        fidx[bsel, pl.ds(L, L)] = fpad[pl.ds(L, L)]

        pltpu.async_copy(h_hbm.at[fidx.at[bsel]], grows.at[bsel],
                         gsem.at[bsel])

        @pl.when(i > 0)
        def _prev():
            finish(i - 1)
        return carry

    lax.fori_loop(0, nrows, row_body, 0)
    finish(nrows - 1)
    pltpu.make_async_copy(orow.at[(nrows - 2) & 1],
                          out_hbm.at[base + nrows - 2],
                          osem.at[(nrows - 2) & 1]).wait()
    pltpu.make_async_copy(orow.at[(nrows - 1) & 1],
                          out_hbm.at[base + nrows - 1],
                          osem.at[(nrows - 1) & 1]).wait()


def kernel(x, adj, W, b):
    h = _matmul(x, W, b.reshape(1, F))
    return _sc_topk(adj.reshape(-1), h)

# --- scband reference (transcript-rebuilt; emitter-appended) ---
"""Pipeline reference for scband-tkgcn-86526411145584 (READ-ONLY COPY).

The authoritative reference and input builder live on the scoring server;
editing this copy changes nothing except your own understanding.
"""

import jax, jax.numpy as jnp
import numpy as np

TOP_K = 32

def setup_inputs(seed: int = 0) -> dict:
    key = jax.random.key(seed)
    k1, k2, k3, k4 = jax.random.split(key, 4)
    N, IN_F, OUT_F = 10000, 128, 128
    x = jax.random.normal(k1, (N, IN_F), dtype=jnp.float32)
    adj = jax.random.uniform(k2, (N, N), dtype=jnp.float32)
    # nn.Linear params: weight [out, in], bias [out]
    bound = 1.0 / np.sqrt(IN_F)
    W = jax.random.uniform(k3, (OUT_F, IN_F), minval=-bound, maxval=bound, dtype=jnp.float32)
    b = jax.random.uniform(k4, (OUT_F,), minval=-bound, maxval=bound, dtype=jnp.float32)
    return {"x": x, "adj": adj, "W": W, "b": b}

def reference(x, adj, W, b):
    # h = self.linear(x)
    h = x @ W.T + b
    # indices of adj sorted descending along dim=1; take top_k columns
    indices = jnp.argsort(-adj, axis=1)
    topk_indices = indices[:, :TOP_K]  # [N, K]
    # h_aggregated[i] = max over h[topk_indices[i]] along dim 0 (vectorized)
    gathered = jnp.take(h, topk_indices, axis=0)  # [N, K, out]
    h_aggregated = jnp.max(gathered, axis=1)
    return h_aggregated

if __name__ == "__main__":
    import jax
    _d = setup_inputs()
    print(jax.jit(kernel)(*tuple(_d.values())))

</pallas_src>

<mosaic_0001>
#map = affine_map<(d0, d1) -> (0)>
#map1 = affine_map<(d0, d1) -> (0, 0)>
module attributes {stable_mosaic.version = 14 : i64} {
  func.func @_sc_topk(%arg0: i32, %arg1: i32, %arg2: memref<100000000xf32, #tpu.memory_space<hbm>>, %arg3: memref<10000x128xf32, #tpu.memory_space<hbm>>, %arg4: memref<10000x128xf32, #tpu.memory_space<hbm>>, %arg5: memref<20096xf32, #tpu.memory_space<vmem>>, %arg6: memref<173xf32, #tpu.memory_space<vmem>>, %arg7: memref<2064xi32, #tpu.memory_space<vmem>>, %arg8: memref<641xi32, #tpu.memory_space<vmem>>, %arg9: memref<10016xi32, #tpu.memory_space<vmem>>, %arg10: memref<10016xi32, #tpu.memory_space<vmem>>, %arg11: memref<10016xi32, #tpu.memory_space<vmem>>, %arg12: memref<48xi32, #tpu.memory_space<vmem>>, %arg13: memref<2x32xi32, #tpu.memory_space<vmem>>, %arg14: memref<2x32x128xf32, #tpu.memory_space<vmem>>, %arg15: memref<2x128xf32, #tpu.memory_space<vmem>>, %arg16: memref<2x!tpu.dma_semaphore, #tpu.memory_space<semaphore_mem>>, %arg17: memref<2x!tpu.dma_semaphore, #tpu.memory_space<semaphore_mem>>, %arg18: memref<2x!tpu.dma_semaphore, #tpu.memory_space<semaphore_mem>>) attributes {dimension_semantics = [#tpu.dimension_semantics<core_parallel>, #tpu.dimension_semantics<subcore_parallel>], iteration_bounds = array<i64: 2, 16>, scalar_prefetch = 0 : i64, scratch_operands = 14 : i64, tpu.core_type = #tpu.core_type<sc_vector_subcore>, window_params = [{transform_indices = #map}, {transform_indices = #map1}, {transform_indices = #map1}]} {
    %mul3A = arith.constant 2 : i32
    %mul3A_0 = arith.muli %arg1, %mul3A : i32
    %add3A = arith.addi %mul3A_0, %arg0 : i32
    %mul3A_1 = arith.constant 313 : i32
    %mul3A_2 = arith.muli %add3A, %mul3A_1 : i32
    %sub3A = arith.constant 10000 : i32
    %sub3A_3 = arith.subi %sub3A, %mul3A_2 : i32
    %min3A = arith.constant 313 : i32
    %min3A_4 = arith.minsi %min3A, %sub3A_3 : i32
    %broadcast_in_dim3A = arith.constant 1 : i32
    %broadcast_in_dim3A_5 = vector.broadcast %broadcast_in_dim3A : i32 to vector<16xi32>
    %broadcast_in_dim3A_6 = arith.constant 0 : i32
    %broadcast_in_dim3A_7 = vector.broadcast %broadcast_in_dim3A_6 : i32 to vector<16xi32>
    %broadcast_in_dim3A_8 = arith.constant -1 : i32
    %broadcast_in_dim3A_9 = vector.broadcast %broadcast_in_dim3A_8 : i32 to vector<16xi32>
    %iota3A = tpu.iota {dimensions = array<i32: 0>} : vector<16xi32>
    %eq3A = arith.constant 15 : i32
    %eq3A_10 = vector.broadcast %eq3A : i32 to vector<16xi32>
    %eq3A_11 = arith.cmpi eq, %iota3A, %eq3A_10 : vector<16xi32>
    %broadcast_in_dim3A_12 = arith.constant 0.000000e+00 : f32
    %broadcast_in_dim3A_13 = vector.broadcast %broadcast_in_dim3A_12 : f32 to vector<16xf32>
    %swap3A = arith.constant 10000 : index
    %swap3A_14 = tpu.vector_load %arg5[%swap3A] {strides = array<i32>} : memref<20096xf32, #tpu.memory_space<vmem>>, vector<16xf32>,
    tpu.vector_store %arg5[%swap3A], %broadcast_in_dim3A_13 {strides = array<i32>} : memref<20096xf32, #tpu.memory_space<vmem>>, vector<16xf32>,
    %swap3A_15 = arith.constant 20048 : index
    %swap3A_16 = tpu.vector_load %arg5[%swap3A_15] {strides = array<i32>} : memref<20096xf32, #tpu.memory_space<vmem>>, vector<16xf32>,
    tpu.vector_store %arg5[%swap3A_15], %broadcast_in_dim3A_13 {strides = array<i32>} : memref<20096xf32, #tpu.memory_space<vmem>>, vector<16xf32>,
    %swap3A_17 = arith.constant 10016 : index
    %swap3A_18 = tpu.vector_load %arg5[%swap3A_17] {strides = array<i32>} : memref<20096xf32, #tpu.memory_space<vmem>>, vector<16xf32>,
    tpu.vector_store %arg5[%swap3A_17], %broadcast_in_dim3A_13 {strides = array<i32>} : memref<20096xf32, #tpu.memory_space<vmem>>, vector<16xf32>,
    %swap3A_19 = arith.constant 20064 : index
    %swap3A_20 = tpu.vector_load %arg5[%swap3A_19] {strides = array<i32>} : memref<20096xf32, #tpu.memory_space<vmem>>, vector<16xf32>,
    tpu.vector_store %arg5[%swap3A_19], %broadcast_in_dim3A_13 {strides = array<i32>} : memref<20096xf32, #tpu.memory_space<vmem>>, vector<16xf32>,
    %swap3A_21 = arith.constant 10032 : index
    %swap3A_22 = tpu.vector_load %arg5[%swap3A_21] {strides = array<i32>} : memref<20096xf32, #tpu.memory_space<vmem>>, vector<16xf32>,
    tpu.vector_store %arg5[%swap3A_21], %broadcast_in_dim3A_13 {strides = array<i32>} : memref<20096xf32, #tpu.memory_space<vmem>>, vector<16xf32>,
    %swap3A_23 = arith.constant 20080 : index
    %swap3A_24 = tpu.vector_load %arg5[%swap3A_23] {strides = array<i32>} : memref<20096xf32, #tpu.memory_space<vmem>>, vector<16xf32>,
    tpu.vector_store %arg5[%swap3A_23], %broadcast_in_dim3A_13 {strides = array<i32>} : memref<20096xf32, #tpu.memory_space<vmem>>, vector<16xf32>,
    %mul3A_25 = arith.constant 10000 : i32
    %mul3A_26 = arith.muli %mul3A_2, %mul3A_25 : i32
    %dma_start3A = arith.constant 0 : i32
    %dma_start3A_27 = arith.constant 0 : i32
    %dma_start3A_28 = tpu.memref_slice %arg5[%dma_start3A_27] : memref<20096xf32, #tpu.memory_space<vmem>> -> memref<10000xf32, #tpu.memory_space<vmem>>
    %dma_start3A_29 = tpu.memref_slice %arg2[%mul3A_26] : memref<100000000xf32, #tpu.memory_space<hbm>> -> memref<10000xf32, #tpu.memory_space<hbm>>
    %dma_start3A_30 = tpu.memref_slice %arg17[%dma_start3A] : memref<2x!tpu.dma_semaphore, #tpu.memory_space<semaphore_mem>> -> memref<1x!tpu.dma_semaphore, #tpu.memory_space<semaphore_mem>>
    %dma_start3A_31 = tpu.memref_squeeze %dma_start3A_30 : memref<1x!tpu.dma_semaphore, #tpu.memory_space<semaphore_mem>> -> memref<!tpu.dma_semaphore, #tpu.memory_space<semaphore_mem>>
    %dma_start3A_32 = arith.constant 0 : i32
    %dma_start3A_33 = tpu.memref_slice %arg5[%dma_start3A_32] : memref<20096xf32, #tpu.memory_space<vmem>> -> memref<10000xf32, #tpu.memory_space<vmem>>
    %dma_start3A_34 = tpu.memref_slice %arg2[%mul3A_26] : memref<100000000xf32, #tpu.memory_space<hbm>> -> memref<10000xf32, #tpu.memory_space<hbm>>
    tpu.enqueue_dma source(%dma_start3A_34 : memref<10000xf32, #tpu.memory_space<hbm>>) target(%dma_start3A_33 : memref<10000xf32, #tpu.memory_space<vmem>>) target_semaphore(%dma_start3A_31 : memref<!tpu.dma_semaphore, #tpu.memory_space<semaphore_mem>>)
    %while3A = arith.constant 0 : i32
    %while3A_35 = arith.constant 0 : i32
    %while3A_36 = arith.subi %min3A_4, %while3A_35 : i32
    %while3A_37 = arith.addi %while3A_35, %while3A_36 : i32
    %while3A_38 = arith.constant 1 : i32
    %while3A_39 = arith.divsi %while3A_36, %while3A_38 : i32
    %while3A_40 = arith.muli %while3A_39, %while3A_38 : i32
    %while3A_41 = arith.addi %while3A_35, %while3A_40 : i32
    %while3A_42 = arith.constant 1 : i32
    scf.for %while3A_170 = %while3A_35 to %while3A_41 step %while3A_42  : i32 {
      %add3A_171 = arith.addi %mul3A_2, %while3A_170 : i32
      %and3A_172 = arith.constant 1 : i32
      %and3A_173 = arith.andi %while3A_170, %and3A_172 : i32
      %mul3A_174 = arith.constant 10048 : i32
      %mul3A_175 = arith.muli %and3A_173, %mul3A_174 : i32
      %mul3A_176 = arith.constant 10000 : i32
      %mul3A_177 = arith.muli %add3A_171, %mul3A_176 : i32
      %dma_wait3A_178 = tpu.memref_slice %arg5[%mul3A_175] : memref<20096xf32, #tpu.memory_space<vmem>> -> memref<10000xf32, #tpu.memory_space<vmem>>
      %dma_wait3A_179 = tpu.memref_slice %arg2[%mul3A_177] : memref<100000000xf32, #tpu.memory_space<hbm>> -> memref<10000xf32, #tpu.memory_space<hbm>>
      %dma_wait3A_180 = tpu.memref_slice %arg17[%and3A_173] : memref<2x!tpu.dma_semaphore, #tpu.memory_space<semaphore_mem>> -> memref<1x!tpu.dma_semaphore, #tpu.memory_space<semaphore_mem>>
      %dma_wait3A_181 = tpu.memref_squeeze %dma_wait3A_180 : memref<1x!tpu.dma_semaphore, #tpu.memory_space<semaphore_mem>> -> memref<!tpu.dma_semaphore, #tpu.memory_space<semaphore_mem>>
      %dma_wait3A_182 = tpu.memref_slice %arg5[%mul3A_175] : memref<20096xf32, #tpu.memory_space<vmem>> -> memref<10000xf32, #tpu.memory_space<vmem>>
      %dma_wait3A_183 = tpu.memref_slice %arg2[%mul3A_177] : memref<100000000xf32, #tpu.memory_space<hbm>> -> memref<10000xf32, #tpu.memory_space<hbm>>
      tpu.wait_dma2 semaphore(%dma_wait3A_181 : memref<!tpu.dma_semaphore, #tpu.memory_space<semaphore_mem>>) src(%dma_wait3A_183 : memref<10000xf32, #tpu.memory_space<hbm>>) dst(%dma_wait3A_182 : memref<10000xf32, #tpu.memory_space<vmem>>)
      %add3A_184 = arith.constant 1 : i32
      %add3A_185 = arith.addi %while3A_170, %add3A_184 : i32
      %lt3A = arith.cmpi slt, %add3A_185, %min3A_4 : i32
      %convert_element_type3A_186 = arith.extui %lt3A : i1 to i32
      %cond3A_187 = arith.constant 0 : i32
      %cond3A_188 = arith.cmpi ne, %convert_element_type3A_186, %cond3A_187 : i32
      scf.if %cond3A_188 {
        %add3A_927 = arith.constant 1 : i32
        %add3A_928 = arith.addi %add3A_171, %add3A_927 : i32
        %mul3A_929 = arith.constant 10000 : i32
        %mul3A_930 = arith.muli %add3A_928, %mul3A_929 : i32
        %sub3A_931 = arith.constant 1 : i32
        %sub3A_932 = arith.subi %sub3A_931, %and3A_173 : i32
        %mul3A_933 = arith.constant 10048 : i32
        %mul3A_934 = arith.muli %sub3A_932, %mul3A_933 : i32
        %sub3A_935 = arith.constant 1 : i32
        %sub3A_936 = arith.subi %sub3A_935, %and3A_173 : i32
        %dma_start3A_937 = tpu.memref_slice %arg5[%mul3A_934] : memref<20096xf32, #tpu.memory_space<vmem>> -> memref<10000xf32, #tpu.memory_space<vmem>>
        %dma_start3A_938 = tpu.memref_slice %arg2[%mul3A_930] : memref<100000000xf32, #tpu.memory_space<hbm>> -> memref<10000xf32, #tpu.memory_space<hbm>>
        %dma_start3A_939 = tpu.memref_slice %arg17[%sub3A_936] : memref<2x!tpu.dma_semaphore, #tpu.memory_space<semaphore_mem>> -> memref<1x!tpu.dma_semaphore, #tpu.memory_space<semaphore_mem>>
        %dma_start3A_940 = tpu.memref_squeeze %dma_start3A_939 : memref<1x!tpu.dma_semaphore, #tpu.memory_space<semaphore_mem>> -> memref<!tpu.dma_semaphore, #tpu.memory_space<semaphore_mem>>
        %dma_start3A_941 = tpu.memref_slice %arg5[%mul3A_934] : memref<20096xf32, #tpu.memory_space<vmem>> -> memref<10000xf32, #tpu.memory_space<vmem>>
        %dma_start3A_942 = tpu.memref_slice %arg2[%mul3A_930] : memref<100000000xf32, #tpu.memory_space<hbm>> -> memref<10000xf32, #tpu.memory_space<hbm>>
        tpu.enqueue_dma source(%dma_start3A_942 : memref<10000xf32, #tpu.memory_space<hbm>>) target(%dma_start3A_941 : memref<10000xf32, #tpu.memory_space<vmem>>) target_semaphore(%dma_start3A_940 : memref<!tpu.dma_semaphore, #tpu.memory_space<semaphore_mem>>)
      } else {
      }
      %scan3A_189 = arith.constant 0 : i32
      %scan3A_190 = arith.constant 0 : i32
      %scan3A_191 = arith.constant 152 : i32
      %scan3A_192 = arith.addi %scan3A_190, %scan3A_191 : i32
      %scan3A_193 = arith.constant 8 : i32
      scf.for %scan3A_927 = %scan3A_190 to %scan3A_192 step %scan3A_193  : i32 {
        %mul3A_928 = arith.constant 4 : i32
        %mul3A_929 = arith.muli %scan3A_927, %mul3A_928 : i32
        %mul3A_930 = arith.constant 16 : i32
        %mul3A_931 = arith.muli %mul3A_929, %mul3A_930 : i32
        %add3A_932 = arith.addi %mul3A_175, %mul3A_931 : i32
        %get3A_933 = arith.index_cast %add3A_932 : i32 to index
        %get3A_934 = tpu.vector_load %arg5[%get3A_933] {strides = array<i32>} : memref<20096xf32, #tpu.memory_space<vmem>>, vector<16xf32>,
        %add3A_935 = arith.constant 1 : i32
        %add3A_936 = arith.addi %mul3A_929, %add3A_935 : i32
        %mul3A_937 = arith.constant 16 : i32
        %mul3A_938 = arith.muli %add3A_936, %mul3A_937 : i32
        %add3A_939 = arith.addi %mul3A_175, %mul3A_938 : i32
        %get3A_940 = arith.index_cast %add3A_939 : i32 to index
        %get3A_941 = tpu.vector_load %arg5[%get3A_940] {strides = array<i32>} : memref<20096xf32, #tpu.memory_space<vmem>>, vector<16xf32>,
        %max3A_942 = arith.maximumf %get3A_934, %get3A_941 : vector<16xf32>
        %add3A_943 = arith.constant 2 : i32
        %add3A_944 = arith.addi %mul3A_929, %add3A_943 : i32
        %mul3A_945 = arith.constant 16 : i32
        %mul3A_946 = arith.muli %add3A_944, %mul3A_945 : i32
        %add3A_947 = arith.addi %mul3A_175, %mul3A_946 : i32
        %get3A_948 = arith.index_cast %add3A_947 : i32 to index
        %get3A_949 = tpu.vector_load %arg5[%get3A_948] {strides = array<i32>} : memref<20096xf32, #tpu.memory_space<vmem>>, vector<16xf32>,
        %max3A_950 = arith.maximumf %max3A_942, %get3A_949 : vector<16xf32>
        %add3A_951 = arith.constant 3 : i32
        %add3A_952 = arith.addi %mul3A_929, %add3A_951 : i32
        %mul3A_953 = arith.constant 16 : i32
        %mul3A_954 = arith.muli %add3A_952, %mul3A_953 : i32
        %add3A_955 = arith.addi %mul3A_175, %mul3A_954 : i32
        %get3A_956 = arith.index_cast %add3A_955 : i32 to index
        %get3A_957 = tpu.vector_load %arg5[%get3A_956] {strides = array<i32>} : memref<20096xf32, #tpu.memory_space<vmem>>, vector<16xf32>,
        %max3A_958 = arith.maximumf %max3A_950, %get3A_957 : vector<16xf32>
        %broadcast_in_dim3A_959 = arith.constant true
        %broadcast_in_dim3A_960 = vector.broadcast %broadcast_in_dim3A_959 : i1 to vector<16xi1>
        %masked_cummax3A_961 = tpu.scan <max>, %max3A_958 masked %broadcast_in_dim3A_960 : vector<16xf32>, vector<16xi1> -> vector<16xf32>
        %mul3A_962 = arith.constant 0 : i32
        %mul3A_963 = vector.broadcast %mul3A_962 : i32 to vector<16xi32>
        %mul3A_964 = arith.muli %iota3A, %mul3A_963 : vector<16xi32>
        %add3A_965 = vector.broadcast %scan3A_927 : i32 to vector<16xi32>
        %add3A_966 = arith.addi %mul3A_964, %add3A_965 : vector<16xi32>
        tpu.vector_store_idx %arg6[%add3A_966], %masked_cummax3A_961 masked %eq3A_11 : memref<173xf32, #tpu.memory_space<vmem>>[vector<16xi32>], vector<16xf32>, vector<16xi1>
        %scan3A_967 = arith.constant 1 : i32
        %scan3A_968 = arith.addi %scan3A_927, %scan3A_967 : i32
        %mul3A_969 = arith.constant 4 : i32
        %mul3A_970 = arith.muli %scan3A_968, %mul3A_969 : i32
        %mul3A_971 = arith.constant 16 : i32
        %mul3A_972 = arith.muli %mul3A_970, %mul3A_971 : i32
        %add3A_973 = arith.addi %mul3A_175, %mul3A_972 : i32
        %get3A_974 = arith.index_cast %add3A_973 : i32 to index
        %get3A_975 = tpu.vector_load %arg5[%get3A_974] {strides = array<i32>} : memref<20096xf32, #tpu.memory_space<vmem>>, vector<16xf32>,
        %add3A_976 = arith.constant 1 : i32
        %add3A_977 = arith.addi %mul3A_970, %add3A_976 : i32
        %mul3A_978 = arith.constant 16 : i32
        %mul3A_979 = arith.muli %add3A_977, %mul3A_978 : i32
        %add3A_980 = arith.addi %mul3A_175, %mul3A_979 : i32
        %get3A_981 = arith.index_cast %add3A_980 : i32 to index
        %get3A_982 = tpu.vector_load %arg5[%get3A_981] {strides = array<i32>} : memref<20096xf32, #tpu.memory_space<vmem>>, vector<16xf32>,
        %max3A_983 = arith.maximumf %get3A_975, %get3A_982 : vector<16xf32>
        %add3A_984 = arith.constant 2 : i32
        %add3A_985 = arith.addi %mul3A_970, %add3A_984 : i32
        %mul3A_986 = arith.constant 16 : i32
        %mul3A_987 = arith.muli %add3A_985, %mul3A_986 : i32
        %add3A_988 = arith.addi %mul3A_175, %mul3A_987 : i32
        %get3A_989 = arith.index_cast %add3A_988 : i32 to index
        %get3A_990 = tpu.vector_load %arg5[%get3A_989] {strides = array<i32>} : memref<20096xf32, #tpu.memory_space<vmem>>, vector<16xf32>,
        %max3A_991 = arith.maximumf %max3A_983, %get3A_990 : vector<16xf32>
        %add3A_992 = arith.constant 3 : i32
        %add3A_993 = arith.addi %mul3A_970, %add3A_992 : i32
        %mul3A_994 = arith.constant 16 : i32
        %mul3A_995 = arith.muli %add3A_993, %mul3A_994 : i32
        %add3A_996 = arith.addi %mul3A_175, %mul3A_995 : i32
        %get3A_997 = arith.index_cast %add3A_996 : i32 to index
        %get3A_998 = tpu.vector_load %arg5[%get3A_997] {strides = array<i32>} : memref<20096xf32, #tpu.memory_space<vmem>>, vector<16xf32>,
        %max3A_999 = arith.maximumf %max3A_991, %get3A_998 : vector<16xf32>
        %broadcast_in_dim3A_1000 = arith.constant true
        %broadcast_in_dim3A_1001 = vector.broadcast %broadcast_in_dim3A_1000 : i1 to vector<16xi1>
        %masked_cummax3A_1002 = tpu.scan <max>, %max3A_999 masked %broadcast_in_dim3A_1001 : vector<16xf32>, vector<16xi1> -> vector<16xf32>
        %mul3A_1003 = arith.constant 0 : i32
        %mul3A_1004 = vector.broadcast %mul3A_1003 : i32 to vector<16xi32>
        %mul3A_1005 = arith.muli %iota3A, %mul3A_1004 : vector<16xi32>
        %add3A_1006 = vector.broadcast %scan3A_968 : i32 to vector<16xi32>
        %add3A_1007 = arith.addi %mul3A_1005, %add3A_1006 : vector<16xi32>
        tpu.vector_store_idx %arg6[%add3A_1007], %masked_cummax3A_1002 masked %eq3A_11 : memref<173xf32, #tpu.memory_space<vmem>>[vector<16xi32>], vector<16xf32>, vector<16xi1>
        %scan3A_1008 = arith.constant 2 : i32
        %scan3A_1009 = arith.addi %scan3A_927, %scan3A_1008 : i32
        %mul3A_1010 = arith.constant 4 : i32
        %mul3A_1011 = arith.muli %scan3A_1009, %mul3A_1010 : i32
        %mul3A_1012 = arith.constant 16 : i32
        %mul3A_1013 = arith.muli %mul3A_1011, %mul3A_1012 : i32
        %add3A_1014 = arith.addi %mul3A_175, %mul3A_1013 : i32
        %get3A_1015 = arith.index_cast %add3A_1014 : i32 to index
        %get3A_1016 = tpu.vector_load %arg5[%get3A_1015] {strides = array<i32>} : memref<20096xf32, #tpu.memory_space<vmem>>, vector<16xf32>,
        %add3A_1017 = arith.constant 1 : i32
        %add3A_1018 = arith.addi %mul3A_1011, %add3A_1017 : i32
        %mul3A_1019 = arith.constant 16 : i32
        %mul3A_1020 = arith.muli %add3A_1018, %mul3A_1019 : i32
        %add3A_1021 = arith.addi %mul3A_175, %mul3A_1020 : i32
        %get3A_1022 = arith.index_cast %add3A_1021 : i32 to index
        %get3A_1023 = tpu.vector_load %arg5[%get3A_1022] {strides = array<i32>} : memref<20096xf32, #tpu.memory_space<vmem>>, vector<16xf32>,
        %max3A_1024 = arith.maximumf %get3A_1016, %get3A_1023 : vector<16xf32>
        %add3A_1025 = arith.constant 2 : i32
        %add3A_1026 = arith.addi %mul3A_1011, %add3A_1025 : i32
        %mul3A_1027 = arith.constant 16 : i32
        %mul3A_1028 = arith.muli %add3A_1026, %mul3A_1027 : i32
        %add3A_1029 = arith.addi %mul3A_175, %mul3A_1028 : i32
        %get3A_1030 = arith.index_cast %add3A_1029 : i32 to index
        %get3A_1031 = tpu.vector_load %arg5[%get3A_1030] {strides = array<i32>} : memref<20096xf32, #tpu.memory_space<vmem>>, vector<16xf32>,
        %max3A_1032 = arith.maximumf %max3A_1024, %get3A_1031 : vector<16xf32>
        %add3A_1033 = arith.constant 3 : i32
        %add3A_1034 = arith.addi %mul3A_1011, %add3A_1033 : i32
        %mul3A_1035 = arith.constant 16 : i32
        %mul3A_1036 = arith.muli %add3A_1034, %mul3A_1035 : i32
        %add3A_1037 = arith.addi %mul3A_175, %mul3A_1036 : i32
        %get3A_1038 = arith.index_cast %add3A_1037 : i32 to index
        %get3A_1039 = tpu.vector_load %arg5[%get3A_1038] {strides = array<i32>} : memref<20096xf32, #tpu.memory_space<vmem>>, vector<16xf32>,
        %max3A_1040 = arith.maximumf %max3A_1032, %get3A_1039 : vector<16xf32>
        %broadcast_in_dim3A_1041 = arith.constant true
        %broadcast_in_dim3A_1042 = vector.broadcast %broadcast_in_dim3A_1041 : i1 to vector<16xi1>
        %masked_cummax3A_1043 = tpu.scan <max>, %max3A_1040 masked %broadcast_in_dim3A_1042 : vector<16xf32>, vector<16xi1> -> vector<16xf32>
        %mul3A_1044 = arith.constant 0 : i32
        %mul3A_1045 = vector.broadcast %mul3A_1044 : i32 to vector<16xi32>
        %mul3A_1046 = arith.muli %iota3A, %mul3A_1045 : vector<16xi32>
        %add3A_1047 = vector.broadcast %scan3A_1009 : i32 to vector<16xi32>
        %add3A_1048 = arith.addi %mul3A_1046, %add3A_1047 : vector<16xi32>
        tpu.vector_store_idx %arg6[%add3A_1048], %masked_cummax3A_1043 masked %eq3A_11 : memref<173xf32, #tpu.memory_space<vmem>>[vector<16xi32>], vector<16xf32>, vector<16xi1>
        %scan3A_1049 = arith.constant 3 : i32
        %scan3A_1050 = arith.addi %scan3A_927, %scan3A_1049 : i32
        %mul3A_1051 = arith.constant 4 : i32
        %mul3A_1052 = arith.muli %scan3A_1050, %mul3A_1051 : i32
        %mul3A_1053 = arith.constant 16 : i32
        %mul3A_1054 = arith.muli %mul3A_1052, %mul3A_1053 : i32
        %add3A_1055 = arith.addi %mul3A_175, %mul3A_1054 : i32
        %get3A_1056 = arith.index_cast %add3A_1055 : i32 to index
        %get3A_1057 = tpu.vector_load %arg5[%get3A_1056] {strides = array<i32>} : memref<20096xf32, #tpu.memory_space<vmem>>, vector<16xf32>,
        %add3A_1058 = arith.constant 1 : i32
        %add3A_1059 = arith.addi %mul3A_1052, %add3A_1058 : i32
        %mul3A_1060 = arith.constant 16 : i32
        %mul3A_1061 = arith.muli %add3A_1059, %mul3A_1060 : i32
        %add3A_1062 = arith.addi %mul3A_175, %mul3A_1061 : i32
        %get3A_1063 = arith.index_cast %add3A_1062 : i32 to index
        %get3A_1064 = tpu.vector_load %arg5[%get3A_1063] {strides = array<i32>} : memref<20096xf32, #tpu.memory_space<vmem>>, vector<16xf32>,
        %max3A_1065 = arith.maximumf %get3A_1057, %get3A_1064 : vector<16xf32>
        %add3A_1066 = arith.constant 2 : i32
        %add3A_1067 = arith.addi %mul3A_1052, %add3A_1066 : i32
        %mul3A_1068 = arith.constant 16 : i32
        %mul3A_1069 = arith.muli %add3A_1067, %mul3A_1068 : i32
        %add3A_1070 = arith.addi %mul3A_175, %mul3A_1069 : i32
        %get3A_1071 = arith.index_cast %add3A_1070 : i32 to index
        %get3A_1072 = tpu.vector_load %arg5[%get3A_1071] {strides = array<i32>} : memref<20096xf32, #tpu.memory_space<vmem>>, vector<16xf32>,
        %max3A_1073 = arith.maximumf %max3A_1065, %get3A_1072 : vector<16xf32>
        %add3A_1074 = arith.constant 3 : i32
        %add3A_1075 = arith.addi %mul3A_1052, %add3A_1074 : i32
        %mul3A_1076 = arith.constant 16 : i32
        %mul3A_1077 = arith.muli %add3A_1075, %mul3A_1076 : i32
        %add3A_1078 = arith.addi %mul3A_175, %mul3A_1077 : i32
        %get3A_1079 = arith.index_cast %add3A_1078 : i32 to index
        %get3A_1080 = tpu.vector_load %arg5[%get3A_1079] {strides = array<i32>} : memref<20096xf32, #tpu.memory_space<vmem>>, vector<16xf32>,
        %max3A_1081 = arith.maximumf %max3A_1073, %get3A_1080 : vector<16xf32>
        %broadcast_in_dim3A_1082 = arith.constant true
        %broadcast_in_dim3A_1083 = vector.broadcast %broadcast_in_dim3A_1082 : i1 to vector<16xi1>
        %masked_cummax3A_1084 = tpu.scan <max>, %max3A_1081 masked %broadcast_in_dim3A_1083 : vector<16xf32>, vector<16xi1> -> vector<16xf32>
        %mul3A_1085 = arith.constant 0 : i32
        %mul3A_1086 = vector.broadcast %mul3A_1085 : i32 to vector<16xi32>
        %mul3A_1087 = arith.muli %iota3A, %mul3A_1086 : vector<16xi32>
        %add3A_1088 = vector.broadcast %scan3A_1050 : i32 to vector<16xi32>
        %add3A_1089 = arith.addi %mul3A_1087, %add3A_1088 : vector<16xi32>
        tpu.vector_store_idx %arg6[%add3A_1089], %masked_cummax3A_1084 masked %eq3A_11 : memref<173xf32, #tpu.memory_space<vmem>>[vector<16xi32>], vector<16xf32>, vector<16xi1>
        %scan3A_1090 = arith.constant 4 : i32
        %scan3A_1091 = arith.addi %scan3A_927, %scan3A_1090 : i32
        %mul3A_1092 = arith.constant 4 : i32
        %mul3A_1093 = arith.muli %scan3A_1091, %mul3A_1092 : i32
        %mul3A_1094 = arith.constant 16 : i32
        %mul3A_1095 = arith.muli %mul3A_1093, %mul3A_1094 : i32
        %add3A_1096 = arith.addi %mul3A_175, %mul3A_1095 : i32
        %get3A_1097 = arith.index_cast %add3A_1096 : i32 to index
        %get3A_1098 = tpu.vector_load %arg5[%get3A_1097] {strides = array<i32>} : memref<20096xf32, #tpu.memory_space<vmem>>, vector<16xf32>,
        %add3A_1099 = arith.constant 1 : i32
        %add3A_1100 = arith.addi %mul3A_1093, %add3A_1099 : i32
        %mul3A_1101 = arith.constant 16 : i32
        %mul3A_1102 = arith.muli %add3A_1100, %mul3A_1101 : i32
        %add3A_1103 = arith.addi %mul3A_175, %mul3A_1102 : i32
        %get3A_1104 = arith.index_cast %add3A_1103 : i32 to index
        %get3A_1105 = tpu.vector_load %arg5[%get3A_1104] {strides = array<i32>} : memref<20096xf32, #tpu.memory_space<vmem>>, vector<16xf32>,
        %max3A_1106 = arith.maximumf %get3A_1098, %get3A_1105 : vector<16xf32>
        %add3A_1107 = arith.constant 2 : i32
        %add3A_1108 = arith.addi %mul3A_1093, %add3A_1107 : i32
        %mul3A_1109 = arith.constant 16 : i32
        %mul3A_1110 = arith.muli %add3A_1108, %mul3A_1109 : i32
        %add3A_1111 = arith.addi %mul3A_175, %mul3A_1110 : i32
        %get3A_1112 = arith.index_cast %add3A_1111 : i32 to index
        %get3A_1113 = tpu.vector_load %arg5[%get3A_1112] {strides = array<i32>} : memref<20096xf32, #tpu.memory_space<vmem>>, vector<16xf32>,
        %max3A_1114 = arith.maximumf %max3A_1106, %get3A_1113 : vector<16xf32>
        %add3A_1115 = arith.constant 3 : i32
        %add3A_1116 = arith.addi %mul3A_1093, %add3A_1115 : i32
        %mul3A_1117 = arith.constant 16 : i32
        %mul3A_1118 = arith.muli %add3A_1116, %mul3A_1117 : i32
        %add3A_1119 = arith.addi %mul3A_175, %mul3A_1118 : i32
        %get3A_1120 = arith.index_cast %add3A_1119 : i32 to index
        %get3A_1121 = tpu.vector_load %arg5[%get3A_1120] {strides = array<i32>} : memref<20096xf32, #tpu.memory_space<vmem>>, vector<16xf32>,
        %max3A_1122 = arith.maximumf %max3A_1114, %get3A_1121 : vector<16xf32>
        %broadcast_in_dim3A_1123 = arith.constant true
        %broadcast_in_dim3A_1124 = vector.broadcast %broadcast_in_dim3A_1123 : i1 to vector<16xi1>
        %masked_cummax3A_1125 = tpu.scan <max>, %max3A_1122 masked %broadcast_in_dim3A_1124 : vector<16xf32>, vector<16xi1> -> vector<16xf32>
        %mul3A_1126 = arith.constant 0 : i32
        %mul3A_1127 = vector.broadcast %mul3A_1126 : i32 to vector<16xi32>
        %mul3A_1128 = arith.muli %iota3A, %mul3A_1127 : vector<16xi32>
        %add3A_1129 = vector.broadcast %scan3A_1091 : i32 to vector<16xi32>
        %add3A_1130 = arith.addi %mul3A_1128, %add3A_1129 : vector<16xi32>
        tpu.vector_store_idx %arg6[%add3A_1130], %masked_cummax3A_1125 masked %eq3A_11 : memref<173xf32, #tpu.memory_space<vmem>>[vector<16xi32>], vector<16xf32>, vector<16xi1>
        %scan3A_1131 = arith.constant 5 : i32
        %scan3A_1132 = arith.addi %scan3A_927, %scan3A_1131 : i32
        %mul3A_1133 = arith.constant 4 : i32
        %mul3A_1134 = arith.muli %scan3A_1132, %mul3A_1133 : i32
        %mul3A_1135 = arith.constant 16 : i32
        %mul3A_1136 = arith.muli %mul3A_1134, %mul3A_1135 : i32
        %add3A_1137 = arith.addi %mul3A_175, %mul3A_1136 : i32
        %get3A_1138 = arith.index_cast %add3A_1137 : i32 to index
        %get3A_1139 = tpu.vector_load %arg5[%get3A_1138] {strides = array<i32>} : memref<20096xf32, #tpu.memory_space<vmem>>, vector<16xf32>,
        %add3A_1140 = arith.constant 1 : i32
        %add3A_1141 = arith.addi %mul3A_1134, %add3A_1140 : i32
        %mul3A_1142 = arith.constant 16 : i32
        %mul3A_1143 = arith.muli %add3A_1141, %mul3A_1142 : i32
        %add3A_1144 = arith.addi %mul3A_175, %mul3A_1143 : i32
        %get3A_1145 = arith.index_cast %add3A_1144 : i32 to index
        %get3A_1146 = tpu.vector_load %arg5[%get3A_1145] {strides = array<i32>} : memref<20096xf32, #tpu.memory_space<vmem>>, vector<16xf32>,
        %max3A_1147 = arith.maximumf %get3A_1139, %get3A_1146 : vector<16xf32>
        %add3A_1148 = arith.constant 2 : i32
        %add3A_1149 = arith.addi %mul3A_1134, %add3A_1148 : i32
        %mul3A_1150 = arith.constant 16 : i32
        %mul3A_1151 = arith.muli %add3A_1149, %mul3A_1150 : i32
        %add3A_1152 = arith.addi %mul3A_175, %mul3A_1151 : i32
        %get3A_1153 = arith.index_cast %add3A_1152 : i32 to index
        %get3A_1154 = tpu.vector_load %arg5[%get3A_1153] {strides = array<i32>} : memref<20096xf32, #tpu.memory_space<vmem>>, vector<16xf32>,
        %max3A_1155 = arith.maximumf %max3A_1147, %get3A_1154 : vector<16xf32>
        %add3A_1156 = arith.constant 3 : i32
        %add3A_1157 = arith.addi %mul3A_1134, %add3A_1156 : i32
        %mul3A_1158 = arith.constant 16 : i32
        %mul3A_1159 = arith.muli %add3A_1157, %mul3A_1158 : i32
        %add3A_1160 = arith.addi %mul3A_175, %mul3A_1159 : i32
        %get3A_1161 = arith.index_cast %add3A_1160 : i32 to index
        %get3A_1162 = tpu.vector_load %arg5[%get3A_1161] {strides = array<i32>} : memref<20096xf32, #tpu.memory_space<vmem>>, vector<16xf32>,
        %max3A_1163 = arith.maximumf %max3A_1155, %get3A_1162 : vector<16xf32>
        %broadcast_in_dim3A_1164 = arith.constant true
        %broadcast_in_dim3A_1165 = vector.broadcast %broadcast_in_dim3A_1164 : i1 to vector<16xi1>
        %masked_cummax3A_1166 = tpu.scan <max>, %max3A_1163 masked %broadcast_in_dim3A_1165 : vector<16xf32>, vector<16xi1> -> vector<16xf32>
        %mul3A_1167 = arith.constant 0 : i32
        %mul3A_1168 = vector.broadcast %mul3A_1167 : i32 to vector<16xi32>
        %mul3A_1169 = arith.muli %iota3A, %mul3A_1168 : vector<16xi32>
        %add3A_1170 = vector.broadcast %scan3A_1132 : i32 to vector<16xi32>
        %add3A_1171 = arith.addi %mul3A_1169, %add3A_1170 : vector<16xi32>
        tpu.vector_store_idx %arg6[%add3A_1171], %masked_cummax3A_1166 masked %eq3A_11 : memref<173xf32, #tpu.memory_space<vmem>>[vector<16xi32>], vector<16xf32>, vector<16xi1>
        %scan3A_1172 = arith.constant 6 : i32
        %scan3A_1173 = arith.addi %scan3A_927, %scan3A_1172 : i32
        %mul3A_1174 = arith.constant 4 : i32
        %mul3A_1175 = arith.muli %scan3A_1173, %mul3A_1174 : i32
        %mul3A_1176 = arith.constant 16 : i32
        %mul3A_1177 = arith.muli %mul3A_1175, %mul3A_1176 : i32
        %add3A_1178 = arith.addi %mul3A_175, %mul3A_1177 : i32
        %get3A_1179 = arith.index_cast %add3A_1178 : i32 to index
        %get3A_1180 = tpu.vector_load %arg5[%get3A_1179] {strides = array<i32>} : memref<20096xf32, #tpu.memory_space<vmem>>, vector<16xf32>,
        %add3A_1181 = arith.constant 1 : i32
        %add3A_1182 = arith.addi %mul3A_1175, %add3A_1181 : i32
        %mul3A_1183 = arith.constant 16 : i32
        %mul3A_1184 = arith.muli %add3A_1182, %mul3A_1183 : i32
        %add3A_1185 = arith.addi %mul3A_175, %mul3A_1184 : i32
        %get3A_1186 = arith.index_cast %add3A_1185 : i32 to index
        %get3A_1187 = tpu.vector_load %arg5[%get3A_1186] {strides = array<i32>} : memref<20096xf32, #tpu.memory_space<vmem>>, vector<16xf32>,
        %max3A_1188 = arith.maximumf %get3A_1180, %get3A_1187 : vector<16xf32>
        %add3A_1189 = arith.constant 2 : i32
        %add3A_1190 = arith.addi %mul3A_1175, %add3A_1189 : i32
        %mul3A_1191 = arith.constant 16 : i32
        %mul3A_1192 = arith.muli %add3A_1190, %mul3A_1191 : i32
        %add3A_1193 = arith.addi %mul3A_175, %mul3A_1192 : i32
        %get3A_1194 = arith.index_cast %add3A_1193 : i32 to index
        %get3A_1195 = tpu.vector_load %arg5[%get3A_1194] {strides = array<i32>} : memref<20096xf32, #tpu.memory_space<vmem>>, vector<16xf32>,
        %max3A_1196 = arith.maximumf %max3A_1188, %get3A_1195 : vector<16xf32>
        %add3A_1197 = arith.constant 3 : i32
        %add3A_1198 = arith.addi %mul3A_1175, %add3A_1197 : i32
        %mul3A_1199 = arith.constant 16 : i32
        %mul3A_1200 = arith.muli %add3A_1198, %mul3A_1199 : i32
        %add3A_1201 = arith.addi %mul3A_175, %mul3A_1200 : i32
        %get3A_1202 = arith.index_cast %add3A_1201 : i32 to index
        %get3A_1203 = tpu.vector_load %arg5[%get3A_1202] {strides = array<i32>} : memref<20096xf32, #tpu.memory_space<vmem>>, vector<16xf32>,
        %max3A_1204 = arith.maximumf %max3A_1196, %get3A_1203 : vector<16xf32>
        %broadcast_in_dim3A_1205 = arith.constant true
        %broadcast_in_dim3A_1206 = vector.broadcast %broadcast_in_dim3A_1205 : i1 to vector<16xi1>
        %masked_cummax3A_1207 = tpu.scan <max>, %max3A_1204 masked %broadcast_in_dim3A_1206 : vector<16xf32>, vector<16xi1> -> vector<16xf32>
        %mul3A_1208 = arith.constant 0 : i32
        %mul3A_1209 = vector.broadcast %mul3A_1208 : i32 to vector<16xi32>
        %mul3A_1210 = arith.muli %iota3A, %mul3A_1209 : vector<16xi32>
        %add3A_1211 = vector.broadcast %scan3A_1173 : i32 to vector<16xi32>
        %add3A_1212 = arith.addi %mul3A_1210, %add3A_1211 : vector<16xi32>
        tpu.vector_store_idx %arg6[%add3A_1212], %masked_cummax3A_1207 masked %eq3A_11 : memref<173xf32, #tpu.memory_space<vmem>>[vector<16xi32>], vector<16xf32>, vector<16xi1>
        %scan3A_1213 = arith.constant 7 : i32
        %scan3A_1214 = arith.addi %scan3A_927, %scan3A_1213 : i32
        %mul3A_1215 = arith.constant 4 : i32
        %mul3A_1216 = arith.muli %scan3A_1214, %mul3A_1215 : i32
        %mul3A_1217 = arith.constant 16 : i32
        %mul3A_1218 = arith.muli %mul3A_1216, %mul3A_1217 : i32
        %add3A_1219 = arith.addi %mul3A_175, %mul3A_1218 : i32
        %get3A_1220 = arith.index_cast %add3A_1219 : i32 to index
        %get3A_1221 = tpu.vector_load %arg5[%get3A_1220] {strides = array<i32>} : memref<20096xf32, #tpu.memory_space<vmem>>, vector<16xf32>,
        %add3A_1222 = arith.constant 1 : i32
        %add3A_1223 = arith.addi %mul3A_1216, %add3A_1222 : i32
        %mul3A_1224 = arith.constant 16 : i32
        %mul3A_1225 = arith.muli %add3A_1223, %mul3A_1224 : i32
        %add3A_1226 = arith.addi %mul3A_175, %mul3A_1225 : i32
        %get3A_1227 = arith.index_cast %add3A_1226 : i32 to index
        %get3A_1228 = tpu.vector_load %arg5[%get3A_1227] {strides = array<i32>} : memref<20096xf32, #tpu.memory_space<vmem>>, vector<16xf32>,
        %max3A_1229 = arith.maximumf %get3A_1221, %get3A_1228 : vector<16xf32>
        %add3A_1230 = arith.constant 2 : i32
        %add3A_1231 = arith.addi %mul3A_1216, %add3A_1230 : i32
        %mul3A_1232 = arith.constant 16 : i32
        %mul3A_1233 = arith.muli %add3A_1231, %mul3A_1232 : i32
        %add3A_1234 = arith.addi %mul3A_175, %mul3A_1233 : i32
        %get3A_1235 = arith.index_cast %add3A_1234 : i32 to index
        %get3A_1236 = tpu.vector_load %arg5[%get3A_1235] {strides = array<i32>} : memref<20096xf32, #tpu.memory_space<vmem>>, vector<16xf32>,
        %max3A_1237 = arith.maximumf %max3A_1229, %get3A_1236 : vector<16xf32>
        %add3A_1238 = arith.constant 3 : i32
        %add3A_1239 = arith.addi %mul3A_1216, %add3A_1238 : i32
        %mul3A_1240 = arith.constant 16 : i32
        %mul3A_1241 = arith.muli %add3A_1239, %mul3A_1240 : i32
        %add3A_1242 = arith.addi %mul3A_175, %mul3A_1241 : i32
        %get3A_1243 = arith.index_cast %add3A_1242 : i32 to index
        %get3A_1244 = tpu.vector_load %arg5[%get3A_1243] {strides = array<i32>} : memref<20096xf32, #tpu.memory_space<vmem>>, vector<16xf32>,
        %max3A_1245 = arith.maximumf %max3A_1237, %get3A_1244 : vector<16xf32>
        %broadcast_in_dim3A_1246 = arith.constant true
        %broadcast_in_dim3A_1247 = vector.broadcast %broadcast_in_dim3A_1246 : i1 to vector<16xi1>
        %masked_cummax3A_1248 = tpu.scan <max>, %max3A_1245 masked %broadcast_in_dim3A_1247 : vector<16xf32>, vector<16xi1> -> vector<16xf32>
        %mul3A_1249 = arith.constant 0 : i32
        %mul3A_1250 = vector.broadcast %mul3A_1249 : i32 to vector<16xi32>
        %mul3A_1251 = arith.muli %iota3A, %mul3A_1250 : vector<16xi32>
        %add3A_1252 = vector.broadcast %scan3A_1214 : i32 to vector<16xi32>
        %add3A_1253 = arith.addi %mul3A_1251, %add3A_1252 : vector<16xi32>
        tpu.vector_store_idx %arg6[%add3A_1253], %masked_cummax3A_1248 masked %eq3A_11 : memref<173xf32, #tpu.memory_space<vmem>>[vector<16xi32>], vector<16xf32>, vector<16xi1>
      }
      %scan3A_194 = arith.constant 152 : i32
      %scan3A_195 = arith.addi %scan3A_190, %scan3A_194 : i32
      %mul3A_196 = arith.constant 4 : i32
      %mul3A_197 = arith.muli %scan3A_195, %mul3A_196 : i32
      %mul3A_198 = arith.constant 16 : i32
      %mul3A_199 = arith.muli %mul3A_197, %mul3A_198 : i32
      %add3A_200 = arith.addi %mul3A_175, %mul3A_199 : i32
      %get3A = arith.index_cast %add3A_200 : i32 to index
      %get3A_201 = tpu.vector_load %arg5[%get3A] {strides = array<i32>} : memref<20096xf32, #tpu.memory_space<vmem>>, vector<16xf32>,
      %add3A_202 = arith.constant 1 : i32
      %add3A_203 = arith.addi %mul3A_197, %add3A_202 : i32
      %mul3A_204 = arith.constant 16 : i32
      %mul3A_205 = arith.muli %add3A_203, %mul3A_204 : i32
      %add3A_206 = arith.addi %mul3A_175, %mul3A_205 : i32
      %get3A_207 = arith.index_cast %add3A_206 : i32 to index
      %get3A_208 = tpu.vector_load %arg5[%get3A_207] {strides = array<i32>} : memref<20096xf32, #tpu.memory_space<vmem>>, vector<16xf32>,
      %max3A = arith.maximumf %get3A_201, %get3A_208 : vector<16xf32>
      %add3A_209 = arith.constant 2 : i32
      %add3A_210 = arith.addi %mul3A_197, %add3A_209 : i32
      %mul3A_211 = arith.constant 16 : i32
      %mul3A_212 = arith.muli %add3A_210, %mul3A_211 : i32
      %add3A_213 = arith.addi %mul3A_175, %mul3A_212 : i32
      %get3A_214 = arith.index_cast %add3A_213 : i32 to index
      %get3A_215 = tpu.vector_load %arg5[%get3A_214] {strides = array<i32>} : memref<20096xf32, #tpu.memory_space<vmem>>, vector<16xf32>,
      %max3A_216 = arith.maximumf %max3A, %get3A_215 : vector<16xf32>
      %add3A_217 = arith.constant 3 : i32
      %add3A_218 = arith.addi %mul3A_197, %add3A_217 : i32
      %mul3A_219 = arith.constant 16 : i32
      %mul3A_220 = arith.muli %add3A_218, %mul3A_219 : i32
      %add3A_221 = arith.addi %mul3A_175, %mul3A_220 : i32
      %get3A_222 = arith.index_cast %add3A_221 : i32 to index
      %get3A_223 = tpu.vector_load %arg5[%get3A_222] {strides = array<i32>} : memref<20096xf32, #tpu.memory_space<vmem>>, vector<16xf32>,
      %max3A_224 = arith.maximumf %max3A_216, %get3A_223 : vector<16xf32>
      %broadcast_in_dim3A_225 = arith.constant true
      %broadcast_in_dim3A_226 = vector.broadcast %broadcast_in_dim3A_225 : i1 to vector<16xi1>
      %masked_cummax3A = tpu.scan <max>, %max3A_224 masked %broadcast_in_dim3A_226 : vector<16xf32>, vector<16xi1> -> vector<16xf32>
      %mul3A_227 = arith.constant 0 : i32
      %mul3A_228 = vector.broadcast %mul3A_227 : i32 to vector<16xi32>
      %mul3A_229 = arith.muli %iota3A, %mul3A_228 : vector<16xi32>
      %add3A_230 = vector.broadcast %scan3A_195 : i32 to vector<16xi32>
      %add3A_231 = arith.addi %mul3A_229, %add3A_230 : vector<16xi32>
      tpu.vector_store_idx %arg6[%add3A_231], %masked_cummax3A masked %eq3A_11 : memref<173xf32, #tpu.memory_space<vmem>>[vector<16xi32>], vector<16xf32>, vector<16xi1>
      %scan3A_232 = arith.constant 153 : i32
      %scan3A_233 = arith.addi %scan3A_190, %scan3A_232 : i32
      %mul3A_234 = arith.constant 4 : i32
      %mul3A_235 = arith.muli %scan3A_233, %mul3A_234 : i32
      %mul3A_236 = arith.constant 16 : i32
      %mul3A_237 = arith.muli %mul3A_235, %mul3A_236 : i32
      %add3A_238 = arith.addi %mul3A_175, %mul3A_237 : i32
      %get3A_239 = arith.index_cast %add3A_238 : i32 to index
      %get3A_240 = tpu.vector_load %arg5[%get3A_239] {strides = array<i32>} : memref<20096xf32, #tpu.memory_space<vmem>>, vector<16xf32>,
      %add3A_241 = arith.constant 1 : i32
      %add3A_242 = arith.addi %mul3A_235, %add3A_241 : i32
      %mul3A_243 = arith.constant 16 : i32
      %mul3A_244 = arith.muli %add3A_242, %mul3A_243 : i32
      %add3A_245 = arith.addi %mul3A_175, %mul3A_244 : i32
      %get3A_246 = arith.index_cast %add3A_245 : i32 to index
      %get3A_247 = tpu.vector_load %arg5[%get3A_246] {strides = array<i32>} : memref<20096xf32, #tpu.memory_space<vmem>>, vector<16xf32>,
      %max3A_248 = arith.maximumf %get3A_240, %get3A_247 : vector<16xf32>
      %add3A_249 = arith.constant 2 : i32
      %add3A_250 = arith.addi %mul3A_235, %add3A_249 : i32
      %mul3A_251 = arith.constant 16 : i32
      %mul3A_252 = arith.muli %add3A_250, %mul3A_251 : i32
      %add3A_253 = arith.addi %mul3A_175, %mul3A_252 : i32
      %get3A_254 = arith.index_cast %add3A_253 : i32 to index
      %get3A_255 = tpu.vector_load %arg5[%get3A_254] {strides = array<i32>} : memref<20096xf32, #tpu.memory_space<vmem>>, vector<16xf32>,
      %max3A_256 = arith.maximumf %max3A_248, %get3A_255 : vector<16xf32>
      %add3A_257 = arith.constant 3 : i32
      %add3A_258 = arith.addi %mul3A_235, %add3A_257 : i32
      %mul3A_259 = arith.constant 16 : i32
      %mul3A_260 = arith.muli %add3A_258, %mul3A_259 : i32
      %add3A_261 = arith.addi %mul3A_175, %mul3A_260 : i32
      %get3A_262 = arith.index_cast %add3A_261 : i32 to index
      %get3A_263 = tpu.vector_load %arg5[%get3A_262] {strides = array<i32>} : memref<20096xf32, #tpu.memory_space<vmem>>, vector<16xf32>,
      %max3A_264 = arith.maximumf %max3A_256, %get3A_263 : vector<16xf32>
      %broadcast_in_dim3A_265 = arith.constant true
      %broadcast_in_dim3A_266 = vector.broadcast %broadcast_in_dim3A_265 : i1 to vector<16xi1>
      %masked_cummax3A_267 = tpu.scan <max>, %max3A_264 masked %broadcast_in_dim3A_266 : vector<16xf32>, vector<16xi1> -> vector<16xf32>
      %mul3A_268 = arith.constant 0 : i32
      %mul3A_269 = vector.broadcast %mul3A_268 : i32 to vector<16xi32>
      %mul3A_270 = arith.muli %iota3A, %mul3A_269 : vector<16xi32>
      %add3A_271 = vector.broadcast %scan3A_233 : i32 to vector<16xi32>
      %add3A_272 = arith.addi %mul3A_270, %add3A_271 : vector<16xi32>
      tpu.vector_store_idx %arg6[%add3A_272], %masked_cummax3A_267 masked %eq3A_11 : memref<173xf32, #tpu.memory_space<vmem>>[vector<16xi32>], vector<16xf32>, vector<16xi1>
      %scan3A_273 = arith.constant 154 : i32
      %scan3A_274 = arith.addi %scan3A_190, %scan3A_273 : i32
      %mul3A_275 = arith.constant 4 : i32
      %mul3A_276 = arith.muli %scan3A_274, %mul3A_275 : i32
      %mul3A_277 = arith.constant 16 : i32
      %mul3A_278 = arith.muli %mul3A_276, %mul3A_277 : i32
      %add3A_279 = arith.addi %mul3A_175, %mul3A_278 : i32
      %get3A_280 = arith.index_cast %add3A_279 : i32 to index
      %get3A_281 = tpu.vector_load %arg5[%get3A_280] {strides = array<i32>} : memref<20096xf32, #tpu.memory_space<vmem>>, vector<16xf32>,
      %add3A_282 = arith.constant 1 : i32
      %add3A_283 = arith.addi %mul3A_276, %add3A_282 : i32
      %mul3A_284 = arith.constant 16 : i32
      %mul3A_285 = arith.muli %add3A_283, %mul3A_284 : i32
      %add3A_286 = arith.addi %mul3A_175, %mul3A_285 : i32
      %get3A_287 = arith.index_cast %add3A_286 : i32 to index
      %get3A_288 = tpu.vector_load %arg5[%get3A_287] {strides = array<i32>} : memref<20096xf32, #tpu.memory_space<vmem>>, vector<16xf32>,
      %max3A_289 = arith.maximumf %get3A_281, %get3A_288 : vector<16xf32>
      %add3A_290 = arith.constant 2 : i32
      %add3A_291 = arith.addi %mul3A_276, %add3A_290 : i32
      %mul3A_292 = arith.constant 16 : i32
      %mul3A_293 = arith.muli %add3A_291, %mul3A_292 : i32
      %add3A_294 = arith.addi %mul3A_175, %mul3A_293 : i32
      %get3A_295 = arith.index_cast %add3A_294 : i32 to index
      %get3A_296 = tpu.vector_load %arg5[%get3A_295] {strides = array<i32>} : memref<20096xf32, #tpu.memory_space<vmem>>, vector<16xf32>,
      %max3A_297 = arith.maximumf %max3A_289, %get3A_296 : vector<16xf32>
      %add3A_298 = arith.constant 3 : i32
      %add3A_299 = arith.addi %mul3A_276, %add3A_298 : i32
      %mul3A_300 = arith.constant 16 : i32
      %mul3A_301 = arith.muli %add3A_299, %mul3A_300 : i32
      %add3A_302 = arith.addi %mul3A_175, %mul3A_301 : i32
      %get3A_303 = arith.index_cast %add3A_302 : i32 to index
      %get3A_304 = tpu.vector_load %arg5[%get3A_303] {strides = array<i32>} : memref<20096xf32, #tpu.memory_space<vmem>>, vector<16xf32>,
      %max3A_305 = arith.maximumf %max3A_297, %get3A_304 : vector<16xf32>
      %broadcast_in_dim3A_306 = arith.constant true
      %broadcast_in_dim3A_307 = vector.broadcast %broadcast_in_dim3A_306 : i1 to vector<16xi1>
      %masked_cummax3A_308 = tpu.scan <max>, %max3A_305 masked %broadcast_in_dim3A_307 : vector<16xf32>, vector<16xi1> -> vector<16xf32>
      %mul3A_309 = arith.constant 0 : i32
      %mul3A_310 = vector.broadcast %mul3A_309 : i32 to vector<16xi32>
      %mul3A_311 = arith.muli %iota3A, %mul3A_310 : vector<16xi32>
      %add3A_312 = vector.broadcast %scan3A_274 : i32 to vector<16xi32>
      %add3A_313 = arith.addi %mul3A_311, %add3A_312 : vector<16xi32>
      tpu.vector_store_idx %arg6[%add3A_313], %masked_cummax3A_308 masked %eq3A_11 : memref<173xf32, #tpu.memory_space<vmem>>[vector<16xi32>], vector<16xf32>, vector<16xi1>
      %scan3A_314 = arith.constant 155 : i32
      %scan3A_315 = arith.addi %scan3A_190, %scan3A_314 : i32
      %mul3A_316 = arith.constant 4 : i32
      %mul3A_317 = arith.muli %scan3A_315, %mul3A_316 : i32
      %mul3A_318 = arith.constant 16 : i32
      %mul3A_319 = arith.muli %mul3A_317, %mul3A_318 : i32
      %add3A_320 = arith.addi %mul3A_175, %mul3A_319 : i32
      %get3A_321 = arith.index_cast %add3A_320 : i32 to index
      %get3A_322 = tpu.vector_load %arg5[%get3A_321] {strides = array<i32>} : memref<20096xf32, #tpu.memory_space<vmem>>, vector<16xf32>,
      %add3A_323 = arith.constant 1 : i32
      %add3A_324 = arith.addi %mul3A_317, %add3A_323 : i32
      %mul3A_325 = arith.constant 16 : i32
      %mul3A_326 = arith.muli %add3A_324, %mul3A_325 : i32
      %add3A_327 = arith.addi %mul3A_175, %mul3A_326 : i32
      %get3A_328 = arith.index_cast %add3A_327 : i32 to index
      %get3A_329 = tpu.vector_load %arg5[%get3A_328] {strides = array<i32>} : memref<20096xf32, #tpu.memory_space<vmem>>, vector<16xf32>,
      %max3A_330 = arith.maximumf %get3A_322, %get3A_329 : vector<16xf32>
      %add3A_331 = arith.constant 2 : i32
      %add3A_332 = arith.addi %mul3A_317, %add3A_331 : i32
      %mul3A_333 = arith.constant 16 : i32
      %mul3A_334 = arith.muli %add3A_332, %mul3A_333 : i32
      %add3A_335 = arith.addi %mul3A_175, %mul3A_334 : i32
      %get3A_336 = arith.index_cast %add3A_335 : i32 to index
      %get3A_337 = tpu.vector_load %arg5[%get3A_336] {strides = array<i32>} : memref<20096xf32, #tpu.memory_space<vmem>>, vector<16xf32>,
      %max3A_338 = arith.maximumf %max3A_330, %get3A_337 : vector<16xf32>
      %add3A_339 = arith.constant 3 : i32
      %add3A_340 = arith.addi %mul3A_317, %add3A_339 : i32
      %mul3A_341 = arith.constant 16 : i32
      %mul3A_342 = arith.muli %add3A_340, %mul3A_341 : i32
      %add3A_343 = arith.addi %mul3A_175, %mul3A_342 : i32
      %get3A_344 = arith.index_cast %add3A_343 : i32 to index
      %get3A_345 = tpu.vector_load %arg5[%get3A_344] {strides = array<i32>} : memref<20096xf32, #tpu.memory_space<vmem>>, vector<16xf32>,
      %max3A_346 = arith.maximumf %max3A_338, %get3A_345 : vector<16xf32>
      %broadcast_in_dim3A_347 = arith.constant true
      %broadcast_in_dim3A_348 = vector.broadcast %broadcast_in_dim3A_347 : i1 to vector<16xi1>
      %masked_cummax3A_349 = tpu.scan <max>, %max3A_346 masked %broadcast_in_dim3A_348 : vector<16xf32>, vector<16xi1> -> vector<16xf32>
      %mul3A_350 = arith.constant 0 : i32
      %mul3A_351 = vector.broadcast %mul3A_350 : i32 to vector<16xi32>
      %mul3A_352 = arith.muli %iota3A, %mul3A_351 : vector<16xi32>
      %add3A_353 = vector.broadcast %scan3A_315 : i32 to vector<16xi32>
      %add3A_354 = arith.addi %mul3A_352, %add3A_353 : vector<16xi32>
      tpu.vector_store_idx %arg6[%add3A_354], %masked_cummax3A_349 masked %eq3A_11 : memref<173xf32, #tpu.memory_space<vmem>>[vector<16xi32>], vector<16xf32>, vector<16xi1>
      %scan3A_355 = arith.constant 156 : i32
      %scan3A_356 = arith.addi %scan3A_190, %scan3A_355 : i32
      %mul3A_357 = arith.constant 4 : i32
      %mul3A_358 = arith.muli %scan3A_356, %mul3A_357 : i32
      %mul3A_359 = arith.constant 16 : i32
      %mul3A_360 = arith.muli %mul3A_358, %mul3A_359 : i32
      %add3A_361 = arith.addi %mul3A_175, %mul3A_360 : i32
      %get3A_362 = arith.index_cast %add3A_361 : i32 to index
      %get3A_363 = tpu.vector_load %arg5[%get3A_362] {strides = array<i32>} : memref<20096xf32, #tpu.memory_space<vmem>>, vector<16xf32>,
      %add3A_364 = arith.constant 1 : i32
      %add3A_365 = arith.addi %mul3A_358, %add3A_364 : i32
      %mul3A_366 = arith.constant 16 : i32
      %mul3A_367 = arith.muli %add3A_365, %mul3A_366 : i32
      %add3A_368 = arith.addi %mul3A_175, %mul3A_367 : i32
      %get3A_369 = arith.index_cast %add3A_368 : i32 to index
      %get3A_370 = tpu.vector_load %arg5[%get3A_369] {strides = array<i32>} : memref<20096xf32, #tpu.memory_space<vmem>>, vector<16xf32>,
      %max3A_371 = arith.maximumf %get3A_363, %get3A_370 : vector<16xf32>
      %add3A_372 = arith.constant 2 : i32
      %add3A_373 = arith.addi %mul3A_358, %add3A_372 : i32
      %mul3A_374 = arith.constant 16 : i32
      %mul3A_375 = arith.muli %add3A_373, %mul3A_374 : i32
      %add3A_376 = arith.addi %mul3A_175, %mul3A_375 : i32
      %get3A_377 = arith.index_cast %add3A_376 : i32 to index
      %get3A_378 = tpu.vector_load %arg5[%get3A_377] {strides = array<i32>} : memref<20096xf32, #tpu.memory_space<vmem>>, vector<16xf32>,
      %max3A_379 = arith.maximumf %max3A_371, %get3A_378 : vector<16xf32>
      %add3A_380 = arith.constant 3 : i32
      %add3A_381 = arith.addi %mul3A_358, %add3A_380 : i32
      %mul3A_382 = arith.constant 16 : i32
      %mul3A_383 = arith.muli %add3A_381, %mul3A_382 : i32
      %add3A_384 = arith.addi %mul3A_175, %mul3A_383 : i32
      %get3A_385 = arith.index_cast %add3A_384 : i32 to index
      %get3A_386 = tpu.vector_load %arg5[%get3A_385] {strides = array<i32>} : memref<20096xf32, #tpu.memory_space<vmem>>, vector<16xf32>,
      %max3A_387 = arith.maximumf %max3A_379, %get3A_386 : vector<16xf32>
      %broadcast_in_dim3A_388 = arith.constant true
      %broadcast_in_dim3A_389 = vector.broadcast %broadcast_in_dim3A_388 : i1 to vector<16xi1>
      %masked_cummax3A_390 = tpu.scan <max>, %max3A_387 masked %broadcast_in_dim3A_389 : vector<16xf32>, vector<16xi1> -> vector<16xf32>
      %mul3A_391 = arith.constant 0 : i32
      %mul3A_392 = vector.broadcast %mul3A_391 : i32 to vector<16xi32>
      %mul3A_393 = arith.muli %iota3A, %mul3A_392 : vector<16xi32>
      %add3A_394 = vector.broadcast %scan3A_356 : i32 to vector<16xi32>
      %add3A_395 = arith.addi %mul3A_393, %add3A_394 : vector<16xi32>
      tpu.vector_store_idx %arg6[%add3A_395], %masked_cummax3A_390 masked %eq3A_11 : memref<173xf32, #tpu.memory_space<vmem>>[vector<16xi32>], vector<16xf32>, vector<16xi1>
      %scan3A_396 = arith.constant 157 : i32
      %scan3A_397 = arith.constant 0 : i32
      %scan3A_398 = arith.constant 0 : i32
      %scan3A_399 = arith.constant 128 : i32
      %scan3A_400 = arith.addi %scan3A_398, %scan3A_399 : i32
      %scan3A_401 = arith.constant 4 : i32
      scf.for %scan3A_927 = %scan3A_398 to %scan3A_400 step %scan3A_401  : i32 {
        %mul3A_928 = arith.constant 16 : i32
        %mul3A_929 = arith.muli %scan3A_927, %mul3A_928 : i32
        %swap3A_930 = arith.index_cast %mul3A_929 : i32 to index
        %swap3A_931 = tpu.vector_load %arg7[%swap3A_930] {strides = array<i32>} : memref<2064xi32, #tpu.memory_space<vmem>>, vector<16xi32>,
        tpu.vector_store %arg7[%swap3A_930], %broadcast_in_dim3A_7 {strides = array<i32>} : memref<2064xi32, #tpu.memory_space<vmem>>, vector<16xi32>,
        %scan3A_932 = arith.constant 1 : i32
        %scan3A_933 = arith.addi %scan3A_927, %scan3A_932 : i32
        %mul3A_934 = arith.constant 16 : i32
        %mul3A_935 = arith.muli %scan3A_933, %mul3A_934 : i32
        %swap3A_936 = arith.index_cast %mul3A_935 : i32 to index
        %swap3A_937 = tpu.vector_load %arg7[%swap3A_936] {strides = array<i32>} : memref<2064xi32, #tpu.memory_space<vmem>>, vector<16xi32>,
        tpu.vector_store %arg7[%swap3A_936], %broadcast_in_dim3A_7 {strides = array<i32>} : memref<2064xi32, #tpu.memory_space<vmem>>, vector<16xi32>,
        %scan3A_938 = arith.constant 2 : i32
        %scan3A_939 = arith.addi %scan3A_927, %scan3A_938 : i32
        %mul3A_940 = arith.constant 16 : i32
        %mul3A_941 = arith.muli %scan3A_939, %mul3A_940 : i32
        %swap3A_942 = arith.index_cast %mul3A_941 : i32 to index
        %swap3A_943 = tpu.vector_load %arg7[%swap3A_942] {strides = array<i32>} : memref<2064xi32, #tpu.memory_space<vmem>>, vector<16xi32>,
        tpu.vector_store %arg7[%swap3A_942], %broadcast_in_dim3A_7 {strides = array<i32>} : memref<2064xi32, #tpu.memory_space<vmem>>, vector<16xi32>,
        %scan3A_944 = arith.constant 3 : i32
        %scan3A_945 = arith.addi %scan3A_927, %scan3A_944 : i32
        %mul3A_946 = arith.constant 16 : i32
        %mul3A_947 = arith.muli %scan3A_945, %mul3A_946 : i32
        %swap3A_948 = arith.index_cast %mul3A_947 : i32 to index
        %swap3A_949 = tpu.vector_load %arg7[%swap3A_948] {strides = array<i32>} : memref<2064xi32, #tpu.memory_space<vmem>>, vector<16xi32>,
        tpu.vector_store %arg7[%swap3A_948], %broadcast_in_dim3A_7 {strides = array<i32>} : memref<2064xi32, #tpu.memory_space<vmem>>, vector<16xi32>,
      }
      %scan3A_402 = arith.constant 128 : i32
      %scan3A_403 = arith.constant 0 : i32
      %scan3A_404 = arith.constant 0 : i32
      %scan3A_405 = arith.constant 8 : i32
      %scan3A_406 = arith.addi %scan3A_404, %scan3A_405 : i32
      %scan3A_407 = arith.constant 4 : i32
      scf.for %scan3A_927 = %scan3A_404 to %scan3A_406 step %scan3A_407  : i32 {
        %mul3A_928 = arith.constant 16 : i32
        %mul3A_929 = arith.muli %scan3A_927, %mul3A_928 : i32
        %get3A_930 = arith.index_cast %mul3A_929 : i32 to index
        %get3A_931 = tpu.vector_load %arg6[%get3A_930] {strides = array<i32>} : memref<173xf32, #tpu.memory_space<vmem>>, vector<16xf32>,
        %bitcast_convert_type3A_932 = tpu.bitcast %get3A_931 : vector<16xf32> -> vector<16xi32>
        %mul3A_933 = arith.constant 16 : i32
        %mul3A_934 = arith.muli %scan3A_927, %mul3A_933 : i32
        %add3A_935 = vector.broadcast %mul3A_934 : i32 to vector<16xi32>
        %add3A_936 = arith.addi %iota3A, %add3A_935 : vector<16xi32>
        %lt3A_937 = arith.constant 157 : i32
        %lt3A_938 = vector.broadcast %lt3A_937 : i32 to vector<16xi32>
        %lt3A_939 = arith.cmpi slt, %add3A_936, %lt3A_938 : vector<16xi32>
        %shift_right_logical3A_940 = arith.constant 19 : i32
        %shift_right_logical3A_941 = vector.broadcast %shift_right_logical3A_940 : i32 to vector<16xi32>
        %shift_right_logical3A_942 = arith.shrui %bitcast_convert_type3A_932, %shift_right_logical3A_941 : vector<16xi32>
        tpu.vector_store_idx %arg7[%shift_right_logical3A_942], %broadcast_in_dim3A_5 masked %lt3A_939 {add = true} : memref<2064xi32, #tpu.memory_space<vmem>>[vector<16xi32>], vector<16xi32>, vector<16xi1>
        %scan3A_943 = arith.constant 1 : i32
        %scan3A_944 = arith.addi %scan3A_927, %scan3A_943 : i32
        %mul3A_945 = arith.constant 16 : i32
        %mul3A_946 = arith.muli %scan3A_944, %mul3A_945 : i32
        %get3A_947 = arith.index_cast %mul3A_946 : i32 to index
        %get3A_948 = tpu.vector_load %arg6[%get3A_947] {strides = array<i32>} : memref<173xf32, #tpu.memory_space<vmem>>, vector<16xf32>,
        %bitcast_convert_type3A_949 = tpu.bitcast %get3A_948 : vector<16xf32> -> vector<16xi32>
        %mul3A_950 = arith.constant 16 : i32
        %mul3A_951 = arith.muli %scan3A_944, %mul3A_950 : i32
        %add3A_952 = vector.broadcast %mul3A_951 : i32 to vector<16xi32>
        %add3A_953 = arith.addi %iota3A, %add3A_952 : vector<16xi32>
        %lt3A_954 = arith.constant 157 : i32
        %lt3A_955 = vector.broadcast %lt3A_954 : i32 to vector<16xi32>
        %lt3A_956 = arith.cmpi slt, %add3A_953, %lt3A_955 : vector<16xi32>
        %shift_right_logical3A_957 = arith.constant 19 : i32
        %shift_right_logical3A_958 = vector.broadcast %shift_right_logical3A_957 : i32 to vector<16xi32>
        %shift_right_logical3A_959 = arith.shrui %bitcast_convert_type3A_949, %shift_right_logical3A_958 : vector<16xi32>
        tpu.vector_store_idx %arg7[%shift_right_logical3A_959], %broadcast_in_dim3A_5 masked %lt3A_956 {add = true} : memref<2064xi32, #tpu.memory_space<vmem>>[vector<16xi32>], vector<16xi32>, vector<16xi1>
        %scan3A_960 = arith.constant 2 : i32
        %scan3A_961 = arith.addi %scan3A_927, %scan3A_960 : i32
        %mul3A_962 = arith.constant 16 : i32
        %mul3A_963 = arith.muli %scan3A_961, %mul3A_962 : i32
        %get3A_964 = arith.index_cast %mul3A_963 : i32 to index
        %get3A_965 = tpu.vector_load %arg6[%get3A_964] {strides = array<i32>} : memref<173xf32, #tpu.memory_space<vmem>>, vector<16xf32>,
        %bitcast_convert_type3A_966 = tpu.bitcast %get3A_965 : vector<16xf32> -> vector<16xi32>
        %mul3A_967 = arith.constant 16 : i32
        %mul3A_968 = arith.muli %scan3A_961, %mul3A_967 : i32
        %add3A_969 = vector.broadcast %mul3A_968 : i32 to vector<16xi32>
        %add3A_970 = arith.addi %iota3A, %add3A_969 : vector<16xi32>
        %lt3A_971 = arith.constant 157 : i32
        %lt3A_972 = vector.broadcast %lt3A_971 : i32 to vector<16xi32>
        %lt3A_973 = arith.cmpi slt, %add3A_970, %lt3A_972 : vector<16xi32>
        %shift_right_logical3A_974 = arith.constant 19 : i32
        %shift_right_logical3A_975 = vector.broadcast %shift_right_logical3A_974 : i32 to vector<16xi32>
        %shift_right_logical3A_976 = arith.shrui %bitcast_convert_type3A_966, %shift_right_logical3A_975 : vector<16xi32>
        tpu.vector_store_idx %arg7[%shift_right_logical3A_976], %broadcast_in_dim3A_5 masked %lt3A_973 {add = true} : memref<2064xi32, #tpu.memory_space<vmem>>[vector<16xi32>], vector<16xi32>, vector<16xi1>
        %scan3A_977 = arith.constant 3 : i32
        %scan3A_978 = arith.addi %scan3A_927, %scan3A_977 : i32
        %mul3A_979 = arith.constant 16 : i32
        %mul3A_980 = arith.muli %scan3A_978, %mul3A_979 : i32
        %get3A_981 = arith.index_cast %mul3A_980 : i32 to index
        %get3A_982 = tpu.vector_load %arg6[%get3A_981] {strides = array<i32>} : memref<173xf32, #tpu.memory_space<vmem>>, vector<16xf32>,
        %bitcast_convert_type3A_983 = tpu.bitcast %get3A_982 : vector<16xf32> -> vector<16xi32>
        %mul3A_984 = arith.constant 16 : i32
        %mul3A_985 = arith.muli %scan3A_978, %mul3A_984 : i32
        %add3A_986 = vector.broadcast %mul3A_985 : i32 to vector<16xi32>
        %add3A_987 = arith.addi %iota3A, %add3A_986 : vector<16xi32>
        %lt3A_988 = arith.constant 157 : i32
        %lt3A_989 = vector.broadcast %lt3A_988 : i32 to vector<16xi32>
        %lt3A_990 = arith.cmpi slt, %add3A_987, %lt3A_989 : vector<16xi32>
        %shift_right_logical3A_991 = arith.constant 19 : i32
        %shift_right_logical3A_992 = vector.broadcast %shift_right_logical3A_991 : i32 to vector<16xi32>
        %shift_right_logical3A_993 = arith.shrui %bitcast_convert_type3A_983, %shift_right_logical3A_992 : vector<16xi32>
        tpu.vector_store_idx %arg7[%shift_right_logical3A_993], %broadcast_in_dim3A_5 masked %lt3A_990 {add = true} : memref<2064xi32, #tpu.memory_space<vmem>>[vector<16xi32>], vector<16xi32>, vector<16xi1>
      }
      %scan3A_408 = arith.constant 8 : i32
      %scan3A_409 = arith.addi %scan3A_404, %scan3A_408 : i32
      %mul3A_410 = arith.constant 16 : i32
      %mul3A_411 = arith.muli %scan3A_409, %mul3A_410 : i32
      %get3A_412 = arith.index_cast %mul3A_411 : i32 to index
      %get3A_413 = tpu.vector_load %arg6[%get3A_412] {strides = array<i32>} : memref<173xf32, #tpu.memory_space<vmem>>, vector<16xf32>,
      %bitcast_convert_type3A = tpu.bitcast %get3A_413 : vector<16xf32> -> vector<16xi32>
      %mul3A_414 = arith.constant 16 : i32
      %mul3A_415 = arith.muli %scan3A_409, %mul3A_414 : i32
      %add3A_416 = vector.broadcast %mul3A_415 : i32 to vector<16xi32>
      %add3A_417 = arith.addi %iota3A, %add3A_416 : vector<16xi32>
      %lt3A_418 = arith.constant 157 : i32
      %lt3A_419 = vector.broadcast %lt3A_418 : i32 to vector<16xi32>
      %lt3A_420 = arith.cmpi slt, %add3A_417, %lt3A_419 : vector<16xi32>
      %shift_right_logical3A = arith.constant 19 : i32
      %shift_right_logical3A_421 = vector.broadcast %shift_right_logical3A : i32 to vector<16xi32>
      %shift_right_logical3A_422 = arith.shrui %bitcast_convert_type3A, %shift_right_logical3A_421 : vector<16xi32>
      tpu.vector_store_idx %arg7[%shift_right_logical3A_422], %broadcast_in_dim3A_5 masked %lt3A_420 {add = true} : memref<2064xi32, #tpu.memory_space<vmem>>[vector<16xi32>], vector<16xi32>, vector<16xi1>
      %scan3A_423 = arith.constant 9 : i32
      %scan3A_424 = arith.addi %scan3A_404, %scan3A_423 : i32
      %mul3A_425 = arith.constant 16 : i32
      %mul3A_426 = arith.muli %scan3A_424, %mul3A_425 : i32
      %get3A_427 = arith.index_cast %mul3A_426 : i32 to index
      %get3A_428 = tpu.vector_load %arg6[%get3A_427] {strides = array<i32>} : memref<173xf32, #tpu.memory_space<vmem>>, vector<16xf32>,
      %bitcast_convert_type3A_429 = tpu.bitcast %get3A_428 : vector<16xf32> -> vector<16xi32>
      %mul3A_430 = arith.constant 16 : i32
      %mul3A_431 = arith.muli %scan3A_424, %mul3A_430 : i32
      %add3A_432 = vector.broadcast %mul3A_431 : i32 to vector<16xi32>
      %add3A_433 = arith.addi %iota3A, %add3A_432 : vector<16xi32>
      %lt3A_434 = arith.constant 157 : i32
      %lt3A_435 = vector.broadcast %lt3A_434 : i32 to vector<16xi32>
      %lt3A_436 = arith.cmpi slt, %add3A_433, %lt3A_435 : vector<16xi32>
      %shift_right_logical3A_437 = arith.constant 19 : i32
      %shift_right_logical3A_438 = vector.broadcast %shift_right_logical3A_437 : i32 to vector<16xi32>
      %shift_right_logical3A_439 = arith.shrui %bitcast_convert_type3A_429, %shift_right_logical3A_438 : vector<16xi32>
      tpu.vector_store_idx %arg7[%shift_right_logical3A_439], %broadcast_in_dim3A_5 masked %lt3A_436 {add = true} : memref<2064xi32, #tpu.memory_space<vmem>>[vector<16xi32>], vector<16xi32>, vector<16xi1>
      %scan3A_440 = arith.constant 10 : i32
      %while3A_441 = arith.constant 128 : i32
      %while3A_442 = arith.constant 0 : i32
      %while3A_443 = arith.constant 0 : i32
      %while3A_444:3 = scf.while (%while3A_927 = %while3A_441, %while3A_928 = %while3A_442, %while3A_929 = %while3A_443) : (i32, i32, i32) -> (i32, i32, i32) {
        %lt3A_930 = arith.constant 32 : i32
        %lt3A_931 = arith.cmpi slt, %while3A_928, %lt3A_930 : i32
        scf.condition(%lt3A_931) %while3A_927, %while3A_928, %while3A_929 : i32, i32, i32
      } do {
      ^bb0(%while3A_927: i32, %while3A_928: i32, %while3A_929: i32):
        %sub3A_930 = arith.constant 1 : i32
        %sub3A_931 = arith.subi %while3A_927, %sub3A_930 : i32
        %mul3A_932 = arith.constant 16 : i32
        %mul3A_933 = arith.muli %sub3A_931, %mul3A_932 : i32
        %get3A_934 = arith.index_cast %mul3A_933 : i32 to index
        %get3A_935 = tpu.vector_load %arg7[%get3A_934] {strides = array<i32>} : memref<2064xi32, #tpu.memory_space<vmem>>, vector<16xi32>,
        %broadcast_in_dim3A_936 = arith.constant true
        %broadcast_in_dim3A_937 = vector.broadcast %broadcast_in_dim3A_936 : i1 to vector<16xi1>
        %masked_cumsum3A_938 = tpu.scan <sum>, %get3A_935 masked %broadcast_in_dim3A_937 : vector<16xi32>, vector<16xi1> -> vector<16xi32>
        %slice3A_939 = vector.extract_strided_slice %masked_cumsum3A_938 {offsets = [15], sizes = [1], strides = [1]} : vector<16xi32> to vector<1xi32>
        %squeeze3A_940 = vector.extract %slice3A_939[0] : i32 from vector<1xi32>
        %add3A_941 = arith.addi %while3A_928, %squeeze3A_940 : i32
        scf.yield %sub3A_931, %add3A_941, %while3A_928 : i32, i32, i32
      }
      %mul3A_445 = arith.constant 16 : i32
      %mul3A_446 = arith.muli %while3A_444#0, %mul3A_445 : i32
      %get3A_447 = arith.index_cast %mul3A_446 : i32 to index
      %get3A_448 = tpu.vector_load %arg7[%get3A_447] {strides = array<i32>} : memref<2064xi32, #tpu.memory_space<vmem>>, vector<16xi32>,
      %broadcast_in_dim3A_449 = arith.constant true
      %broadcast_in_dim3A_450 = vector.broadcast %broadcast_in_dim3A_449 : i1 to vector<16xi1>
      %masked_cumsum3A = tpu.scan <sum>, %get3A_448 masked %broadcast_in_dim3A_450 : vector<16xi32>, vector<16xi1> -> vector<16xi32>
      %slice3A = vector.extract_strided_slice %masked_cumsum3A {offsets = [15], sizes = [1], strides = [1]} : vector<16xi32> to vector<1xi32>
      %squeeze3A = vector.extract %slice3A[0] : i32 from vector<1xi32>
      %add3A_451 = arith.addi %while3A_444#2, %squeeze3A : i32
      %sub3A_452 = arith.subi %get3A_448, %masked_cumsum3A : vector<16xi32>
      %add3A_453 = vector.broadcast %add3A_451 : i32 to vector<16xi32>
      %add3A_454 = arith.addi %add3A_453, %sub3A_452 : vector<16xi32>
      %ge3A_455 = arith.constant 32 : i32
      %ge3A_456 = vector.broadcast %ge3A_455 : i32 to vector<16xi32>
      %ge3A_457 = arith.cmpi sge, %add3A_454, %ge3A_456 : vector<16xi32>
      %select_n3A = arith.select %ge3A_457, %iota3A, %broadcast_in_dim3A_9 : vector<16xi1>, vector<16xi32>
      %broadcast_in_dim3A_458 = arith.constant true
      %broadcast_in_dim3A_459 = vector.broadcast %broadcast_in_dim3A_458 : i1 to vector<16xi1>
      %masked_cummax3A_460 = arith.constant -2147483648 : i32
      %masked_cummax3A_461 = vector.broadcast %masked_cummax3A_460 : i32 to vector<16xi32>
      %masked_cummax3A_462 = arith.xori %select_n3A, %masked_cummax3A_461 : vector<16xi32>
      %masked_cummax3A_463 = tpu.scan <max>, %masked_cummax3A_462 masked %broadcast_in_dim3A_459 : vector<16xi32>, vector<16xi1> -> vector<16xi32>
      %masked_cummax3A_464 = arith.xori %masked_cummax3A_463, %masked_cummax3A_461 : vector<16xi32>
      %slice3A_465 = vector.extract_strided_slice %masked_cummax3A_464 {offsets = [15], sizes = [1], strides = [1]} : vector<16xi32> to vector<1xi32>
      %squeeze3A_466 = vector.extract %slice3A_465[0] : i32 from vector<1xi32>
      %mul3A_467 = arith.constant 16 : i32
      %mul3A_468 = arith.muli %while3A_444#0, %mul3A_467 : i32
      %add3A_469 = arith.addi %mul3A_468, %squeeze3A_466 : i32
      %eq3A_470 = vector.broadcast %squeeze3A_466 : i32 to vector<16xi32>
      %eq3A_471 = arith.cmpi eq, %iota3A, %eq3A_470 : vector<16xi32>
      %select_n3A_472 = arith.select %eq3A_471, %masked_cumsum3A, %broadcast_in_dim3A_7 : vector<16xi1>, vector<16xi32>
      %add3A_473 = arith.addi %while3A_444#2, %squeeze3A : i32
      %broadcast_in_dim3A_474 = arith.constant true
      %broadcast_in_dim3A_475 = vector.broadcast %broadcast_in_dim3A_474 : i1 to vector<16xi1>
      %masked_cumsum3A_476 = tpu.scan <sum>, %select_n3A_472 masked %broadcast_in_dim3A_475 : vector<16xi32>, vector<16xi1> -> vector<16xi32>
      %slice3A_477 = vector.extract_strided_slice %masked_cumsum3A_476 {offsets = [15], sizes = [1], strides = [1]} : vector<16xi32> to vector<1xi32>
      %squeeze3A_478 = vector.extract %slice3A_477[0] : i32 from vector<1xi32>
      %sub3A_479 = arith.subi %add3A_473, %squeeze3A_478 : i32
      %scan3A_480 = arith.constant 0 : i32
      %scan3A_481 = arith.constant 0 : i32
      %scan3A_482 = arith.constant 16 : i32
      %scan3A_483 = arith.addi %scan3A_481, %scan3A_482 : i32
      %scan3A_484 = arith.constant 4 : i32
      scf.for %scan3A_927 = %scan3A_481 to %scan3A_483 step %scan3A_484  : i32 {
        %mul3A_928 = arith.constant 16 : i32
        %mul3A_929 = arith.muli %scan3A_927, %mul3A_928 : i32
        %swap3A_930 = arith.index_cast %mul3A_929 : i32 to index
        %swap3A_931 = tpu.vector_load %arg7[%swap3A_930] {strides = array<i32>} : memref<2064xi32, #tpu.memory_space<vmem>>, vector<16xi32>,
        tpu.vector_store %arg7[%swap3A_930], %broadcast_in_dim3A_7 {strides = array<i32>} : memref<2064xi32, #tpu.memory_space<vmem>>, vector<16xi32>,
        %scan3A_932 = arith.constant 1 : i32
        %scan3A_933 = arith.addi %scan3A_927, %scan3A_932 : i32
        %mul3A_934 = arith.constant 16 : i32
        %mul3A_935 = arith.muli %scan3A_933, %mul3A_934 : i32
        %swap3A_936 = arith.index_cast %mul3A_935 : i32 to index
        %swap3A_937 = tpu.vector_load %arg7[%swap3A_936] {strides = array<i32>} : memref<2064xi32, #tpu.memory_space<vmem>>, vector<16xi32>,
        tpu.vector_store %arg7[%swap3A_936], %broadcast_in_dim3A_7 {strides = array<i32>} : memref<2064xi32, #tpu.memory_space<vmem>>, vector<16xi32>,
        %scan3A_938 = arith.constant 2 : i32
        %scan3A_939 = arith.addi %scan3A_927, %scan3A_938 : i32
        %mul3A_940 = arith.constant 16 : i32
        %mul3A_941 = arith.muli %scan3A_939, %mul3A_940 : i32
        %swap3A_942 = arith.index_cast %mul3A_941 : i32 to index
        %swap3A_943 = tpu.vector_load %arg7[%swap3A_942] {strides = array<i32>} : memref<2064xi32, #tpu.memory_space<vmem>>, vector<16xi32>,
        tpu.vector_store %arg7[%swap3A_942], %broadcast_in_dim3A_7 {strides = array<i32>} : memref<2064xi32, #tpu.memory_space<vmem>>, vector<16xi32>,
        %scan3A_944 = arith.constant 3 : i32
        %scan3A_945 = arith.addi %scan3A_927, %scan3A_944 : i32
        %mul3A_946 = arith.constant 16 : i32
        %mul3A_947 = arith.muli %scan3A_945, %mul3A_946 : i32
        %swap3A_948 = arith.index_cast %mul3A_947 : i32 to index
        %swap3A_949 = tpu.vector_load %arg7[%swap3A_948] {strides = array<i32>} : memref<2064xi32, #tpu.memory_space<vmem>>, vector<16xi32>,
        tpu.vector_store %arg7[%swap3A_948], %broadcast_in_dim3A_7 {strides = array<i32>} : memref<2064xi32, #tpu.memory_space<vmem>>, vector<16xi32>,
      }
      %scan3A_485 = arith.constant 16 : i32
      %scan3A_486 = arith.constant 0 : i32
      %scan3A_487 = arith.constant 0 : i32
      %scan3A_488 = arith.constant 8 : i32
      %scan3A_489 = arith.addi %scan3A_487, %scan3A_488 : i32
      %scan3A_490 = arith.constant 4 : i32
      scf.for %scan3A_927 = %scan3A_487 to %scan3A_489 step %scan3A_490  : i32 {
        %mul3A_928 = arith.constant 16 : i32
        %mul3A_929 = arith.muli %scan3A_927, %mul3A_928 : i32
        %get3A_930 = arith.index_cast %mul3A_929 : i32 to index
        %get3A_931 = tpu.vector_load %arg6[%get3A_930] {strides = array<i32>} : memref<173xf32, #tpu.memory_space<vmem>>, vector<16xf32>,
        %bitcast_convert_type3A_932 = tpu.bitcast %get3A_931 : vector<16xf32> -> vector<16xi32>
        %mul3A_933 = arith.constant 16 : i32
        %mul3A_934 = arith.muli %scan3A_927, %mul3A_933 : i32
        %add3A_935 = vector.broadcast %mul3A_934 : i32 to vector<16xi32>
        %add3A_936 = arith.addi %iota3A, %add3A_935 : vector<16xi32>
        %lt3A_937 = arith.constant 157 : i32
        %lt3A_938 = vector.broadcast %lt3A_937 : i32 to vector<16xi32>
        %lt3A_939 = arith.cmpi slt, %add3A_936, %lt3A_938 : vector<16xi32>
        %shift_right_logical3A_940 = arith.constant 19 : i32
        %shift_right_logical3A_941 = vector.broadcast %shift_right_logical3A_940 : i32 to vector<16xi32>
        %shift_right_logical3A_942 = arith.shrui %bitcast_convert_type3A_932, %shift_right_logical3A_941 : vector<16xi32>
        %eq3A_943 = vector.broadcast %add3A_469 : i32 to vector<16xi32>
        %eq3A_944 = arith.cmpi eq, %shift_right_logical3A_942, %eq3A_943 : vector<16xi32>
        %and3A_945 = arith.andi %lt3A_939, %eq3A_944 : vector<16xi1>
        %shift_right_logical3A_946 = arith.constant 11 : i32
        %shift_right_logical3A_947 = vector.broadcast %shift_right_logical3A_946 : i32 to vector<16xi32>
        %shift_right_logical3A_948 = arith.shrui %bitcast_convert_type3A_932, %shift_right_logical3A_947 : vector<16xi32>
        %and3A_949 = arith.constant 255 : i32
        %and3A_950 = vector.broadcast %and3A_949 : i32 to vector<16xi32>
        %and3A_951 = arith.andi %shift_right_logical3A_948, %and3A_950 : vector<16xi32>
        tpu.vector_store_idx %arg7[%and3A_951], %broadcast_in_dim3A_5 masked %and3A_945 {add = true} : memref<2064xi32, #tpu.memory_space<vmem>>[vector<16xi32>], vector<16xi32>, vector<16xi1>
        %scan3A_952 = arith.constant 1 : i32
        %scan3A_953 = arith.addi %scan3A_927, %scan3A_952 : i32
        %mul3A_954 = arith.constant 16 : i32
        %mul3A_955 = arith.muli %scan3A_953, %mul3A_954 : i32
        %get3A_956 = arith.index_cast %mul3A_955 : i32 to index
        %get3A_957 = tpu.vector_load %arg6[%get3A_956] {strides = array<i32>} : memref<173xf32, #tpu.memory_space<vmem>>, vector<16xf32>,
        %bitcast_convert_type3A_958 = tpu.bitcast %get3A_957 : vector<16xf32> -> vector<16xi32>
        %mul3A_959 = arith.constant 16 : i32
        %mul3A_960 = arith.muli %scan3A_953, %mul3A_959 : i32
        %add3A_961 = vector.broadcast %mul3A_960 : i32 to vector<16xi32>
        %add3A_962 = arith.addi %iota3A, %add3A_961 : vector<16xi32>
        %lt3A_963 = arith.constant 157 : i32
        %lt3A_964 = vector.broadcast %lt3A_963 : i32 to vector<16xi32>
        %lt3A_965 = arith.cmpi slt, %add3A_962, %lt3A_964 : vector<16xi32>
        %shift_right_logical3A_966 = arith.constant 19 : i32
        %shift_right_logical3A_967 = vector.broadcast %shift_right_logical3A_966 : i32 to vector<16xi32>
        %shift_right_logical3A_968 = arith.shrui %bitcast_convert_type3A_958, %shift_right_logical3A_967 : vector<16xi32>
        %eq3A_969 = vector.broadcast %add3A_469 : i32 to vector<16xi32>
        %eq3A_970 = arith.cmpi eq, %shift_right_logical3A_968, %eq3A_969 : vector<16xi32>
        %and3A_971 = arith.andi %lt3A_965, %eq3A_970 : vector<16xi1>
        %shift_right_logical3A_972 = arith.constant 11 : i32
        %shift_right_logical3A_973 = vector.broadcast %shift_right_logical3A_972 : i32 to vector<16xi32>
        %shift_right_logical3A_974 = arith.shrui %bitcast_convert_type3A_958, %shift_right_logical3A_973 : vector<16xi32>
        %and3A_975 = arith.constant 255 : i32
        %and3A_976 = vector.broadcast %and3A_975 : i32 to vector<16xi32>
        %and3A_977 = arith.andi %shift_right_logical3A_974, %and3A_976 : vector<16xi32>
        tpu.vector_store_idx %arg7[%and3A_977], %broadcast_in_dim3A_5 masked %and3A_971 {add = true} : memref<2064xi32, #tpu.memory_space<vmem>>[vector<16xi32>], vector<16xi32>, vector<16xi1>
        %scan3A_978 = arith.constant 2 : i32
        %scan3A_979 = arith.addi %scan3A_927, %scan3A_978 : i32
        %mul3A_980 = arith.constant 16 : i32
        %mul3A_981 = arith.muli %scan3A_979, %mul3A_980 : i32
        %get3A_982 = arith.index_cast %mul3A_981 : i32 to index
        %get3A_983 = tpu.vector_load %arg6[%get3A_982] {strides = array<i32>} : memref<173xf32, #tpu.memory_space<vmem>>, vector<16xf32>,
        %bitcast_convert_type3A_984 = tpu.bitcast %get3A_983 : vector<16xf32> -> vector<16xi32>
        %mul3A_985 = arith.constant 16 : i32
        %mul3A_986 = arith.muli %scan3A_979, %mul3A_985 : i32
        %add3A_987 = vector.broadcast %mul3A_986 : i32 to vector<16xi32>
        %add3A_988 = arith.addi %iota3A, %add3A_987 : vector<16xi32>
        %lt3A_989 = arith.constant 157 : i32
        %lt3A_990 = vector.broadcast %lt3A_989 : i32 to vector<16xi32>
        %lt3A_991 = arith.cmpi slt, %add3A_988, %lt3A_990 : vector<16xi32>
        %shift_right_logical3A_992 = arith.constant 19 : i32
        %shift_right_logical3A_993 = vector.broadcast %shift_right_logical3A_992 : i32 to vector<16xi32>
        %shift_right_logical3A_994 = arith.shrui %bitcast_convert_type3A_984, %shift_right_logical3A_993 : vector<16xi32>
        %eq3A_995 = vector.broadcast %add3A_469 : i32 to vector<16xi32>
        %eq3A_996 = arith.cmpi eq, %shift_right_logical3A_994, %eq3A_995 : vector<16xi32>
        %and3A_997 = arith.andi %lt3A_991, %eq3A_996 : vector<16xi1>
        %shift_right_logical3A_998 = arith.constant 11 : i32
        %shift_right_logical3A_999 = vector.broadcast %shift_right_logical3A_998 : i32 to vector<16xi32>
        %shift_right_logical3A_1000 = arith.shrui %bitcast_convert_type3A_984, %shift_right_logical3A_999 : vector<16xi32>
        %and3A_1001 = arith.constant 255 : i32
        %and3A_1002 = vector.broadcast %and3A_1001 : i32 to vector<16xi32>
        %and3A_1003 = arith.andi %shift_right_logical3A_1000, %and3A_1002 : vector<16xi32>
        tpu.vector_store_idx %arg7[%and3A_1003], %broadcast_in_dim3A_5 masked %and3A_997 {add = true} : memref<2064xi32, #tpu.memory_space<vmem>>[vector<16xi32>], vector<16xi32>, vector<16xi1>
        %scan3A_1004 = arith.constant 3 : i32
        %scan3A_1005 = arith.addi %scan3A_927, %scan3A_1004 : i32
        %mul3A_1006 = arith.constant 16 : i32
        %mul3A_1007 = arith.muli %scan3A_1005, %mul3A_1006 : i32
        %get3A_1008 = arith.index_cast %mul3A_1007 : i32 to index
        %get3A_1009 = tpu.vector_load %arg6[%get3A_1008] {strides = array<i32>} : memref<173xf32, #tpu.memory_space<vmem>>, vector<16xf32>,
        %bitcast_convert_type3A_1010 = tpu.bitcast %get3A_1009 : vector<16xf32> -> vector<16xi32>
        %mul3A_1011 = arith.constant 16 : i32
        %mul3A_1012 = arith.muli %scan3A_1005, %mul3A_1011 : i32
        %add3A_1013 = vector.broadcast %mul3A_1012 : i32 to vector<16xi32>
        %add3A_1014 = arith.addi %iota3A, %add3A_1013 : vector<16xi32>
        %lt3A_1015 = arith.constant 157 : i32
        %lt3A_1016 = vector.broadcast %lt3A_1015 : i32 to vector<16xi32>
        %lt3A_1017 = arith.cmpi slt, %add3A_1014, %lt3A_1016 : vector<16xi32>
        %shift_right_logical3A_1018 = arith.constant 19 : i32
        %shift_right_logical3A_1019 = vector.broadcast %shift_right_logical3A_1018 : i32 to vector<16xi32>
        %shift_right_logical3A_1020 = arith.shrui %bitcast_convert_type3A_1010, %shift_right_logical3A_1019 : vector<16xi32>
        %eq3A_1021 = vector.broadcast %add3A_469 : i32 to vector<16xi32>
        %eq3A_1022 = arith.cmpi eq, %shift_right_logical3A_1020, %eq3A_1021 : vector<16xi32>
        %and3A_1023 = arith.andi %lt3A_1017, %eq3A_1022 : vector<16xi1>
        %shift_right_logical3A_1024 = arith.constant 11 : i32
        %shift_right_logical3A_1025 = vector.broadcast %shift_right_logical3A_1024 : i32 to vector<16xi32>
        %shift_right_logical3A_1026 = arith.shrui %bitcast_convert_type3A_1010, %shift_right_logical3A_1025 : vector<16xi32>
        %and3A_1027 = arith.constant 255 : i32
        %and3A_1028 = vector.broadcast %and3A_1027 : i32 to vector<16xi32>
        %and3A_1029 = arith.andi %shift_right_logical3A_1026, %and3A_1028 : vector<16xi32>
        tpu.vector_store_idx %arg7[%and3A_1029], %broadcast_in_dim3A_5 masked %and3A_1023 {add = true} : memref<2064xi32, #tpu.memory_space<vmem>>[vector<16xi32>], vector<16xi32>, vector<16xi1>
      }
      %scan3A_491 = arith.constant 8 : i32
      %scan3A_492 = arith.addi %scan3A_487, %scan3A_491 : i32
      %mul3A_493 = arith.constant 16 : i32
      %mul3A_494 = arith.muli %scan3A_492, %mul3A_493 : i32
      %get3A_495 = arith.index_cast %mul3A_494 : i32 to index
      %get3A_496 = tpu.vector_load %arg6[%get3A_495] {strides = array<i32>} : memref<173xf32, #tpu.memory_space<vmem>>, vector<16xf32>,
      %bitcast_convert_type3A_497 = tpu.bitcast %get3A_496 : vector<16xf32> -> vector<16xi32>
      %mul3A_498 = arith.constant 16 : i32
      %mul3A_499 = arith.muli %scan3A_492, %mul3A_498 : i32
      %add3A_500 = vector.broadcast %mul3A_499 : i32 to vector<16xi32>
      %add3A_501 = arith.addi %iota3A, %add3A_500 : vector<16xi32>
      %lt3A_502 = arith.constant 157 : i32
      %lt3A_503 = vector.broadcast %lt3A_502 : i32 to vector<16xi32>
      %lt3A_504 = arith.cmpi slt, %add3A_501, %lt3A_503 : vector<16xi32>
      %shift_right_logical3A_505 = arith.constant 19 : i32
      %shift_right_logical3A_506 = vector.broadcast %shift_right_logical3A_505 : i32 to vector<16xi32>
      %shift_right_logical3A_507 = arith.shrui %bitcast_convert_type3A_497, %shift_right_logical3A_506 : vector<16xi32>
      %eq3A_508 = vector.broadcast %add3A_469 : i32 to vector<16xi32>
      %eq3A_509 = arith.cmpi eq, %shift_right_logical3A_507, %eq3A_508 : vector<16xi32>
      %and3A_510 = arith.andi %lt3A_504, %eq3A_509 : vector<16xi1>
      %shift_right_logical3A_511 = arith.constant 11 : i32
      %shift_right_logical3A_512 = vector.broadcast %shift_right_logical3A_511 : i32 to vector<16xi32>
      %shift_right_logical3A_513 = arith.shrui %bitcast_convert_type3A_497, %shift_right_logical3A_512 : vector<16xi32>
      %and3A_514 = arith.constant 255 : i32
      %and3A_515 = vector.broadcast %and3A_514 : i32 to vector<16xi32>
      %and3A_516 = arith.andi %shift_right_logical3A_513, %and3A_515 : vector<16xi32>
      tpu.vector_store_idx %arg7[%and3A_516], %broadcast_in_dim3A_5 masked %and3A_510 {add = true} : memref<2064xi32, #tpu.memory_space<vmem>>[vector<16xi32>], vector<16xi32>, vector<16xi1>
      %scan3A_517 = arith.constant 9 : i32
      %scan3A_518 = arith.addi %scan3A_487, %scan3A_517 : i32
      %mul3A_519 = arith.constant 16 : i32
      %mul3A_520 = arith.muli %scan3A_518, %mul3A_519 : i32
      %get3A_521 = arith.index_cast %mul3A_520 : i32 to index
      %get3A_522 = tpu.vector_load %arg6[%get3A_521] {strides = array<i32>} : memref<173xf32, #tpu.memory_space<vmem>>, vector<16xf32>,
      %bitcast_convert_type3A_523 = tpu.bitcast %get3A_522 : vector<16xf32> -> vector<16xi32>
      %mul3A_524 = arith.constant 16 : i32
      %mul3A_525 = arith.muli %scan3A_518, %mul3A_524 : i32
      %add3A_526 = vector.broadcast %mul3A_525 : i32 to vector<16xi32>
      %add3A_527 = arith.addi %iota3A, %add3A_526 : vector<16xi32>
      %lt3A_528 = arith.constant 157 : i32
      %lt3A_529 = vector.broadcast %lt3A_528 : i32 to vector<16xi32>
      %lt3A_530 = arith.cmpi slt, %add3A_527, %lt3A_529 : vector<16xi32>
      %shift_right_logical3A_531 = arith.constant 19 : i32
      %shift_right_logical3A_532 = vector.broadcast %shift_right_logical3A_531 : i32 to vector<16xi32>
      %shift_right_logical3A_533 = arith.shrui %bitcast_convert_type3A_523, %shift_right_logical3A_532 : vector<16xi32>
      %eq3A_534 = vector.broadcast %add3A_469 : i32 to vector<16xi32>
      %eq3A_535 = arith.cmpi eq, %shift_right_logical3A_533, %eq3A_534 : vector<16xi32>
      %and3A_536 = arith.andi %lt3A_530, %eq3A_535 : vector<16xi1>
      %shift_right_logical3A_537 = arith.constant 11 : i32
      %shift_right_logical3A_538 = vector.broadcast %shift_right_logical3A_537 : i32 to vector<16xi32>
      %shift_right_logical3A_539 = arith.shrui %bitcast_convert_type3A_523, %shift_right_logical3A_538 : vector<16xi32>
      %and3A_540 = arith.constant 255 : i32
      %and3A_541 = vector.broadcast %and3A_540 : i32 to vector<16xi32>
      %and3A_542 = arith.andi %shift_right_logical3A_539, %and3A_541 : vector<16xi32>
      tpu.vector_store_idx %arg7[%and3A_542], %broadcast_in_dim3A_5 masked %and3A_536 {add = true} : memref<2064xi32, #tpu.memory_space<vmem>>[vector<16xi32>], vector<16xi32>, vector<16xi1>
      %scan3A_543 = arith.constant 10 : i32
      %while3A_544 = arith.constant 16 : i32
      %while3A_545:3 = scf.while (%while3A_927 = %while3A_544, %while3A_928 = %sub3A_479, %while3A_929 = %sub3A_479) : (i32, i32, i32) -> (i32, i32, i32) {
        %lt3A_930 = arith.constant 32 : i32
        %lt3A_931 = arith.cmpi slt, %while3A_928, %lt3A_930 : i32
        scf.condition(%lt3A_931) %while3A_927, %while3A_928, %while3A_929 : i32, i32, i32
      } do {
      ^bb0(%while3A_927: i32, %while3A_928: i32, %while3A_929: i32):
        %sub3A_930 = arith.constant 1 : i32
        %sub3A_931 = arith.subi %while3A_927, %sub3A_930 : i32
        %mul3A_932 = arith.constant 16 : i32
        %mul3A_933 = arith.muli %sub3A_931, %mul3A_932 : i32
        %get3A_934 = arith.index_cast %mul3A_933 : i32 to index
        %get3A_935 = tpu.vector_load %arg7[%get3A_934] {strides = array<i32>} : memref<2064xi32, #tpu.memory_space<vmem>>, vector<16xi32>,
        %broadcast_in_dim3A_936 = arith.constant true
        %broadcast_in_dim3A_937 = vector.broadcast %broadcast_in_dim3A_936 : i1 to vector<16xi1>
        %masked_cumsum3A_938 = tpu.scan <sum>, %get3A_935 masked %broadcast_in_dim3A_937 : vector<16xi32>, vector<16xi1> -> vector<16xi32>
        %slice3A_939 = vector.extract_strided_slice %masked_cumsum3A_938 {offsets = [15], sizes = [1], strides = [1]} : vector<16xi32> to vector<1xi32>
        %squeeze3A_940 = vector.extract %slice3A_939[0] : i32 from vector<1xi32>
        %add3A_941 = arith.addi %while3A_928, %squeeze3A_940 : i32
        scf.yield %sub3A_931, %add3A_941, %while3A_928 : i32, i32, i32
      }
      %mul3A_546 = arith.constant 16 : i32
      %mul3A_547 = arith.muli %while3A_545#0, %mul3A_546 : i32
      %get3A_548 = arith.index_cast %mul3A_547 : i32 to index
      %get3A_549 = tpu.vector_load %arg7[%get3A_548] {strides = array<i32>} : memref<2064xi32, #tpu.memory_space<vmem>>, vector<16xi32>,
      %broadcast_in_dim3A_550 = arith.constant true
      %broadcast_in_dim3A_551 = vector.broadcast %broadcast_in_dim3A_550 : i1 to vector<16xi1>
      %masked_cumsum3A_552 = tpu.scan <sum>, %get3A_549 masked %broadcast_in_dim3A_551 : vector<16xi32>, vector<16xi1> -> vector<16xi32>
      %slice3A_553 = vector.extract_strided_slice %masked_cumsum3A_552 {offsets = [15], sizes = [1], strides = [1]} : vector<16xi32> to vector<1xi32>
      %squeeze3A_554 = vector.extract %slice3A_553[0] : i32 from vector<1xi32>
      %add3A_555 = arith.addi %while3A_545#2, %squeeze3A_554 : i32
      %sub3A_556 = arith.subi %get3A_549, %masked_cumsum3A_552 : vector<16xi32>
      %add3A_557 = vector.broadcast %add3A_555 : i32 to vector<16xi32>
      %add3A_558 = arith.addi %add3A_557, %sub3A_556 : vector<16xi32>
      %ge3A_559 = arith.constant 32 : i32
      %ge3A_560 = vector.broadcast %ge3A_559 : i32 to vector<16xi32>
      %ge3A_561 = arith.cmpi sge, %add3A_558, %ge3A_560 : vector<16xi32>
      %select_n3A_562 = arith.select %ge3A_561, %iota3A, %broadcast_in_dim3A_9 : vector<16xi1>, vector<16xi32>
      %broadcast_in_dim3A_563 = arith.constant true
      %broadcast_in_dim3A_564 = vector.broadcast %broadcast_in_dim3A_563 : i1 to vector<16xi1>
      %masked_cummax3A_565 = arith.constant -2147483648 : i32
      %masked_cummax3A_566 = vector.broadcast %masked_cummax3A_565 : i32 to vector<16xi32>
      %masked_cummax3A_567 = arith.xori %select_n3A_562, %masked_cummax3A_566 : vector<16xi32>
      %masked_cummax3A_568 = tpu.scan <max>, %masked_cummax3A_567 masked %broadcast_in_dim3A_564 : vector<16xi32>, vector<16xi1> -> vector<16xi32>
      %masked_cummax3A_569 = arith.xori %masked_cummax3A_568, %masked_cummax3A_566 : vector<16xi32>
      %slice3A_570 = vector.extract_strided_slice %masked_cummax3A_569 {offsets = [15], sizes = [1], strides = [1]} : vector<16xi32> to vector<1xi32>
      %squeeze3A_571 = vector.extract %slice3A_570[0] : i32 from vector<1xi32>
      %mul3A_572 = arith.constant 16 : i32
      %mul3A_573 = arith.muli %while3A_545#0, %mul3A_572 : i32
      %add3A_574 = arith.addi %mul3A_573, %squeeze3A_571 : i32
      %eq3A_575 = vector.broadcast %squeeze3A_571 : i32 to vector<16xi32>
      %eq3A_576 = arith.cmpi eq, %iota3A, %eq3A_575 : vector<16xi32>
      %select_n3A_577 = arith.select %eq3A_576, %masked_cumsum3A_552, %broadcast_in_dim3A_7 : vector<16xi1>, vector<16xi32>
      %add3A_578 = arith.addi %while3A_545#2, %squeeze3A_554 : i32
      %broadcast_in_dim3A_579 = arith.constant true
      %broadcast_in_dim3A_580 = vector.broadcast %broadcast_in_dim3A_579 : i1 to vector<16xi1>
      %masked_cumsum3A_581 = tpu.scan <sum>, %select_n3A_577 masked %broadcast_in_dim3A_580 : vector<16xi32>, vector<16xi1> -> vector<16xi32>
      %slice3A_582 = vector.extract_strided_slice %masked_cumsum3A_581 {offsets = [15], sizes = [1], strides = [1]} : vector<16xi32> to vector<1xi32>
      %squeeze3A_583 = vector.extract %slice3A_582[0] : i32 from vector<1xi32>
      %sub3A_584 = arith.subi %add3A_578, %squeeze3A_583 : i32
      %shift_left3A = arith.constant 8 : i32
      %shift_left3A_585 = arith.shli %add3A_469, %shift_left3A : i32
      %or3A = arith.ori %shift_left3A_585, %add3A_574 : i32
      %shift_left3A_586 = arith.constant 11 : i32
      %shift_left3A_587 = arith.shli %or3A, %shift_left3A_586 : i32
      %scan3A_588 = arith.constant 0 : i32
      %scan3A_589 = arith.constant 0 : i32
      %scan3A_590 = arith.constant 10 : i32
      %scan3A_591 = arith.addi %scan3A_589, %scan3A_590 : i32
      %scan3A_592 = arith.constant 2 : i32
      %scan3A_593 = scf.for %scan3A_927 = %scan3A_589 to %scan3A_591 step %scan3A_592 iter_args(%scan3A_928 = %scan3A_588) -> (i32)  : i32 {
        %mul3A_929 = arith.constant 16 : i32
        %mul3A_930 = arith.muli %scan3A_927, %mul3A_929 : i32
        %get3A_931 = arith.index_cast %mul3A_930 : i32 to index
        %get3A_932 = tpu.vector_load %arg6[%get3A_931] {strides = array<i32>} : memref<173xf32, #tpu.memory_space<vmem>>, vector<16xf32>,
        %bitcast_convert_type3A_933 = tpu.bitcast %get3A_932 : vector<16xf32> -> vector<16xi32>
        %mul3A_934 = arith.constant 16 : i32
        %mul3A_935 = arith.muli %scan3A_927, %mul3A_934 : i32
        %add3A_936 = vector.broadcast %mul3A_935 : i32 to vector<16xi32>
        %add3A_937 = arith.addi %iota3A, %add3A_936 : vector<16xi32>
        %lt3A_938 = arith.constant 157 : i32
        %lt3A_939 = vector.broadcast %lt3A_938 : i32 to vector<16xi32>
        %lt3A_940 = arith.cmpi slt, %add3A_937, %lt3A_939 : vector<16xi32>
        %ge3A_941 = vector.broadcast %shift_left3A_587 : i32 to vector<16xi32>
        %ge3A_942 = arith.cmpi sge, %bitcast_convert_type3A_933, %ge3A_941 : vector<16xi32>
        %and3A_943 = arith.andi %lt3A_940, %ge3A_942 : vector<16xi1>
        %mul3A_944 = arith.constant 16 : i32
        %mul3A_945 = arith.muli %scan3A_927, %mul3A_944 : i32
        %add3A_946 = vector.broadcast %mul3A_945 : i32 to vector<16xi32>
        %add3A_947 = arith.addi %iota3A, %add3A_946 : vector<16xi32>
        %swap3A_948 = arith.index_cast %scan3A_928 : i32 to index
        %swap3A_949 = tpu.vector_load %arg8[%swap3A_948] masked %and3A_943 {strides = array<i32>} : memref<641xi32, #tpu.memory_space<vmem>>, vector<16xi32>, vector<16xi1>
        tpu.vector_store %arg8[%swap3A_948], %add3A_947 masked %and3A_943 {strides = array<i32>} : memref<641xi32, #tpu.memory_space<vmem>>, vector<16xi32>, vector<16xi1>
        %all_reduce_population_count3A = tpu.all_reduce %and3A_943 {dim = 0 : i64, kind = #tpu.reduction_kind<sum>} : vector<16xi1> -> vector<16xi32>
        %slice3A_950 = vector.extract_strided_slice %all_reduce_population_count3A {offsets = [0], sizes = [1], strides = [1]} : vector<16xi32> to vector<1xi32>
        %squeeze3A_951 = vector.extract %slice3A_950[0] : i32 from vector<1xi32>
        %add3A_952 = arith.addi %scan3A_928, %squeeze3A_951 : i32
        %scan3A_953 = arith.constant 1 : i32
        %scan3A_954 = arith.addi %scan3A_927, %scan3A_953 : i32
        %mul3A_955 = arith.constant 16 : i32
        %mul3A_956 = arith.muli %scan3A_954, %mul3A_955 : i32
        %get3A_957 = arith.index_cast %mul3A_956 : i32 to index
        %get3A_958 = tpu.vector_load %arg6[%get3A_957] {strides = array<i32>} : memref<173xf32, #tpu.memory_space<vmem>>, vector<16xf32>,
        %bitcast_convert_type3A_959 = tpu.bitcast %get3A_958 : vector<16xf32> -> vector<16xi32>
        %mul3A_960 = arith.constant 16 : i32
        %mul3A_961 = arith.muli %scan3A_954, %mul3A_960 : i32
        %add3A_962 = vector.broadcast %mul3A_961 : i32 to vector<16xi32>
        %add3A_963 = arith.addi %iota3A, %add3A_962 : vector<16xi32>
        %lt3A_964 = arith.constant 157 : i32
        %lt3A_965 = vector.broadcast %lt3A_964 : i32 to vector<16xi32>
        %lt3A_966 = arith.cmpi slt, %add3A_963, %lt3A_965 : vector<16xi32>
        %ge3A_967 = vector.broadcast %shift_left3A_587 : i32 to vector<16xi32>
        %ge3A_968 = arith.cmpi sge, %bitcast_convert_type3A_959, %ge3A_967 : vector<16xi32>
        %and3A_969 = arith.andi %lt3A_966, %ge3A_968 : vector<16xi1>
        %mul3A_970 = arith.constant 16 : i32
        %mul3A_971 = arith.muli %scan3A_954, %mul3A_970 : i32
        %add3A_972 = vector.broadcast %mul3A_971 : i32 to vector<16xi32>
        %add3A_973 = arith.addi %iota3A, %add3A_972 : vector<16xi32>
        %swap3A_974 = arith.index_cast %add3A_952 : i32 to index
        %swap3A_975 = tpu.vector_load %arg8[%swap3A_974] masked %and3A_969 {strides = array<i32>} : memref<641xi32, #tpu.memory_space<vmem>>, vector<16xi32>, vector<16xi1>
        tpu.vector_store %arg8[%swap3A_974], %add3A_973 masked %and3A_969 {strides = array<i32>} : memref<641xi32, #tpu.memory_space<vmem>>, vector<16xi32>, vector<16xi1>
        %all_reduce_population_count3A_976 = tpu.all_reduce %and3A_969 {dim = 0 : i64, kind = #tpu.reduction_kind<sum>} : vector<16xi1> -> vector<16xi32>
        %slice3A_977 = vector.extract_strided_slice %all_reduce_population_count3A_976 {offsets = [0], sizes = [1], strides = [1]} : vector<16xi32> to vector<1xi32>
        %squeeze3A_978 = vector.extract %slice3A_977[0] : i32 from vector<1xi32>
        %add3A_979 = arith.addi %add3A_952, %squeeze3A_978 : i32
        scf.yield %add3A_979 : i32
      }
      %scan3A_594 = arith.constant 10 : i32
      %while3A_595 = arith.constant 0 : i32
      %while3A_596 = arith.constant 0 : i32
      %while3A_597 = arith.subi %scan3A_593, %while3A_595 : i32
      %while3A_598 = arith.addi %while3A_595, %while3A_597 : i32
      %while3A_599 = arith.constant 1 : i32
      %while3A_600 = arith.divsi %while3A_597, %while3A_599 : i32
      %while3A_601 = arith.muli %while3A_600, %while3A_599 : i32
      %while3A_602 = arith.addi %while3A_595, %while3A_601 : i32
      %while3A_603 = arith.constant 1 : i32
      %while3A_604 = scf.for %while3A_927 = %while3A_595 to %while3A_602 step %while3A_603 iter_args(%while3A_928 = %while3A_596) -> (i32)  : i32 {
        %get3A_929 = arith.index_cast %while3A_927 : i32 to index
        %get3A_930 = tpu.vector_load %arg8[%get3A_929] {strides = array<i32>} : memref<641xi32, #tpu.memory_space<vmem>>, vector<16xi32>,
        %slice3A_931 = vector.extract_strided_slice %get3A_930 {offsets = [0], sizes = [1], strides = [1]} : vector<16xi32> to vector<1xi32>
        %squeeze3A_932 = vector.extract %slice3A_931[0] : i32 from vector<1xi32>
        %mul3A_933 = arith.constant 4 : i32
        %mul3A_934 = arith.muli %squeeze3A_932, %mul3A_933 : i32
        %add3A_935 = arith.constant 0 : i32
        %add3A_936 = arith.addi %mul3A_934, %add3A_935 : i32
        %mul3A_937 = arith.constant 16 : i32
        %mul3A_938 = arith.muli %add3A_936, %mul3A_937 : i32
        %add3A_939 = vector.broadcast %mul3A_938 : i32 to vector<16xi32>
        %add3A_940 = arith.addi %iota3A, %add3A_939 : vector<16xi32>
        %add3A_941 = arith.constant 0 : i32
        %add3A_942 = arith.addi %mul3A_934, %add3A_941 : i32
        %mul3A_943 = arith.constant 16 : i32
        %mul3A_944 = arith.muli %add3A_942, %mul3A_943 : i32
        %add3A_945 = arith.addi %mul3A_175, %mul3A_944 : i32
        %get3A_946 = arith.index_cast %add3A_945 : i32 to index
        %get3A_947 = tpu.vector_load %arg5[%get3A_946] {strides = array<i32>} : memref<20096xf32, #tpu.memory_space<vmem>>, vector<16xf32>,
        %bitcast_convert_type3A_948 = tpu.bitcast %get3A_947 : vector<16xf32> -> vector<16xi32>
        %ge3A_949 = vector.broadcast %shift_left3A_587 : i32 to vector<16xi32>
        %ge3A_950 = arith.cmpi sge, %bitcast_convert_type3A_948, %ge3A_949 : vector<16xi32>
        %lt3A_951 = arith.constant 10000 : i32
        %lt3A_952 = vector.broadcast %lt3A_951 : i32 to vector<16xi32>
        %lt3A_953 = arith.cmpi slt, %add3A_940, %lt3A_952 : vector<16xi32>
        %and3A_954 = arith.andi %ge3A_950, %lt3A_953 : vector<16xi1>
        %swap3A_955 = arith.index_cast %while3A_928 : i32 to index
        %swap3A_956 = tpu.vector_load %arg9[%swap3A_955] masked %and3A_954 {strides = array<i32>} : memref<10016xi32, #tpu.memory_space<vmem>>, vector<16xi32>, vector<16xi1>
        tpu.vector_store %arg9[%swap3A_955], %bitcast_convert_type3A_948 masked %and3A_954 {strides = array<i32>} : memref<10016xi32, #tpu.memory_space<vmem>>, vector<16xi32>, vector<16xi1>
        %swap3A_957 = arith.index_cast %while3A_928 : i32 to index
        %swap3A_958 = tpu.vector_load %arg10[%swap3A_957] masked %and3A_954 {strides = array<i32>} : memref<10016xi32, #tpu.memory_space<vmem>>, vector<16xi32>, vector<16xi1>
        tpu.vector_store %arg10[%swap3A_957], %add3A_940 masked %and3A_954 {strides = array<i32>} : memref<10016xi32, #tpu.memory_space<vmem>>, vector<16xi32>, vector<16xi1>
        %all_reduce_population_count3A = tpu.all_reduce %and3A_954 {dim = 0 : i64, kind = #tpu.reduction_kind<sum>} : vector<16xi1> -> vector<16xi32>
        %slice3A_959 = vector.extract_strided_slice %all_reduce_population_count3A {offsets = [0], sizes = [1], strides = [1]} : vector<16xi32> to vector<1xi32>
        %squeeze3A_960 = vector.extract %slice3A_959[0] : i32 from vector<1xi32>
        %add3A_961 = arith.addi %while3A_928, %squeeze3A_960 : i32
        %add3A_962 = arith.constant 1 : i32
        %add3A_963 = arith.addi %mul3A_934, %add3A_962 : i32
        %mul3A_964 = arith.constant 16 : i32
        %mul3A_965 = arith.muli %add3A_963, %mul3A_964 : i32
        %add3A_966 = vector.broadcast %mul3A_965 : i32 to vector<16xi32>
        %add3A_967 = arith.addi %iota3A, %add3A_966 : vector<16xi32>
        %add3A_968 = arith.constant 1 : i32
        %add3A_969 = arith.addi %mul3A_934, %add3A_968 : i32
        %mul3A_970 = arith.constant 16 : i32
        %mul3A_971 = arith.muli %add3A_969, %mul3A_970 : i32
        %add3A_972 = arith.addi %mul3A_175, %mul3A_971 : i32
        %get3A_973 = arith.index_cast %add3A_972 : i32 to index
        %get3A_974 = tpu.vector_load %arg5[%get3A_973] {strides = array<i32>} : memref<20096xf32, #tpu.memory_space<vmem>>, vector<16xf32>,
        %bitcast_convert_type3A_975 = tpu.bitcast %get3A_974 : vector<16xf32> -> vector<16xi32>
        %ge3A_976 = vector.broadcast %shift_left3A_587 : i32 to vector<16xi32>
        %ge3A_977 = arith.cmpi sge, %bitcast_convert_type3A_975, %ge3A_976 : vector<16xi32>
        %lt3A_978 = arith.constant 10000 : i32
        %lt3A_979 = vector.broadcast %lt3A_978 : i32 to vector<16xi32>
        %lt3A_980 = arith.cmpi slt, %add3A_967, %lt3A_979 : vector<16xi32>
        %and3A_981 = arith.andi %ge3A_977, %lt3A_980 : vector<16xi1>
        %swap3A_982 = arith.index_cast %add3A_961 : i32 to index
        %swap3A_983 = tpu.vector_load %arg9[%swap3A_982] masked %and3A_981 {strides = array<i32>} : memref<10016xi32, #tpu.memory_space<vmem>>, vector<16xi32>, vector<16xi1>
        tpu.vector_store %arg9[%swap3A_982], %bitcast_convert_type3A_975 masked %and3A_981 {strides = array<i32>} : memref<10016xi32, #tpu.memory_space<vmem>>, vector<16xi32>, vector<16xi1>
        %swap3A_984 = arith.index_cast %add3A_961 : i32 to index
        %swap3A_985 = tpu.vector_load %arg10[%swap3A_984] masked %and3A_981 {strides = array<i32>} : memref<10016xi32, #tpu.memory_space<vmem>>, vector<16xi32>, vector<16xi1>
        tpu.vector_store %arg10[%swap3A_984], %add3A_967 masked %and3A_981 {strides = array<i32>} : memref<10016xi32, #tpu.memory_space<vmem>>, vector<16xi32>, vector<16xi1>
        %all_reduce_population_count3A_986 = tpu.all_reduce %and3A_981 {dim = 0 : i64, kind = #tpu.reduction_kind<sum>} : vector<16xi1> -> vector<16xi32>
        %slice3A_987 = vector.extract_strided_slice %all_reduce_population_count3A_986 {offsets = [0], sizes = [1], strides = [1]} : vector<16xi32> to vector<1xi32>
        %squeeze3A_988 = vector.extract %slice3A_987[0] : i32 from vector<1xi32>
        %add3A_989 = arith.addi %add3A_961, %squeeze3A_988 : i32
        %add3A_990 = arith.constant 2 : i32
        %add3A_991 = arith.addi %mul3A_934, %add3A_990 : i32
        %mul3A_992 = arith.constant 16 : i32
        %mul3A_993 = arith.muli %add3A_991, %mul3A_992 : i32
        %add3A_994 = vector.broadcast %mul3A_993 : i32 to vector<16xi32>
        %add3A_995 = arith.addi %iota3A, %add3A_994 : vector<16xi32>
        %add3A_996 = arith.constant 2 : i32
        %add3A_997 = arith.addi %mul3A_934, %add3A_996 : i32
        %mul3A_998 = arith.constant 16 : i32
        %mul3A_999 = arith.muli %add3A_997, %mul3A_998 : i32
        %add3A_1000 = arith.addi %mul3A_175, %mul3A_999 : i32
        %get3A_1001 = arith.index_cast %add3A_1000 : i32 to index
        %get3A_1002 = tpu.vector_load %arg5[%get3A_1001] {strides = array<i32>} : memref<20096xf32, #tpu.memory_space<vmem>>, vector<16xf32>,
        %bitcast_convert_type3A_1003 = tpu.bitcast %get3A_1002 : vector<16xf32> -> vector<16xi32>
        %ge3A_1004 = vector.broadcast %shift_left3A_587 : i32 to vector<16xi32>
        %ge3A_1005 = arith.cmpi sge, %bitcast_convert_type3A_1003, %ge3A_1004 : vector<16xi32>
        %lt3A_1006 = arith.constant 10000 : i32
        %lt3A_1007 = vector.broadcast %lt3A_1006 : i32 to vector<16xi32>
        %lt3A_1008 = arith.cmpi slt, %add3A_995, %lt3A_1007 : vector<16xi32>
        %and3A_1009 = arith.andi %ge3A_1005, %lt3A_1008 : vector<16xi1>
        %swap3A_1010 = arith.index_cast %add3A_989 : i32 to index
        %swap3A_1011 = tpu.vector_load %arg9[%swap3A_1010] masked %and3A_1009 {strides = array<i32>} : memref<10016xi32, #tpu.memory_space<vmem>>, vector<16xi32>, vector<16xi1>
        tpu.vector_store %arg9[%swap3A_1010], %bitcast_convert_type3A_1003 masked %and3A_1009 {strides = array<i32>} : memref<10016xi32, #tpu.memory_space<vmem>>, vector<16xi32>, vector<16xi1>
        %swap3A_1012 = arith.index_cast %add3A_989 : i32 to index
        %swap3A_1013 = tpu.vector_load %arg10[%swap3A_1012] masked %and3A_1009 {strides = array<i32>} : memref<10016xi32, #tpu.memory_space<vmem>>, vector<16xi32>, vector<16xi1>
        tpu.vector_store %arg10[%swap3A_1012], %add3A_995 masked %and3A_1009 {strides = array<i32>} : memref<10016xi32, #tpu.memory_space<vmem>>, vector<16xi32>, vector<16xi1>
        %all_reduce_population_count3A_1014 = tpu.all_reduce %and3A_1009 {dim = 0 : i64, kind = #tpu.reduction_kind<sum>} : vector<16xi1> -> vector<16xi32>
        %slice3A_1015 = vector.extract_strided_slice %all_reduce_population_count3A_1014 {offsets = [0], sizes = [1], strides = [1]} : vector<16xi32> to vector<1xi32>
        %squeeze3A_1016 = vector.extract %slice3A_1015[0] : i32 from vector<1xi32>
        %add3A_1017 = arith.addi %add3A_989, %squeeze3A_1016 : i32
        %add3A_1018 = arith.constant 3 : i32
        %add3A_1019 = arith.addi %mul3A_934, %add3A_1018 : i32
        %mul3A_1020 = arith.constant 16 : i32
        %mul3A_1021 = arith.muli %add3A_1019, %mul3A_1020 : i32
        %add3A_1022 = vector.broadcast %mul3A_1021 : i32 to vector<16xi32>
        %add3A_1023 = arith.addi %iota3A, %add3A_1022 : vector<16xi32>
        %add3A_1024 = arith.constant 3 : i32
        %add3A_1025 = arith.addi %mul3A_934, %add3A_1024 : i32
        %mul3A_1026 = arith.constant 16 : i32
        %mul3A_1027 = arith.muli %add3A_1025, %mul3A_1026 : i32
        %add3A_1028 = arith.addi %mul3A_175, %mul3A_1027 : i32
        %get3A_1029 = arith.index_cast %add3A_1028 : i32 to index
        %get3A_1030 = tpu.vector_load %arg5[%get3A_1029] {strides = array<i32>} : memref<20096xf32, #tpu.memory_space<vmem>>, vector<16xf32>,
        %bitcast_convert_type3A_1031 = tpu.bitcast %get3A_1030 : vector<16xf32> -> vector<16xi32>
        %ge3A_1032 = vector.broadcast %shift_left3A_587 : i32 to vector<16xi32>
        %ge3A_1033 = arith.cmpi sge, %bitcast_convert_type3A_1031, %ge3A_1032 : vector<16xi32>
        %lt3A_1034 = arith.constant 10000 : i32
        %lt3A_1035 = vector.broadcast %lt3A_1034 : i32 to vector<16xi32>
        %lt3A_1036 = arith.cmpi slt, %add3A_1023, %lt3A_1035 : vector<16xi32>
        %and3A_1037 = arith.andi %ge3A_1033, %lt3A_1036 : vector<16xi1>
        %swap3A_1038 = arith.index_cast %add3A_1017 : i32 to index
        %swap3A_1039 = tpu.vector_load %arg9[%swap3A_1038] masked %and3A_1037 {strides = array<i32>} : memref<10016xi32, #tpu.memory_space<vmem>>, vector<16xi32>, vector<16xi1>
        tpu.vector_store %arg9[%swap3A_1038], %bitcast_convert_type3A_1031 masked %and3A_1037 {strides = array<i32>} : memref<10016xi32, #tpu.memory_space<vmem>>, vector<16xi32>, vector<16xi1>
        %swap3A_1040 = arith.index_cast %add3A_1017 : i32 to index
        %swap3A_1041 = tpu.vector_load %arg10[%swap3A_1040] masked %and3A_1037 {strides = array<i32>} : memref<10016xi32, #tpu.memory_space<vmem>>, vector<16xi32>, vector<16xi1>
        tpu.vector_store %arg10[%swap3A_1040], %add3A_1023 masked %and3A_1037 {strides = array<i32>} : memref<10016xi32, #tpu.memory_space<vmem>>, vector<16xi32>, vector<16xi1>
        %all_reduce_population_count3A_1042 = tpu.all_reduce %and3A_1037 {dim = 0 : i64, kind = #tpu.reduction_kind<sum>} : vector<16xi1> -> vector<16xi32>
        %slice3A_1043 = vector.extract_strided_slice %all_reduce_population_count3A_1042 {offsets = [0], sizes = [1], strides = [1]} : vector<16xi32> to vector<1xi32>
        %squeeze3A_1044 = vector.extract %slice3A_1043[0] : i32 from vector<1xi32>
        %add3A_1045 = arith.addi %add3A_1017, %squeeze3A_1044 : i32
        scf.yield %add3A_1045 : i32
      }
      %while3A_605 = arith.constant 1 : i32
      %while3A_606 = scf.for %while3A_927 = %while3A_602 to %while3A_598 step %while3A_605 iter_args(%while3A_928 = %while3A_604) -> (i32)  : i32 {
        %get3A_929 = arith.index_cast %while3A_927 : i32 to index
        %get3A_930 = tpu.vector_load %arg8[%get3A_929] {strides = array<i32>} : memref<641xi32, #tpu.memory_space<vmem>>, vector<16xi32>,
        %slice3A_931 = vector.extract_strided_slice %get3A_930 {offsets = [0], sizes = [1], strides = [1]} : vector<16xi32> to vector<1xi32>
        %squeeze3A_932 = vector.extract %slice3A_931[0] : i32 from vector<1xi32>
        %mul3A_933 = arith.constant 4 : i32
        %mul3A_934 = arith.muli %squeeze3A_932, %mul3A_933 : i32
        %add3A_935 = arith.constant 0 : i32
        %add3A_936 = arith.addi %mul3A_934, %add3A_935 : i32
        %mul3A_937 = arith.constant 16 : i32
        %mul3A_938 = arith.muli %add3A_936, %mul3A_937 : i32
        %add3A_939 = vector.broadcast %mul3A_938 : i32 to vector<16xi32>
        %add3A_940 = arith.addi %iota3A, %add3A_939 : vector<16xi32>
        %add3A_941 = arith.constant 0 : i32
        %add3A_942 = arith.addi %mul3A_934, %add3A_941 : i32
        %mul3A_943 = arith.constant 16 : i32
        %mul3A_944 = arith.muli %add3A_942, %mul3A_943 : i32
        %add3A_945 = arith.addi %mul3A_175, %mul3A_944 : i32
        %get3A_946 = arith.index_cast %add3A_945 : i32 to index
        %get3A_947 = tpu.vector_load %arg5[%get3A_946] {strides = array<i32>} : memref<20096xf32, #tpu.memory_space<vmem>>, vector<16xf32>,
        %bitcast_convert_type3A_948 = tpu.bitcast %get3A_947 : vector<16xf32> -> vector<16xi32>
        %ge3A_949 = vector.broadcast %shift_left3A_587 : i32 to vector<16xi32>
        %ge3A_950 = arith.cmpi sge, %bitcast_convert_type3A_948, %ge3A_949 : vector<16xi32>
        %lt3A_951 = arith.constant 10000 : i32
        %lt3A_952 = vector.broadcast %lt3A_951 : i32 to vector<16xi32>
        %lt3A_953 = arith.cmpi slt, %add3A_940, %lt3A_952 : vector<16xi32>
        %and3A_954 = arith.andi %ge3A_950, %lt3A_953 : vector<16xi1>
        %swap3A_955 = arith.index_cast %while3A_928 : i32 to index
        %swap3A_956 = tpu.vector_load %arg9[%swap3A_955] masked %and3A_954 {strides = array<i32>} : memref<10016xi32, #tpu.memory_space<vmem>>, vector<16xi32>, vector<16xi1>
        tpu.vector_store %arg9[%swap3A_955], %bitcast_convert_type3A_948 masked %and3A_954 {strides = array<i32>} : memref<10016xi32, #tpu.memory_space<vmem>>, vector<16xi32>, vector<16xi1>
        %swap3A_957 = arith.index_cast %while3A_928 : i32 to index
        %swap3A_958 = tpu.vector_load %arg10[%swap3A_957] masked %and3A_954 {strides = array<i32>} : memref<10016xi32, #tpu.memory_space<vmem>>, vector<16xi32>, vector<16xi1>
        tpu.vector_store %arg10[%swap3A_957], %add3A_940 masked %and3A_954 {strides = array<i32>} : memref<10016xi32, #tpu.memory_space<vmem>>, vector<16xi32>, vector<16xi1>
        %all_reduce_population_count3A = tpu.all_reduce %and3A_954 {dim = 0 : i64, kind = #tpu.reduction_kind<sum>} : vector<16xi1> -> vector<16xi32>
        %slice3A_959 = vector.extract_strided_slice %all_reduce_population_count3A {offsets = [0], sizes = [1], strides = [1]} : vector<16xi32> to vector<1xi32>
        %squeeze3A_960 = vector.extract %slice3A_959[0] : i32 from vector<1xi32>
        %add3A_961 = arith.addi %while3A_928, %squeeze3A_960 : i32
        %add3A_962 = arith.constant 1 : i32
        %add3A_963 = arith.addi %mul3A_934, %add3A_962 : i32
        %mul3A_964 = arith.constant 16 : i32
        %mul3A_965 = arith.muli %add3A_963, %mul3A_964 : i32
        %add3A_966 = vector.broadcast %mul3A_965 : i32 to vector<16xi32>
        %add3A_967 = arith.addi %iota3A, %add3A_966 : vector<16xi32>
        %add3A_968 = arith.constant 1 : i32
        %add3A_969 = arith.addi %mul3A_934, %add3A_968 : i32
        %mul3A_970 = arith.constant 16 : i32
        %mul3A_971 = arith.muli %add3A_969, %mul3A_970 : i32
        %add3A_972 = arith.addi %mul3A_175, %mul3A_971 : i32
        %get3A_973 = arith.index_cast %add3A_972 : i32 to index
        %get3A_974 = tpu.vector_load %arg5[%get3A_973] {strides = array<i32>} : memref<20096xf32, #tpu.memory_space<vmem>>, vector<16xf32>,
        %bitcast_convert_type3A_975 = tpu.bitcast %get3A_974 : vector<16xf32> -> vector<16xi32>
        %ge3A_976 = vector.broadcast %shift_left3A_587 : i32 to vector<16xi32>
        %ge3A_977 = arith.cmpi sge, %bitcast_convert_type3A_975, %ge3A_976 : vector<16xi32>
        %lt3A_978 = arith.constant 10000 : i32
        %lt3A_979 = vector.broadcast %lt3A_978 : i32 to vector<16xi32>
        %lt3A_980 = arith.cmpi slt, %add3A_967, %lt3A_979 : vector<16xi32>
        %and3A_981 = arith.andi %ge3A_977, %lt3A_980 : vector<16xi1>
        %swap3A_982 = arith.index_cast %add3A_961 : i32 to index
        %swap3A_983 = tpu.vector_load %arg9[%swap3A_982] masked %and3A_981 {strides = array<i32>} : memref<10016xi32, #tpu.memory_space<vmem>>, vector<16xi32>, vector<16xi1>
        tpu.vector_store %arg9[%swap3A_982], %bitcast_convert_type3A_975 masked %and3A_981 {strides = array<i32>} : memref<10016xi32, #tpu.memory_space<vmem>>, vector<16xi32>, vector<16xi1>
        %swap3A_984 = arith.index_cast %add3A_961 : i32 to index
        %swap3A_985 = tpu.vector_load %arg10[%swap3A_984] masked %and3A_981 {strides = array<i32>} : memref<10016xi32, #tpu.memory_space<vmem>>, vector<16xi32>, vector<16xi1>
        tpu.vector_store %arg10[%swap3A_984], %add3A_967 masked %and3A_981 {strides = array<i32>} : memref<10016xi32, #tpu.memory_space<vmem>>, vector<16xi32>, vector<16xi1>
        %all_reduce_population_count3A_986 = tpu.all_reduce %and3A_981 {dim = 0 : i64, kind = #tpu.reduction_kind<sum>} : vector<16xi1> -> vector<16xi32>
        %slice3A_987 = vector.extract_strided_slice %all_reduce_population_count3A_986 {offsets = [0], sizes = [1], strides = [1]} : vector<16xi32> to vector<1xi32>
        %squeeze3A_988 = vector.extract %slice3A_987[0] : i32 from vector<1xi32>
        %add3A_989 = arith.addi %add3A_961, %squeeze3A_988 : i32
        %add3A_990 = arith.constant 2 : i32
        %add3A_991 = arith.addi %mul3A_934, %add3A_990 : i32
        %mul3A_992 = arith.constant 16 : i32
        %mul3A_993 = arith.muli %add3A_991, %mul3A_992 : i32
        %add3A_994 = vector.broadcast %mul3A_993 : i32 to vector<16xi32>
        %add3A_995 = arith.addi %iota3A, %add3A_994 : vector<16xi32>
        %add3A_996 = arith.constant 2 : i32
        %add3A_997 = arith.addi %mul3A_934, %add3A_996 : i32
        %mul3A_998 = arith.constant 16 : i32
        %mul3A_999 = arith.muli %add3A_997, %mul3A_998 : i32
        %add3A_1000 = arith.addi %mul3A_175, %mul3A_999 : i32
        %get3A_1001 = arith.index_cast %add3A_1000 : i32 to index
        %get3A_1002 = tpu.vector_load %arg5[%get3A_1001] {strides = array<i32>} : memref<20096xf32, #tpu.memory_space<vmem>>, vector<16xf32>,
        %bitcast_convert_type3A_1003 = tpu.bitcast %get3A_1002 : vector<16xf32> -> vector<16xi32>
        %ge3A_1004 = vector.broadcast %shift_left3A_587 : i32 to vector<16xi32>
        %ge3A_1005 = arith.cmpi sge, %bitcast_convert_type3A_1003, %ge3A_1004 : vector<16xi32>
        %lt3A_1006 = arith.constant 10000 : i32
        %lt3A_1007 = vector.broadcast %lt3A_1006 : i32 to vector<16xi32>
        %lt3A_1008 = arith.cmpi slt, %add3A_995, %lt3A_1007 : vector<16xi32>
        %and3A_1009 = arith.andi %ge3A_1005, %lt3A_1008 : vector<16xi1>
        %swap3A_1010 = arith.index_cast %add3A_989 : i32 to index
        %swap3A_1011 = tpu.vector_load %arg9[%swap3A_1010] masked %and3A_1009 {strides = array<i32>} : memref<10016xi32, #tpu.memory_space<vmem>>, vector<16xi32>, vector<16xi1>
        tpu.vector_store %arg9[%swap3A_1010], %bitcast_convert_type3A_1003 masked %and3A_1009 {strides = array<i32>} : memref<10016xi32, #tpu.memory_space<vmem>>, vector<16xi32>, vector<16xi1>
        %swap3A_1012 = arith.index_cast %add3A_989 : i32 to index
        %swap3A_1013 = tpu.vector_load %arg10[%swap3A_1012] masked %and3A_1009 {strides = array<i32>} : memref<10016xi32, #tpu.memory_space<vmem>>, vector<16xi32>, vector<16xi1>
        tpu.vector_store %arg10[%swap3A_1012], %add3A_995 masked %and3A_1009 {strides = array<i32>} : memref<10016xi32, #tpu.memory_space<vmem>>, vector<16xi32>, vector<16xi1>
        %all_reduce_population_count3A_1014 = tpu.all_reduce %and3A_1009 {dim = 0 : i64, kind = #tpu.reduction_kind<sum>} : vector<16xi1> -> vector<16xi32>
        %slice3A_1015 = vector.extract_strided_slice %all_reduce_population_count3A_1014 {offsets = [0], sizes = [1], strides = [1]} : vector<16xi32> to vector<1xi32>
        %squeeze3A_1016 = vector.extract %slice3A_1015[0] : i32 from vector<1xi32>
        %add3A_1017 = arith.addi %add3A_989, %squeeze3A_1016 : i32
        %add3A_1018 = arith.constant 3 : i32
        %add3A_1019 = arith.addi %mul3A_934, %add3A_1018 : i32
        %mul3A_1020 = arith.constant 16 : i32
        %mul3A_1021 = arith.muli %add3A_1019, %mul3A_1020 : i32
        %add3A_1022 = vector.broadcast %mul3A_1021 : i32 to vector<16xi32>
        %add3A_1023 = arith.addi %iota3A, %add3A_1022 : vector<16xi32>
        %add3A_1024 = arith.constant 3 : i32
        %add3A_1025 = arith.addi %mul3A_934, %add3A_1024 : i32
        %mul3A_1026 = arith.constant 16 : i32
        %mul3A_1027 = arith.muli %add3A_1025, %mul3A_1026 : i32
        %add3A_1028 = arith.addi %mul3A_175, %mul3A_1027 : i32
        %get3A_1029 = arith.index_cast %add3A_1028 : i32 to index
        %get3A_1030 = tpu.vector_load %arg5[%get3A_1029] {strides = array<i32>} : memref<20096xf32, #tpu.memory_space<vmem>>, vector<16xf32>,
        %bitcast_convert_type3A_1031 = tpu.bitcast %get3A_1030 : vector<16xf32> -> vector<16xi32>
        %ge3A_1032 = vector.broadcast %shift_left3A_587 : i32 to vector<16xi32>
        %ge3A_1033 = arith.cmpi sge, %bitcast_convert_type3A_1031, %ge3A_1032 : vector<16xi32>
        %lt3A_1034 = arith.constant 10000 : i32
        %lt3A_1035 = vector.broadcast %lt3A_1034 : i32 to vector<16xi32>
        %lt3A_1036 = arith.cmpi slt, %add3A_1023, %lt3A_1035 : vector<16xi32>
        %and3A_1037 = arith.andi %ge3A_1033, %lt3A_1036 : vector<16xi1>
        %swap3A_1038 = arith.index_cast %add3A_1017 : i32 to index
        %swap3A_1039 = tpu.vector_load %arg9[%swap3A_1038] masked %and3A_1037 {strides = array<i32>} : memref<10016xi32, #tpu.memory_space<vmem>>, vector<16xi32>, vector<16xi1>
        tpu.vector_store %arg9[%swap3A_1038], %bitcast_convert_type3A_1031 masked %and3A_1037 {strides = array<i32>} : memref<10016xi32, #tpu.memory_space<vmem>>, vector<16xi32>, vector<16xi1>
        %swap3A_1040 = arith.index_cast %add3A_1017 : i32 to index
        %swap3A_1041 = tpu.vector_load %arg10[%swap3A_1040] masked %and3A_1037 {strides = array<i32>} : memref<10016xi32, #tpu.memory_space<vmem>>, vector<16xi32>, vector<16xi1>
        tpu.vector_store %arg10[%swap3A_1040], %add3A_1023 masked %and3A_1037 {strides = array<i32>} : memref<10016xi32, #tpu.memory_space<vmem>>, vector<16xi32>, vector<16xi1>
        %all_reduce_population_count3A_1042 = tpu.all_reduce %and3A_1037 {dim = 0 : i64, kind = #tpu.reduction_kind<sum>} : vector<16xi1> -> vector<16xi32>
        %slice3A_1043 = vector.extract_strided_slice %all_reduce_population_count3A_1042 {offsets = [0], sizes = [1], strides = [1]} : vector<16xi32> to vector<1xi32>
        %squeeze3A_1044 = vector.extract %slice3A_1043[0] : i32 from vector<1xi32>
        %add3A_1045 = arith.addi %add3A_1017, %squeeze3A_1044 : i32
        scf.yield %add3A_1045 : i32
      }
      %add3A_607 = arith.constant 16 : i32
      %add3A_608 = arith.addi %while3A_606, %add3A_607 : i32
      %sub3A_609 = arith.constant 1 : i32
      %sub3A_610 = arith.subi %add3A_608, %sub3A_609 : i32
      %jit3A = arith.constant 16 : i32
      %div3A = arith.divsi %sub3A_610, %jit3A : i32
      %sign3A = arith.constant 0 : i32
      %sign3A_611 = arith.cmpi sgt, %sub3A_610, %sign3A : i32
      %sign3A_612 = arith.extui %sign3A_611 : i1 to i32
      %sign3A_613 = arith.constant 0 : i32
      %sign3A_614 = arith.cmpi slt, %sub3A_610, %sign3A_613 : i32
      %sign3A_615 = arith.extui %sign3A_614 : i1 to i32
      %sign3A_616 = arith.subi %sign3A_612, %sign3A_615 : i32
      %sign3A_617 = arith.constant 0 : i32
      %sign3A_618 = arith.cmpi sgt, %jit3A, %sign3A_617 : i32
      %sign3A_619 = arith.extui %sign3A_618 : i1 to i32
      %sign3A_620 = arith.constant 0 : i32
      %sign3A_621 = arith.cmpi slt, %jit3A, %sign3A_620 : i32
      %sign3A_622 = arith.extui %sign3A_621 : i1 to i32
      %sign3A_623 = arith.subi %sign3A_619, %sign3A_622 : i32
      %ne3A = arith.cmpi ne, %sign3A_616, %sign3A_623 : i32
      %rem3A = arith.remsi %sub3A_610, %jit3A : i32
      %ne3A_624 = arith.constant 0 : i32
      %ne3A_625 = arith.cmpi ne, %rem3A, %ne3A_624 : i32
      %and3A_626 = arith.andi %ne3A, %ne3A_625 : i1
      %sub3A_627 = arith.constant 1 : i32
      %sub3A_628 = arith.subi %div3A, %sub3A_627 : i32
      %select_n3A_629 = arith.select %and3A_626, %sub3A_628, %div3A : i32
      %scan3A_630 = arith.constant 0 : i32
      %scan3A_631 = arith.constant 0 : i32
      %scan3A_632 = arith.constant 16 : i32
      %scan3A_633 = arith.addi %scan3A_631, %scan3A_632 : i32
      %scan3A_634 = arith.constant 4 : i32
      scf.for %scan3A_927 = %scan3A_631 to %scan3A_633 step %scan3A_634  : i32 {
        %mul3A_928 = arith.constant 16 : i32
        %mul3A_929 = arith.muli %scan3A_927, %mul3A_928 : i32
        %swap3A_930 = arith.index_cast %mul3A_929 : i32 to index
        %swap3A_931 = tpu.vector_load %arg7[%swap3A_930] {strides = array<i32>} : memref<2064xi32, #tpu.memory_space<vmem>>, vector<16xi32>,
        tpu.vector_store %arg7[%swap3A_930], %broadcast_in_dim3A_7 {strides = array<i32>} : memref<2064xi32, #tpu.memory_space<vmem>>, vector<16xi32>,
        %scan3A_932 = arith.constant 1 : i32
        %scan3A_933 = arith.addi %scan3A_927, %scan3A_932 : i32
        %mul3A_934 = arith.constant 16 : i32
        %mul3A_935 = arith.muli %scan3A_933, %mul3A_934 : i32
        %swap3A_936 = arith.index_cast %mul3A_935 : i32 to index
        %swap3A_937 = tpu.vector_load %arg7[%swap3A_936] {strides = array<i32>} : memref<2064xi32, #tpu.memory_space<vmem>>, vector<16xi32>,
        tpu.vector_store %arg7[%swap3A_936], %broadcast_in_dim3A_7 {strides = array<i32>} : memref<2064xi32, #tpu.memory_space<vmem>>, vector<16xi32>,
        %scan3A_938 = arith.constant 2 : i32
        %scan3A_939 = arith.addi %scan3A_927, %scan3A_938 : i32
        %mul3A_940 = arith.constant 16 : i32
        %mul3A_941 = arith.muli %scan3A_939, %mul3A_940 : i32
        %swap3A_942 = arith.index_cast %mul3A_941 : i32 to index
        %swap3A_943 = tpu.vector_load %arg7[%swap3A_942] {strides = array<i32>} : memref<2064xi32, #tpu.memory_space<vmem>>, vector<16xi32>,
        tpu.vector_store %arg7[%swap3A_942], %broadcast_in_dim3A_7 {strides = array<i32>} : memref<2064xi32, #tpu.memory_space<vmem>>, vector<16xi32>,
        %scan3A_944 = arith.constant 3 : i32
        %scan3A_945 = arith.addi %scan3A_927, %scan3A_944 : i32
        %mul3A_946 = arith.constant 16 : i32
        %mul3A_947 = arith.muli %scan3A_945, %mul3A_946 : i32
        %swap3A_948 = arith.index_cast %mul3A_947 : i32 to index
        %swap3A_949 = tpu.vector_load %arg7[%swap3A_948] {strides = array<i32>} : memref<2064xi32, #tpu.memory_space<vmem>>, vector<16xi32>,
        tpu.vector_store %arg7[%swap3A_948], %broadcast_in_dim3A_7 {strides = array<i32>} : memref<2064xi32, #tpu.memory_space<vmem>>, vector<16xi32>,
      }
      %scan3A_635 = arith.constant 16 : i32
      %while3A_636 = arith.constant 0 : i32
      %while3A_637 = arith.constant 0 : i32
      %while3A_638 = arith.subi %select_n3A_629, %while3A_637 : i32
      %while3A_639 = arith.addi %while3A_637, %while3A_638 : i32
      %while3A_640 = arith.constant 1 : i32
      %while3A_641 = arith.divsi %while3A_638, %while3A_640 : i32
      %while3A_642 = arith.muli %while3A_641, %while3A_640 : i32
      %while3A_643 = arith.addi %while3A_637, %while3A_642 : i32
      %while3A_644 = arith.constant 1 : i32
      scf.for %while3A_927 = %while3A_637 to %while3A_643 step %while3A_644  : i32 {
        %mul3A_928 = arith.constant 16 : i32
        %mul3A_929 = arith.muli %while3A_927, %mul3A_928 : i32
        %get3A_930 = arith.index_cast %mul3A_929 : i32 to index
        %get3A_931 = tpu.vector_load %arg9[%get3A_930] {strides = array<i32>} : memref<10016xi32, #tpu.memory_space<vmem>>, vector<16xi32>,
        %mul3A_932 = arith.constant 16 : i32
        %mul3A_933 = arith.muli %while3A_927, %mul3A_932 : i32
        %add3A_934 = vector.broadcast %mul3A_933 : i32 to vector<16xi32>
        %add3A_935 = arith.addi %iota3A, %add3A_934 : vector<16xi32>
        %lt3A_936 = vector.broadcast %while3A_606 : i32 to vector<16xi32>
        %lt3A_937 = arith.cmpi slt, %add3A_935, %lt3A_936 : vector<16xi32>
        %shift_right_logical3A_938 = arith.constant 24 : i32
        %shift_right_logical3A_939 = vector.broadcast %shift_right_logical3A_938 : i32 to vector<16xi32>
        %shift_right_logical3A_940 = arith.shrui %get3A_931, %shift_right_logical3A_939 : vector<16xi32>
        %and3A_941 = arith.constant 255 : i32
        %and3A_942 = vector.broadcast %and3A_941 : i32 to vector<16xi32>
        %and3A_943 = arith.andi %shift_right_logical3A_940, %and3A_942 : vector<16xi32>
        tpu.vector_store_idx %arg7[%and3A_943], %broadcast_in_dim3A_5 masked %lt3A_937 {add = true} : memref<2064xi32, #tpu.memory_space<vmem>>[vector<16xi32>], vector<16xi32>, vector<16xi1>
      }
      %while3A_645 = arith.constant 1 : i32
      scf.for %while3A_927 = %while3A_643 to %while3A_639 step %while3A_645  : i32 {
        %mul3A_928 = arith.constant 16 : i32
        %mul3A_929 = arith.muli %while3A_927, %mul3A_928 : i32
        %get3A_930 = arith.index_cast %mul3A_929 : i32 to index
        %get3A_931 = tpu.vector_load %arg9[%get3A_930] {strides = array<i32>} : memref<10016xi32, #tpu.memory_space<vmem>>, vector<16xi32>,
        %mul3A_932 = arith.constant 16 : i32
        %mul3A_933 = arith.muli %while3A_927, %mul3A_932 : i32
        %add3A_934 = vector.broadcast %mul3A_933 : i32 to vector<16xi32>
        %add3A_935 = arith.addi %iota3A, %add3A_934 : vector<16xi32>
        %lt3A_936 = vector.broadcast %while3A_606 : i32 to vector<16xi32>
        %lt3A_937 = arith.cmpi slt, %add3A_935, %lt3A_936 : vector<16xi32>
        %shift_right_logical3A_938 = arith.constant 24 : i32
        %shift_right_logical3A_939 = vector.broadcast %shift_right_logical3A_938 : i32 to vector<16xi32>
        %shift_right_logical3A_940 = arith.shrui %get3A_931, %shift_right_logical3A_939 : vector<16xi32>
        %and3A_941 = arith.constant 255 : i32
        %and3A_942 = vector.broadcast %and3A_941 : i32 to vector<16xi32>
        %and3A_943 = arith.andi %shift_right_logical3A_940, %and3A_942 : vector<16xi32>
        tpu.vector_store_idx %arg7[%and3A_943], %broadcast_in_dim3A_5 masked %lt3A_937 {add = true} : memref<2064xi32, #tpu.memory_space<vmem>>[vector<16xi32>], vector<16xi32>, vector<16xi1>
      }
      %while3A_646 = arith.constant 16 : i32
      %while3A_647 = arith.constant 0 : i32
      %while3A_648 = arith.constant 0 : i32
      %while3A_649:3 = scf.while (%while3A_927 = %while3A_646, %while3A_928 = %while3A_647, %while3A_929 = %while3A_648) : (i32, i32, i32) -> (i32, i32, i32) {
        %lt3A_930 = arith.constant 32 : i32
        %lt3A_931 = arith.cmpi slt, %while3A_928, %lt3A_930 : i32
        scf.condition(%lt3A_931) %while3A_927, %while3A_928, %while3A_929 : i32, i32, i32
      } do {
      ^bb0(%while3A_927: i32, %while3A_928: i32, %while3A_929: i32):
        %sub3A_930 = arith.constant 1 : i32
        %sub3A_931 = arith.subi %while3A_927, %sub3A_930 : i32
        %mul3A_932 = arith.constant 16 : i32
        %mul3A_933 = arith.muli %sub3A_931, %mul3A_932 : i32
        %get3A_934 = arith.index_cast %mul3A_933 : i32 to index
        %get3A_935 = tpu.vector_load %arg7[%get3A_934] {strides = array<i32>} : memref<2064xi32, #tpu.memory_space<vmem>>, vector<16xi32>,
        %broadcast_in_dim3A_936 = arith.constant true
        %broadcast_in_dim3A_937 = vector.broadcast %broadcast_in_dim3A_936 : i1 to vector<16xi1>
        %masked_cumsum3A_938 = tpu.scan <sum>, %get3A_935 masked %broadcast_in_dim3A_937 : vector<16xi32>, vector<16xi1> -> vector<16xi32>
        %slice3A_939 = vector.extract_strided_slice %masked_cumsum3A_938 {offsets = [15], sizes = [1], strides = [1]} : vector<16xi32> to vector<1xi32>
        %squeeze3A_940 = vector.extract %slice3A_939[0] : i32 from vector<1xi32>
        %add3A_941 = arith.addi %while3A_928, %squeeze3A_940 : i32
        scf.yield %sub3A_931, %add3A_941, %while3A_928 : i32, i32, i32
      }
      %mul3A_650 = arith.constant 16 : i32
      %mul3A_651 = arith.muli %while3A_649#0, %mul3A_650 : i32
      %get3A_652 = arith.index_cast %mul3A_651 : i32 to index
      %get3A_653 = tpu.vector_load %arg7[%get3A_652] {strides = array<i32>} : memref<2064xi32, #tpu.memory_space<vmem>>, vector<16xi32>,
      %broadcast_in_dim3A_654 = arith.constant true
      %broadcast_in_dim3A_655 = vector.broadcast %broadcast_in_dim3A_654 : i1 to vector<16xi1>
      %masked_cumsum3A_656 = tpu.scan <sum>, %get3A_653 masked %broadcast_in_dim3A_655 : vector<16xi32>, vector<16xi1> -> vector<16xi32>
      %slice3A_657 = vector.extract_strided_slice %masked_cumsum3A_656 {offsets = [15], sizes = [1], strides = [1]} : vector<16xi32> to vector<1xi32>
      %squeeze3A_658 = vector.extract %slice3A_657[0] : i32 from vector<1xi32>
      %add3A_659 = arith.addi %while3A_649#2, %squeeze3A_658 : i32
      %sub3A_660 = arith.subi %get3A_653, %masked_cumsum3A_656 : vector<16xi32>
      %add3A_661 = vector.broadcast %add3A_659 : i32 to vector<16xi32>
      %add3A_662 = arith.addi %add3A_661, %sub3A_660 : vector<16xi32>
      %ge3A_663 = arith.constant 32 : i32
      %ge3A_664 = vector.broadcast %ge3A_663 : i32 to vector<16xi32>
      %ge3A_665 = arith.cmpi sge, %add3A_662, %ge3A_664 : vector<16xi32>
      %select_n3A_666 = arith.select %ge3A_665, %iota3A, %broadcast_in_dim3A_9 : vector<16xi1>, vector<16xi32>
      %broadcast_in_dim3A_667 = arith.constant true
      %broadcast_in_dim3A_668 = vector.broadcast %broadcast_in_dim3A_667 : i1 to vector<16xi1>
      %masked_cummax3A_669 = arith.constant -2147483648 : i32
      %masked_cummax3A_670 = vector.broadcast %masked_cummax3A_669 : i32 to vector<16xi32>
      %masked_cummax3A_671 = arith.xori %select_n3A_666, %masked_cummax3A_670 : vector<16xi32>
      %masked_cummax3A_672 = tpu.scan <max>, %masked_cummax3A_671 masked %broadcast_in_dim3A_668 : vector<16xi32>, vector<16xi1> -> vector<16xi32>
      %masked_cummax3A_673 = arith.xori %masked_cummax3A_672, %masked_cummax3A_670 : vector<16xi32>
      %slice3A_674 = vector.extract_strided_slice %masked_cummax3A_673 {offsets = [15], sizes = [1], strides = [1]} : vector<16xi32> to vector<1xi32>
      %squeeze3A_675 = vector.extract %slice3A_674[0] : i32 from vector<1xi32>
      %mul3A_676 = arith.constant 16 : i32
      %mul3A_677 = arith.muli %while3A_649#0, %mul3A_676 : i32
      %add3A_678 = arith.addi %mul3A_677, %squeeze3A_675 : i32
      %eq3A_679 = vector.broadcast %squeeze3A_675 : i32 to vector<16xi32>
      %eq3A_680 = arith.cmpi eq, %iota3A, %eq3A_679 : vector<16xi32>
      %select_n3A_681 = arith.select %eq3A_680, %masked_cumsum3A_656, %broadcast_in_dim3A_7 : vector<16xi1>, vector<16xi32>
      %add3A_682 = arith.addi %while3A_649#2, %squeeze3A_658 : i32
      %broadcast_in_dim3A_683 = arith.constant true
      %broadcast_in_dim3A_684 = vector.broadcast %broadcast_in_dim3A_683 : i1 to vector<16xi1>
      %masked_cumsum3A_685 = tpu.scan <sum>, %select_n3A_681 masked %broadcast_in_dim3A_684 : vector<16xi32>, vector<16xi1> -> vector<16xi32>
      %slice3A_686 = vector.extract_strided_slice %masked_cumsum3A_685 {offsets = [15], sizes = [1], strides = [1]} : vector<16xi32> to vector<1xi32>
      %squeeze3A_687 = vector.extract %slice3A_686[0] : i32 from vector<1xi32>
      %sub3A_688 = arith.subi %add3A_682, %squeeze3A_687 : i32
      %scan3A_689 = arith.constant 0 : i32
      %scan3A_690 = arith.constant 0 : i32
      %scan3A_691 = arith.constant 16 : i32
      %scan3A_692 = arith.addi %scan3A_690, %scan3A_691 : i32
      %scan3A_693 = arith.constant 4 : i32
      scf.for %scan3A_927 = %scan3A_690 to %scan3A_692 step %scan3A_693  : i32 {
        %mul3A_928 = arith.constant 16 : i32
        %mul3A_929 = arith.muli %scan3A_927, %mul3A_928 : i32
        %swap3A_930 = arith.index_cast %mul3A_929 : i32 to index
        %swap3A_931 = tpu.vector_load %arg7[%swap3A_930] {strides = array<i32>} : memref<2064xi32, #tpu.memory_space<vmem>>, vector<16xi32>,
        tpu.vector_store %arg7[%swap3A_930], %broadcast_in_dim3A_7 {strides = array<i32>} : memref<2064xi32, #tpu.memory_space<vmem>>, vector<16xi32>,
        %scan3A_932 = arith.constant 1 : i32
        %scan3A_933 = arith.addi %scan3A_927, %scan3A_932 : i32
        %mul3A_934 = arith.constant 16 : i32
        %mul3A_935 = arith.muli %scan3A_933, %mul3A_934 : i32
        %swap3A_936 = arith.index_cast %mul3A_935 : i32 to index
        %swap3A_937 = tpu.vector_load %arg7[%swap3A_936] {strides = array<i32>} : memref<2064xi32, #tpu.memory_space<vmem>>, vector<16xi32>,
        tpu.vector_store %arg7[%swap3A_936], %broadcast_in_dim3A_7 {strides = array<i32>} : memref<2064xi32, #tpu.memory_space<vmem>>, vector<16xi32>,
        %scan3A_938 = arith.constant 2 : i32
        %scan3A_939 = arith.addi %scan3A_927, %scan3A_938 : i32
        %mul3A_940 = arith.constant 16 : i32
        %mul3A_941 = arith.muli %scan3A_939, %mul3A_940 : i32
        %swap3A_942 = arith.index_cast %mul3A_941 : i32 to index
        %swap3A_943 = tpu.vector_load %arg7[%swap3A_942] {strides = array<i32>} : memref<2064xi32, #tpu.memory_space<vmem>>, vector<16xi32>,
        tpu.vector_store %arg7[%swap3A_942], %broadcast_in_dim3A_7 {strides = array<i32>} : memref<2064xi32, #tpu.memory_space<vmem>>, vector<16xi32>,
        %scan3A_944 = arith.constant 3 : i32
        %scan3A_945 = arith.addi %scan3A_927, %scan3A_944 : i32
        %mul3A_946 = arith.constant 16 : i32
        %mul3A_947 = arith.muli %scan3A_945, %mul3A_946 : i32
        %swap3A_948 = arith.index_cast %mul3A_947 : i32 to index
        %swap3A_949 = tpu.vector_load %arg7[%swap3A_948] {strides = array<i32>} : memref<2064xi32, #tpu.memory_space<vmem>>, vector<16xi32>,
        tpu.vector_store %arg7[%swap3A_948], %broadcast_in_dim3A_7 {strides = array<i32>} : memref<2064xi32, #tpu.memory_space<vmem>>, vector<16xi32>,
      }
      %scan3A_694 = arith.constant 16 : i32
      %while3A_695 = arith.constant 0 : i32
      %while3A_696 = arith.constant 0 : i32
      %while3A_697 = arith.subi %select_n3A_629, %while3A_696 : i32
      %while3A_698 = arith.addi %while3A_696, %while3A_697 : i32
      %while3A_699 = arith.constant 1 : i32
      %while3A_700 = arith.divsi %while3A_697, %while3A_699 : i32
      %while3A_701 = arith.muli %while3A_700, %while3A_699 : i32
      %while3A_702 = arith.addi %while3A_696, %while3A_701 : i32
      %while3A_703 = arith.constant 1 : i32
      scf.for %while3A_927 = %while3A_696 to %while3A_702 step %while3A_703  : i32 {
        %mul3A_928 = arith.constant 16 : i32
        %mul3A_929 = arith.muli %while3A_927, %mul3A_928 : i32
        %get3A_930 = arith.index_cast %mul3A_929 : i32 to index
        %get3A_931 = tpu.vector_load %arg9[%get3A_930] {strides = array<i32>} : memref<10016xi32, #tpu.memory_space<vmem>>, vector<16xi32>,
        %mul3A_932 = arith.constant 16 : i32
        %mul3A_933 = arith.muli %while3A_927, %mul3A_932 : i32
        %add3A_934 = vector.broadcast %mul3A_933 : i32 to vector<16xi32>
        %add3A_935 = arith.addi %iota3A, %add3A_934 : vector<16xi32>
        %lt3A_936 = vector.broadcast %while3A_606 : i32 to vector<16xi32>
        %lt3A_937 = arith.cmpi slt, %add3A_935, %lt3A_936 : vector<16xi32>
        %shift_right_logical3A_938 = arith.constant 24 : i32
        %shift_right_logical3A_939 = vector.broadcast %shift_right_logical3A_938 : i32 to vector<16xi32>
        %shift_right_logical3A_940 = arith.shrui %get3A_931, %shift_right_logical3A_939 : vector<16xi32>
        %eq3A_941 = vector.broadcast %add3A_678 : i32 to vector<16xi32>
        %eq3A_942 = arith.cmpi eq, %shift_right_logical3A_940, %eq3A_941 : vector<16xi32>
        %and3A_943 = arith.andi %lt3A_937, %eq3A_942 : vector<16xi1>
        %shift_right_logical3A_944 = arith.constant 16 : i32
        %shift_right_logical3A_945 = vector.broadcast %shift_right_logical3A_944 : i32 to vector<16xi32>
        %shift_right_logical3A_946 = arith.shrui %get3A_931, %shift_right_logical3A_945 : vector<16xi32>
        %and3A_947 = arith.constant 255 : i32
        %and3A_948 = vector.broadcast %and3A_947 : i32 to vector<16xi32>
        %and3A_949 = arith.andi %shift_right_logical3A_946, %and3A_948 : vector<16xi32>
        tpu.vector_store_idx %arg7[%and3A_949], %broadcast_in_dim3A_5 masked %and3A_943 {add = true} : memref<2064xi32, #tpu.memory_space<vmem>>[vector<16xi32>], vector<16xi32>, vector<16xi1>
      }
      %while3A_704 = arith.constant 1 : i32
      scf.for %while3A_927 = %while3A_702 to %while3A_698 step %while3A_704  : i32 {
        %mul3A_928 = arith.constant 16 : i32
        %mul3A_929 = arith.muli %while3A_927, %mul3A_928 : i32
        %get3A_930 = arith.index_cast %mul3A_929 : i32 to index
        %get3A_931 = tpu.vector_load %arg9[%get3A_930] {strides = array<i32>} : memref<10016xi32, #tpu.memory_space<vmem>>, vector<16xi32>,
        %mul3A_932 = arith.constant 16 : i32
        %mul3A_933 = arith.muli %while3A_927, %mul3A_932 : i32
        %add3A_934 = vector.broadcast %mul3A_933 : i32 to vector<16xi32>
        %add3A_935 = arith.addi %iota3A, %add3A_934 : vector<16xi32>
        %lt3A_936 = vector.broadcast %while3A_606 : i32 to vector<16xi32>
        %lt3A_937 = arith.cmpi slt, %add3A_935, %lt3A_936 : vector<16xi32>
        %shift_right_logical3A_938 = arith.constant 24 : i32
        %shift_right_logical3A_939 = vector.broadcast %shift_right_logical3A_938 : i32 to vector<16xi32>
        %shift_right_logical3A_940 = arith.shrui %get3A_931, %shift_right_logical3A_939 : vector<16xi32>
        %eq3A_941 = vector.broadcast %add3A_678 : i32 to vector<16xi32>
        %eq3A_942 = arith.cmpi eq, %shift_right_logical3A_940, %eq3A_941 : vector<16xi32>
        %and3A_943 = arith.andi %lt3A_937, %eq3A_942 : vector<16xi1>
        %shift_right_logical3A_944 = arith.constant 16 : i32
        %shift_right_logical3A_945 = vector.broadcast %shift_right_logical3A_944 : i32 to vector<16xi32>
        %shift_right_logical3A_946 = arith.shrui %get3A_931, %shift_right_logical3A_945 : vector<16xi32>
        %and3A_947 = arith.constant 255 : i32
        %and3A_948 = vector.broadcast %and3A_947 : i32 to vector<16xi32>
        %and3A_949 = arith.andi %shift_right_logical3A_946, %and3A_948 : vector<16xi32>
        tpu.vector_store_idx %arg7[%and3A_949], %broadcast_in_dim3A_5 masked %and3A_943 {add = true} : memref<2064xi32, #tpu.memory_space<vmem>>[vector<16xi32>], vector<16xi32>, vector<16xi1>
      }
      %while3A_705 = arith.constant 16 : i32
      %while3A_706:3 = scf.while (%while3A_927 = %while3A_705, %while3A_928 = %sub3A_688, %while3A_929 = %sub3A_688) : (i32, i32, i32) -> (i32, i32, i32) {
        %lt3A_930 = arith.constant 32 : i32
        %lt3A_931 = arith.cmpi slt, %while3A_928, %lt3A_930 : i32
        scf.condition(%lt3A_931) %while3A_927, %while3A_928, %while3A_929 : i32, i32, i32
      } do {
      ^bb0(%while3A_927: i32, %while3A_928: i32, %while3A_929: i32):
        %sub3A_930 = arith.constant 1 : i32
        %sub3A_931 = arith.subi %while3A_927, %sub3A_930 : i32
        %mul3A_932 = arith.constant 16 : i32
        %mul3A_933 = arith.muli %sub3A_931, %mul3A_932 : i32
        %get3A_934 = arith.index_cast %mul3A_933 : i32 to index
        %get3A_935 = tpu.vector_load %arg7[%get3A_934] {strides = array<i32>} : memref<2064xi32, #tpu.memory_space<vmem>>, vector<16xi32>,
        %broadcast_in_dim3A_936 = arith.constant true
        %broadcast_in_dim3A_937 = vector.broadcast %broadcast_in_dim3A_936 : i1 to vector<16xi1>
        %masked_cumsum3A_938 = tpu.scan <sum>, %get3A_935 masked %broadcast_in_dim3A_937 : vector<16xi32>, vector<16xi1> -> vector<16xi32>
        %slice3A_939 = vector.extract_strided_slice %masked_cumsum3A_938 {offsets = [15], sizes = [1], strides = [1]} : vector<16xi32> to vector<1xi32>
        %squeeze3A_940 = vector.extract %slice3A_939[0] : i32 from vector<1xi32>
        %add3A_941 = arith.addi %while3A_928, %squeeze3A_940 : i32
        scf.yield %sub3A_931, %add3A_941, %while3A_928 : i32, i32, i32
      }
      %mul3A_707 = arith.constant 16 : i32
      %mul3A_708 = arith.muli %while3A_706#0, %mul3A_707 : i32
      %get3A_709 = arith.index_cast %mul3A_708 : i32 to index
      %get3A_710 = tpu.vector_load %arg7[%get3A_709] {strides = array<i32>} : memref<2064xi32, #tpu.memory_space<vmem>>, vector<16xi32>,
      %broadcast_in_dim3A_711 = arith.constant true
      %broadcast_in_dim3A_712 = vector.broadcast %broadcast_in_dim3A_711 : i1 to vector<16xi1>
      %masked_cumsum3A_713 = tpu.scan <sum>, %get3A_710 masked %broadcast_in_dim3A_712 : vector<16xi32>, vector<16xi1> -> vector<16xi32>
      %slice3A_714 = vector.extract_strided_slice %masked_cumsum3A_713 {offsets = [15], sizes = [1], strides = [1]} : vector<16xi32> to vector<1xi32>
      %squeeze3A_715 = vector.extract %slice3A_714[0] : i32 from vector<1xi32>
      %add3A_716 = arith.addi %while3A_706#2, %squeeze3A_715 : i32
      %sub3A_717 = arith.subi %get3A_710, %masked_cumsum3A_713 : vector<16xi32>
      %add3A_718 = vector.broadcast %add3A_716 : i32 to vector<16xi32>
      %add3A_719 = arith.addi %add3A_718, %sub3A_717 : vector<16xi32>
      %ge3A_720 = arith.constant 32 : i32
      %ge3A_721 = vector.broadcast %ge3A_720 : i32 to vector<16xi32>
      %ge3A_722 = arith.cmpi sge, %add3A_719, %ge3A_721 : vector<16xi32>
      %select_n3A_723 = arith.select %ge3A_722, %iota3A, %broadcast_in_dim3A_9 : vector<16xi1>, vector<16xi32>
      %broadcast_in_dim3A_724 = arith.constant true
      %broadcast_in_dim3A_725 = vector.broadcast %broadcast_in_dim3A_724 : i1 to vector<16xi1>
      %masked_cummax3A_726 = arith.constant -2147483648 : i32
      %masked_cummax3A_727 = vector.broadcast %masked_cummax3A_726 : i32 to vector<16xi32>
      %masked_cummax3A_728 = arith.xori %select_n3A_723, %masked_cummax3A_727 : vector<16xi32>
      %masked_cummax3A_729 = tpu.scan <max>, %masked_cummax3A_728 masked %broadcast_in_dim3A_725 : vector<16xi32>, vector<16xi1> -> vector<16xi32>
      %masked_cummax3A_730 = arith.xori %masked_cummax3A_729, %masked_cummax3A_727 : vector<16xi32>
      %slice3A_731 = vector.extract_strided_slice %masked_cummax3A_730 {offsets = [15], sizes = [1], strides = [1]} : vector<16xi32> to vector<1xi32>
      %squeeze3A_732 = vector.extract %slice3A_731[0] : i32 from vector<1xi32>
      %mul3A_733 = arith.constant 16 : i32
      %mul3A_734 = arith.muli %while3A_706#0, %mul3A_733 : i32
      %add3A_735 = arith.addi %mul3A_734, %squeeze3A_732 : i32
      %eq3A_736 = vector.broadcast %squeeze3A_732 : i32 to vector<16xi32>
      %eq3A_737 = arith.cmpi eq, %iota3A, %eq3A_736 : vector<16xi32>
      %select_n3A_738 = arith.select %eq3A_737, %masked_cumsum3A_713, %broadcast_in_dim3A_7 : vector<16xi1>, vector<16xi32>
      %add3A_739 = arith.addi %while3A_706#2, %squeeze3A_715 : i32
      %broadcast_in_dim3A_740 = arith.constant true
      %broadcast_in_dim3A_741 = vector.broadcast %broadcast_in_dim3A_740 : i1 to vector<16xi1>
      %masked_cumsum3A_742 = tpu.scan <sum>, %select_n3A_738 masked %broadcast_in_dim3A_741 : vector<16xi32>, vector<16xi1> -> vector<16xi32>
      %slice3A_743 = vector.extract_strided_slice %masked_cumsum3A_742 {offsets = [15], sizes = [1], strides = [1]} : vector<16xi32> to vector<1xi32>
      %squeeze3A_744 = vector.extract %slice3A_743[0] : i32 from vector<1xi32>
      %sub3A_745 = arith.subi %add3A_739, %squeeze3A_744 : i32
      %shift_left3A_746 = arith.constant 8 : i32
      %shift_left3A_747 = arith.shli %add3A_678, %shift_left3A_746 : i32
      %or3A_748 = arith.ori %shift_left3A_747, %add3A_735 : i32
      %scan3A_749 = arith.constant 0 : i32
      %scan3A_750 = arith.constant 0 : i32
      %scan3A_751 = arith.constant 16 : i32
      %scan3A_752 = arith.addi %scan3A_750, %scan3A_751 : i32
      %scan3A_753 = arith.constant 4 : i32
      scf.for %scan3A_927 = %scan3A_750 to %scan3A_752 step %scan3A_753  : i32 {
        %mul3A_928 = arith.constant 16 : i32
        %mul3A_929 = arith.muli %scan3A_927, %mul3A_928 : i32
        %swap3A_930 = arith.index_cast %mul3A_929 : i32 to index
        %swap3A_931 = tpu.vector_load %arg7[%swap3A_930] {strides = array<i32>} : memref<2064xi32, #tpu.memory_space<vmem>>, vector<16xi32>,
        tpu.vector_store %arg7[%swap3A_930], %broadcast_in_dim3A_7 {strides = array<i32>} : memref<2064xi32, #tpu.memory_space<vmem>>, vector<16xi32>,
        %scan3A_932 = arith.constant 1 : i32
        %scan3A_933 = arith.addi %scan3A_927, %scan3A_932 : i32
        %mul3A_934 = arith.constant 16 : i32
        %mul3A_935 = arith.muli %scan3A_933, %mul3A_934 : i32
        %swap3A_936 = arith.index_cast %mul3A_935 : i32 to index
        %swap3A_937 = tpu.vector_load %arg7[%swap3A_936] {strides = array<i32>} : memref<2064xi32, #tpu.memory_space<vmem>>, vector<16xi32>,
        tpu.vector_store %arg7[%swap3A_936], %broadcast_in_dim3A_7 {strides = array<i32>} : memref<2064xi32, #tpu.memory_space<vmem>>, vector<16xi32>,
        %scan3A_938 = arith.constant 2 : i32
        %scan3A_939 = arith.addi %scan3A_927, %scan3A_938 : i32
        %mul3A_940 = arith.constant 16 : i32
        %mul3A_941 = arith.muli %scan3A_939, %mul3A_940 : i32
        %swap3A_942 = arith.index_cast %mul3A_941 : i32 to index
        %swap3A_943 = tpu.vector_load %arg7[%swap3A_942] {strides = array<i32>} : memref<2064xi32, #tpu.memory_space<vmem>>, vector<16xi32>,
        tpu.vector_store %arg7[%swap3A_942], %broadcast_in_dim3A_7 {strides = array<i32>} : memref<2064xi32, #tpu.memory_space<vmem>>, vector<16xi32>,
        %scan3A_944 = arith.constant 3 : i32
        %scan3A_945 = arith.addi %scan3A_927, %scan3A_944 : i32
        %mul3A_946 = arith.constant 16 : i32
        %mul3A_947 = arith.muli %scan3A_945, %mul3A_946 : i32
        %swap3A_948 = arith.index_cast %mul3A_947 : i32 to index
        %swap3A_949 = tpu.vector_load %arg7[%swap3A_948] {strides = array<i32>} : memref<2064xi32, #tpu.memory_space<vmem>>, vector<16xi32>,
        tpu.vector_store %arg7[%swap3A_948], %broadcast_in_dim3A_7 {strides = array<i32>} : memref<2064xi32, #tpu.memory_space<vmem>>, vector<16xi32>,
      }
      %scan3A_754 = arith.constant 16 : i32
      %while3A_755 = arith.constant 0 : i32
      %while3A_756 = arith.constant 0 : i32
      %while3A_757 = arith.subi %select_n3A_629, %while3A_756 : i32
      %while3A_758 = arith.addi %while3A_756, %while3A_757 : i32
      %while3A_759 = arith.constant 1 : i32
      %while3A_760 = arith.divsi %while3A_757, %while3A_759 : i32
      %while3A_761 = arith.muli %while3A_760, %while3A_759 : i32
      %while3A_762 = arith.addi %while3A_756, %while3A_761 : i32
      %while3A_763 = arith.constant 1 : i32
      scf.for %while3A_927 = %while3A_756 to %while3A_762 step %while3A_763  : i32 {
        %mul3A_928 = arith.constant 16 : i32
        %mul3A_929 = arith.muli %while3A_927, %mul3A_928 : i32
        %get3A_930 = arith.index_cast %mul3A_929 : i32 to index
        %get3A_931 = tpu.vector_load %arg9[%get3A_930] {strides = array<i32>} : memref<10016xi32, #tpu.memory_space<vmem>>, vector<16xi32>,
        %mul3A_932 = arith.constant 16 : i32
        %mul3A_933 = arith.muli %while3A_927, %mul3A_932 : i32
        %add3A_934 = vector.broadcast %mul3A_933 : i32 to vector<16xi32>
        %add3A_935 = arith.addi %iota3A, %add3A_934 : vector<16xi32>
        %lt3A_936 = vector.broadcast %while3A_606 : i32 to vector<16xi32>
        %lt3A_937 = arith.cmpi slt, %add3A_935, %lt3A_936 : vector<16xi32>
        %shift_right_logical3A_938 = arith.constant 16 : i32
        %shift_right_logical3A_939 = vector.broadcast %shift_right_logical3A_938 : i32 to vector<16xi32>
        %shift_right_logical3A_940 = arith.shrui %get3A_931, %shift_right_logical3A_939 : vector<16xi32>
        %eq3A_941 = vector.broadcast %or3A_748 : i32 to vector<16xi32>
        %eq3A_942 = arith.cmpi eq, %shift_right_logical3A_940, %eq3A_941 : vector<16xi32>
        %and3A_943 = arith.andi %lt3A_937, %eq3A_942 : vector<16xi1>
        %shift_right_logical3A_944 = arith.constant 8 : i32
        %shift_right_logical3A_945 = vector.broadcast %shift_right_logical3A_944 : i32 to vector<16xi32>
        %shift_right_logical3A_946 = arith.shrui %get3A_931, %shift_right_logical3A_945 : vector<16xi32>
        %and3A_947 = arith.constant 255 : i32
        %and3A_948 = vector.broadcast %and3A_947 : i32 to vector<16xi32>
        %and3A_949 = arith.andi %shift_right_logical3A_946, %and3A_948 : vector<16xi32>
        tpu.vector_store_idx %arg7[%and3A_949], %broadcast_in_dim3A_5 masked %and3A_943 {add = true} : memref<2064xi32, #tpu.memory_space<vmem>>[vector<16xi32>], vector<16xi32>, vector<16xi1>
      }
      %while3A_764 = arith.constant 1 : i32
      scf.for %while3A_927 = %while3A_762 to %while3A_758 step %while3A_764  : i32 {
        %mul3A_928 = arith.constant 16 : i32
        %mul3A_929 = arith.muli %while3A_927, %mul3A_928 : i32
        %get3A_930 = arith.index_cast %mul3A_929 : i32 to index
        %get3A_931 = tpu.vector_load %arg9[%get3A_930] {strides = array<i32>} : memref<10016xi32, #tpu.memory_space<vmem>>, vector<16xi32>,
        %mul3A_932 = arith.constant 16 : i32
        %mul3A_933 = arith.muli %while3A_927, %mul3A_932 : i32
        %add3A_934 = vector.broadcast %mul3A_933 : i32 to vector<16xi32>
        %add3A_935 = arith.addi %iota3A, %add3A_934 : vector<16xi32>
        %lt3A_936 = vector.broadcast %while3A_606 : i32 to vector<16xi32>
        %lt3A_937 = arith.cmpi slt, %add3A_935, %lt3A_936 : vector<16xi32>
        %shift_right_logical3A_938 = arith.constant 16 : i32
        %shift_right_logical3A_939 = vector.broadcast %shift_right_logical3A_938 : i32 to vector<16xi32>
        %shift_right_logical3A_940 = arith.shrui %get3A_931, %shift_right_logical3A_939 : vector<16xi32>
        %eq3A_941 = vector.broadcast %or3A_748 : i32 to vector<16xi32>
        %eq3A_942 = arith.cmpi eq, %shift_right_logical3A_940, %eq3A_941 : vector<16xi32>
        %and3A_943 = arith.andi %lt3A_937, %eq3A_942 : vector<16xi1>
        %shift_right_logical3A_944 = arith.constant 8 : i32
        %shift_right_logical3A_945 = vector.broadcast %shift_right_logical3A_944 : i32 to vector<16xi32>
        %shift_right_logical3A_946 = arith.shrui %get3A_931, %shift_right_logical3A_945 : vector<16xi32>
        %and3A_947 = arith.constant 255 : i32
        %and3A_948 = vector.broadcast %and3A_947 : i32 to vector<16xi32>
        %and3A_949 = arith.andi %shift_right_logical3A_946, %and3A_948 : vector<16xi32>
        tpu.vector_store_idx %arg7[%and3A_949], %broadcast_in_dim3A_5 masked %and3A_943 {add = true} : memref<2064xi32, #tpu.memory_space<vmem>>[vector<16xi32>], vector<16xi32>, vector<16xi1>
      }
      %while3A_765 = arith.constant 16 : i32
      %while3A_766:3 = scf.while (%while3A_927 = %while3A_765, %while3A_928 = %sub3A_745, %while3A_929 = %sub3A_745) : (i32, i32, i32) -> (i32, i32, i32) {
        %lt3A_930 = arith.constant 32 : i32
        %lt3A_931 = arith.cmpi slt, %while3A_928, %lt3A_930 : i32
        scf.condition(%lt3A_931) %while3A_927, %while3A_928, %while3A_929 : i32, i32, i32
      } do {
      ^bb0(%while3A_927: i32, %while3A_928: i32, %while3A_929: i32):
        %sub3A_930 = arith.constant 1 : i32
        %sub3A_931 = arith.subi %while3A_927, %sub3A_930 : i32
        %mul3A_932 = arith.constant 16 : i32
        %mul3A_933 = arith.muli %sub3A_931, %mul3A_932 : i32
        %get3A_934 = arith.index_cast %mul3A_933 : i32 to index
        %get3A_935 = tpu.vector_load %arg7[%get3A_934] {strides = array<i32>} : memref<2064xi32, #tpu.memory_space<vmem>>, vector<16xi32>,
        %broadcast_in_dim3A_936 = arith.constant true
        %broadcast_in_dim3A_937 = vector.broadcast %broadcast_in_dim3A_936 : i1 to vector<16xi1>
        %masked_cumsum3A_938 = tpu.scan <sum>, %get3A_935 masked %broadcast_in_dim3A_937 : vector<16xi32>, vector<16xi1> -> vector<16xi32>
        %slice3A_939 = vector.extract_strided_slice %masked_cumsum3A_938 {offsets = [15], sizes = [1], strides = [1]} : vector<16xi32> to vector<1xi32>
        %squeeze3A_940 = vector.extract %slice3A_939[0] : i32 from vector<1xi32>
        %add3A_941 = arith.addi %while3A_928, %squeeze3A_940 : i32
        scf.yield %sub3A_931, %add3A_941, %while3A_928 : i32, i32, i32
      }
      %mul3A_767 = arith.constant 16 : i32
      %mul3A_768 = arith.muli %while3A_766#0, %mul3A_767 : i32
      %get3A_769 = arith.index_cast %mul3A_768 : i32 to index
      %get3A_770 = tpu.vector_load %arg7[%get3A_769] {strides = array<i32>} : memref<2064xi32, #tpu.memory_space<vmem>>, vector<16xi32>,
      %broadcast_in_dim3A_771 = arith.constant true
      %broadcast_in_dim3A_772 = vector.broadcast %broadcast_in_dim3A_771 : i1 to vector<16xi1>
      %masked_cumsum3A_773 = tpu.scan <sum>, %get3A_770 masked %broadcast_in_dim3A_772 : vector<16xi32>, vector<16xi1> -> vector<16xi32>
      %slice3A_774 = vector.extract_strided_slice %masked_cumsum3A_773 {offsets = [15], sizes = [1], strides = [1]} : vector<16xi32> to vector<1xi32>
      %squeeze3A_775 = vector.extract %slice3A_774[0] : i32 from vector<1xi32>
      %add3A_776 = arith.addi %while3A_766#2, %squeeze3A_775 : i32
      %sub3A_777 = arith.subi %get3A_770, %masked_cumsum3A_773 : vector<16xi32>
      %add3A_778 = vector.broadcast %add3A_776 : i32 to vector<16xi32>
      %add3A_779 = arith.addi %add3A_778, %sub3A_777 : vector<16xi32>
      %ge3A_780 = arith.constant 32 : i32
      %ge3A_781 = vector.broadcast %ge3A_780 : i32 to vector<16xi32>
      %ge3A_782 = arith.cmpi sge, %add3A_779, %ge3A_781 : vector<16xi32>
      %select_n3A_783 = arith.select %ge3A_782, %iota3A, %broadcast_in_dim3A_9 : vector<16xi1>, vector<16xi32>
      %broadcast_in_dim3A_784 = arith.constant true
      %broadcast_in_dim3A_785 = vector.broadcast %broadcast_in_dim3A_784 : i1 to vector<16xi1>
      %masked_cummax3A_786 = arith.constant -2147483648 : i32
      %masked_cummax3A_787 = vector.broadcast %masked_cummax3A_786 : i32 to vector<16xi32>
      %masked_cummax3A_788 = arith.xori %select_n3A_783, %masked_cummax3A_787 : vector<16xi32>
      %masked_cummax3A_789 = tpu.scan <max>, %masked_cummax3A_788 masked %broadcast_in_dim3A_785 : vector<16xi32>, vector<16xi1> -> vector<16xi32>
      %masked_cummax3A_790 = arith.xori %masked_cummax3A_789, %masked_cummax3A_787 : vector<16xi32>
      %slice3A_791 = vector.extract_strided_slice %masked_cummax3A_790 {offsets = [15], sizes = [1], strides = [1]} : vector<16xi32> to vector<1xi32>
      %squeeze3A_792 = vector.extract %slice3A_791[0] : i32 from vector<1xi32>
      %mul3A_793 = arith.constant 16 : i32
      %mul3A_794 = arith.muli %while3A_766#0, %mul3A_793 : i32
      %add3A_795 = arith.addi %mul3A_794, %squeeze3A_792 : i32
      %eq3A_796 = vector.broadcast %squeeze3A_792 : i32 to vector<16xi32>
      %eq3A_797 = arith.cmpi eq, %iota3A, %eq3A_796 : vector<16xi32>
      %select_n3A_798 = arith.select %eq3A_797, %masked_cumsum3A_773, %broadcast_in_dim3A_7 : vector<16xi1>, vector<16xi32>
      %add3A_799 = arith.addi %while3A_766#2, %squeeze3A_775 : i32
      %broadcast_in_dim3A_800 = arith.constant true
      %broadcast_in_dim3A_801 = vector.broadcast %broadcast_in_dim3A_800 : i1 to vector<16xi1>
      %masked_cumsum3A_802 = tpu.scan <sum>, %select_n3A_798 masked %broadcast_in_dim3A_801 : vector<16xi32>, vector<16xi1> -> vector<16xi32>
      %slice3A_803 = vector.extract_strided_slice %masked_cumsum3A_802 {offsets = [15], sizes = [1], strides = [1]} : vector<16xi32> to vector<1xi32>
      %squeeze3A_804 = vector.extract %slice3A_803[0] : i32 from vector<1xi32>
      %sub3A_805 = arith.subi %add3A_799, %squeeze3A_804 : i32
      %shift_left3A_806 = arith.constant 8 : i32
      %shift_left3A_807 = arith.shli %or3A_748, %shift_left3A_806 : i32
      %or3A_808 = arith.ori %shift_left3A_807, %add3A_795 : i32
      %scan3A_809 = arith.constant 0 : i32
      %scan3A_810 = arith.constant 0 : i32
      %scan3A_811 = arith.constant 16 : i32
      %scan3A_812 = arith.addi %scan3A_810, %scan3A_811 : i32
      %scan3A_813 = arith.constant 4 : i32
      scf.for %scan3A_927 = %scan3A_810 to %scan3A_812 step %scan3A_813  : i32 {
        %mul3A_928 = arith.constant 16 : i32
        %mul3A_929 = arith.muli %scan3A_927, %mul3A_928 : i32
        %swap3A_930 = arith.index_cast %mul3A_929 : i32 to index
        %swap3A_931 = tpu.vector_load %arg7[%swap3A_930] {strides = array<i32>} : memref<2064xi32, #tpu.memory_space<vmem>>, vector<16xi32>,
        tpu.vector_store %arg7[%swap3A_930], %broadcast_in_dim3A_7 {strides = array<i32>} : memref<2064xi32, #tpu.memory_space<vmem>>, vector<16xi32>,
        %scan3A_932 = arith.constant 1 : i32
        %scan3A_933 = arith.addi %scan3A_927, %scan3A_932 : i32
        %mul3A_934 = arith.constant 16 : i32
        %mul3A_935 = arith.muli %scan3A_933, %mul3A_934 : i32
        %swap3A_936 = arith.index_cast %mul3A_935 : i32 to index
        %swap3A_937 = tpu.vector_load %arg7[%swap3A_936] {strides = array<i32>} : memref<2064xi32, #tpu.memory_space<vmem>>, vector<16xi32>,
        tpu.vector_store %arg7[%swap3A_936], %broadcast_in_dim3A_7 {strides = array<i32>} : memref<2064xi32, #tpu.memory_space<vmem>>, vector<16xi32>,
        %scan3A_938 = arith.constant 2 : i32
        %scan3A_939 = arith.addi %scan3A_927, %scan3A_938 : i32
        %mul3A_940 = arith.constant 16 : i32
        %mul3A_941 = arith.muli %scan3A_939, %mul3A_940 : i32
        %swap3A_942 = arith.index_cast %mul3A_941 : i32 to index
        %swap3A_943 = tpu.vector_load %arg7[%swap3A_942] {strides = array<i32>} : memref<2064xi32, #tpu.memory_space<vmem>>, vector<16xi32>,
        tpu.vector_store %arg7[%swap3A_942], %broadcast_in_dim3A_7 {strides = array<i32>} : memref<2064xi32, #tpu.memory_space<vmem>>, vector<16xi32>,
        %scan3A_944 = arith.constant 3 : i32
        %scan3A_945 = arith.addi %scan3A_927, %scan3A_944 : i32
        %mul3A_946 = arith.constant 16 : i32
        %mul3A_947 = arith.muli %scan3A_945, %mul3A_946 : i32
        %swap3A_948 = arith.index_cast %mul3A_947 : i32 to index
        %swap3A_949 = tpu.vector_load %arg7[%swap3A_948] {strides = array<i32>} : memref<2064xi32, #tpu.memory_space<vmem>>, vector<16xi32>,
        tpu.vector_store %arg7[%swap3A_948], %broadcast_in_dim3A_7 {strides = array<i32>} : memref<2064xi32, #tpu.memory_space<vmem>>, vector<16xi32>,
      }
      %scan3A_814 = arith.constant 16 : i32
      %while3A_815 = arith.constant 0 : i32
      %while3A_816 = arith.constant 0 : i32
      %while3A_817 = arith.subi %select_n3A_629, %while3A_816 : i32
      %while3A_818 = arith.addi %while3A_816, %while3A_817 : i32
      %while3A_819 = arith.constant 1 : i32
      %while3A_820 = arith.divsi %while3A_817, %while3A_819 : i32
      %while3A_821 = arith.muli %while3A_820, %while3A_819 : i32
      %while3A_822 = arith.addi %while3A_816, %while3A_821 : i32
      %while3A_823 = arith.constant 1 : i32
      scf.for %while3A_927 = %while3A_816 to %while3A_822 step %while3A_823  : i32 {
        %mul3A_928 = arith.constant 16 : i32
        %mul3A_929 = arith.muli %while3A_927, %mul3A_928 : i32
        %get3A_930 = arith.index_cast %mul3A_929 : i32 to index
        %get3A_931 = tpu.vector_load %arg9[%get3A_930] {strides = array<i32>} : memref<10016xi32, #tpu.memory_space<vmem>>, vector<16xi32>,
        %mul3A_932 = arith.constant 16 : i32
        %mul3A_933 = arith.muli %while3A_927, %mul3A_932 : i32
        %add3A_934 = vector.broadcast %mul3A_933 : i32 to vector<16xi32>
        %add3A_935 = arith.addi %iota3A, %add3A_934 : vector<16xi32>
        %lt3A_936 = vector.broadcast %while3A_606 : i32 to vector<16xi32>
        %lt3A_937 = arith.cmpi slt, %add3A_935, %lt3A_936 : vector<16xi32>
        %shift_right_logical3A_938 = arith.constant 8 : i32
        %shift_right_logical3A_939 = vector.broadcast %shift_right_logical3A_938 : i32 to vector<16xi32>
        %shift_right_logical3A_940 = arith.shrui %get3A_931, %shift_right_logical3A_939 : vector<16xi32>
        %eq3A_941 = vector.broadcast %or3A_808 : i32 to vector<16xi32>
        %eq3A_942 = arith.cmpi eq, %shift_right_logical3A_940, %eq3A_941 : vector<16xi32>
        %and3A_943 = arith.andi %lt3A_937, %eq3A_942 : vector<16xi1>
        %shift_right_logical3A_944 = arith.constant 0 : i32
        %shift_right_logical3A_945 = vector.broadcast %shift_right_logical3A_944 : i32 to vector<16xi32>
        %shift_right_logical3A_946 = arith.shrui %get3A_931, %shift_right_logical3A_945 : vector<16xi32>
        %and3A_947 = arith.constant 255 : i32
        %and3A_948 = vector.broadcast %and3A_947 : i32 to vector<16xi32>
        %and3A_949 = arith.andi %shift_right_logical3A_946, %and3A_948 : vector<16xi32>
        tpu.vector_store_idx %arg7[%and3A_949], %broadcast_in_dim3A_5 masked %and3A_943 {add = true} : memref<2064xi32, #tpu.memory_space<vmem>>[vector<16xi32>], vector<16xi32>, vector<16xi1>
      }
      %while3A_824 = arith.constant 1 : i32
      scf.for %while3A_927 = %while3A_822 to %while3A_818 step %while3A_824  : i32 {
        %mul3A_928 = arith.constant 16 : i32
        %mul3A_929 = arith.muli %while3A_927, %mul3A_928 : i32
        %get3A_930 = arith.index_cast %mul3A_929 : i32 to index
        %get3A_931 = tpu.vector_load %arg9[%get3A_930] {strides = array<i32>} : memref<10016xi32, #tpu.memory_space<vmem>>, vector<16xi32>,
        %mul3A_932 = arith.constant 16 : i32
        %mul3A_933 = arith.muli %while3A_927, %mul3A_932 : i32
        %add3A_934 = vector.broadcast %mul3A_933 : i32 to vector<16xi32>
        %add3A_935 = arith.addi %iota3A, %add3A_934 : vector<16xi32>
        %lt3A_936 = vector.broadcast %while3A_606 : i32 to vector<16xi32>
        %lt3A_937 = arith.cmpi slt, %add3A_935, %lt3A_936 : vector<16xi32>
        %shift_right_logical3A_938 = arith.constant 8 : i32
        %shift_right_logical3A_939 = vector.broadcast %shift_right_logical3A_938 : i32 to vector<16xi32>
        %shift_right_logical3A_940 = arith.shrui %get3A_931, %shift_right_logical3A_939 : vector<16xi32>
        %eq3A_941 = vector.broadcast %or3A_808 : i32 to vector<16xi32>
        %eq3A_942 = arith.cmpi eq, %shift_right_logical3A_940, %eq3A_941 : vector<16xi32>
        %and3A_943 = arith.andi %lt3A_937, %eq3A_942 : vector<16xi1>
        %shift_right_logical3A_944 = arith.constant 0 : i32
        %shift_right_logical3A_945 = vector.broadcast %shift_right_logical3A_944 : i32 to vector<16xi32>
        %shift_right_logical3A_946 = arith.shrui %get3A_931, %shift_right_logical3A_945 : vector<16xi32>
        %and3A_947 = arith.constant 255 : i32
        %and3A_948 = vector.broadcast %and3A_947 : i32 to vector<16xi32>
        %and3A_949 = arith.andi %shift_right_logical3A_946, %and3A_948 : vector<16xi32>
        tpu.vector_store_idx %arg7[%and3A_949], %broadcast_in_dim3A_5 masked %and3A_943 {add = true} : memref<2064xi32, #tpu.memory_space<vmem>>[vector<16xi32>], vector<16xi32>, vector<16xi1>
      }
      %while3A_825 = arith.constant 16 : i32
      %while3A_826:3 = scf.while (%while3A_927 = %while3A_825, %while3A_928 = %sub3A_805, %while3A_929 = %sub3A_805) : (i32, i32, i32) -> (i32, i32, i32) {
        %lt3A_930 = arith.constant 32 : i32
        %lt3A_931 = arith.cmpi slt, %while3A_928, %lt3A_930 : i32
        scf.condition(%lt3A_931) %while3A_927, %while3A_928, %while3A_929 : i32, i32, i32
      } do {
      ^bb0(%while3A_927: i32, %while3A_928: i32, %while3A_929: i32):
        %sub3A_930 = arith.constant 1 : i32
        %sub3A_931 = arith.subi %while3A_927, %sub3A_930 : i32
        %mul3A_932 = arith.constant 16 : i32
        %mul3A_933 = arith.muli %sub3A_931, %mul3A_932 : i32
        %get3A_934 = arith.index_cast %mul3A_933 : i32 to index
        %get3A_935 = tpu.vector_load %arg7[%get3A_934] {strides = array<i32>} : memref<2064xi32, #tpu.memory_space<vmem>>, vector<16xi32>,
        %broadcast_in_dim3A_936 = arith.constant true
        %broadcast_in_dim3A_937 = vector.broadcast %broadcast_in_dim3A_936 : i1 to vector<16xi1>
        %masked_cumsum3A_938 = tpu.scan <sum>, %get3A_935 masked %broadcast_in_dim3A_937 : vector<16xi32>, vector<16xi1> -> vector<16xi32>
        %slice3A_939 = vector.extract_strided_slice %masked_cumsum3A_938 {offsets = [15], sizes = [1], strides = [1]} : vector<16xi32> to vector<1xi32>
        %squeeze3A_940 = vector.extract %slice3A_939[0] : i32 from vector<1xi32>
        %add3A_941 = arith.addi %while3A_928, %squeeze3A_940 : i32
        scf.yield %sub3A_931, %add3A_941, %while3A_928 : i32, i32, i32
      }
      %mul3A_827 = arith.constant 16 : i32
      %mul3A_828 = arith.muli %while3A_826#0, %mul3A_827 : i32
      %get3A_829 = arith.index_cast %mul3A_828 : i32 to index
      %get3A_830 = tpu.vector_load %arg7[%get3A_829] {strides = array<i32>} : memref<2064xi32, #tpu.memory_space<vmem>>, vector<16xi32>,
      %broadcast_in_dim3A_831 = arith.constant true
      %broadcast_in_dim3A_832 = vector.broadcast %broadcast_in_dim3A_831 : i1 to vector<16xi1>
      %masked_cumsum3A_833 = tpu.scan <sum>, %get3A_830 masked %broadcast_in_dim3A_832 : vector<16xi32>, vector<16xi1> -> vector<16xi32>
      %slice3A_834 = vector.extract_strided_slice %masked_cumsum3A_833 {offsets = [15], sizes = [1], strides = [1]} : vector<16xi32> to vector<1xi32>
      %squeeze3A_835 = vector.extract %slice3A_834[0] : i32 from vector<1xi32>
      %add3A_836 = arith.addi %while3A_826#2, %squeeze3A_835 : i32
      %sub3A_837 = arith.subi %get3A_830, %masked_cumsum3A_833 : vector<16xi32>
      %add3A_838 = vector.broadcast %add3A_836 : i32 to vector<16xi32>
      %add3A_839 = arith.addi %add3A_838, %sub3A_837 : vector<16xi32>
      %ge3A_840 = arith.constant 32 : i32
      %ge3A_841 = vector.broadcast %ge3A_840 : i32 to vector<16xi32>
      %ge3A_842 = arith.cmpi sge, %add3A_839, %ge3A_841 : vector<16xi32>
      %select_n3A_843 = arith.select %ge3A_842, %iota3A, %broadcast_in_dim3A_9 : vector<16xi1>, vector<16xi32>
      %broadcast_in_dim3A_844 = arith.constant true
      %broadcast_in_dim3A_845 = vector.broadcast %broadcast_in_dim3A_844 : i1 to vector<16xi1>
      %masked_cummax3A_846 = arith.constant -2147483648 : i32
      %masked_cummax3A_847 = vector.broadcast %masked_cummax3A_846 : i32 to vector<16xi32>
      %masked_cummax3A_848 = arith.xori %select_n3A_843, %masked_cummax3A_847 : vector<16xi32>
      %masked_cummax3A_849 = tpu.scan <max>, %masked_cummax3A_848 masked %broadcast_in_dim3A_845 : vector<16xi32>, vector<16xi1> -> vector<16xi32>
      %masked_cummax3A_850 = arith.xori %masked_cummax3A_849, %masked_cummax3A_847 : vector<16xi32>
      %slice3A_851 = vector.extract_strided_slice %masked_cummax3A_850 {offsets = [15], sizes = [1], strides = [1]} : vector<16xi32> to vector<1xi32>
      %squeeze3A_852 = vector.extract %slice3A_851[0] : i32 from vector<1xi32>
      %mul3A_853 = arith.constant 16 : i32
      %mul3A_854 = arith.muli %while3A_826#0, %mul3A_853 : i32
      %add3A_855 = arith.addi %mul3A_854, %squeeze3A_852 : i32
      %eq3A_856 = vector.broadcast %squeeze3A_852 : i32 to vector<16xi32>
      %eq3A_857 = arith.cmpi eq, %iota3A, %eq3A_856 : vector<16xi32>
      %select_n3A_858 = arith.select %eq3A_857, %masked_cumsum3A_833, %broadcast_in_dim3A_7 : vector<16xi1>, vector<16xi32>
      %add3A_859 = arith.addi %while3A_826#2, %squeeze3A_835 : i32
      %broadcast_in_dim3A_860 = arith.constant true
      %broadcast_in_dim3A_861 = vector.broadcast %broadcast_in_dim3A_860 : i1 to vector<16xi1>
      %masked_cumsum3A_862 = tpu.scan <sum>, %select_n3A_858 masked %broadcast_in_dim3A_861 : vector<16xi32>, vector<16xi1> -> vector<16xi32>
      %slice3A_863 = vector.extract_strided_slice %masked_cumsum3A_862 {offsets = [15], sizes = [1], strides = [1]} : vector<16xi32> to vector<1xi32>
      %squeeze3A_864 = vector.extract %slice3A_863[0] : i32 from vector<1xi32>
      %sub3A_865 = arith.subi %add3A_859, %squeeze3A_864 : i32
      %shift_left3A_866 = arith.constant 8 : i32
      %shift_left3A_867 = arith.shli %or3A_808, %shift_left3A_866 : i32
      %or3A_868 = arith.ori %shift_left3A_867, %add3A_855 : i32
      %sub3A_869 = arith.constant 32 : i32
      %sub3A_870 = arith.subi %sub3A_869, %sub3A_865 : i32
      %while3A_871 = arith.constant 0 : i32
      %while3A_872 = arith.subi %select_n3A_629, %while3A_871 : i32
      %while3A_873 = arith.addi %while3A_871, %while3A_872 : i32
      %while3A_874 = arith.constant 1 : i32
      %while3A_875 = arith.divsi %while3A_872, %while3A_874 : i32
      %while3A_876 = arith.muli %while3A_875, %while3A_874 : i32
      %while3A_877 = arith.addi %while3A_871, %while3A_876 : i32
      %while3A_878 = arith.constant 1 : i32
      %while3A_879:2 = scf.for %while3A_927 = %while3A_871 to %while3A_877 step %while3A_878 iter_args(%while3A_928 = %broadcast_in_dim3A_7, %while3A_929 = %broadcast_in_dim3A_7) -> (vector<16xi32>, vector<16xi32>)  : i32 {
        %mul3A_930 = arith.constant 16 : i32
        %mul3A_931 = arith.muli %while3A_927, %mul3A_930 : i32
        %get3A_932 = arith.index_cast %mul3A_931 : i32 to index
        %get3A_933 = tpu.vector_load %arg9[%get3A_932] {strides = array<i32>} : memref<10016xi32, #tpu.memory_space<vmem>>, vector<16xi32>,
        %mul3A_934 = arith.constant 16 : i32
        %mul3A_935 = arith.muli %while3A_927, %mul3A_934 : i32
        %get3A_936 = arith.index_cast %mul3A_935 : i32 to index
        %get3A_937 = tpu.vector_load %arg10[%get3A_936] {strides = array<i32>} : memref<10016xi32, #tpu.memory_space<vmem>>, vector<16xi32>,
        %mul3A_938 = arith.constant 16 : i32
        %mul3A_939 = arith.muli %while3A_927, %mul3A_938 : i32
        %add3A_940 = vector.broadcast %mul3A_939 : i32 to vector<16xi32>
        %add3A_941 = arith.addi %iota3A, %add3A_940 : vector<16xi32>
        %lt3A_942 = vector.broadcast %while3A_606 : i32 to vector<16xi32>
        %lt3A_943 = arith.cmpi slt, %add3A_941, %lt3A_942 : vector<16xi32>
        %gt3A_944 = vector.broadcast %or3A_868 : i32 to vector<16xi32>
        %gt3A_945 = arith.cmpi sgt, %get3A_933, %gt3A_944 : vector<16xi32>
        %and3A_946 = arith.andi %lt3A_943, %gt3A_945 : vector<16xi1>
        %eq3A_947 = vector.broadcast %or3A_868 : i32 to vector<16xi32>
        %eq3A_948 = arith.cmpi eq, %get3A_933, %eq3A_947 : vector<16xi32>
        %and3A_949 = arith.andi %lt3A_943, %eq3A_948 : vector<16xi1>
        %jit3A_950 = arith.constant 1 : i32
        %jit3A_951 = arith.constant 0 : i32
        %broadcast_in_dim3A_952 = vector.broadcast %jit3A_950 : i32 to vector<16xi32>
        %broadcast_in_dim3A_953 = vector.broadcast %jit3A_951 : i32 to vector<16xi32>
        %select_n3A_954 = arith.select %and3A_946, %broadcast_in_dim3A_952, %broadcast_in_dim3A_953 : vector<16xi1>, vector<16xi32>
        %jit3A_955 = arith.constant 1 : i32
        %jit3A_956 = arith.constant 0 : i32
        %broadcast_in_dim3A_957 = vector.broadcast %jit3A_955 : i32 to vector<16xi32>
        %broadcast_in_dim3A_958 = vector.broadcast %jit3A_956 : i32 to vector<16xi32>
        %select_n3A_959 = arith.select %and3A_949, %broadcast_in_dim3A_957, %broadcast_in_dim3A_958 : vector<16xi1>, vector<16xi32>
        %broadcast_in_dim3A_960 = arith.constant true
        %broadcast_in_dim3A_961 = vector.broadcast %broadcast_in_dim3A_960 : i1 to vector<16xi1>
        %masked_cumsum3A_962 = tpu.scan <sum>, %select_n3A_954 masked %broadcast_in_dim3A_961 : vector<16xi32>, vector<16xi1> -> vector<16xi32>
        %add3A_963 = arith.addi %while3A_928, %masked_cumsum3A_962 : vector<16xi32>
        %sub3A_964 = arith.subi %add3A_963, %select_n3A_954 : vector<16xi32>
        %broadcast_in_dim3A_965 = arith.constant true
        %broadcast_in_dim3A_966 = vector.broadcast %broadcast_in_dim3A_965 : i1 to vector<16xi1>
        %masked_cumsum3A_967 = tpu.scan <sum>, %select_n3A_959 masked %broadcast_in_dim3A_966 : vector<16xi32>, vector<16xi1> -> vector<16xi32>
        %add3A_968 = arith.addi %while3A_929, %masked_cumsum3A_967 : vector<16xi32>
        %sub3A_969 = arith.subi %add3A_968, %select_n3A_959 : vector<16xi32>
        tpu.vector_store_idx %arg12[%sub3A_964], %get3A_937 masked %and3A_946 : memref<48xi32, #tpu.memory_space<vmem>>[vector<16xi32>], vector<16xi32>, vector<16xi1>
        tpu.vector_store_idx %arg11[%sub3A_969], %get3A_937 masked %and3A_949 : memref<10016xi32, #tpu.memory_space<vmem>>[vector<16xi32>], vector<16xi32>, vector<16xi1>
        %all_reduce_population_count3A = tpu.all_reduce %and3A_946 {dim = 0 : i64, kind = #tpu.reduction_kind<sum>} : vector<16xi1> -> vector<16xi32>
        %add3A_970 = arith.addi %while3A_928, %all_reduce_population_count3A : vector<16xi32>
        %all_reduce_population_count3A_971 = tpu.all_reduce %and3A_949 {dim = 0 : i64, kind = #tpu.reduction_kind<sum>} : vector<16xi1> -> vector<16xi32>
        %add3A_972 = arith.addi %while3A_929, %all_reduce_population_count3A_971 : vector<16xi32>
        scf.yield %add3A_970, %add3A_972 : vector<16xi32>, vector<16xi32>
      }
      %while3A_880 = arith.constant 1 : i32
      %while3A_881:2 = scf.for %while3A_927 = %while3A_877 to %while3A_873 step %while3A_880 iter_args(%while3A_928 = %while3A_879#0, %while3A_929 = %while3A_879#1) -> (vector<16xi32>, vector<16xi32>)  : i32 {
        %mul3A_930 = arith.constant 16 : i32
        %mul3A_931 = arith.muli %while3A_927, %mul3A_930 : i32
        %get3A_932 = arith.index_cast %mul3A_931 : i32 to index
        %get3A_933 = tpu.vector_load %arg9[%get3A_932] {strides = array<i32>} : memref<10016xi32, #tpu.memory_space<vmem>>, vector<16xi32>,
        %mul3A_934 = arith.constant 16 : i32
        %mul3A_935 = arith.muli %while3A_927, %mul3A_934 : i32
        %get3A_936 = arith.index_cast %mul3A_935 : i32 to index
        %get3A_937 = tpu.vector_load %arg10[%get3A_936] {strides = array<i32>} : memref<10016xi32, #tpu.memory_space<vmem>>, vector<16xi32>,
        %mul3A_938 = arith.constant 16 : i32
        %mul3A_939 = arith.muli %while3A_927, %mul3A_938 : i32
        %add3A_940 = vector.broadcast %mul3A_939 : i32 to vector<16xi32>
        %add3A_941 = arith.addi %iota3A, %add3A_940 : vector<16xi32>
        %lt3A_942 = vector.broadcast %while3A_606 : i32 to vector<16xi32>
        %lt3A_943 = arith.cmpi slt, %add3A_941, %lt3A_942 : vector<16xi32>
        %gt3A_944 = vector.broadcast %or3A_868 : i32 to vector<16xi32>
        %gt3A_945 = arith.cmpi sgt, %get3A_933, %gt3A_944 : vector<16xi32>
        %and3A_946 = arith.andi %lt3A_943, %gt3A_945 : vector<16xi1>
        %eq3A_947 = vector.broadcast %or3A_868 : i32 to vector<16xi32>
        %eq3A_948 = arith.cmpi eq, %get3A_933, %eq3A_947 : vector<16xi32>
        %and3A_949 = arith.andi %lt3A_943, %eq3A_948 : vector<16xi1>
        %jit3A_950 = arith.constant 1 : i32
        %jit3A_951 = arith.constant 0 : i32
        %broadcast_in_dim3A_952 = vector.broadcast %jit3A_950 : i32 to vector<16xi32>
        %broadcast_in_dim3A_953 = vector.broadcast %jit3A_951 : i32 to vector<16xi32>
        %select_n3A_954 = arith.select %and3A_946, %broadcast_in_dim3A_952, %broadcast_in_dim3A_953 : vector<16xi1>, vector<16xi32>
        %jit3A_955 = arith.constant 1 : i32
        %jit3A_956 = arith.constant 0 : i32
        %broadcast_in_dim3A_957 = vector.broadcast %jit3A_955 : i32 to vector<16xi32>
        %broadcast_in_dim3A_958 = vector.broadcast %jit3A_956 : i32 to vector<16xi32>
        %select_n3A_959 = arith.select %and3A_949, %broadcast_in_dim3A_957, %broadcast_in_dim3A_958 : vector<16xi1>, vector<16xi32>
        %broadcast_in_dim3A_960 = arith.constant true
        %broadcast_in_dim3A_961 = vector.broadcast %broadcast_in_dim3A_960 : i1 to vector<16xi1>
        %masked_cumsum3A_962 = tpu.scan <sum>, %select_n3A_954 masked %broadcast_in_dim3A_961 : vector<16xi32>, vector<16xi1> -> vector<16xi32>
        %add3A_963 = arith.addi %while3A_928, %masked_cumsum3A_962 : vector<16xi32>
        %sub3A_964 = arith.subi %add3A_963, %select_n3A_954 : vector<16xi32>
        %broadcast_in_dim3A_965 = arith.constant true
        %broadcast_in_dim3A_966 = vector.broadcast %broadcast_in_dim3A_965 : i1 to vector<16xi1>
        %masked_cumsum3A_967 = tpu.scan <sum>, %select_n3A_959 masked %broadcast_in_dim3A_966 : vector<16xi32>, vector<16xi1> -> vector<16xi32>
        %add3A_968 = arith.addi %while3A_929, %masked_cumsum3A_967 : vector<16xi32>
        %sub3A_969 = arith.subi %add3A_968, %select_n3A_959 : vector<16xi32>
        tpu.vector_store_idx %arg12[%sub3A_964], %get3A_937 masked %and3A_946 : memref<48xi32, #tpu.memory_space<vmem>>[vector<16xi32>], vector<16xi32>, vector<16xi1>
        tpu.vector_store_idx %arg11[%sub3A_969], %get3A_937 masked %and3A_949 : memref<10016xi32, #tpu.memory_space<vmem>>[vector<16xi32>], vector<16xi32>, vector<16xi1>
        %all_reduce_population_count3A = tpu.all_reduce %and3A_946 {dim = 0 : i64, kind = #tpu.reduction_kind<sum>} : vector<16xi1> -> vector<16xi32>
        %add3A_970 = arith.addi %while3A_928, %all_reduce_population_count3A : vector<16xi32>
        %all_reduce_population_count3A_971 = tpu.all_reduce %and3A_949 {dim = 0 : i64, kind = #tpu.reduction_kind<sum>} : vector<16xi1> -> vector<16xi32>
        %add3A_972 = arith.addi %while3A_929, %all_reduce_population_count3A_971 : vector<16xi32>
        scf.yield %add3A_970, %add3A_972 : vector<16xi32>, vector<16xi32>
      }
      %get3A_882 = arith.constant 0 : index
      %get3A_883 = tpu.vector_load %arg11[%get3A_882] {strides = array<i32>} : memref<10016xi32, #tpu.memory_space<vmem>>, vector<16xi32>,
      %min3A_884 = arith.constant 16 : i32
      %min3A_885 = arith.minsi %sub3A_870, %min3A_884 : i32
      %lt3A_886 = vector.broadcast %min3A_885 : i32 to vector<16xi32>
      %lt3A_887 = arith.cmpi slt, %iota3A, %lt3A_886 : vector<16xi32>
      %swap3A_888 = arith.index_cast %sub3A_865 : i32 to index
      %swap3A_889 = tpu.vector_load %arg12[%swap3A_888] masked %lt3A_887 {strides = array<i32>} : memref<48xi32, #tpu.memory_space<vmem>>, vector<16xi32>, vector<16xi1>
      tpu.vector_store %arg12[%swap3A_888], %get3A_883 masked %lt3A_887 {strides = array<i32>} : memref<48xi32, #tpu.memory_space<vmem>>, vector<16xi32>, vector<16xi1>
      %get3A_890 = arith.constant 16 : index
      %get3A_891 = tpu.vector_load %arg11[%get3A_890] {strides = array<i32>} : memref<10016xi32, #tpu.memory_space<vmem>>, vector<16xi32>,
      %min3A_892 = arith.constant 16 : i32
      %min3A_893 = arith.minsi %sub3A_870, %min3A_892 : i32
      %add3A_894 = arith.addi %sub3A_865, %min3A_893 : i32
      %sub3A_895 = arith.constant 16 : i32
      %sub3A_896 = arith.subi %sub3A_870, %sub3A_895 : i32
      %lt3A_897 = vector.broadcast %sub3A_896 : i32 to vector<16xi32>
      %lt3A_898 = arith.cmpi slt, %iota3A, %lt3A_897 : vector<16xi32>
      %swap3A_899 = arith.index_cast %add3A_894 : i32 to index
      %swap3A_900 = tpu.vector_load %arg12[%swap3A_899] masked %lt3A_898 {strides = array<i32>} : memref<48xi32, #tpu.memory_space<vmem>>, vector<16xi32>, vector<16xi1>
      tpu.vector_store %arg12[%swap3A_899], %get3A_891 masked %lt3A_898 {strides = array<i32>} : memref<48xi32, #tpu.memory_space<vmem>>, vector<16xi32>, vector<16xi1>
      %get3A_901 = arith.constant 0 : index
      %get3A_902 = tpu.vector_load %arg12[%get3A_901] {strides = array<i32>} : memref<48xi32, #tpu.memory_space<vmem>>, vector<16xi32>,
      %swap3A_903 = arith.index_cast %and3A_173 : i32 to index
      %swap3A_904 = arith.constant 0 : index
      %swap3A_905 = tpu.vector_load %arg13[%swap3A_903, %swap3A_904] {strides = array<i32>} : memref<2x32xi32, #tpu.memory_space<vmem>>, vector<16xi32>,
      tpu.vector_store %arg13[%swap3A_903, %swap3A_904], %get3A_902 {strides = array<i32>} : memref<2x32xi32, #tpu.memory_space<vmem>>, vector<16xi32>,
      %get3A_906 = arith.constant 16 : index
      %get3A_907 = tpu.vector_load %arg12[%get3A_906] {strides = array<i32>} : memref<48xi32, #tpu.memory_space<vmem>>, vector<16xi32>,
      %swap3A_908 = arith.index_cast %and3A_173 : i32 to index
      %swap3A_909 = arith.constant 16 : index
      %swap3A_910 = tpu.vector_load %arg13[%swap3A_908, %swap3A_909] {strides = array<i32>} : memref<2x32xi32, #tpu.memory_space<vmem>>, vector<16xi32>,
      tpu.vector_store %arg13[%swap3A_908, %swap3A_909], %get3A_907 {strides = array<i32>} : memref<2x32xi32, #tpu.memory_space<vmem>>, vector<16xi32>,
      %dma_start3A_911 = arith.constant 0 : i32
      %dma_start3A_912 = arith.constant 0 : i32
      %dma_start3A_913 = tpu.memref_slice %arg14[%and3A_173, %dma_start3A_911, %dma_start3A_912] : memref<2x32x128xf32, #tpu.memory_space<vmem>> -> memref<1x32x128xf32, #tpu.memory_space<vmem>>
      %dma_start3A_914 = tpu.memref_squeeze %dma_start3A_913 : memref<1x32x128xf32, #tpu.memory_space<vmem>> -> memref<32x128xf32, #tpu.memory_space<vmem>>
      %dma_start3A_915 = arith.constant 0 : i32
      %dma_start3A_916 = tpu.memref_slice %arg13[%and3A_173, %dma_start3A_915] : memref<2x32xi32, #tpu.memory_space<vmem>> -> memref<1x32xi32, #tpu.memory_space<vmem>>
      %dma_start3A_917 = tpu.memref_squeeze %dma_start3A_916 : memref<1x32xi32, #tpu.memory_space<vmem>> -> memref<32xi32, #tpu.memory_space<vmem>>
      %dma_start3A_918 = arith.constant 0 : i32
      %dma_start3A_919 = arith.constant 0 : i32
      %dma_start3A_920 = tpu.memref_slice %arg3[%dma_start3A_918, %dma_start3A_919] : memref<10000x128xf32, #tpu.memory_space<hbm>> -> memref<10000x128xf32, #tpu.memory_space<hbm>>
      %dma_start3A_921 = tpu.memref_slice %arg16[%and3A_173] : memref<2x!tpu.dma_semaphore, #tpu.memory_space<semaphore_mem>> -> memref<1x!tpu.dma_semaphore, #tpu.memory_space<semaphore_mem>>
      %dma_start3A_922 = tpu.memref_squeeze %dma_start3A_921 : memref<1x!tpu.dma_semaphore, #tpu.memory_space<semaphore_mem>> -> memref<!tpu.dma_semaphore, #tpu.memory_space<semaphore_mem>>
      tpu.enqueue_indirect_dma source(%dma_start3A_920 : memref<10000x128xf32, #tpu.memory_space<hbm>>) target(%dma_start3A_914 : memref<32x128xf32, #tpu.memory_space<vmem>>) offsets(%dma_start3A_917 : memref<32xi32, #tpu.memory_space<vmem>>) semaphore(%dma_start3A_922 : memref<!tpu.dma_semaphore, #tpu.memory_space<semaphore_mem>>)
      %gt3A = arith.constant 0 : i32
      %gt3A_923 = arith.cmpi sgt, %while3A_170, %gt3A : i32
      %convert_element_type3A_924 = arith.extui %gt3A_923 : i1 to i32
      %cond3A_925 = arith.constant 0 : i32
      %cond3A_926 = arith.cmpi ne, %convert_element_type3A_924, %cond3A_925 : i32
      scf.if %cond3A_926 {
        %sub3A_927 = arith.constant 1 : i32
        %sub3A_928 = arith.subi %while3A_170, %sub3A_927 : i32
        %and3A_929 = arith.constant 1 : i32
        %and3A_930 = arith.andi %sub3A_928, %and3A_929 : i32
        %dma_wait3A_931 = arith.constant 0 : i32
        %dma_wait3A_932 = arith.constant 0 : i32
        %dma_wait3A_933 = tpu.memref_slice %arg14[%and3A_930, %dma_wait3A_931, %dma_wait3A_932] : memref<2x32x128xf32, #tpu.memory_space<vmem>> -> memref<1x32x128xf32, #tpu.memory_space<vmem>>
        %dma_wait3A_934 = tpu.memref_squeeze %dma_wait3A_933 : memref<1x32x128xf32, #tpu.memory_space<vmem>> -> memref<32x128xf32, #tpu.memory_space<vmem>>
        %dma_wait3A_935 = arith.constant 0 : i32
        %dma_wait3A_936 = tpu.memref_slice %arg13[%and3A_930, %dma_wait3A_935] : memref<2x32xi32, #tpu.memory_space<vmem>> -> memref<1x32xi32, #tpu.memory_space<vmem>>
        %dma_wait3A_937 = tpu.memref_squeeze %dma_wait3A_936 : memref<1x32xi32, #tpu.memory_space<vmem>> -> memref<32xi32, #tpu.memory_space<vmem>>
        %dma_wait3A_938 = arith.constant 0 : i32
        %dma_wait3A_939 = arith.constant 0 : i32
        %dma_wait3A_940 = tpu.memref_slice %arg3[%dma_wait3A_938, %dma_wait3A_939] : memref<10000x128xf32, #tpu.memory_space<hbm>> -> memref<10000x128xf32, #tpu.memory_space<hbm>>
        %dma_wait3A_941 = tpu.memref_slice %arg16[%and3A_930] : memref<2x!tpu.dma_semaphore, #tpu.memory_space<semaphore_mem>> -> memref<1x!tpu.dma_semaphore, #tpu.memory_space<semaphore_mem>>
        %dma_wait3A_942 = tpu.memref_squeeze %dma_wait3A_941 : memref<1x!tpu.dma_semaphore, #tpu.memory_space<semaphore_mem>> -> memref<!tpu.dma_semaphore, #tpu.memory_space<semaphore_mem>>
        tpu.wait_indirect_dma semaphore(%dma_wait3A_942 : memref<!tpu.dma_semaphore, #tpu.memory_space<semaphore_mem>>) src(%dma_wait3A_940 : memref<10000x128xf32, #tpu.memory_space<hbm>>) dst(%dma_wait3A_934 : memref<32x128xf32, #tpu.memory_space<vmem>>)
        %ge3A_943 = arith.constant 2 : i32
        %ge3A_944 = arith.cmpi sge, %sub3A_928, %ge3A_943 : i32
        %convert_element_type3A_945 = arith.extui %ge3A_944 : i1 to i32
        %cond3A_946 = arith.constant 0 : i32
        %cond3A_947 = arith.cmpi ne, %convert_element_type3A_945, %cond3A_946 : i32
        scf.if %cond3A_947 {
          %add3A_1009 = arith.addi %mul3A_2, %sub3A_928 : i32
          %sub3A_1010 = arith.constant 2 : i32
          %sub3A_1011 = arith.subi %add3A_1009, %sub3A_1010 : i32
          %dma_wait3A_1012 = arith.constant 0 : i32
          %dma_wait3A_1013 = tpu.memref_slice %arg15[%and3A_930, %dma_wait3A_1012] : memref<2x128xf32, #tpu.memory_space<vmem>> -> memref<1x128xf32, #tpu.memory_space<vmem>>
          %dma_wait3A_1014 = tpu.memref_squeeze %dma_wait3A_1013 : memref<1x128xf32, #tpu.memory_space<vmem>> -> memref<128xf32, #tpu.memory_space<vmem>>
          %dma_wait3A_1015 = arith.constant 0 : i32
          %dma_wait3A_1016 = tpu.memref_slice %arg4[%sub3A_1011, %dma_wait3A_1015] : memref<10000x128xf32, #tpu.memory_space<hbm>> -> memref<1x128xf32, #tpu.memory_space<hbm>>
          %dma_wait3A_1017 = tpu.memref_squeeze %dma_wait3A_1016 : memref<1x128xf32, #tpu.memory_space<hbm>> -> memref<128xf32, #tpu.memory_space<hbm>>
          %dma_wait3A_1018 = tpu.memref_slice %arg18[%and3A_930] : memref<2x!tpu.dma_semaphore, #tpu.memory_space<semaphore_mem>> -> memref<1x!tpu.dma_semaphore, #tpu.memory_space<semaphore_mem>>
          %dma_wait3A_1019 = tpu.memref_squeeze %dma_wait3A_1018 : memref<1x!tpu.dma_semaphore, #tpu.memory_space<semaphore_mem>> -> memref<!tpu.dma_semaphore, #tpu.memory_space<semaphore_mem>>
          %dma_wait3A_1020 = arith.constant 0 : i32
          %dma_wait3A_1021 = tpu.memref_slice %arg4[%sub3A_1011, %dma_wait3A_1020] : memref<10000x128xf32, #tpu.memory_space<hbm>> -> memref<1x128xf32, #tpu.memory_space<hbm>>
          %dma_wait3A_1022 = tpu.memref_squeeze %dma_wait3A_1021 : memref<1x128xf32, #tpu.memory_space<hbm>> -> memref<128xf32, #tpu.memory_space<hbm>>
          %dma_wait3A_1023 = arith.constant 0 : i32
          %dma_wait3A_1024 = tpu.memref_slice %arg15[%and3A_930, %dma_wait3A_1023] : memref<2x128xf32, #tpu.memory_space<vmem>> -> memref<1x128xf32, #tpu.memory_space<vmem>>
          %dma_wait3A_1025 = tpu.memref_squeeze %dma_wait3A_1024 : memref<1x128xf32, #tpu.memory_space<vmem>> -> memref<128xf32, #tpu.memory_space<vmem>>
          tpu.wait_dma2 semaphore(%dma_wait3A_1019 : memref<!tpu.dma_semaphore, #tpu.memory_space<semaphore_mem>>) src(%dma_wait3A_1025 : memref<128xf32, #tpu.memory_space<vmem>>) dst(%dma_wait3A_1022 : memref<128xf32, #tpu.memory_space<hbm>>)
        } else {
        }
        %broadcast_in_dim3A_948 = arith.constant 0xFF800000 : f32
        %broadcast_in_dim3A_949 = vector.broadcast %broadcast_in_dim3A_948 : f32 to vector<16xf32>
        %broadcast_in_dim3A_950 = arith.constant 0xFF800000 : f32
        %broadcast_in_dim3A_951 = vector.broadcast %broadcast_in_dim3A_950 : f32 to vector<16xf32>
        %broadcast_in_dim3A_952 = arith.constant 0xFF800000 : f32
        %broadcast_in_dim3A_953 = vector.broadcast %broadcast_in_dim3A_952 : f32 to vector<16xf32>
        %broadcast_in_dim3A_954 = arith.constant 0xFF800000 : f32
        %broadcast_in_dim3A_955 = vector.broadcast %broadcast_in_dim3A_954 : f32 to vector<16xf32>
        %broadcast_in_dim3A_956 = arith.constant 0xFF800000 : f32
        %broadcast_in_dim3A_957 = vector.broadcast %broadcast_in_dim3A_956 : f32 to vector<16xf32>
        %broadcast_in_dim3A_958 = arith.constant 0xFF800000 : f32
        %broadcast_in_dim3A_959 = vector.broadcast %broadcast_in_dim3A_958 : f32 to vector<16xf32>
        %broadcast_in_dim3A_960 = arith.constant 0xFF800000 : f32
        %broadcast_in_dim3A_961 = vector.broadcast %broadcast_in_dim3A_960 : f32 to vector<16xf32>
        %broadcast_in_dim3A_962 = arith.constant 0xFF800000 : f32
        %broadcast_in_dim3A_963 = vector.broadcast %broadcast_in_dim3A_962 : f32 to vector<16xf32>
        %scan3A_964 = arith.constant 0 : i32
        %scan3A_965 = arith.constant 32 : i32
        %scan3A_966 = arith.addi %scan3A_964, %scan3A_965 : i32
        %scan3A_967 = arith.constant 1 : i32
        %scan3A_968:8 = scf.for %scan3A_1009 = %scan3A_964 to %scan3A_966 step %scan3A_967 iter_args(%scan3A_1010 = %broadcast_in_dim3A_949, %scan3A_1011 = %broadcast_in_dim3A_951, %scan3A_1012 = %broadcast_in_dim3A_953, %scan3A_1013 = %broadcast_in_dim3A_955, %scan3A_1014 = %broadcast_in_dim3A_957, %scan3A_1015 = %broadcast_in_dim3A_959, %scan3A_1016 = %broadcast_in_dim3A_961, %scan3A_1017 = %broadcast_in_dim3A_963) -> (vector<16xf32>, vector<16xf32>, vector<16xf32>, vector<16xf32>, vector<16xf32>, vector<16xf32>, vector<16xf32>, vector<16xf32>)  : i32 {
          %get3A_1018 = arith.index_cast %and3A_930 : i32 to index
          %get3A_1019 = arith.index_cast %scan3A_1009 : i32 to index
          %get3A_1020 = arith.constant 0 : index
          %get3A_1021 = tpu.vector_load %arg14[%get3A_1018, %get3A_1019, %get3A_1020] {strides = array<i32>} : memref<2x32x128xf32, #tpu.memory_space<vmem>>, vector<16xf32>,
          %max3A_1022 = arith.maximumf %scan3A_1010, %get3A_1021 : vector<16xf32>
          %get3A_1023 = arith.index_cast %and3A_930 : i32 to index
          %get3A_1024 = arith.index_cast %scan3A_1009 : i32 to index
          %get3A_1025 = arith.constant 16 : index
          %get3A_1026 = tpu.vector_load %arg14[%get3A_1023, %get3A_1024, %get3A_1025] {strides = array<i32>} : memref<2x32x128xf32, #tpu.memory_space<vmem>>, vector<16xf32>,
          %max3A_1027 = arith.maximumf %scan3A_1011, %get3A_1026 : vector<16xf32>
          %get3A_1028 = arith.index_cast %and3A_930 : i32 to index
          %get3A_1029 = arith.index_cast %scan3A_1009 : i32 to index
          %get3A_1030 = arith.constant 32 : index
          %get3A_1031 = tpu.vector_load %arg14[%get3A_1028, %get3A_1029, %get3A_1030] {strides = array<i32>} : memref<2x32x128xf32, #tpu.memory_space<vmem>>, vector<16xf32>,
          %max3A_1032 = arith.maximumf %scan3A_1012, %get3A_1031 : vector<16xf32>
          %get3A_1033 = arith.index_cast %and3A_930 : i32 to index
          %get3A_1034 = arith.index_cast %scan3A_1009 : i32 to index
          %get3A_1035 = arith.constant 48 : index
          %get3A_1036 = tpu.vector_load %arg14[%get3A_1033, %get3A_1034, %get3A_1035] {strides = array<i32>} : memref<2x32x128xf32, #tpu.memory_space<vmem>>, vector<16xf32>,
          %max3A_1037 = arith.maximumf %scan3A_1013, %get3A_1036 : vector<16xf32>
          %get3A_1038 = arith.index_cast %and3A_930 : i32 to index
          %get3A_1039 = arith.index_cast %scan3A_1009 : i32 to index
          %get3A_1040 = arith.constant 64 : index
          %get3A_1041 = tpu.vector_load %arg14[%get3A_1038, %get3A_1039, %get3A_1040] {strides = array<i32>} : memref<2x32x128xf32, #tpu.memory_space<vmem>>, vector<16xf32>,
          %max3A_1042 = arith.maximumf %scan3A_1014, %get3A_1041 : vector<16xf32>
          %get3A_1043 = arith.index_cast %and3A_930 : i32 to index
          %get3A_1044 = arith.index_cast %scan3A_1009 : i32 to index
          %get3A_1045 = arith.constant 80 : index
          %get3A_1046 = tpu.vector_load %arg14[%get3A_1043, %get3A_1044, %get3A_1045] {strides = array<i32>} : memref<2x32x128xf32, #tpu.memory_space<vmem>>, vector<16xf32>,
          %max3A_1047 = arith.maximumf %scan3A_1015, %get3A_1046 : vector<16xf32>
          %get3A_1048 = arith.index_cast %and3A_930 : i32 to index
          %get3A_1049 = arith.index_cast %scan3A_1009 : i32 to index
          %get3A_1050 = arith.constant 96 : index
          %get3A_1051 = tpu.vector_load %arg14[%get3A_1048, %get3A_1049, %get3A_1050] {strides = array<i32>} : memref<2x32x128xf32, #tpu.memory_space<vmem>>, vector<16xf32>,
          %max3A_1052 = arith.maximumf %scan3A_1016, %get3A_1051 : vector<16xf32>
          %get3A_1053 = arith.index_cast %and3A_930 : i32 to index
          %get3A_1054 = arith.index_cast %scan3A_1009 : i32 to index
          %get3A_1055 = arith.constant 112 : index
          %get3A_1056 = tpu.vector_load %arg14[%get3A_1053, %get3A_1054, %get3A_1055] {strides = array<i32>} : memref<2x32x128xf32, #tpu.memory_space<vmem>>, vector<16xf32>,
          %max3A_1057 = arith.maximumf %scan3A_1017, %get3A_1056 : vector<16xf32>
          scf.yield %max3A_1022, %max3A_1027, %max3A_1032, %max3A_1037, %max3A_1042, %max3A_1047, %max3A_1052, %max3A_1057 : vector<16xf32>, vector<16xf32>, vector<16xf32>, vector<16xf32>, vector<16xf32>, vector<16xf32>, vector<16xf32>, vector<16xf32>
        }
        %scan3A_969 = arith.constant 32 : i32
        %swap3A_970 = arith.index_cast %and3A_930 : i32 to index
        %swap3A_971 = arith.constant 0 : index
        %swap3A_972 = tpu.vector_load %arg15[%swap3A_970, %swap3A_971] {strides = array<i32>} : memref<2x128xf32, #tpu.memory_space<vmem>>, vector<16xf32>,
        tpu.vector_store %arg15[%swap3A_970, %swap3A_971], %scan3A_968#0 {strides = array<i32>} : memref<2x128xf32, #tpu.memory_space<vmem>>, vector<16xf32>,
        %swap3A_973 = arith.index_cast %and3A_930 : i32 to index
        %swap3A_974 = arith.constant 16 : index
        %swap3A_975 = tpu.vector_load %arg15[%swap3A_973, %swap3A_974] {strides = array<i32>} : memref<2x128xf32, #tpu.memory_space<vmem>>, vector<16xf32>,
        tpu.vector_store %arg15[%swap3A_973, %swap3A_974], %scan3A_968#1 {strides = array<i32>} : memref<2x128xf32, #tpu.memory_space<vmem>>, vector<16xf32>,
        %swap3A_976 = arith.index_cast %and3A_930 : i32 to index
        %swap3A_977 = arith.constant 32 : index
        %swap3A_978 = tpu.vector_load %arg15[%swap3A_976, %swap3A_977] {strides = array<i32>} : memref<2x128xf32, #tpu.memory_space<vmem>>, vector<16xf32>,
        tpu.vector_store %arg15[%swap3A_976, %swap3A_977], %scan3A_968#2 {strides = array<i32>} : memref<2x128xf32, #tpu.memory_space<vmem>>, vector<16xf32>,
        %swap3A_979 = arith.index_cast %and3A_930 : i32 to index
        %swap3A_980 = arith.constant 48 : index
        %swap3A_981 = tpu.vector_load %arg15[%swap3A_979, %swap3A_980] {strides = array<i32>} : memref<2x128xf32, #tpu.memory_space<vmem>>, vector<16xf32>,
        tpu.vector_store %arg15[%swap3A_979, %swap3A_980], %scan3A_968#3 {strides = array<i32>} : memref<2x128xf32, #tpu.memory_space<vmem>>, vector<16xf32>,
        %swap3A_982 = arith.index_cast %and3A_930 : i32 to index
        %swap3A_983 = arith.constant 64 : index
        %swap3A_984 = tpu.vector_load %arg15[%swap3A_982, %swap3A_983] {strides = array<i32>} : memref<2x128xf32, #tpu.memory_space<vmem>>, vector<16xf32>,
        tpu.vector_store %arg15[%swap3A_982, %swap3A_983], %scan3A_968#4 {strides = array<i32>} : memref<2x128xf32, #tpu.memory_space<vmem>>, vector<16xf32>,
        %swap3A_985 = arith.index_cast %and3A_930 : i32 to index
        %swap3A_986 = arith.constant 80 : index
        %swap3A_987 = tpu.vector_load %arg15[%swap3A_985, %swap3A_986] {strides = array<i32>} : memref<2x128xf32, #tpu.memory_space<vmem>>, vector<16xf32>,
        tpu.vector_store %arg15[%swap3A_985, %swap3A_986], %scan3A_968#5 {strides = array<i32>} : memref<2x128xf32, #tpu.memory_space<vmem>>, vector<16xf32>,
        %swap3A_988 = arith.index_cast %and3A_930 : i32 to index
        %swap3A_989 = arith.constant 96 : index
        %swap3A_990 = tpu.vector_load %arg15[%swap3A_988, %swap3A_989] {strides = array<i32>} : memref<2x128xf32, #tpu.memory_space<vmem>>, vector<16xf32>,
        tpu.vector_store %arg15[%swap3A_988, %swap3A_989], %scan3A_968#6 {strides = array<i32>} : memref<2x128xf32, #tpu.memory_space<vmem>>, vector<16xf32>,
        %swap3A_991 = arith.index_cast %and3A_930 : i32 to index
        %swap3A_992 = arith.constant 112 : index
        %swap3A_993 = tpu.vector_load %arg15[%swap3A_991, %swap3A_992] {strides = array<i32>} : memref<2x128xf32, #tpu.memory_space<vmem>>, vector<16xf32>,
        tpu.vector_store %arg15[%swap3A_991, %swap3A_992], %scan3A_968#7 {strides = array<i32>} : memref<2x128xf32, #tpu.memory_space<vmem>>, vector<16xf32>,
        %add3A_994 = arith.addi %mul3A_2, %sub3A_928 : i32
        %dma_start3A_995 = arith.constant 0 : i32
        %dma_start3A_996 = tpu.memref_slice %arg15[%and3A_930, %dma_start3A_995] : memref<2x128xf32, #tpu.memory_space<vmem>> -> memref<1x128xf32, #tpu.memory_space<vmem>>
        %dma_start3A_997 = tpu.memref_squeeze %dma_start3A_996 : memref<1x128xf32, #tpu.memory_space<vmem>> -> memref<128xf32, #tpu.memory_space<vmem>>
        %dma_start3A_998 = arith.constant 0 : i32
        %dma_start3A_999 = tpu.memref_slice %arg4[%add3A_994, %dma_start3A_998] : memref<10000x128xf32, #tpu.memory_space<hbm>> -> memref<1x128xf32, #tpu.memory_space<hbm>>
        %dma_start3A_1000 = tpu.memref_squeeze %dma_start3A_999 : memref<1x128xf32, #tpu.memory_space<hbm>> -> memref<128xf32, #tpu.memory_space<hbm>>
        %dma_start3A_1001 = tpu.memref_slice %arg18[%and3A_930] : memref<2x!tpu.dma_semaphore, #tpu.memory_space<semaphore_mem>> -> memref<1x!tpu.dma_semaphore, #tpu.memory_space<semaphore_mem>>
        %dma_start3A_1002 = tpu.memref_squeeze %dma_start3A_1001 : memref<1x!tpu.dma_semaphore, #tpu.memory_space<semaphore_mem>> -> memref<!tpu.dma_semaphore, #tpu.memory_space<semaphore_mem>>
        %dma_start3A_1003 = arith.constant 0 : i32
        %dma_start3A_1004 = tpu.memref_slice %arg4[%add3A_994, %dma_start3A_1003] : memref<10000x128xf32, #tpu.memory_space<hbm>> -> memref<1x128xf32, #tpu.memory_space<hbm>>
        %dma_start3A_1005 = tpu.memref_squeeze %dma_start3A_1004 : memref<1x128xf32, #tpu.memory_space<hbm>> -> memref<128xf32, #tpu.memory_space<hbm>>
        %dma_start3A_1006 = arith.constant 0 : i32
        %dma_start3A_1007 = tpu.memref_slice %arg15[%and3A_930, %dma_start3A_1006] : memref<2x128xf32, #tpu.memory_space<vmem>> -> memref<1x128xf32, #tpu.memory_space<vmem>>
        %dma_start3A_1008 = tpu.memref_squeeze %dma_start3A_1007 : memref<1x128xf32, #tpu.memory_space<vmem>> -> memref<128xf32, #tpu.memory_space<vmem>>
        tpu.enqueue_dma source(%dma_start3A_1008 : memref<128xf32, #tpu.memory_space<vmem>>) target(%dma_start3A_1005 : memref<128xf32, #tpu.memory_space<hbm>>) target_semaphore(%dma_start3A_1002 : memref<!tpu.dma_semaphore, #tpu.memory_space<semaphore_mem>>)
      } else {
      }
    }
    %while3A_43 = arith.constant 1 : i32
    scf.for %while3A_170 = %while3A_41 to %while3A_37 step %while3A_43  : i32 {
      %add3A_171 = arith.addi %mul3A_2, %while3A_170 : i32
      %and3A_172 = arith.constant 1 : i32
      %and3A_173 = arith.andi %while3A_170, %and3A_172 : i32
      %mul3A_174 = arith.constant 10048 : i32
      %mul3A_175 = arith.muli %and3A_173, %mul3A_174 : i32
      %mul3A_176 = arith.constant 10000 : i32
      %mul3A_177 = arith.muli %add3A_171, %mul3A_176 : i32
      %dma_wait3A_178 = tpu.memref_slice %arg5[%mul3A_175] : memref<20096xf32, #tpu.memory_space<vmem>> -> memref<10000xf32, #tpu.memory_space<vmem>>
      %dma_wait3A_179 = tpu.memref_slice %arg2[%mul3A_177] : memref<100000000xf32, #tpu.memory_space<hbm>> -> memref<10000xf32, #tpu.memory_space<hbm>>
      %dma_wait3A_180 = tpu.memref_slice %arg17[%and3A_173] : memref<2x!tpu.dma_semaphore, #tpu.memory_space<semaphore_mem>> -> memref<1x!tpu.dma_semaphore, #tpu.memory_space<semaphore_mem>>
      %dma_wait3A_181 = tpu.memref_squeeze %dma_wait3A_180 : memref<1x!tpu.dma_semaphore, #tpu.memory_space<semaphore_mem>> -> memref<!tpu.dma_semaphore, #tpu.memory_space<semaphore_mem>>
      %dma_wait3A_182 = tpu.memref_slice %arg5[%mul3A_175] : memref<20096xf32, #tpu.memory_space<vmem>> -> memref<10000xf32, #tpu.memory_space<vmem>>
      %dma_wait3A_183 = tpu.memref_slice %arg2[%mul3A_177] : memref<100000000xf32, #tpu.memory_space<hbm>> -> memref<10000xf32, #tpu.memory_space<hbm>>
      tpu.wait_dma2 semaphore(%dma_wait3A_181 : memref<!tpu.dma_semaphore, #tpu.memory_space<semaphore_mem>>) src(%dma_wait3A_183 : memref<10000xf32, #tpu.memory_space<hbm>>) dst(%dma_wait3A_182 : memref<10000xf32, #tpu.memory_space<vmem>>)
      %add3A_184 = arith.constant 1 : i32
      %add3A_185 = arith.addi %while3A_170, %add3A_184 : i32
      %lt3A = arith.cmpi slt, %add3A_185, %min3A_4 : i32
      %convert_element_type3A_186 = arith.extui %lt3A : i1 to i32
      %cond3A_187 = arith.constant 0 : i32
      %cond3A_188 = arith.cmpi ne, %convert_element_type3A_186, %cond3A_187 : i32
      scf.if %cond3A_188 {
        %add3A_927 = arith.constant 1 : i32
        %add3A_928 = arith.addi %add3A_171, %add3A_927 : i32
        %mul3A_929 = arith.constant 10000 : i32
        %mul3A_930 = arith.muli %add3A_928, %mul3A_929 : i32
        %sub3A_931 = arith.constant 1 : i32
        %sub3A_932 = arith.subi %sub3A_931, %and3A_173 : i32
        %mul3A_933 = arith.constant 10048 : i32
        %mul3A_934 = arith.muli %sub3A_932, %mul3A_933 : i32
        %sub3A_935 = arith.constant 1 : i32
        %sub3A_936 = arith.subi %sub3A_935, %and3A_173 : i32
        %dma_start3A_937 = tpu.memref_slice %arg5[%mul3A_934] : memref<20096xf32, #tpu.memory_space<vmem>> -> memref<10000xf32, #tpu.memory_space<vmem>>
        %dma_start3A_938 = tpu.memref_slice %arg2[%mul3A_930] : memref<100000000xf32, #tpu.memory_space<hbm>> -> memref<10000xf32, #tpu.memory_space<hbm>>
        %dma_start3A_939 = tpu.memref_slice %arg17[%sub3A_936] : memref<2x!tpu.dma_semaphore, #tpu.memory_space<semaphore_mem>> -> memref<1x!tpu.dma_semaphore, #tpu.memory_space<semaphore_mem>>
        %dma_start3A_940 = tpu.memref_squeeze %dma_start3A_939 : memref<1x!tpu.dma_semaphore, #tpu.memory_space<semaphore_mem>> -> memref<!tpu.dma_semaphore, #tpu.memory_space<semaphore_mem>>
        %dma_start3A_941 = tpu.memref_slice %arg5[%mul3A_934] : memref<20096xf32, #tpu.memory_space<vmem>> -> memref<10000xf32, #tpu.memory_space<vmem>>
        %dma_start3A_942 = tpu.memref_slice %arg2[%mul3A_930] : memref<100000000xf32, #tpu.memory_space<hbm>> -> memref<10000xf32, #tpu.memory_space<hbm>>
        tpu.enqueue_dma source(%dma_start3A_942 : memref<10000xf32, #tpu.memory_space<hbm>>) target(%dma_start3A_941 : memref<10000xf32, #tpu.memory_space<vmem>>) target_semaphore(%dma_start3A_940 : memref<!tpu.dma_semaphore, #tpu.memory_space<semaphore_mem>>)
      } else {
      }
      %scan3A_189 = arith.constant 0 : i32
      %scan3A_190 = arith.constant 0 : i32
      %scan3A_191 = arith.constant 152 : i32
      %scan3A_192 = arith.addi %scan3A_190, %scan3A_191 : i32
      %scan3A_193 = arith.constant 8 : i32
      scf.for %scan3A_927 = %scan3A_190 to %scan3A_192 step %scan3A_193  : i32 {
        %mul3A_928 = arith.constant 4 : i32
        %mul3A_929 = arith.muli %scan3A_927, %mul3A_928 : i32
        %mul3A_930 = arith.constant 16 : i32
        %mul3A_931 = arith.muli %mul3A_929, %mul3A_930 : i32
        %add3A_932 = arith.addi %mul3A_175, %mul3A_931 : i32
        %get3A_933 = arith.index_cast %add3A_932 : i32 to index
        %get3A_934 = tpu.vector_load %arg5[%get3A_933] {strides = array<i32>} : memref<20096xf32, #tpu.memory_space<vmem>>, vector<16xf32>,
        %add3A_935 = arith.constant 1 : i32
        %add3A_936 = arith.addi %mul3A_929, %add3A_935 : i32
        %mul3A_937 = arith.constant 16 : i32
        %mul3A_938 = arith.muli %add3A_936, %mul3A_937 : i32
        %add3A_939 = arith.addi %mul3A_175, %mul3A_938 : i32
        %get3A_940 = arith.index_cast %add3A_939 : i32 to index
        %get3A_941 = tpu.vector_load %arg5[%get3A_940] {strides = array<i32>} : memref<20096xf32, #tpu.memory_space<vmem>>, vector<16xf32>,
        %max3A_942 = arith.maximumf %get3A_934, %get3A_941 : vector<16xf32>
        %add3A_943 = arith.constant 2 : i32
        %add3A_944 = arith.addi %mul3A_929, %add3A_943 : i32
        %mul3A_945 = arith.constant 16 : i32
        %mul3A_946 = arith.muli %add3A_944, %mul3A_945 : i32
        %add3A_947 = arith.addi %mul3A_175, %mul3A_946 : i32
        %get3A_948 = arith.index_cast %add3A_947 : i32 to index
        %get3A_949 = tpu.vector_load %arg5[%get3A_948] {strides = array<i32>} : memref<20096xf32, #tpu.memory_space<vmem>>, vector<16xf32>,
        %max3A_950 = arith.maximumf %max3A_942, %get3A_949 : vector<16xf32>
        %add3A_951 = arith.constant 3 : i32
        %add3A_952 = arith.addi %mul3A_929, %add3A_951 : i32
        %mul3A_953 = arith.constant 16 : i32
        %mul3A_954 = arith.muli %add3A_952, %mul3A_953 : i32
        %add3A_955 = arith.addi %mul3A_175, %mul3A_954 : i32
        %get3A_956 = arith.index_cast %add3A_955 : i32 to index
        %get3A_957 = tpu.vector_load %arg5[%get3A_956] {strides = array<i32>} : memref<20096xf32, #tpu.memory_space<vmem>>, vector<16xf32>,
        %max3A_958 = arith.maximumf %max3A_950, %get3A_957 : vector<16xf32>
        %broadcast_in_dim3A_959 = arith.constant true
        %broadcast_in_dim3A_960 = vector.broadcast %broadcast_in_dim3A_959 : i1 to vector<16xi1>
        %masked_cummax3A_961 = tpu.scan <max>, %max3A_958 masked %broadcast_in_dim3A_960 : vector<16xf32>, vector<16xi1> -> vector<16xf32>
        %mul3A_962 = arith.constant 0 : i32
        %mul3A_963 = vector.broadcast %mul3A_962 : i32 to vector<16xi32>
        %mul3A_964 = arith.muli %iota3A, %mul3A_963 : vector<16xi32>
        %add3A_965 = vector.broadcast %scan3A_927 : i32 to vector<16xi32>
        %add3A_966 = arith.addi %mul3A_964, %add3A_965 : vector<16xi32>
        tpu.vector_store_idx %arg6[%add3A_966], %masked_cummax3A_961 masked %eq3A_11 : memref<173xf32, #tpu.memory_space<vmem>>[vector<16xi32>], vector<16xf32>, vector<16xi1>
        %scan3A_967 = arith.constant 1 : i32
        %scan3A_968 = arith.addi %scan3A_927, %scan3A_967 : i32
        %mul3A_969 = arith.constant 4 : i32
        %mul3A_970 = arith.muli %scan3A_968, %mul3A_969 : i32
        %mul3A_971 = arith.constant 16 : i32
        %mul3A_972 = arith.muli %mul3A_970, %mul3A_971 : i32
        %add3A_973 = arith.addi %mul3A_175, %mul3A_972 : i32
        %get3A_974 = arith.index_cast %add3A_973 : i32 to index
        %get3A_975 = tpu.vector_load %arg5[%get3A_974] {strides = array<i32>} : memref<20096xf32, #tpu.memory_space<vmem>>, vector<16xf32>,
        %add3A_976 = arith.constant 1 : i32
        %add3A_977 = arith.addi %mul3A_970, %add3A_976 : i32
        %mul3A_978 = arith.constant 16 : i32
        %mul3A_979 = arith.muli %add3A_977, %mul3A_978 : i32
        %add3A_980 = arith.addi %mul3A_175, %mul3A_979 : i32
        %get3A_981 = arith.index_cast %add3A_980 : i32 to index
        %get3A_982 = tpu.vector_load %arg5[%get3A_981] {strides = array<i32>} : memref<20096xf32, #tpu.memory_space<vmem>>, vector<16xf32>,
        %max3A_983 = arith.maximumf %get3A_975, %get3A_982 : vector<16xf32>
        %add3A_984 = arith.constant 2 : i32
        %add3A_985 = arith.addi %mul3A_970, %add3A_984 : i32
        %mul3A_986 = arith.constant 16 : i32
        %mul3A_987 = arith.muli %add3A_985, %mul3A_986 : i32
        %add3A_988 = arith.addi %mul3A_175, %mul3A_987 : i32
        %get3A_989 = arith.index_cast %add3A_988 : i32 to index
        %get3A_990 = tpu.vector_load %arg5[%get3A_989] {strides = array<i32>} : memref<20096xf32, #tpu.memory_space<vmem>>, vector<16xf32>,
        %max3A_991 = arith.maximumf %max3A_983, %get3A_990 : vector<16xf32>
        %add3A_992 = arith.constant 3 : i32
        %add3A_993 = arith.addi %mul3A_970, %add3A_992 : i32
        %mul3A_994 = arith.constant 16 : i32
        %mul3A_995 = arith.muli %add3A_993, %mul3A_994 : i32
        %add3A_996 = arith.addi %mul3A_175, %mul3A_995 : i32
        %get3A_997 = arith.index_cast %add3A_996 : i32 to index
        %get3A_998 = tpu.vector_load %arg5[%get3A_997] {strides = array<i32>} : memref<20096xf32, #tpu.memory_space<vmem>>, vector<16xf32>,
        %max3A_999 = arith.maximumf %max3A_991, %get3A_998 : vector<16xf32>
        %broadcast_in_dim3A_1000 = arith.constant true
        %broadcast_in_dim3A_1001 = vector.broadcast %broadcast_in_dim3A_1000 : i1 to vector<16xi1>
        %masked_cummax3A_1002 = tpu.scan <max>, %max3A_999 masked %broadcast_in_dim3A_1001 : vector<16xf32>, vector<16xi1> -> vector<16xf32>
        %mul3A_1003 = arith.constant 0 : i32
        %mul3A_1004 = vector.broadcast %mul3A_1003 : i32 to vector<16xi32>
        %mul3A_1005 = arith.muli %iota3A, %mul3A_1004 : vector<16xi32>
        %add3A_1006 = vector.broadcast %scan3A_968 : i32 to vector<16xi32>
        %add3A_1007 = arith.addi %mul3A_1005, %add3A_1006 : vector<16xi32>
        tpu.vector_store_idx %arg6[%add3A_1007], %masked_cummax3A_1002 masked %eq3A_11 : memref<173xf32, #tpu.memory_space<vmem>>[vector<16xi32>], vector<16xf32>, vector<16xi1>
        %scan3A_1008 = arith.constant 2 : i32
        %scan3A_1009 = arith.addi %scan3A_927, %scan3A_1008 : i32
        %mul3A_1010 = arith.constant 4 : i32
        %mul3A_1011 = arith.muli %scan3A_1009, %mul3A_1010 : i32
        %mul3A_1012 = arith.constant 16 : i32
        %mul3A_1013 = arith.muli %mul3A_1011, %mul3A_1012 : i32
        %add3A_1014 = arith.addi %mul3A_175, %mul3A_1013 : i32
        %get3A_1015 = arith.index_cast %add3A_1014 : i32 to index
        %get3A_1016 = tpu.vector_load %arg5[%get3A_1015] {strides = array<i32>} : memref<20096xf32, #tpu.memory_space<vmem>>, vector<16xf32>,
        %add3A_1017 = arith.constant 1 : i32
        %add3A_1018 = arith.addi %mul3A_1011, %add3A_1017 : i32
        %mul3A_1019 = arith.constant 16 : i32
        %mul3A_1020 = arith.muli %add3A_1018, %mul3A_1019 : i32
        %add3A_1021 = arith.addi %mul3A_175, %mul3A_1020 : i32
        %get3A_1022 = arith.index_cast %add3A_1021 : i32 to index
        %get3A_1023 = tpu.vector_load %arg5[%get3A_1022] {strides = array<i32>} : memref<20096xf32, #tpu.memory_space<vmem>>, vector<16xf32>,
        %max3A_1024 = arith.maximumf %get3A_1016, %get3A_1023 : vector<16xf32>
        %add3A_1025 = arith.constant 2 : i32
        %add3A_1026 = arith.addi %mul3A_1011, %add3A_1025 : i32
        %mul3A_1027 = arith.constant 16 : i32
        %mul3A_1028 = arith.muli %add3A_1026, %mul3A_1027 : i32
        %add3A_1029 = arith.addi %mul3A_175, %mul3A_1028 : i32
        %get3A_1030 = arith.index_cast %add3A_1029 : i32 to index
        %get3A_1031 = tpu.vector_load %arg5[%get3A_1030] {strides = array<i32>} : memref<20096xf32, #tpu.memory_space<vmem>>, vector<16xf32>,
        %max3A_1032 = arith.maximumf %max3A_1024, %get3A_1031 : vector<16xf32>
        %add3A_1033 = arith.constant 3 : i32
        %add3A_1034 = arith.addi %mul3A_1011, %add3A_1033 : i32
        %mul3A_1035 = arith.constant 16 : i32
        %mul3A_1036 = arith.muli %add3A_1034, %mul3A_1035 : i32
        %add3A_1037 = arith.addi %mul3A_175, %mul3A_1036 : i32
        %get3A_1038 = arith.index_cast %add3A_1037 : i32 to index
        %get3A_1039 = tpu.vector_load %arg5[%get3A_1038] {strides = array<i32>} : memref<20096xf32, #tpu.memory_space<vmem>>, vector<16xf32>,
        %max3A_1040 = arith.maximumf %max3A_1032, %get3A_1039 : vector<16xf32>
        %broadcast_in_dim3A_1041 = arith.constant true
        %broadcast_in_dim3A_1042 = vector.broadcast %broadcast_in_dim3A_1041 : i1 to vector<16xi1>
        %masked_cummax3A_1043 = tpu.scan <max>, %max3A_1040 masked %broadcast_in_dim3A_1042 : vector<16xf32>, vector<16xi1> -> vector<16xf32>
        %mul3A_1044 = arith.constant 0 : i32
        %mul3A_1045 = vector.broadcast %mul3A_1044 : i32 to vector<16xi32>
        %mul3A_1046 = arith.muli %iota3A, %mul3A_1045 : vector<16xi32>
        %add3A_1047 = vector.broadcast %scan3A_1009 : i32 to vector<16xi32>
        %add3A_1048 = arith.addi %mul3A_1046, %add3A_1047 : vector<16xi32>
        tpu.vector_store_idx %arg6[%add3A_1048], %masked_cummax3A_1043 masked %eq3A_11 : memref<173xf32, #tpu.memory_space<vmem>>[vector<16xi32>], vector<16xf32>, vector<16xi1>
        %scan3A_1049 = arith.constant 3 : i32
        %scan3A_1050 = arith.addi %scan3A_927, %scan3A_1049 : i32
        %mul3A_1051 = arith.constant 4 : i32
        %mul3A_1052 = arith.muli %scan3A_1050, %mul3A_1051 : i32
        %mul3A_1053 = arith.constant 16 : i32
        %mul3A_1054 = arith.muli %mul3A_1052, %mul3A_1053 : i32
        %add3A_1055 = arith.addi %mul3A_175, %mul3A_1054 : i32
        %get3A_1056 = arith.index_cast %add3A_1055 : i32 to index
        %get3A_1057 = tpu.vector_load %arg5[%get3A_1056] {strides = array<i32>} : memref<20096xf32, #tpu.memory_space<vmem>>, vector<16xf32>,
        %add3A_1058 = arith.constant 1 : i32
        %add3A_1059 = arith.addi %mul3A_1052, %add3A_1058 : i32
        %mul3A_1060 = arith.constant 16 : i32
        %mul3A_1061 = arith.muli %add3A_1059, %mul3A_1060 : i32
        %add3A_1062 = arith.addi %mul3A_175, %mul3A_1061 : i32
        %get3A_1063 = arith.index_cast %add3A_1062 : i32 to index
        %get3A_1064 = tpu.vector_load %arg5[%get3A_1063] {strides = array<i32>} : memref<20096xf32, #tpu.memory_space<vmem>>, vector<16xf32>,
        %max3A_1065 = arith.maximumf %get3A_1057, %get3A_1064 : vector<16xf32>
        %add3A_1066 = arith.constant 2 : i32
        %add3A_1067 = arith.addi %mul3A_1052, %add3A_1066 : i32
        %mul3A_1068 = arith.constant 16 : i32
        %mul3A_1069 = arith.muli %add3A_1067, %mul3A_1068 : i32
        %add3A_1070 = arith.addi %mul3A_175, %mul3A_1069 : i32
        %get3A_1071 = arith.index_cast %add3A_1070 : i32 to index
        %get3A_1072 = tpu.vector_load %arg5[%get3A_1071] {strides = array<i32>} : memref<20096xf32, #tpu.memory_space<vmem>>, vector<16xf32>,
        %max3A_1073 = arith.maximumf %max3A_1065, %get3A_1072 : vector<16xf32>
        %add3A_1074 = arith.constant 3 : i32
        %add3A_1075 = arith.addi %mul3A_1052, %add3A_1074 : i32
        %mul3A_1076 = arith.constant 16 : i32
        %mul3A_1077 = arith.muli %add3A_1075, %mul3A_1076 : i32
        %add3A_1078 = arith.addi %mul3A_175, %mul3A_1077 : i32
        %get3A_1079 = arith.index_cast %add3A_1078 : i32 to index
        %get3A_1080 = tpu.vector_load %arg5[%get3A_1079] {strides = array<i32>} : memref<20096xf32, #tpu.memory_space<vmem>>, vector<16xf32>,
        %max3A_1081 = arith.maximumf %max3A_1073, %get3A_1080 : vector<16xf32>
        %broadcast_in_dim3A_1082 = arith.constant true
        %broadcast_in_dim3A_1083 = vector.broadcast %broadcast_in_dim3A_1082 : i1 to vector<16xi1>
        %masked_cummax3A_1084 = tpu.scan <max>, %max3A_1081 masked %broadcast_in_dim3A_1083 : vector<16xf32>, vector<16xi1> -> vector<16xf32>
        %mul3A_1085 = arith.constant 0 : i32
        %mul3A_1086 = vector.broadcast %mul3A_1085 : i32 to vector<16xi32>
        %mul3A_1087 = arith.muli %iota3A, %mul3A_1086 : vector<16xi32>
        %add3A_1088 = vector.broadcast %scan3A_1050 : i32 to vector<16xi32>
        %add3A_1089 = arith.addi %mul3A_1087, %add3A_1088 : vector<16xi32>
        tpu.vector_store_idx %arg6[%add3A_1089], %masked_cummax3A_1084 masked %eq3A_11 : memref<173xf32, #tpu.memory_space<vmem>>[vector<16xi32>], vector<16xf32>, vector<16xi1>
        %scan3A_1090 = arith.constant 4 : i32
        %scan3A_1091 = arith.addi %scan3A_927, %scan3A_1090 : i32
        %mul3A_1092 = arith.constant 4 : i32
        %mul3A_1093 = arith.muli %scan3A_1091, %mul3A_1092 : i32
        %mul3A_1094 = arith.constant 16 : i32
        %mul3A_1095 = arith.muli %mul3A_1093, %mul3A_1094 : i32
        %add3A_1096 = arith.addi %mul3A_175, %mul3A_1095 : i32
        %get3A_1097 = arith.index_cast %add3A_1096 : i32 to index
        %get3A_1098 = tpu.vector_load %arg5[%get3A_1097] {strides = array<i32>} : memref<20096xf32, #tpu.memory_space<vmem>>, vector<16xf32>,
        %add3A_1099 = arith.constant 1 : i32
        %add3A_1100 = arith.addi %mul3A_1093, %add3A_1099 : i32
        %mul3A_1101 = arith.constant 16 : i32
        %mul3A_1102 = arith.muli %add3A_1100, %mul3A_1101 : i32
        %add3A_1103 = arith.addi %mul3A_175, %mul3A_1102 : i32
        %get3A_1104 = arith.index_cast %add3A_1103 : i32 to index
        %get3A_1105 = tpu.vector_load %arg5[%get3A_1104] {strides = array<i32>} : memref<20096xf32, #tpu.memory_space<vmem>>, vector<16xf32>,
        %max3A_1106 = arith.maximumf %get3A_1098, %get3A_1105 : vector<16xf32>
        %add3A_1107 = arith.constant 2 : i32
        %add3A_1108 = arith.addi %mul3A_1093, %add3A_1107 : i32
        %mul3A_1109 = arith.constant 16 : i32
        %mul3A_1110 = arith.muli %add3A_1108, %mul3A_1109 : i32
        %add3A_1111 = arith.addi %mul3A_175, %mul3A_1110 : i32
        %get3A_1112 = arith.index_cast %add3A_1111 : i32 to index
        %get3A_1113 = tpu.vector_load %arg5[%get3A_1112] {strides = array<i32>} : memref<20096xf32, #tpu.memory_space<vmem>>, vector<16xf32>,
        %max3A_1114 = arith.maximumf %max3A_1106, %get3A_1113 : vector<16xf32>
        %add3A_1115 = arith.constant 3 : i32
        %add3A_1116 = arith.addi %mul3A_1093, %add3A_1115 : i32
        %mul3A_1117 = arith.constant 16 : i32
        %mul3A_1118 = arith.muli %add3A_1116, %mul3A_1117 : i32
        %add3A_1119 = arith.addi %mul3A_175, %mul3A_1118 : i32
        %get3A_1120 = arith.index_cast %add3A_1119 : i32 to index
        %get3A_1121 = tpu.vector_load %arg5[%get3A_1120] {strides = array<i32>} : memref<20096xf32, #tpu.memory_space<vmem>>, vector<16xf32>,
        %max3A_1122 = arith.maximumf %max3A_1114, %get3A_1121 : vector<16xf32>
        %broadcast_in_dim3A_1123 = arith.constant true
        %broadcast_in_dim3A_1124 = vector.broadcast %broadcast_in_dim3A_1123 : i1 to vector<16xi1>
        %masked_cummax3A_1125 = tpu.scan <max>, %max3A_1122 masked %broadcast_in_dim3A_1124 : vector<16xf32>, vector<16xi1> -> vector<16xf32>
        %mul3A_1126 = arith.constant 0 : i32
        %mul3A_1127 = vector.broadcast %mul3A_1126 : i32 to vector<16xi32>
        %mul3A_1128 = arith.muli %iota3A, %mul3A_1127 : vector<16xi32>
        %add3A_1129 = vector.broadcast %scan3A_1091 : i32 to vector<16xi32>
        %add3A_1130 = arith.addi %mul3A_1128, %add3A_1129 : vector<16xi32>
        tpu.vector_store_idx %arg6[%add3A_1130], %masked_cummax3A_1125 masked %eq3A_11 : memref<173xf32, #tpu.memory_space<vmem>>[vector<16xi32>], vector<16xf32>, vector<16xi1>
        %scan3A_1131 = arith.constant 5 : i32
        %scan3A_1132 = arith.addi %scan3A_927, %scan3A_1131 : i32
        %mul3A_1133 = arith.constant 4 : i32
        %mul3A_1134 = arith.muli %scan3A_1132, %mul3A_1133 : i32
        %mul3A_1135 = arith.constant 16 : i32
        %mul3A_1136 = arith.muli %mul3A_1134, %mul3A_1135 : i32
        %add3A_1137 = arith.addi %mul3A_175, %mul3A_1136 : i32
        %get3A_1138 = arith.index_cast %add3A_1137 : i32 to index
        %get3A_1139 = tpu.vector_load %arg5[%get3A_1138] {strides = array<i32>} : memref<20096xf32, #tpu.memory_space<vmem>>, vector<16xf32>,
        %add3A_1140 = arith.constant 1 : i32
        %add3A_1141 = arith.addi %mul3A_1134, %add3A_1140 : i32
        %mul3A_1142 = arith.constant 16 : i32
        %mul3A_1143 = arith.muli %add3A_1141, %mul3A_1142 : i32
        %add3A_1144 = arith.addi %mul3A_175, %mul3A_1143 : i32
        %get3A_1145 = arith.index_cast %add3A_1144 : i32 to index
        %get3A_1146 = tpu.vector_load %arg5[%get3A_1145] {strides = array<i32>} : memref<20096xf32, #tpu.memory_space<vmem>>, vector<16xf32>,
        %max3A_1147 = arith.maximumf %get3A_1139, %get3A_1146 : vector<16xf32>
        %add3A_1148 = arith.constant 2 : i32
        %add3A_1149 = arith.addi %mul3A_1134, %add3A_1148 : i32
        %mul3A_1150 = arith.constant 16 : i32
        %mul3A_1151 = arith.muli %add3A_1149, %mul3A_1150 : i32
        %add3A_1152 = arith.addi %mul3A_175, %mul3A_1151 : i32
        %get3A_1153 = arith.index_cast %add3A_1152 : i32 to index
        %get3A_1154 = tpu.vector_load %arg5[%get3A_1153] {strides = array<i32>} : memref<20096xf32, #tpu.memory_space<vmem>>, vector<16xf32>,
        %max3A_1155 = arith.maximumf %max3A_1147, %get3A_1154 : vector<16xf32>
        %add3A_1156 = arith.constant 3 : i32
        %add3A_1157 = arith.addi %mul3A_1134, %add3A_1156 : i32
        %mul3A_1158 = arith.constant 16 : i32
        %mul3A_1159 = arith.muli %add3A_1157, %mul3A_1158 : i32
        %add3A_1160 = arith.addi %mul3A_175, %mul3A_1159 : i32
        %get3A_1161 = arith.index_cast %add3A_1160 : i32 to index
        %get3A_1162 = tpu.vector_load %arg5[%get3A_1161] {strides = array<i32>} : memref<20096xf32, #tpu.memory_space<vmem>>, vector<16xf32>,
        %max3A_1163 = arith.maximumf %max3A_1155, %get3A_1162 : vector<16xf32>
        %broadcast_in_dim3A_1164 = arith.constant true
        %broadcast_in_dim3A_1165 = vector.broadcast %broadcast_in_dim3A_1164 : i1 to vector<16xi1>
        %masked_cummax3A_1166 = tpu.scan <max>, %max3A_1163 masked %broadcast_in_dim3A_1165 : vector<16xf32>, vector<16xi1> -> vector<16xf32>
        %mul3A_1167 = arith.constant 0 : i32
        %mul3A_1168 = vector.broadcast %mul3A_1167 : i32 to vector<16xi32>
        %mul3A_1169 = arith.muli %iota3A, %mul3A_1168 : vector<16xi32>
        %add3A_1170 = vector.broadcast %scan3A_1132 : i32 to vector<16xi32>
        %add3A_1171 = arith.addi %mul3A_1169, %add3A_1170 : vector<16xi32>
        tpu.vector_store_idx %arg6[%add3A_1171], %masked_cummax3A_1166 masked %eq3A_11 : memref<173xf32, #tpu.memory_space<vmem>>[vector<16xi32>], vector<16xf32>, vector<16xi1>
        %scan3A_1172 = arith.constant 6 : i32
        %scan3A_1173 = arith.addi %scan3A_927, %scan3A_1172 : i32
        %mul3A_1174 = arith.constant 4 : i32
        %mul3A_1175 = arith.muli %scan3A_1173, %mul3A_1174 : i32
        %mul3A_1176 = arith.constant 16 : i32
        %mul3A_1177 = arith.muli %mul3A_1175, %mul3A_1176 : i32
        %add3A_1178 = arith.addi %mul3A_175, %mul3A_1177 : i32
        %get3A_1179 = arith.index_cast %add3A_1178 : i32 to index
        %get3A_1180 = tpu.vector_load %arg5[%get3A_1179] {strides = array<i32>} : memref<20096xf32, #tpu.memory_space<vmem>>, vector<16xf32>,
        %add3A_1181 = arith.constant 1 : i32
        %add3A_1182 = arith.addi %mul3A_1175, %add3A_1181 : i32
        %mul3A_1183 = arith.constant 16 : i32
        %mul3A_1184 = arith.muli %add3A_1182, %mul3A_1183 : i32
        %add3A_1185 = arith.addi %mul3A_175, %mul3A_1184 : i32
        %get3A_1186 = arith.index_cast %add3A_1185 : i32 to index
        %get3A_1187 = tpu.vector_load %arg5[%get3A_1186] {strides = array<i32>} : memref<20096xf32, #tpu.memory_space<vmem>>, vector<16xf32>,
        %max3A_1188 = arith.maximumf %get3A_1180, %get3A_1187 : vector<16xf32>
        %add3A_1189 = arith.constant 2 : i32
        %add3A_1190 = arith.addi %mul3A_1175, %add3A_1189 : i32
        %mul3A_1191 = arith.constant 16 : i32
        %mul3A_1192 = arith.muli %add3A_1190, %mul3A_1191 : i32
        %add3A_1193 = arith.addi %mul3A_175, %mul3A_1192 : i32
        %get3A_1194 = arith.index_cast %add3A_1193 : i32 to index
        %get3A_1195 = tpu.vector_load %arg5[%get3A_1194] {strides = array<i32>} : memref<20096xf32, #tpu.memory_space<vmem>>, vector<16xf32>,
        %max3A_1196 = arith.maximumf %max3A_1188, %get3A_1195 : vector<16xf32>
        %add3A_1197 = arith.constant 3 : i32
        %add3A_1198 = arith.addi %mul3A_1175, %add3A_1197 : i32
        %mul3A_1199 = arith.constant 16 : i32
        %mul3A_1200 = arith.muli %add3A_1198, %mul3A_1199 : i32
        %add3A_1201 = arith.addi %mul3A_175, %mul3A_1200 : i32
        %get3A_1202 = arith.index_cast %add3A_1201 : i32 to index
        %get3A_1203 = tpu.vector_load %arg5[%get3A_1202] {strides = array<i32>} : memref<20096xf32, #tpu.memory_space<vmem>>, vector<16xf32>,
        %max3A_1204 = arith.maximumf %max3A_1196, %get3A_1203 : vector<16xf32>
        %broadcast_in_dim3A_1205 = arith.constant true
        %broadcast_in_dim3A_1206 = vector.broadcast %broadcast_in_dim3A_1205 : i1 to vector<16xi1>
        %masked_cummax3A_1207 = tpu.scan <max>, %max3A_1204 masked %broadcast_in_dim3A_1206 : vector<16xf32>, vector<16xi1> -> vector<16xf32>
        %mul3A_1208 = arith.constant 0 : i32
        %mul3A_1209 = vector.broadcast %mul3A_1208 : i32 to vector<16xi32>
        %mul3A_1210 = arith.muli %iota3A, %mul3A_1209 : vector<16xi32>
        %add3A_1211 = vector.broadcast %scan3A_1173 : i32 to vector<16xi32>
        %add3A_1212 = arith.addi %mul3A_1210, %add3A_1211 : vector<16xi32>
        tpu.vector_store_idx %arg6[%add3A_1212], %masked_cummax3A_1207 masked %eq3A_11 : memref<173xf32, #tpu.memory_space<vmem>>[vector<16xi32>], vector<16xf32>, vector<16xi1>
        %scan3A_1213 = arith.constant 7 : i32
        %scan3A_1214 = arith.addi %scan3A_927, %scan3A_1213 : i32
        %mul3A_1215 = arith.constant 4 : i32
        %mul3A_1216 = arith.muli %scan3A_1214, %mul3A_1215 : i32
        %mul3A_1217 = arith.constant 16 : i32
        %mul3A_1218 = arith.muli %mul3A_1216, %mul3A_1217 : i32
        %add3A_1219 = arith.addi %mul3A_175, %mul3A_1218 : i32
        %get3A_1220 = arith.index_cast %add3A_1219 : i32 to index
        %get3A_1221 = tpu.vector_load %arg5[%get3A_1220] {strides = array<i32>} : memref<20096xf32, #tpu.memory_space<vmem>>, vector<16xf32>,
        %add3A_1222 = arith.constant 1 : i32
        %add3A_1223 = arith.addi %mul3A_1216, %add3A_1222 : i32
        %mul3A_1224 = arith.constant 16 : i32
        %mul3A_1225 = arith.muli %add3A_1223, %mul3A_1224 : i32
        %add3A_1226 = arith.addi %mul3A_175, %mul3A_1225 : i32
        %get3A_1227 = arith.index_cast %add3A_1226 : i32 to index
        %get3A_1228 = tpu.vector_load %arg5[%get3A_1227] {strides = array<i32>} : memref<20096xf32, #tpu.memory_space<vmem>>, vector<16xf32>,
        %max3A_1229 = arith.maximumf %get3A_1221, %get3A_1228 : vector<16xf32>
        %add3A_1230 = arith.constant 2 : i32
        %add3A_1231 = arith.addi %mul3A_1216, %add3A_1230 : i32
        %mul3A_1232 = arith.constant 16 : i32
        %mul3A_1233 = arith.muli %add3A_1231, %mul3A_1232 : i32
        %add3A_1234 = arith.addi %mul3A_175, %mul3A_1233 : i32
        %get3A_1235 = arith.index_cast %add3A_1234 : i32 to index
        %get3A_1236 = tpu.vector_load %arg5[%get3A_1235] {strides = array<i32>} : memref<20096xf32, #tpu.memory_space<vmem>>, vector<16xf32>,
        %max3A_1237 = arith.maximumf %max3A_1229, %get3A_1236 : vector<16xf32>
        %add3A_1238 = arith.constant 3 : i32
        %add3A_1239 = arith.addi %mul3A_1216, %add3A_1238 : i32
        %mul3A_1240 = arith.constant 16 : i32
        %mul3A_1241 = arith.muli %add3A_1239, %mul3A_1240 : i32
        %add3A_1242 = arith.addi %mul3A_175, %mul3A_1241 : i32
        %get3A_1243 = arith.index_cast %add3A_1242 : i32 to index
        %get3A_1244 = tpu.vector_load %arg5[%get3A_1243] {strides = array<i32>} : memref<20096xf32, #tpu.memory_space<vmem>>, vector<16xf32>,
        %max3A_1245 = arith.maximumf %max3A_1237, %get3A_1244 : vector<16xf32>
        %broadcast_in_dim3A_1246 = arith.constant true
        %broadcast_in_dim3A_1247 = vector.broadcast %broadcast_in_dim3A_1246 : i1 to vector<16xi1>
        %masked_cummax3A_1248 = tpu.scan <max>, %max3A_1245 masked %broadcast_in_dim3A_1247 : vector<16xf32>, vector<16xi1> -> vector<16xf32>
        %mul3A_1249 = arith.constant 0 : i32
        %mul3A_1250 = vector.broadcast %mul3A_1249 : i32 to vector<16xi32>
        %mul3A_1251 = arith.muli %iota3A, %mul3A_1250 : vector<16xi32>
        %add3A_1252 = vector.broadcast %scan3A_1214 : i32 to vector<16xi32>
        %add3A_1253 = arith.addi %mul3A_1251, %add3A_1252 : vector<16xi32>
        tpu.vector_store_idx %arg6[%add3A_1253], %masked_cummax3A_1248 masked %eq3A_11 : memref<173xf32, #tpu.memory_space<vmem>>[vector<16xi32>], vector<16xf32>, vector<16xi1>
      }
      %scan3A_194 = arith.constant 152 : i32
      %scan3A_195 = arith.addi %scan3A_190, %scan3A_194 : i32
      %mul3A_196 = arith.constant 4 : i32
      %mul3A_197 = arith.muli %scan3A_195, %mul3A_196 : i32
      %mul3A_198 = arith.constant 16 : i32
      %mul3A_199 = arith.muli %mul3A_197, %mul3A_198 : i32
      %add3A_200 = arith.addi %mul3A_175, %mul3A_199 : i32
      %get3A = arith.index_cast %add3A_200 : i32 to index
      %get3A_201 = tpu.vector_load %arg5[%get3A] {strides = array<i32>} : memref<20096xf32, #tpu.memory_space<vmem>>, vector<16xf32>,
      %add3A_202 = arith.constant 1 : i32
      %add3A_203 = arith.addi %mul3A_197, %add3A_202 : i32
      %mul3A_204 = arith.constant 16 : i32
      %mul3A_205 = arith.muli %add3A_203, %mul3A_204 : i32
      %add3A_206 = arith.addi %mul3A_175, %mul3A_205 : i32
      %get3A_207 = arith.index_cast %add3A_206 : i32 to index
      %get3A_208 = tpu.vector_load %arg5[%get3A_207] {strides = array<i32>} : memref<20096xf32, #tpu.memory_space<vmem>>, vector<16xf32>,
      %max3A = arith.maximumf %get3A_201, %get3A_208 : vector<16xf32>
      %add3A_209 = arith.constant 2 : i32
      %add3A_210 = arith.addi %mul3A_197, %add3A_209 : i32
      %mul3A_211 = arith.constant 16 : i32
      %mul3A_212 = arith.muli %add3A_210, %mul3A_211 : i32
      %add3A_213 = arith.addi %mul3A_175, %mul3A_212 : i32
      %get3A_214 = arith.index_cast %add3A_213 : i32 to index
      %get3A_215 = tpu.vector_load %arg5[%get3A_214] {strides = array<i32>} : memref<20096xf32, #tpu.memory_space<vmem>>, vector<16xf32>,
      %max3A_216 = arith.maximumf %max3A, %get3A_215 : vector<16xf32>
      %add3A_217 = arith.constant 3 : i32
      %add3A_218 = arith.addi %mul3A_197, %add3A_217 : i32
      %mul3A_219 = arith.constant 16 : i32
      %mul3A_220 = arith.muli %add3A_218, %mul3A_219 : i32
      %add3A_221 = arith.addi %mul3A_175, %mul3A_220 : i32
      %get3A_222 = arith.index_cast %add3A_221 : i32 to index
      %get3A_223 = tpu.vector_load %arg5[%get3A_222] {strides = array<i32>} : memref<20096xf32, #tpu.memory_space<vmem>>, vector<16xf32>,
      %max3A_224 = arith.maximumf %max3A_216, %get3A_223 : vector<16xf32>
      %broadcast_in_dim3A_225 = arith.constant true
      %broadcast_in_dim3A_226 = vector.broadcast %broadcast_in_dim3A_225 : i1 to vector<16xi1>
      %masked_cummax3A = tpu.scan <max>, %max3A_224 masked %broadcast_in_dim3A_226 : vector<16xf32>, vector<16xi1> -> vector<16xf32>
      %mul3A_227 = arith.constant 0 : i32
      %mul3A_228 = vector.broadcast %mul3A_227 : i32 to vector<16xi32>
      %mul3A_229 = arith.muli %iota3A, %mul3A_228 : vector<16xi32>
      %add3A_230 = vector.broadcast %scan3A_195 : i32 to vector<16xi32>
      %add3A_231 = arith.addi %mul3A_229, %add3A_230 : vector<16xi32>
      tpu.vector_store_idx %arg6[%add3A_231], %masked_cummax3A masked %eq3A_11 : memref<173xf32, #tpu.memory_space<vmem>>[vector<16xi32>], vector<16xf32>, vector<16xi1>
      %scan3A_232 = arith.constant 153 : i32
      %scan3A_233 = arith.addi %scan3A_190, %scan3A_232 : i32
      %mul3A_234 = arith.constant 4 : i32
      %mul3A_235 = arith.muli %scan3A_233, %mul3A_234 : i32
      %mul3A_236 = arith.constant 16 : i32
      %mul3A_237 = arith.muli %mul3A_235, %mul3A_236 : i32
      %add3A_238 = arith.addi %mul3A_175, %mul3A_237 : i32
      %get3A_239 = arith.index_cast %add3A_238 : i32 to index
      %get3A_240 = tpu.vector_load %arg5[%get3A_239] {strides = array<i32>} : memref<20096xf32, #tpu.memory_space<vmem>>, vector<16xf32>,
      %add3A_241 = arith.constant 1 : i32
      %add3A_242 = arith.addi %mul3A_235, %add3A_241 : i32
      %mul3A_243 = arith.constant 16 : i32
      %mul3A_244 = arith.muli %add3A_242, %mul3A_243 : i32
      %add3A_245 = arith.addi %mul3A_175, %mul3A_244 : i32
      %get3A_246 = arith.index_cast %add3A_245 : i32 to index
      %get3A_247 = tpu.vector_load %arg5[%get3A_246] {strides = array<i32>} : memref<20096xf32, #tpu.memory_space<vmem>>, vector<16xf32>,
      %max3A_248 = arith.maximumf %get3A_240, %get3A_247 : vector<16xf32>
      %add3A_249 = arith.constant 2 : i32
      %add3A_250 = arith.addi %mul3A_235, %add3A_249 : i32
      %mul3A_251 = arith.constant 16 : i32
      %mul3A_252 = arith.muli %add3A_250, %mul3A_251 : i32
      %add3A_253 = arith.addi %mul3A_175, %mul3A_252 : i32
      %get3A_254 = arith.index_cast %add3A_253 : i32 to index
      %get3A_255 = tpu.vector_load %arg5[%get3A_254] {strides = array<i32>} : memref<20096xf32, #tpu.memory_space<vmem>>, vector<16xf32>,
      %max3A_256 = arith.maximumf %max3A_248, %get3A_255 : vector<16xf32>
      %add3A_257 = arith.constant 3 : i32
      %add3A_258 = arith.addi %mul3A_235, %add3A_257 : i32
      %mul3A_259 = arith.constant 16 : i32
      %mul3A_260 = arith.muli %add3A_258, %mul3A_259 : i32
      %add3A_261 = arith.addi %mul3A_175, %mul3A_260 : i32
      %get3A_262 = arith.index_cast %add3A_261 : i32 to index
      %get3A_263 = tpu.vector_load %arg5[%get3A_262] {strides = array<i32>} : memref<20096xf32, #tpu.memory_space<vmem>>, vector<16xf32>,
      %max3A_264 = arith.maximumf %max3A_256, %get3A_263 : vector<16xf32>
      %broadcast_in_dim3A_265 = arith.constant true
      %broadcast_in_dim3A_266 = vector.broadcast %broadcast_in_dim3A_265 : i1 to vector<16xi1>
      %masked_cummax3A_267 = tpu.scan <max>, %max3A_264 masked %broadcast_in_dim3A_266 : vector<16xf32>, vector<16xi1> -> vector<16xf32>
      %mul3A_268 = arith.constant 0 : i32
      %mul3A_269 = vector.broadcast %mul3A_268 : i32 to vector<16xi32>
      %mul3A_270 = arith.muli %iota3A, %mul3A_269 : vector<16xi32>
      %add3A_271 = vector.broadcast %scan3A_233 : i32 to vector<16xi32>
      %add3A_272 = arith.addi %mul3A_270, %add3A_271 : vector<16xi32>
      tpu.vector_store_idx %arg6[%add3A_272], %masked_cummax3A_267 masked %eq3A_11 : memref<173xf32, #tpu.memory_space<vmem>>[vector<16xi32>], vector<16xf32>, vector<16xi1>
      %scan3A_273 = arith.constant 154 : i32
      %scan3A_274 = arith.addi %scan3A_190, %scan3A_273 : i32
      %mul3A_275 = arith.constant 4 : i32
      %mul3A_276 = arith.muli %scan3A_274, %mul3A_275 : i32
      %mul3A_277 = arith.constant 16 : i32
      %mul3A_278 = arith.muli %mul3A_276, %mul3A_277 : i32
      %add3A_279 = arith.addi %mul3A_175, %mul3A_278 : i32
      %get3A_280 = arith.index_cast %add3A_279 : i32 to index
      %get3A_281 = tpu.vector_load %arg5[%get3A_280] {strides = array<i32>} : memref<20096xf32, #tpu.memory_space<vmem>>, vector<16xf32>,
      %add3A_282 = arith.constant 1 : i32
      %add3A_283 = arith.addi %mul3A_276, %add3A_282 : i32
      %mul3A_284 = arith.constant 16 : i32
      %mul3A_285 = arith.muli %add3A_283, %mul3A_284 : i32
      %add3A_286 = arith.addi %mul3A_175, %mul3A_285 : i32
      %get3A_287 = arith.index_cast %add3A_286 : i32 to index
      %get3A_288 = tpu.vector_load %arg5[%get3A_287] {strides = array<i32>} : memref<20096xf32, #tpu.memory_space<vmem>>, vector<16xf32>,
      %max3A_289 = arith.maximumf %get3A_281, %get3A_288 : vector<16xf32>
      %add3A_290 = arith.constant 2 : i32
      %add3A_291 = arith.addi %mul3A_276, %add3A_290 : i32
      %mul3A_292 = arith.constant 16 : i32
      %mul3A_293 = arith.muli %add3A_291, %mul3A_292 : i32
      %add3A_294 = arith.addi %mul3A_175, %mul3A_293 : i32
      %get3A_295 = arith.index_cast %add3A_294 : i32 to index
      %get3A_296 = tpu.vector_load %arg5[%get3A_295] {strides = array<i32>} : memref<20096xf32, #tpu.memory_space<vmem>>, vector<16xf32>,
      %max3A_297 = arith.maximumf %max3A_289, %get3A_296 : vector<16xf32>
      %add3A_298 = arith.constant 3 : i32
      %add3A_299 = arith.addi %mul3A_276, %add3A_298 : i32
      %mul3A_300 = arith.constant 16 : i32
      %mul3A_301 = arith.muli %add3A_299, %mul3A_300 : i32
      %add3A_302 = arith.addi %mul3A_175, %mul3A_301 : i32
      %get3A_303 = arith.index_cast %add3A_302 : i32 to index
      %get3A_304 = tpu.vector_load %arg5[%get3A_303] {strides = array<i32>} : memref<20096xf32, #tpu.memory_space<vmem>>, vector<16xf32>,
      %max3A_305 = arith.maximumf %max3A_297, %get3A_304 : vector<16xf32>
      %broadcast_in_dim3A_306 = arith.constant true
      %broadcast_in_dim3A_307 = vector.broadcast %broadcast_in_dim3A_306 : i1 to vector<16xi1>
      %masked_cummax3A_308 = tpu.scan <max>, %max3A_305 masked %broadcast_in_dim3A_307 : vector<16xf32>, vector<16xi1> -> vector<16xf32>
      %mul3A_309 = arith.constant 0 : i32
      %mul3A_310 = vector.broadcast %mul3A_309 : i32 to vector<16xi32>
      %mul3A_311 = arith.muli %iota3A, %mul3A_310 : vector<16xi32>
      %add3A_312 = vector.broadcast %scan3A_274 : i32 to vector<16xi32>
      %add3A_313 = arith.addi %mul3A_311, %add3A_312 : vector<16xi32>
      tpu.vector_store_idx %arg6[%add3A_313], %masked_cummax3A_308 masked %eq3A_11 : memref<173xf32, #tpu.memory_space<vmem>>[vector<16xi32>], vector<16xf32>, vector<16xi1>
      %scan3A_314 = arith.constant 155 : i32
      %scan3A_315 = arith.addi %scan3A_190, %scan3A_314 : i32
      %mul3A_316 = arith.constant 4 : i32
      %mul3A_317 = arith.muli %scan3A_315, %mul3A_316 : i32
      %mul3A_318 = arith.constant 16 : i32
      %mul3A_319 = arith.muli %mul3A_317, %mul3A_318 : i32
      %add3A_320 = arith.addi %mul3A_175, %mul3A_319 : i32
      %get3A_321 = arith.index_cast %add3A_320 : i32 to index
      %get3A_322 = tpu.vector_load %arg5[%get3A_321] {strides = array<i32>} : memref<20096xf32, #tpu.memory_space<vmem>>, vector<16xf32>,
      %add3A_323 = arith.constant 1 : i32
      %add3A_324 = arith.addi %mul3A_317, %add3A_323 : i32
      %mul3A_325 = arith.constant 16 : i32
      %mul3A_326 = arith.muli %add3A_324, %mul3A_325 : i32
      %add3A_327 = arith.addi %mul3A_175, %mul3A_326 : i32
      %get3A_328 = arith.index_cast %add3A_327 : i32 to index
      %get3A_329 = tpu.vector_load %arg5[%get3A_328] {strides = array<i32>} : memref<20096xf32, #tpu.memory_space<vmem>>, vector<16xf32>,
      %max3A_330 = arith.maximumf %get3A_322, %get3A_329 : vector<16xf32>
      %add3A_331 = arith.constant 2 : i32
      %add3A_332 = arith.addi %mul3A_317, %add3A_331 : i32
      %mul3A_333 = arith.constant 16 : i32
      %mul3A_334 = arith.muli %add3A_332, %mul3A_333 : i32
      %add3A_335 = arith.addi %mul3A_175, %mul3A_334 : i32
      %get3A_336 = arith.index_cast %add3A_335 : i32 to index
      %get3A_337 = tpu.vector_load %arg5[%get3A_336] {strides = array<i32>} : memref<20096xf32, #tpu.memory_space<vmem>>, vector<16xf32>,
      %max3A_338 = arith.maximumf %max3A_330, %get3A_337 : vector<16xf32>
      %add3A_339 = arith.constant 3 : i32
      %add3A_340 = arith.addi %mul3A_317, %add3A_339 : i32
      %mul3A_341 = arith.constant 16 : i32
      %mul3A_342 = arith.muli %add3A_340, %mul3A_341 : i32
      %add3A_343 = arith.addi %mul3A_175, %mul3A_342 : i32
      %get3A_344 = arith.index_cast %add3A_343 : i32 to index
      %get3A_345 = tpu.vector_load %arg5[%get3A_344] {strides = array<i32>} : memref<20096xf32, #tpu.memory_space<vmem>>, vector<16xf32>,
      %max3A_346 = arith.maximumf %max3A_338, %get3A_345 : vector<16xf32>
      %broadcast_in_dim3A_347 = arith.constant true
      %broadcast_in_dim3A_348 = vector.broadcast %broadcast_in_dim3A_347 : i1 to vector<16xi1>
      %masked_cummax3A_349 = tpu.scan <max>, %max3A_346 masked %broadcast_in_dim3A_348 : vector<16xf32>, vector<16xi1> -> vector<16xf32>
      %mul3A_350 = arith.constant 0 : i32
      %mul3A_351 = vector.broadcast %mul3A_350 : i32 to vector<16xi32>
      %mul3A_352 = arith.muli %iota3A, %mul3A_351 : vector<16xi32>
      %add3A_353 = vector.broadcast %scan3A_315 : i32 to vector<16xi32>
      %add3A_354 = arith.addi %mul3A_352, %add3A_353 : vector<16xi32>
      tpu.vector_store_idx %arg6[%add3A_354], %masked_cummax3A_349 masked %eq3A_11 : memref<173xf32, #tpu.memory_space<vmem>>[vector<16xi32>], vector<16xf32>, vector<16xi1>
      %scan3A_355 = arith.constant 156 : i32
      %scan3A_356 = arith.addi %scan3A_190, %scan3A_355 : i32
      %mul3A_357 = arith.constant 4 : i32
      %mul3A_358 = arith.muli %scan3A_356, %mul3A_357 : i32
      %mul3A_359 = arith.constant 16 : i32
      %mul3A_360 = arith.muli %mul3A_358, %mul3A_359 : i32
      %add3A_361 = arith.addi %mul3A_175, %mul3A_360 : i32
      %get3A_362 = arith.index_cast %add3A_361 : i32 to index
      %get3A_363 = tpu.vector_load %arg5[%get3A_362] {strides = array<i32>} : memref<20096xf32, #tpu.memory_space<vmem>>, vector<16xf32>,
      %add3A_364 = arith.constant 1 : i32
      %add3A_365 = arith.addi %mul3A_358, %add3A_364 : i32
      %mul3A_366 = arith.constant 16 : i32
      %mul3A_367 = arith.muli %add3A_365, %mul3A_366 : i32
      %add3A_368 = arith.addi %mul3A_175, %mul3A_367 : i32
      %get3A_369 = arith.index_cast %add3A_368 : i32 to index
      %get3A_370 = tpu.vector_load %arg5[%get3A_369] {strides = array<i32>} : memref<20096xf32, #tpu.memory_space<vmem>>, vector<16xf32>,
      %max3A_371 = arith.maximumf %get3A_363, %get3A_370 : vector<16xf32>
      %add3A_372 = arith.constant 2 : i32
      %add3A_373 = arith.addi %mul3A_358, %add3A_372 : i32
      %mul3A_374 = arith.constant 16 : i32
      %mul3A_375 = arith.muli %add3A_373, %mul3A_374 : i32
      %add3A_376 = arith.addi %mul3A_175, %mul3A_375 : i32
      %get3A_377 = arith.index_cast %add3A_376 : i32 to index
      %get3A_378 = tpu.vector_load %arg5[%get3A_377] {strides = array<i32>} : memref<20096xf32, #tpu.memory_space<vmem>>, vector<16xf32>,
      %max3A_379 = arith.maximumf %max3A_371, %get3A_378 : vector<16xf32>
      %add3A_380 = arith.constant 3 : i32
      %add3A_381 = arith.addi %mul3A_358, %add3A_380 : i32
      %mul3A_382 = arith.constant 16 : i32
      %mul3A_383 = arith.muli %add3A_381, %mul3A_382 : i32
      %add3A_384 = arith.addi %mul3A_175, %mul3A_383 : i32
      %get3A_385 = arith.index_cast %add3A_384 : i32 to index
      %get3A_386 = tpu.vector_load %arg5[%get3A_385] {strides = array<i32>} : memref<20096xf32, #tpu.memory_space<vmem>>, vector<16xf32>,
      %max3A_387 = arith.maximumf %max3A_379, %get3A_386 : vector<16xf32>
      %broadcast_in_dim3A_388 = arith.constant true
      %broadcast_in_dim3A_389 = vector.broadcast %broadcast_in_dim3A_388 : i1 to vector<16xi1>
      %masked_cummax3A_390 = tpu.scan <max>, %max3A_387 masked %broadcast_in_dim3A_389 : vector<16xf32>, vector<16xi1> -> vector<16xf32>
      %mul3A_391 = arith.constant 0 : i32
      %mul3A_392 = vector.broadcast %mul3A_391 : i32 to vector<16xi32>
      %mul3A_393 = arith.muli %iota3A, %mul3A_392 : vector<16xi32>
      %add3A_394 = vector.broadcast %scan3A_356 : i32 to vector<16xi32>
      %add3A_395 = arith.addi %mul3A_393, %add3A_394 : vector<16xi32>
      tpu.vector_store_idx %arg6[%add3A_395], %masked_cummax3A_390 masked %eq3A_11 : memref<173xf32, #tpu.memory_space<vmem>>[vector<16xi32>], vector<16xf32>, vector<16xi1>
      %scan3A_396 = arith.constant 157 : i32
      %scan3A_397 = arith.constant 0 : i32
      %scan3A_398 = arith.constant 0 : i32
      %scan3A_399 = arith.constant 128 : i32
      %scan3A_400 = arith.addi %scan3A_398, %scan3A_399 : i32
      %scan3A_401 = arith.constant 4 : i32
      scf.for %scan3A_927 = %scan3A_398 to %scan3A_400 step %scan3A_401  : i32 {
        %mul3A_928 = arith.constant 16 : i32
        %mul3A_929 = arith.muli %scan3A_927, %mul3A_928 : i32
        %swap3A_930 = arith.index_cast %mul3A_929 : i32 to index
        %swap3A_931 = tpu.vector_load %arg7[%swap3A_930] {strides = array<i32>} : memref<2064xi32, #tpu.memory_space<vmem>>, vector<16xi32>,
        tpu.vector_store %arg7[%swap3A_930], %broadcast_in_dim3A_7 {strides = array<i32>} : memref<2064xi32, #tpu.memory_space<vmem>>, vector<16xi32>,
        %scan3A_932 = arith.constant 1 : i32
        %scan3A_933 = arith.addi %scan3A_927, %scan3A_932 : i32
        %mul3A_934 = arith.constant 16 : i32
        %mul3A_935 = arith.muli %scan3A_933, %mul3A_934 : i32
        %swap3A_936 = arith.index_cast %mul3A_935 : i32 to index
        %swap3A_937 = tpu.vector_load %arg7[%swap3A_936] {strides = array<i32>} : memref<2064xi32, #tpu.memory_space<vmem>>, vector<16xi32>,
        tpu.vector_store %arg7[%swap3A_936], %broadcast_in_dim3A_7 {strides = array<i32>} : memref<2064xi32, #tpu.memory_space<vmem>>, vector<16xi32>,
        %scan3A_938 = arith.constant 2 : i32
        %scan3A_939 = arith.addi %scan3A_927, %scan3A_938 : i32
        %mul3A_940 = arith.constant 16 : i32
        %mul3A_941 = arith.muli %scan3A_939, %mul3A_940 : i32
        %swap3A_942 = arith.index_cast %mul3A_941 : i32 to index
        %swap3A_943 = tpu.vector_load %arg7[%swap3A_942] {strides = array<i32>} : memref<2064xi32, #tpu.memory_space<vmem>>, vector<16xi32>,
        tpu.vector_store %arg7[%swap3A_942], %broadcast_in_dim3A_7 {strides = array<i32>} : memref<2064xi32, #tpu.memory_space<vmem>>, vector<16xi32>,
        %scan3A_944 = arith.constant 3 : i32
        %scan3A_945 = arith.addi %scan3A_927, %scan3A_944 : i32
        %mul3A_946 = arith.constant 16 : i32
        %mul3A_947 = arith.muli %scan3A_945, %mul3A_946 : i32
        %swap3A_948 = arith.index_cast %mul3A_947 : i32 to index
        %swap3A_949 = tpu.vector_load %arg7[%swap3A_948] {strides = array<i32>} : memref<2064xi32, #tpu.memory_space<vmem>>, vector<16xi32>,
        tpu.vector_store %arg7[%swap3A_948], %broadcast_in_dim3A_7 {strides = array<i32>} : memref<2064xi32, #tpu.memory_space<vmem>>, vector<16xi32>,
      }
      %scan3A_402 = arith.constant 128 : i32
      %scan3A_403 = arith.constant 0 : i32
      %scan3A_404 = arith.constant 0 : i32
      %scan3A_405 = arith.constant 8 : i32
      %scan3A_406 = arith.addi %scan3A_404, %scan3A_405 : i32
      %scan3A_407 = arith.constant 4 : i32
      scf.for %scan3A_927 = %scan3A_404 to %scan3A_406 step %scan3A_407  : i32 {
        %mul3A_928 = arith.constant 16 : i32
        %mul3A_929 = arith.muli %scan3A_927, %mul3A_928 : i32
        %get3A_930 = arith.index_cast %mul3A_929 : i32 to index
        %get3A_931 = tpu.vector_load %arg6[%get3A_930] {strides = array<i32>} : memref<173xf32, #tpu.memory_space<vmem>>, vector<16xf32>,
        %bitcast_convert_type3A_932 = tpu.bitcast %get3A_931 : vector<16xf32> -> vector<16xi32>
        %mul3A_933 = arith.constant 16 : i32
        %mul3A_934 = arith.muli %scan3A_927, %mul3A_933 : i32
        %add3A_935 = vector.broadcast %mul3A_934 : i32 to vector<16xi32>
        %add3A_936 = arith.addi %iota3A, %add3A_935 : vector<16xi32>
        %lt3A_937 = arith.constant 157 : i32
        %lt3A_938 = vector.broadcast %lt3A_937 : i32 to vector<16xi32>
        %lt3A_939 = arith.cmpi slt, %add3A_936, %lt3A_938 : vector<16xi32>
        %shift_right_logical3A_940 = arith.constant 19 : i32
        %shift_right_logical3A_941 = vector.broadcast %shift_right_logical3A_940 : i32 to vector<16xi32>
        %shift_right_logical3A_942 = arith.shrui %bitcast_convert_type3A_932, %shift_right_logical3A_941 : vector<16xi32>
        tpu.vector_store_idx %arg7[%shift_right_logical3A_942], %broadcast_in_dim3A_5 masked %lt3A_939 {add = true} : memref<2064xi32, #tpu.memory_space<vmem>>[vector<16xi32>], vector<16xi32>, vector<16xi1>
        %scan3A_943 = arith.constant 1 : i32
        %scan3A_944 = arith.addi %scan3A_927, %scan3A_943 : i32
        %mul3A_945 = arith.constant 16 : i32
        %mul3A_946 = arith.muli %scan3A_944, %mul3A_945 : i32
        %get3A_947 = arith.index_cast %mul3A_946 : i32 to index
        %get3A_948 = tpu.vector_load %arg6[%get3A_947] {strides = array<i32>} : memref<173xf32, #tpu.memory_space<vmem>>, vector<16xf32>,
        %bitcast_convert_type3A_949 = tpu.bitcast %get3A_948 : vector<16xf32> -> vector<16xi32>
        %mul3A_950 = arith.constant 16 : i32
        %mul3A_951 = arith.muli %scan3A_944, %mul3A_950 : i32
        %add3A_952 = vector.broadcast %mul3A_951 : i32 to vector<16xi32>
        %add3A_953 = arith.addi %iota3A, %add3A_952 : vector<16xi32>
        %lt3A_954 = arith.constant 157 : i32
        %lt3A_955 = vector.broadcast %lt3A_954 : i32 to vector<16xi32>
        %lt3A_956 = arith.cmpi slt, %add3A_953, %lt3A_955 : vector<16xi32>
        %shift_right_logical3A_957 = arith.constant 19 : i32
        %shift_right_logical3A_958 = vector.broadcast %shift_right_logical3A_957 : i32 to vector<16xi32>
        %shift_right_logical3A_959 = arith.shrui %bitcast_convert_type3A_949, %shift_right_logical3A_958 : vector<16xi32>
        tpu.vector_store_idx %arg7[%shift_right_logical3A_959], %broadcast_in_dim3A_5 masked %lt3A_956 {add = true} : memref<2064xi32, #tpu.memory_space<vmem>>[vector<16xi32>], vector<16xi32>, vector<16xi1>
        %scan3A_960 = arith.constant 2 : i32
        %scan3A_961 = arith.addi %scan3A_927, %scan3A_960 : i32
        %mul3A_962 = arith.constant 16 : i32
        %mul3A_963 = arith.muli %scan3A_961, %mul3A_962 : i32
        %get3A_964 = arith.index_cast %mul3A_963 : i32 to index
        %get3A_965 = tpu.vector_load %arg6[%get3A_964] {strides = array<i32>} : memref<173xf32, #tpu.memory_space<vmem>>, vector<16xf32>,
        %bitcast_convert_type3A_966 = tpu.bitcast %get3A_965 : vector<16xf32> -> vector<16xi32>
        %mul3A_967 = arith.constant 16 : i32
        %mul3A_968 = arith.muli %scan3A_961, %mul3A_967 : i32
        %add3A_969 = vector.broadcast %mul3A_968 : i32 to vector<16xi32>
        %add3A_970 = arith.addi %iota3A, %add3A_969 : vector<16xi32>
        %lt3A_971 = arith.constant 157 : i32
        %lt3A_972 = vector.broadcast %lt3A_971 : i32 to vector<16xi32>
        %lt3A_973 = arith.cmpi slt, %add3A_970, %lt3A_972 : vector<16xi32>
        %shift_right_logical3A_974 = arith.constant 19 : i32
        %shift_right_logical3A_975 = vector.broadcast %shift_right_logical3A_974 : i32 to vector<16xi32>
        %shift_right_logical3A_976 = arith.shrui %bitcast_convert_type3A_966, %shift_right_logical3A_975 : vector<16xi32>
        tpu.vector_store_idx %arg7[%shift_right_logical3A_976], %broadcast_in_dim3A_5 masked %lt3A_973 {add = true} : memref<2064xi32, #tpu.memory_space<vmem>>[vector<16xi32>], vector<16xi32>, vector<16xi1>
        %scan3A_977 = arith.constant 3 : i32
        %scan3A_978 = arith.addi %scan3A_927, %scan3A_977 : i32
        %mul3A_979 = arith.constant 16 : i32
        %mul3A_980 = arith.muli %scan3A_978, %mul3A_979 : i32
        %get3A_981 = arith.index_cast %mul3A_980 : i32 to index
        %get3A_982 = tpu.vector_load %arg6[%get3A_981] {strides = array<i32>} : memref<173xf32, #tpu.memory_space<vmem>>, vector<16xf32>,
        %bitcast_convert_type3A_983 = tpu.bitcast %get3A_982 : vector<16xf32> -> vector<16xi32>
        %mul3A_984 = arith.constant 16 : i32
        %mul3A_985 = arith.muli %scan3A_978, %mul3A_984 : i32
        %add3A_986 = vector.broadcast %mul3A_985 : i32 to vector<16xi32>
        %add3A_987 = arith.addi %iota3A, %add3A_986 : vector<16xi32>
        %lt3A_988 = arith.constant 157 : i32
        %lt3A_989 = vector.broadcast %lt3A_988 : i32 to vector<16xi32>
        %lt3A_990 = arith.cmpi slt, %add3A_987, %lt3A_989 : vector<16xi32>
        %shift_right_logical3A_991 = arith.constant 19 : i32
        %shift_right_logical3A_992 = vector.broadcast %shift_right_logical3A_991 : i32 to vector<16xi32>
        %shift_right_logical3A_993 = arith.shrui %bitcast_convert_type3A_983, %shift_right_logical3A_992 : vector<16xi32>
        tpu.vector_store_idx %arg7[%shift_right_logical3A_993], %broadcast_in_dim3A_5 masked %lt3A_990 {add = true} : memref<2064xi32, #tpu.memory_space<vmem>>[vector<16xi32>], vector<16xi32>, vector<16xi1>
      }
      %scan3A_408 = arith.constant 8 : i32
      %scan3A_409 = arith.addi %scan3A_404, %scan3A_408 : i32
      %mul3A_410 = arith.constant 16 : i32
      %mul3A_411 = arith.muli %scan3A_409, %mul3A_410 : i32
      %get3A_412 = arith.index_cast %mul3A_411 : i32 to index
      %get3A_413 = tpu.vector_load %arg6[%get3A_412] {strides = array<i32>} : memref<173xf32, #tpu.memory_space<vmem>>, vector<16xf32>,
      %bitcast_convert_type3A = tpu.bitcast %get3A_413 : vector<16xf32> -> vector<16xi32>
      %mul3A_414 = arith.constant 16 : i32
      %mul3A_415 = arith.muli %scan3A_409, %mul3A_414 : i32
      %add3A_416 = vector.broadcast %mul3A_415 : i32 to vector<16xi32>
      %add3A_417 = arith.addi %iota3A, %add3A_416 : vector<16xi32>
      %lt3A_418 = arith.constant 157 : i32
      %lt3A_419 = vector.broadcast %lt3A_418 : i32 to vector<16xi32>
      %lt3A_420 = arith.cmpi slt, %add3A_417, %lt3A_419 : vector<16xi32>
      %shift_right_logical3A = arith.constant 19 : i32
      %shift_right_logical3A_421 = vector.broadcast %shift_right_logical3A : i32 to vector<16xi32>
      %shift_right_logical3A_422 = arith.shrui %bitcast_convert_type3A, %shift_right_logical3A_421 : vector<16xi32>
      tpu.vector_store_idx %arg7[%shift_right_logical3A_422], %broadcast_in_dim3A_5 masked %lt3A_420 {add = true} : memref<2064xi32, #tpu.memory_space<vmem>>[vector<16xi32>], vector<16xi32>, vector<16xi1>
      %scan3A_423 = arith.constant 9 : i32
      %scan3A_424 = arith.addi %scan3A_404, %scan3A_423 : i32
      %mul3A_425 = arith.constant 16 : i32
      %mul3A_426 = arith.muli %scan3A_424, %mul3A_425 : i32
      %get3A_427 = arith.index_cast %mul3A_426 : i32 to index
      %get3A_428 = tpu.vector_load %arg6[%get3A_427] {strides = array<i32>} : memref<173xf32, #tpu.memory_space<vmem>>, vector<16xf32>,
      %bitcast_convert_type3A_429 = tpu.bitcast %get3A_428 : vector<16xf32> -> vector<16xi32>
      %mul3A_430 = arith.constant 16 : i32
      %mul3A_431 = arith.muli %scan3A_424, %mul3A_430 : i32
      %add3A_432 = vector.broadcast %mul3A_431 : i32 to vector<16xi32>
      %add3A_433 = arith.addi %iota3A, %add3A_432 : vector<16xi32>
      %lt3A_434 = arith.constant 157 : i32
      %lt3A_435 = vector.broadcast %lt3A_434 : i32 to vector<16xi32>
      %lt3A_436 = arith.cmpi slt, %add3A_433, %lt3A_435 : vector<16xi32>
      %shift_right_logical3A_437 = arith.constant 19 : i32
      %shift_right_logical3A_438 = vector.broadcast %shift_right_logical3A_437 : i32 to vector<16xi32>
      %shift_right_logical3A_439 = arith.shrui %bitcast_convert_type3A_429, %shift_right_logical3A_438 : vector<16xi32>
      tpu.vector_store_idx %arg7[%shift_right_logical3A_439], %broadcast_in_dim3A_5 masked %lt3A_436 {add = true} : memref<2064xi32, #tpu.memory_space<vmem>>[vector<16xi32>], vector<16xi32>, vector<16xi1>
      %scan3A_440 = arith.constant 10 : i32
      %while3A_441 = arith.constant 128 : i32
      %while3A_442 = arith.constant 0 : i32
      %while3A_443 = arith.constant 0 : i32
      %while3A_444:3 = scf.while (%while3A_927 = %while3A_441, %while3A_928 = %while3A_442, %while3A_929 = %while3A_443) : (i32, i32, i32) -> (i32, i32, i32) {
        %lt3A_930 = arith.constant 32 : i32
        %lt3A_931 = arith.cmpi slt, %while3A_928, %lt3A_930 : i32
        scf.condition(%lt3A_931) %while3A_927, %while3A_928, %while3A_929 : i32, i32, i32
      } do {
      ^bb0(%while3A_927: i32, %while3A_928: i32, %while3A_929: i32):
        %sub3A_930 = arith.constant 1 : i32
        %sub3A_931 = arith.subi %while3A_927, %sub3A_930 : i32
        %mul3A_932 = arith.constant 16 : i32
        %mul3A_933 = arith.muli %sub3A_931, %mul3A_932 : i32
        %get3A_934 = arith.index_cast %mul3A_933 : i32 to index
        %get3A_935 = tpu.vector_load %arg7[%get3A_934] {strides = array<i32>} : memref<2064xi32, #tpu.memory_space<vmem>>, vector<16xi32>,
        %broadcast_in_dim3A_936 = arith.constant true
        %broadcast_in_dim3A_937 = vector.broadcast %broadcast_in_dim3A_936 : i1 to vector<16xi1>
        %masked_cumsum3A_938 = tpu.scan <sum>, %get3A_935 masked %broadcast_in_dim3A_937 : vector<16xi32>, vector<16xi1> -> vector<16xi32>
        %slice3A_939 = vector.extract_strided_slice %masked_cumsum3A_938 {offsets = [15], sizes = [1], strides = [1]} : vector<16xi32> to vector<1xi32>
        %squeeze3A_940 = vector.extract %slice3A_939[0] : i32 from vector<1xi32>
        %add3A_941 = arith.addi %while3A_928, %squeeze3A_940 : i32
        scf.yield %sub3A_931, %add3A_941, %while3A_928 : i32, i32, i32
      }
      %mul3A_445 = arith.constant 16 : i32
      %mul3A_446 = arith.muli %while3A_444#0, %mul3A_445 : i32
      %get3A_447 = arith.index_cast %mul3A_446 : i32 to index
      %get3A_448 = tpu.vector_load %arg7[%get3A_447] {strides = array<i32>} : memref<2064xi32, #tpu.memory_space<vmem>>, vector<16xi32>,
      %broadcast_in_dim3A_449 = arith.constant true
      %broadcast_in_dim3A_450 = vector.broadcast %broadcast_in_dim3A_449 : i1 to vector<16xi1>
      %masked_cumsum3A = tpu.scan <sum>, %get3A_448 masked %broadcast_in_dim3A_450 : vector<16xi32>, vector<16xi1> -> vector<16xi32>
      %slice3A = vector.extract_strided_slice %masked_cumsum3A {offsets = [15], sizes = [1], strides = [1]} : vector<16xi32> to vector<1xi32>
      %squeeze3A = vector.extract %slice3A[0] : i32 from vector<1xi32>
      %add3A_451 = arith.addi %while3A_444#2, %squeeze3A : i32
      %sub3A_452 = arith.subi %get3A_448, %masked_cumsum3A : vector<16xi32>
      %add3A_453 = vector.broadcast %add3A_451 : i32 to vector<16xi32>
      %add3A_454 = arith.addi %add3A_453, %sub3A_452 : vector<16xi32>
      %ge3A_455 = arith.constant 32 : i32
      %ge3A_456 = vector.broadcast %ge3A_455 : i32 to vector<16xi32>
      %ge3A_457 = arith.cmpi sge, %add3A_454, %ge3A_456 : vector<16xi32>
      %select_n3A = arith.select %ge3A_457, %iota3A, %broadcast_in_dim3A_9 : vector<16xi1>, vector<16xi32>
      %broadcast_in_dim3A_458 = arith.constant true
      %broadcast_in_dim3A_459 = vector.broadcast %broadcast_in_dim3A_458 : i1 to vector<16xi1>
      %masked_cummax3A_460 = arith.constant -2147483648 : i32
      %masked_cummax3A_461 = vector.broadcast %masked_cummax3A_460 : i32 to vector<16xi32>
      %masked_cummax3A_462 = arith.xori %select_n3A, %masked_cummax3A_461 : vector<16xi32>
      %masked_cummax3A_463 = tpu.scan <max>, %masked_cummax3A_462 masked %broadcast_in_dim3A_459 : vector<16xi32>, vector<16xi1> -> vector<16xi32>
      %masked_cummax3A_464 = arith.xori %masked_cummax3A_463, %masked_cummax3A_461 : vector<16xi32>
      %slice3A_465 = vector.extract_strided_slice %masked_cummax3A_464 {offsets = [15], sizes = [1], strides = [1]} : vector<16xi32> to vector<1xi32>
      %squeeze3A_466 = vector.extract %slice3A_465[0] : i32 from vector<1xi32>
      %mul3A_467 = arith.constant 16 : i32
      %mul3A_468 = arith.muli %while3A_444#0, %mul3A_467 : i32
      %add3A_469 = arith.addi %mul3A_468, %squeeze3A_466 : i32
      %eq3A_470 = vector.broadcast %squeeze3A_466 : i32 to vector<16xi32>
      %eq3A_471 = arith.cmpi eq, %iota3A, %eq3A_470 : vector<16xi32>
      %select_n3A_472 = arith.select %eq3A_471, %masked_cumsum3A, %broadcast_in_dim3A_7 : vector<16xi1>, vector<16xi32>
      %add3A_473 = arith.addi %while3A_444#2, %squeeze3A : i32
      %broadcast_in_dim3A_474 = arith.constant true
      %broadcast_in_dim3A_475 = vector.broadcast %broadcast_in_dim3A_474 : i1 to vector<16xi1>
      %masked_cumsum3A_476 = tpu.scan <sum>, %select_n3A_472 masked %broadcast_in_dim3A_475 : vector<16xi32>, vector<16xi1> -> vector<16xi32>
      %slice3A_477 = vector.extract_strided_slice %masked_cumsum3A_476 {offsets = [15], sizes = [1], strides = [1]} : vector<16xi32> to vector<1xi32>
      %squeeze3A_478 = vector.extract %slice3A_477[0] : i32 from vector<1xi32>
      %sub3A_479 = arith.subi %add3A_473, %squeeze3A_478 : i32
      %scan3A_480 = arith.constant 0 : i32
      %scan3A_481 = arith.constant 0 : i32
      %scan3A_482 = arith.constant 16 : i32
      %scan3A_483 = arith.addi %scan3A_481, %scan3A_482 : i32
      %scan3A_484 = arith.constant 4 : i32
      scf.for %scan3A_927 = %scan3A_481 to %scan3A_483 step %scan3A_484  : i32 {
        %mul3A_928 = arith.constant 16 : i32
        %mul3A_929 = arith.muli %scan3A_927, %mul3A_928 : i32
        %swap3A_930 = arith.index_cast %mul3A_929 : i32 to index
        %swap3A_931 = tpu.vector_load %arg7[%swap3A_930] {strides = array<i32>} : memref<2064xi32, #tpu.memory_space<vmem>>, vector<16xi32>,
        tpu.vector_store %arg7[%swap3A_930], %broadcast_in_dim3A_7 {strides = array<i32>} : memref<2064xi32, #tpu.memory_space<vmem>>, vector<16xi32>,
        %scan3A_932 = arith.constant 1 : i32
        %scan3A_933 = arith.addi %scan3A_927, %scan3A_932 : i32
        %mul3A_934 = arith.constant 16 : i32
        %mul3A_935 = arith.muli %scan3A_933, %mul3A_934 : i32
        %swap3A_936 = arith.index_cast %mul3A_935 : i32 to index
        %swap3A_937 = tpu.vector_load %arg7[%swap3A_936] {strides = array<i32>} : memref<2064xi32, #tpu.memory_space<vmem>>, vector<16xi32>,
        tpu.vector_store %arg7[%swap3A_936], %broadcast_in_dim3A_7 {strides = array<i32>} : memref<2064xi32, #tpu.memory_space<vmem>>, vector<16xi32>,
        %scan3A_938 = arith.constant 2 : i32
        %scan3A_939 = arith.addi %scan3A_927, %scan3A_938 : i32
        %mul3A_940 = arith.constant 16 : i32
        %mul3A_941 = arith.muli %scan3A_939, %mul3A_940 : i32
        %swap3A_942 = arith.index_cast %mul3A_941 : i32 to index
        %swap3A_943 = tpu.vector_load %arg7[%swap3A_942] {strides = array<i32>} : memref<2064xi32, #tpu.memory_space<vmem>>, vector<16xi32>,
        tpu.vector_store %arg7[%swap3A_942], %broadcast_in_dim3A_7 {strides = array<i32>} : memref<2064xi32, #tpu.memory_space<vmem>>, vector<16xi32>,
        %scan3A_944 = arith.constant 3 : i32
        %scan3A_945 = arith.addi %scan3A_927, %scan3A_944 : i32
        %mul3A_946 = arith.constant 16 : i32
        %mul3A_947 = arith.muli %scan3A_945, %mul3A_946 : i32
        %swap3A_948 = arith.index_cast %mul3A_947 : i32 to index
        %swap3A_949 = tpu.vector_load %arg7[%swap3A_948] {strides = array<i32>} : memref<2064xi32, #tpu.memory_space<vmem>>, vector<16xi32>,
        tpu.vector_store %arg7[%swap3A_948], %broadcast_in_dim3A_7 {strides = array<i32>} : memref<2064xi32, #tpu.memory_space<vmem>>, vector<16xi32>,
      }
      %scan3A_485 = arith.constant 16 : i32
      %scan3A_486 = arith.constant 0 : i32
      %scan3A_487 = arith.constant 0 : i32
      %scan3A_488 = arith.constant 8 : i32
      %scan3A_489 = arith.addi %scan3A_487, %scan3A_488 : i32
      %scan3A_490 = arith.constant 4 : i32
      scf.for %scan3A_927 = %scan3A_487 to %scan3A_489 step %scan3A_490  : i32 {
        %mul3A_928 = arith.constant 16 : i32
        %mul3A_929 = arith.muli %scan3A_927, %mul3A_928 : i32
        %get3A_930 = arith.index_cast %mul3A_929 : i32 to index
        %get3A_931 = tpu.vector_load %arg6[%get3A_930] {strides = array<i32>} : memref<173xf32, #tpu.memory_space<vmem>>, vector<16xf32>,
        %bitcast_convert_type3A_932 = tpu.bitcast %get3A_931 : vector<16xf32> -> vector<16xi32>
        %mul3A_933 = arith.constant 16 : i32
        %mul3A_934 = arith.muli %scan3A_927, %mul3A_933 : i32
        %add3A_935 = vector.broadcast %mul3A_934 : i32 to vector<16xi32>
        %add3A_936 = arith.addi %iota3A, %add3A_935 : vector<16xi32>
        %lt3A_937 = arith.constant 157 : i32
        %lt3A_938 = vector.broadcast %lt3A_937 : i32 to vector<16xi32>
        %lt3A_939 = arith.cmpi slt, %add3A_936, %lt3A_938 : vector<16xi32>
        %shift_right_logical3A_940 = arith.constant 19 : i32
        %shift_right_logical3A_941 = vector.broadcast %shift_right_logical3A_940 : i32 to vector<16xi32>
        %shift_right_logical3A_942 = arith.shrui %bitcast_convert_type3A_932, %shift_right_logical3A_941 : vector<16xi32>
        %eq3A_943 = vector.broadcast %add3A_469 : i32 to vector<16xi32>
        %eq3A_944 = arith.cmpi eq, %shift_right_logical3A_942, %eq3A_943 : vector<16xi32>
        %and3A_945 = arith.andi %lt3A_939, %eq3A_944 : vector<16xi1>
        %shift_right_logical3A_946 = arith.constant 11 : i32
        %shift_right_logical3A_947 = vector.broadcast %shift_right_logical3A_946 : i32 to vector<16xi32>
        %shift_right_logical3A_948 = arith.shrui %bitcast_convert_type3A_932, %shift_right_logical3A_947 : vector<16xi32>
        %and3A_949 = arith.constant 255 : i32
        %and3A_950 = vector.broadcast %and3A_949 : i32 to vector<16xi32>
        %and3A_951 = arith.andi %shift_right_logical3A_948, %and3A_950 : vector<16xi32>
        tpu.vector_store_idx %arg7[%and3A_951], %broadcast_in_dim3A_5 masked %and3A_945 {add = true} : memref<2064xi32, #tpu.memory_space<vmem>>[vector<16xi32>], vector<16xi32>, vector<16xi1>
        %scan3A_952 = arith.constant 1 : i32
        %scan3A_953 = arith.addi %scan3A_927, %scan3A_952 : i32
        %mul3A_954 = arith.constant 16 : i32
        %mul3A_955 = arith.muli %scan3A_953, %mul3A_954 : i32
        %get3A_956 = arith.index_cast %mul3A_955 : i32 to index
        %get3A_957 = tpu.vector_load %arg6[%get3A_956] {strides = array<i32>} : memref<173xf32, #tpu.memory_space<vmem>>, vector<16xf32>,
        %bitcast_convert_type3A_958 = tpu.bitcast %get3A_957 : vector<16xf32> -> vector<16xi32>
        %mul3A_959 = arith.constant 16 : i32
        %mul3A_960 = arith.muli %scan3A_953, %mul3A_959 : i32
        %add3A_961 = vector.broadcast %mul3A_960 : i32 to vector<16xi32>
        %add3A_962 = arith.addi %iota3A, %add3A_961 : vector<16xi32>
        %lt3A_963 = arith.constant 157 : i32
        %lt3A_964 = vector.broadcast %lt3A_963 : i32 to vector<16xi32>
        %lt3A_965 = arith.cmpi slt, %add3A_962, %lt3A_964 : vector<16xi32>
        %shift_right_logical3A_966 = arith.constant 19 : i32
        %shift_right_logical3A_967 = vector.broadcast %shift_right_logical3A_966 : i32 to vector<16xi32>
        %shift_right_logical3A_968 = arith.shrui %bitcast_convert_type3A_958, %shift_right_logical3A_967 : vector<16xi32>
        %eq3A_969 = vector.broadcast %add3A_469 : i32 to vector<16xi32>
        %eq3A_970 = arith.cmpi eq, %shift_right_logical3A_968, %eq3A_969 : vector<16xi32>
        %and3A_971 = arith.andi %lt3A_965, %eq3A_970 : vector<16xi1>
        %shift_right_logical3A_972 = arith.constant 11 : i32
        %shift_right_logical3A_973 = vector.broadcast %shift_right_logical3A_972 : i32 to vector<16xi32>
        %shift_right_logical3A_974 = arith.shrui %bitcast_convert_type3A_958, %shift_right_logical3A_973 : vector<16xi32>
        %and3A_975 = arith.constant 255 : i32
        %and3A_976 = vector.broadcast %and3A_975 : i32 to vector<16xi32>
        %and3A_977 = arith.andi %shift_right_logical3A_974, %and3A_976 : vector<16xi32>
        tpu.vector_store_idx %arg7[%and3A_977], %broadcast_in_dim3A_5 masked %and3A_971 {add = true} : memref<2064xi32, #tpu.memory_space<vmem>>[vector<16xi32>], vector<16xi32>, vector<16xi1>
        %scan3A_978 = arith.constant 2 : i32
        %scan3A_979 = arith.addi %scan3A_927, %scan3A_978 : i32
        %mul3A_980 = arith.constant 16 : i32
        %mul3A_981 = arith.muli %scan3A_979, %mul3A_980 : i32
        %get3A_982 = arith.index_cast %mul3A_981 : i32 to index
        %get3A_983 = tpu.vector_load %arg6[%get3A_982] {strides = array<i32>} : memref<173xf32, #tpu.memory_space<vmem>>, vector<16xf32>,
        %bitcast_convert_type3A_984 = tpu.bitcast %get3A_983 : vector<16xf32> -> vector<16xi32>
        %mul3A_985 = arith.constant 16 : i32
        %mul3A_986 = arith.muli %scan3A_979, %mul3A_985 : i32
        %add3A_987 = vector.broadcast %mul3A_986 : i32 to vector<16xi32>
        %add3A_988 = arith.addi %iota3A, %add3A_987 : vector<16xi32>
        %lt3A_989 = arith.constant 157 : i32
        %lt3A_990 = vector.broadcast %lt3A_989 : i32 to vector<16xi32>
        %lt3A_991 = arith.cmpi slt, %add3A_988, %lt3A_990 : vector<16xi32>
        %shift_right_logical3A_992 = arith.constant 19 : i32
        %shift_right_logical3A_993 = vector.broadcast %shift_right_logical3A_992 : i32 to vector<16xi32>
        %shift_right_logical3A_994 = arith.shrui %bitcast_convert_type3A_984, %shift_right_logical3A_993 : vector<16xi32>
        %eq3A_995 = vector.broadcast %add3A_469 : i32 to vector<16xi32>
        %eq3A_996 = arith.cmpi eq, %shift_right_logical3A_994, %eq3A_995 : vector<16xi32>
        %and3A_997 = arith.andi %lt3A_991, %eq3A_996 : vector<16xi1>
        %shift_right_logical3A_998 = arith.constant 11 : i32
        %shift_right_logical3A_999 = vector.broadcast %shift_right_logical3A_998 : i32 to vector<16xi32>
        %shift_right_logical3A_1000 = arith.shrui %bitcast_convert_type3A_984, %shift_right_logical3A_999 : vector<16xi32>
        %and3A_1001 = arith.constant 255 : i32
        %and3A_1002 = vector.broadcast %and3A_1001 : i32 to vector<16xi32>
        %and3A_1003 = arith.andi %shift_right_logical3A_1000, %and3A_1002 : vector<16xi32>
        tpu.vector_store_idx %arg7[%and3A_1003], %broadcast_in_dim3A_5 masked %and3A_997 {add = true} : memref<2064xi32, #tpu.memory_space<vmem>>[vector<16xi32>], vector<16xi32>, vector<16xi1>
        %scan3A_1004 = arith.constant 3 : i32
        %scan3A_1005 = arith.addi %scan3A_927, %scan3A_1004 : i32
        %mul3A_1006 = arith.constant 16 : i32
        %mul3A_1007 = arith.muli %scan3A_1005, %mul3A_1006 : i32
        %get3A_1008 = arith.index_cast %mul3A_1007 : i32 to index
        %get3A_1009 = tpu.vector_load %arg6[%get3A_1008] {strides = array<i32>} : memref<173xf32, #tpu.memory_space<vmem>>, vector<16xf32>,
        %bitcast_convert_type3A_1010 = tpu.bitcast %get3A_1009 : vector<16xf32> -> vector<16xi32>
        %mul3A_1011 = arith.constant 16 : i32
        %mul3A_1012 = arith.muli %scan3A_1005, %mul3A_1011 : i32
        %add3A_1013 = vector.broadcast %mul3A_1012 : i32 to vector<16xi32>
        %add3A_1014 = arith.addi %iota3A, %add3A_1013 : vector<16xi32>
        %lt3A_1015 = arith.constant 157 : i32
        %lt3A_1016 = vector.broadcast %lt3A_1015 : i32 to vector<16xi32>
        %lt3A_1017 = arith.cmpi slt, %add3A_1014, %lt3A_1016 : vector<16xi32>
        %shift_right_logical3A_1018 = arith.constant 19 : i32
        %shift_right_logical3A_1019 = vector.broadcast %shift_right_logical3A_1018 : i32 to vector<16xi32>
        %shift_right_logical3A_1020 = arith.shrui %bitcast_convert_type3A_1010, %shift_right_logical3A_1019 : vector<16xi32>
        %eq3A_1021 = vector.broadcast %add3A_469 : i32 to vector<16xi32>
        %eq3A_1022 = arith.cmpi eq, %shift_right_logical3A_1020, %eq3A_1021 : vector<16xi32>
        %and3A_1023 = arith.andi %lt3A_1017, %eq3A_1022 : vector<16xi1>
        %shift_right_logical3A_1024 = arith.constant 11 : i32
        %shift_right_logical3A_1025 = vector.broadcast %shift_right_logical3A_1024 : i32 to vector<16xi32>
        %shift_right_logical3A_1026 = arith.shrui %bitcast_convert_type3A_1010, %shift_right_logical3A_1025 : vector<16xi32>
        %and3A_1027 = arith.constant 255 : i32
        %and3A_1028 = vector.broadcast %and3A_1027 : i32 to vector<16xi32>
        %and3A_1029 = arith.andi %shift_right_logical3A_1026, %and3A_1028 : vector<16xi32>
        tpu.vector_store_idx %arg7[%and3A_1029], %broadcast_in_dim3A_5 masked %and3A_1023 {add = true} : memref<2064xi32, #tpu.memory_space<vmem>>[vector<16xi32>], vector<16xi32>, vector<16xi1>
      }
      %scan3A_491 = arith.constant 8 : i32
      %scan3A_492 = arith.addi %scan3A_487, %scan3A_491 : i32
      %mul3A_493 = arith.constant 16 : i32
      %mul3A_494 = arith.muli %scan3A_492, %mul3A_493 : i32
      %get3A_495 = arith.index_cast %mul3A_494 : i32 to index
      %get3A_496 = tpu.vector_load %arg6[%get3A_495] {strides = array<i32>} : memref<173xf32, #tpu.memory_space<vmem>>, vector<16xf32>,
      %bitcast_convert_type3A_497 = tpu.bitcast %get3A_496 : vector<16xf32> -> vector<16xi32>
      %mul3A_498 = arith.constant 16 : i32
      %mul3A_499 = arith.muli %scan3A_492, %mul3A_498 : i32
      %add3A_500 = vector.broadcast %mul3A_499 : i32 to vector<16xi32>
      %add3A_501 = arith.addi %iota3A, %add3A_500 : vector<16xi32>
      %lt3A_502 = arith.constant 157 : i32
      %lt3A_503 = vector.broadcast %lt3A_502 : i32 to vector<16xi32>
      %lt3A_504 = arith.cmpi slt, %add3A_501, %lt3A_503 : vector<16xi32>
      %shift_right_logical3A_505 = arith.constant 19 : i32
      %shift_right_logical3A_506 = vector.broadcast %shift_right_logical3A_505 : i32 to vector<16xi32>
      %shift_right_logical3A_507 = arith.shrui %bitcast_convert_type3A_497, %shift_right_logical3A_506 : vector<16xi32>
      %eq3A_508 = vector.broadcast %add3A_469 : i32 to vector<16xi32>
      %eq3A_509 = arith.cmpi eq, %shift_right_logical3A_507, %eq3A_508 : vector<16xi32>
      %and3A_510 = arith.andi %lt3A_504, %eq3A_509 : vector<16xi1>
      %shift_right_logical3A_511 = arith.constant 11 : i32
      %shift_right_logical3A_512 = vector.broadcast %shift_right_logical3A_511 : i32 to vector<16xi32>
      %shift_right_logical3A_513 = arith.shrui %bitcast_convert_type3A_497, %shift_right_logical3A_512 : vector<16xi32>
      %and3A_514 = arith.constant 255 : i32
      %and3A_515 = vector.broadcast %and3A_514 : i32 to vector<16xi32>
      %and3A_516 = arith.andi %shift_right_logical3A_513, %and3A_515 : vector<16xi32>
      tpu.vector_store_idx %arg7[%and3A_516], %broadcast_in_dim3A_5 masked %and3A_510 {add = true} : memref<2064xi32, #tpu.memory_space<vmem>>[vector<16xi32>], vector<16xi32>, vector<16xi1>
      %scan3A_517 = arith.constant 9 : i32
      %scan3A_518 = arith.addi %scan3A_487, %scan3A_517 : i32
      %mul3A_519 = arith.constant 16 : i32
      %mul3A_520 = arith.muli %scan3A_518, %mul3A_519 : i32
      %get3A_521 = arith.index_cast %mul3A_520 : i32 to index
      %get3A_522 = tpu.vector_load %arg6[%get3A_521] {strides = array<i32>} : memref<173xf32, #tpu.memory_space<vmem>>, vector<16xf32>,
      %bitcast_convert_type3A_523 = tpu.bitcast %get3A_522 : vector<16xf32> -> vector<16xi32>
      %mul3A_524 = arith.constant 16 : i32
      %mul3A_525 = arith.muli %scan3A_518, %mul3A_524 : i32
      %add3A_526 = vector.broadcast %mul3A_525 : i32 to vector<16xi32>
      %add3A_527 = arith.addi %iota3A, %add3A_526 : vector<16xi32>
      %lt3A_528 = arith.constant 157 : i32
      %lt3A_529 = vector.broadcast %lt3A_528 : i32 to vector<16xi32>
      %lt3A_530 = arith.cmpi slt, %add3A_527, %lt3A_529 : vector<16xi32>
      %shift_right_logical3A_531 = arith.constant 19 : i32
      %shift_right_logical3A_532 = vector.broadcast %shift_right_logical3A_531 : i32 to vector<16xi32>
      %shift_right_logical3A_533 = arith.shrui %bitcast_convert_type3A_523, %shift_right_logical3A_532 : vector<16xi32>
      %eq3A_534 = vector.broadcast %add3A_469 : i32 to vector<16xi32>
      %eq3A_535 = arith.cmpi eq, %shift_right_logical3A_533, %eq3A_534 : vector<16xi32>
      %and3A_536 = arith.andi %lt3A_530, %eq3A_535 : vector<16xi1>
      %shift_right_logical3A_537 = arith.constant 11 : i32
      %shift_right_logical3A_538 = vector.broadcast %shift_right_logical3A_537 : i32 to vector<16xi32>
      %shift_right_logical3A_539 = arith.shrui %bitcast_convert_type3A_523, %shift_right_logical3A_538 : vector<16xi32>
      %and3A_540 = arith.constant 255 : i32
      %and3A_541 = vector.broadcast %and3A_540 : i32 to vector<16xi32>
      %and3A_542 = arith.andi %shift_right_logical3A_539, %and3A_541 : vector<16xi32>
      tpu.vector_store_idx %arg7[%and3A_542], %broadcast_in_dim3A_5 masked %and3A_536 {add = true} : memref<2064xi32, #tpu.memory_space<vmem>>[vector<16xi32>], vector<16xi32>, vector<16xi1>
      %scan3A_543 = arith.constant 10 : i32
      %while3A_544 = arith.constant 16 : i32
      %while3A_545:3 = scf.while (%while3A_927 = %while3A_544, %while3A_928 = %sub3A_479, %while3A_929 = %sub3A_479) : (i32, i32, i32) -> (i32, i32, i32) {
        %lt3A_930 = arith.constant 32 : i32
        %lt3A_931 = arith.cmpi slt, %while3A_928, %lt3A_930 : i32
        scf.condition(%lt3A_931) %while3A_927, %while3A_928, %while3A_929 : i32, i32, i32
      } do {
      ^bb0(%while3A_927: i32, %while3A_928: i32, %while3A_929: i32):
        %sub3A_930 = arith.constant 1 : i32
        %sub3A_931 = arith.subi %while3A_927, %sub3A_930 : i32
        %mul3A_932 = arith.constant 16 : i32
        %mul3A_933 = arith.muli %sub3A_931, %mul3A_932 : i32
        %get3A_934 = arith.index_cast %mul3A_933 : i32 to index
        %get3A_935 = tpu.vector_load %arg7[%get3A_934] {strides = array<i32>} : memref<2064xi32, #tpu.memory_space<vmem>>, vector<16xi32>,
        %broadcast_in_dim3A_936 = arith.constant true
        %broadcast_in_dim3A_937 = vector.broadcast %broadcast_in_dim3A_936 : i1 to vector<16xi1>
        %masked_cumsum3A_938 = tpu.scan <sum>, %get3A_935 masked %broadcast_in_dim3A_937 : vector<16xi32>, vector<16xi1> -> vector<16xi32>
        %slice3A_939 = vector.extract_strided_slice %masked_cumsum3A_938 {offsets = [15], sizes = [1], strides = [1]} : vector<16xi32> to vector<1xi32>
        %squeeze3A_940 = vector.extract %slice3A_939[0] : i32 from vector<1xi32>
        %add3A_941 = arith.addi %while3A_928, %squeeze3A_940 : i32
        scf.yield %sub3A_931, %add3A_941, %while3A_928 : i32, i32, i32
      }
      %mul3A_546 = arith.constant 16 : i32
      %mul3A_547 = arith.muli %while3A_545#0, %mul3A_546 : i32
      %get3A_548 = arith.index_cast %mul3A_547 : i32 to index
      %get3A_549 = tpu.vector_load %arg7[%get3A_548] {strides = array<i32>} : memref<2064xi32, #tpu.memory_space<vmem>>, vector<16xi32>,
      %broadcast_in_dim3A_550 = arith.constant true
      %broadcast_in_dim3A_551 = vector.broadcast %broadcast_in_dim3A_550 : i1 to vector<16xi1>
      %masked_cumsum3A_552 = tpu.scan <sum>, %get3A_549 masked %broadcast_in_dim3A_551 : vector<16xi32>, vector<16xi1> -> vector<16xi32>
      %slice3A_553 = vector.extract_strided_slice %masked_cumsum3A_552 {offsets = [15], sizes = [1], strides = [1]} : vector<16xi32> to vector<1xi32>
      %squeeze3A_554 = vector.extract %slice3A_553[0] : i32 from vector<1xi32>
      %add3A_555 = arith.addi %while3A_545#2, %squeeze3A_554 : i32
      %sub3A_556 = arith.subi %get3A_549, %masked_cumsum3A_552 : vector<16xi32>
      %add3A_557 = vector.broadcast %add3A_555 : i32 to vector<16xi32>
      %add3A_558 = arith.addi %add3A_557, %sub3A_556 : vector<16xi32>
      %ge3A_559 = arith.constant 32 : i32
      %ge3A_560 = vector.broadcast %ge3A_559 : i32 to vector<16xi32>
      %ge3A_561 = arith.cmpi sge, %add3A_558, %ge3A_560 : vector<16xi32>
      %select_n3A_562 = arith.select %ge3A_561, %iota3A, %broadcast_in_dim3A_9 : vector<16xi1>, vector<16xi32>
      %broadcast_in_dim3A_563 = arith.constant true
      %broadcast_in_dim3A_564 = vector.broadcast %broadcast_in_dim3A_563 : i1 to vector<16xi1>
      %masked_cummax3A_565 = arith.constant -2147483648 : i32
      %masked_cummax3A_566 = vector.broadcast %masked_cummax3A_565 : i32 to vector<16xi32>
      %masked_cummax3A_567 = arith.xori %select_n3A_562, %masked_cummax3A_566 : vector<16xi32>
      %masked_cummax3A_568 = tpu.scan <max>, %masked_cummax3A_567 masked %broadcast_in_dim3A_564 : vector<16xi32>, vector<16xi1> -> vector<16xi32>
      %masked_cummax3A_569 = arith.xori %masked_cummax3A_568, %masked_cummax3A_566 : vector<16xi32>
      %slice3A_570 = vector.extract_strided_slice %masked_cummax3A_569 {offsets = [15], sizes = [1], strides = [1]} : vector<16xi32> to vector<1xi32>
      %squeeze3A_571 = vector.extract %slice3A_570[0] : i32 from vector<1xi32>
      %mul3A_572 = arith.constant 16 : i32
      %mul3A_573 = arith.muli %while3A_545#0, %mul3A_572 : i32
      %add3A_574 = arith.addi %mul3A_573, %squeeze3A_571 : i32
      %eq3A_575 = vector.broadcast %squeeze3A_571 : i32 to vector<16xi32>
      %eq3A_576 = arith.cmpi eq, %iota3A, %eq3A_575 : vector<16xi32>
      %select_n3A_577 = arith.select %eq3A_576, %masked_cumsum3A_552, %broadcast_in_dim3A_7 : vector<16xi1>, vector<16xi32>
      %add3A_578 = arith.addi %while3A_545#2, %squeeze3A_554 : i32
      %broadcast_in_dim3A_579 = arith.constant true
      %broadcast_in_dim3A_580 = vector.broadcast %broadcast_in_dim3A_579 : i1 to vector<16xi1>
      %masked_cumsum3A_581 = tpu.scan <sum>, %select_n3A_577 masked %broadcast_in_dim3A_580 : vector<16xi32>, vector<16xi1> -> vector<16xi32>
      %slice3A_582 = vector.extract_strided_slice %masked_cumsum3A_581 {offsets = [15], sizes = [1], strides = [1]} : vector<16xi32> to vector<1xi32>
      %squeeze3A_583 = vector.extract %slice3A_582[0] : i32 from vector<1xi32>
      %sub3A_584 = arith.subi %add3A_578, %squeeze3A_583 : i32
      %shift_left3A = arith.constant 8 : i32
      %shift_left3A_585 = arith.shli %add3A_469, %shift_left3A : i32
      %or3A = arith.ori %shift_left3A_585, %add3A_574 : i32
      %shift_left3A_586 = arith.constant 11 : i32
      %shift_left3A_587 = arith.shli %or3A, %shift_left3A_586 : i32
      %scan3A_588 = arith.constant 0 : i32
      %scan3A_589 = arith.constant 0 : i32
      %scan3A_590 = arith.constant 10 : i32
      %scan3A_591 = arith.addi %scan3A_589, %scan3A_590 : i32
      %scan3A_592 = arith.constant 2 : i32
      %scan3A_593 = scf.for %scan3A_927 = %scan3A_589 to %scan3A_591 step %scan3A_592 iter_args(%scan3A_928 = %scan3A_588) -> (i32)  : i32 {
        %mul3A_929 = arith.constant 16 : i32
        %mul3A_930 = arith.muli %scan3A_927, %mul3A_929 : i32
        %get3A_931 = arith.index_cast %mul3A_930 : i32 to index
        %get3A_932 = tpu.vector_load %arg6[%get3A_931] {strides = array<i32>} : memref<173xf32, #tpu.memory_space<vmem>>, vector<16xf32>,
        %bitcast_convert_type3A_933 = tpu.bitcast %get3A_932 : vector<16xf32> -> vector<16xi32>
        %mul3A_934 = arith.constant 16 : i32
        %mul3A_935 = arith.muli %scan3A_927, %mul3A_934 : i32
        %add3A_936 = vector.broadcast %mul3A_935 : i32 to vector<16xi32>
        %add3A_937 = arith.addi %iota3A, %add3A_936 : vector<16xi32>
        %lt3A_938 = arith.constant 157 : i32
        %lt3A_939 = vector.broadcast %lt3A_938 : i32 to vector<16xi32>
        %lt3A_940 = arith.cmpi slt, %add3A_937, %lt3A_939 : vector<16xi32>
        %ge3A_941 = vector.broadcast %shift_left3A_587 : i32 to vector<16xi32>
        %ge3A_942 = arith.cmpi sge, %bitcast_convert_type3A_933, %ge3A_941 : vector<16xi32>
        %and3A_943 = arith.andi %lt3A_940, %ge3A_942 : vector<16xi1>
        %mul3A_944 = arith.constant 16 : i32
        %mul3A_945 = arith.muli %scan3A_927, %mul3A_944 : i32
        %add3A_946 = vector.broadcast %mul3A_945 : i32 to vector<16xi32>
        %add3A_947 = arith.addi %iota3A, %add3A_946 : vector<16xi32>
        %swap3A_948 = arith.index_cast %scan3A_928 : i32 to index
        %swap3A_949 = tpu.vector_load %arg8[%swap3A_948] masked %and3A_943 {strides = array<i32>} : memref<641xi32, #tpu.memory_space<vmem>>, vector<16xi32>, vector<16xi1>
        tpu.vector_store %arg8[%swap3A_948], %add3A_947 masked %and3A_943 {strides = array<i32>} : memref<641xi32, #tpu.memory_space<vmem>>, vector<16xi32>, vector<16xi1>
        %all_reduce_population_count3A = tpu.all_reduce %and3A_943 {dim = 0 : i64, kind = #tpu.reduction_kind<sum>} : vector<16xi1> -> vector<16xi32>
        %slice3A_950 = vector.extract_strided_slice %all_reduce_population_count3A {offsets = [0], sizes = [1], strides = [1]} : vector<16xi32> to vector<1xi32>
        %squeeze3A_951 = vector.extract %slice3A_950[0] : i32 from vector<1xi32>
        %add3A_952 = arith.addi %scan3A_928, %squeeze3A_951 : i32
        %scan3A_953 = arith.constant 1 : i32
        %scan3A_954 = arith.addi %scan3A_927, %scan3A_953 : i32
        %mul3A_955 = arith.constant 16 : i32
        %mul3A_956 = arith.muli %scan3A_954, %mul3A_955 : i32
        %get3A_957 = arith.index_cast %mul3A_956 : i32 to index
        %get3A_958 = tpu.vector_load %arg6[%get3A_957] {strides = array<i32>} : memref<173xf32, #tpu.memory_space<vmem>>, vector<16xf32>,
        %bitcast_convert_type3A_959 = tpu.bitcast %get3A_958 : vector<16xf32> -> vector<16xi32>
        %mul3A_960 = arith.constant 16 : i32
        %mul3A_961 = arith.muli %scan3A_954, %mul3A_960 : i32
        %add3A_962 = vector.broadcast %mul3A_961 : i32 to vector<16xi32>
        %add3A_963 = arith.addi %iota3A, %add3A_962 : vector<16xi32>
        %lt3A_964 = arith.constant 157 : i32
        %lt3A_965 = vector.broadcast %lt3A_964 : i32 to vector<16xi32>
        %lt3A_966 = arith.cmpi slt, %add3A_963, %lt3A_965 : vector<16xi32>
        %ge3A_967 = vector.broadcast %shift_left3A_587 : i32 to vector<16xi32>
        %ge3A_968 = arith.cmpi sge, %bitcast_convert_type3A_959, %ge3A_967 : vector<16xi32>
        %and3A_969 = arith.andi %lt3A_966, %ge3A_968 : vector<16xi1>
        %mul3A_970 = arith.constant 16 : i32
        %mul3A_971 = arith.muli %scan3A_954, %mul3A_970 : i32
        %add3A_972 = vector.broadcast %mul3A_971 : i32 to vector<16xi32>
        %add3A_973 = arith.addi %iota3A, %add3A_972 : vector<16xi32>
        %swap3A_974 = arith.index_cast %add3A_952 : i32 to index
        %swap3A_975 = tpu.vector_load %arg8[%swap3A_974] masked %and3A_969 {strides = array<i32>} : memref<641xi32, #tpu.memory_space<vmem>>, vector<16xi32>, vector<16xi1>
        tpu.vector_store %arg8[%swap3A_974], %add3A_973 masked %and3A_969 {strides = array<i32>} : memref<641xi32, #tpu.memory_space<vmem>>, vector<16xi32>, vector<16xi1>
        %all_reduce_population_count3A_976 = tpu.all_reduce %and3A_969 {dim = 0 : i64, kind = #tpu.reduction_kind<sum>} : vector<16xi1> -> vector<16xi32>
        %slice3A_977 = vector.extract_strided_slice %all_reduce_population_count3A_976 {offsets = [0], sizes = [1], strides = [1]} : vector<16xi32> to vector<1xi32>
        %squeeze3A_978 = vector.extract %slice3A_977[0] : i32 from vector<1xi32>
        %add3A_979 = arith.addi %add3A_952, %squeeze3A_978 : i32
        scf.yield %add3A_979 : i32
      }
      %scan3A_594 = arith.constant 10 : i32
      %while3A_595 = arith.constant 0 : i32
      %while3A_596 = arith.constant 0 : i32
      %while3A_597 = arith.subi %scan3A_593, %while3A_595 : i32
      %while3A_598 = arith.addi %while3A_595, %while3A_597 : i32
      %while3A_599 = arith.constant 1 : i32
      %while3A_600 = arith.divsi %while3A_597, %while3A_599 : i32
      %while3A_601 = arith.muli %while3A_600, %while3A_599 : i32
      %while3A_602 = arith.addi %while3A_595, %while3A_601 : i32
      %while3A_603 = arith.constant 1 : i32
      %while3A_604 = scf.for %while3A_927 = %while3A_595 to %while3A_602 step %while3A_603 iter_args(%while3A_928 = %while3A_596) -> (i32)  : i32 {
        %get3A_929 = arith.index_cast %while3A_927 : i32 to index
        %get3A_930 = tpu.vector_load %arg8[%get3A_929] {strides = array<i32>} : memref<641xi32, #tpu.memory_space<vmem>>, vector<16xi32>,
        %slice3A_931 = vector.extract_strided_slice %get3A_930 {offsets = [0], sizes = [1], strides = [1]} : vector<16xi32> to vector<1xi32>
        %squeeze3A_932 = vector.extract %slice3A_931[0] : i32 from vector<1xi32>
        %mul3A_933 = arith.constant 4 : i32
        %mul3A_934 = arith.muli %squeeze3A_932, %mul3A_933 : i32
        %add3A_935 = arith.constant 0 : i32
        %add3A_936 = arith.addi %mul3A_934, %add3A_935 : i32
        %mul3A_937 = arith.constant 16 : i32
        %mul3A_938 = arith.muli %add3A_936, %mul3A_937 : i32
        %add3A_939 = vector.broadcast %mul3A_938 : i32 to vector<16xi32>
        %add3A_940 = arith.addi %iota3A, %add3A_939 : vector<16xi32>
        %add3A_941 = arith.constant 0 : i32
        %add3A_942 = arith.addi %mul3A_934, %add3A_941 : i32
        %mul3A_943 = arith.constant 16 : i32
        %mul3A_944 = arith.muli %add3A_942, %mul3A_943 : i32
        %add3A_945 = arith.addi %mul3A_175, %mul3A_944 : i32
        %get3A_946 = arith.index_cast %add3A_945 : i32 to index
        %get3A_947 = tpu.vector_load %arg5[%get3A_946] {strides = array<i32>} : memref<20096xf32, #tpu.memory_space<vmem>>, vector<16xf32>,
        %bitcast_convert_type3A_948 = tpu.bitcast %get3A_947 : vector<16xf32> -> vector<16xi32>
        %ge3A_949 = vector.broadcast %shift_left3A_587 : i32 to vector<16xi32>
        %ge3A_950 = arith.cmpi sge, %bitcast_convert_type3A_948, %ge3A_949 : vector<16xi32>
        %lt3A_951 = arith.constant 10000 : i32
        %lt3A_952 = vector.broadcast %lt3A_951 : i32 to vector<16xi32>
        %lt3A_953 = arith.cmpi slt, %add3A_940, %lt3A_952 : vector<16xi32>
        %and3A_954 = arith.andi %ge3A_950, %lt3A_953 : vector<16xi1>
        %swap3A_955 = arith.index_cast %while3A_928 : i32 to index
        %swap3A_956 = tpu.vector_load %arg9[%swap3A_955] masked %and3A_954 {strides = array<i32>} : memref<10016xi32, #tpu.memory_space<vmem>>, vector<16xi32>, vector<16xi1>
        tpu.vector_store %arg9[%swap3A_955], %bitcast_convert_type3A_948 masked %and3A_954 {strides = array<i32>} : memref<10016xi32, #tpu.memory_space<vmem>>, vector<16xi32>, vector<16xi1>
        %swap3A_957 = arith.index_cast %while3A_928 : i32 to index
        %swap3A_958 = tpu.vector_load %arg10[%swap3A_957] masked %and3A_954 {strides = array<i32>} : memref<10016xi32, #tpu.memory_space<vmem>>, vector<16xi32>, vector<16xi1>
        tpu.vector_store %arg10[%swap3A_957], %add3A_940 masked %and3A_954 {strides = array<i32>} : memref<10016xi32, #tpu.memory_space<vmem>>, vector<16xi32>, vector<16xi1>
        %all_reduce_population_count3A = tpu.all_reduce %and3A_954 {dim = 0 : i64, kind = #tpu.reduction_kind<sum>} : vector<16xi1> -> vector<16xi32>
        %slice3A_959 = vector.extract_strided_slice %all_reduce_population_count3A {offsets = [0], sizes = [1], strides = [1]} : vector<16xi32> to vector<1xi32>
        %squeeze3A_960 = vector.extract %slice3A_959[0] : i32 from vector<1xi32>
        %add3A_961 = arith.addi %while3A_928, %squeeze3A_960 : i32
        %add3A_962 = arith.constant 1 : i32
        %add3A_963 = arith.addi %mul3A_934, %add3A_962 : i32
        %mul3A_964 = arith.constant 16 : i32
        %mul3A_965 = arith.muli %add3A_963, %mul3A_964 : i32
        %add3A_966 = vector.broadcast %mul3A_965 : i32 to vector<16xi32>
        %add3A_967 = arith.addi %iota3A, %add3A_966 : vector<16xi32>
        %add3A_968 = arith.constant 1 : i32
        %add3A_969 = arith.addi %mul3A_934, %add3A_968 : i32
        %mul3A_970 = arith.constant 16 : i32
        %mul3A_971 = arith.muli %add3A_969, %mul3A_970 : i32
        %add3A_972 = arith.addi %mul3A_175, %mul3A_971 : i32
        %get3A_973 = arith.index_cast %add3A_972 : i32 to index
        %get3A_974 = tpu.vector_load %arg5[%get3A_973] {strides = array<i32>} : memref<20096xf32, #tpu.memory_space<vmem>>, vector<16xf32>,
        %bitcast_convert_type3A_975 = tpu.bitcast %get3A_974 : vector<16xf32> -> vector<16xi32>
        %ge3A_976 = vector.broadcast %shift_left3A_587 : i32 to vector<16xi32>
        %ge3A_977 = arith.cmpi sge, %bitcast_convert_type3A_975, %ge3A_976 : vector<16xi32>
        %lt3A_978 = arith.constant 10000 : i32
        %lt3A_979 = vector.broadcast %lt3A_978 : i32 to vector<16xi32>
        %lt3A_980 = arith.cmpi slt, %add3A_967, %lt3A_979 : vector<16xi32>
        %and3A_981 = arith.andi %ge3A_977, %lt3A_980 : vector<16xi1>
        %swap3A_982 = arith.index_cast %add3A_961 : i32 to index
        %swap3A_983 = tpu.vector_load %arg9[%swap3A_982] masked %and3A_981 {strides = array<i32>} : memref<10016xi32, #tpu.memory_space<vmem>>, vector<16xi32>, vector<16xi1>
        tpu.vector_store %arg9[%swap3A_982], %bitcast_convert_type3A_975 masked %and3A_981 {strides = array<i32>} : memref<10016xi32, #tpu.memory_space<vmem>>, vector<16xi32>, vector<16xi1>
        %swap3A_984 = arith.index_cast %add3A_961 : i32 to index
        %swap3A_985 = tpu.vector_load %arg10[%swap3A_984] masked %and3A_981 {strides = array<i32>} : memref<10016xi32, #tpu.memory_space<vmem>>, vector<16xi32>, vector<16xi1>
        tpu.vector_store %arg10[%swap3A_984], %add3A_967 masked %and3A_981 {strides = array<i32>} : memref<10016xi32, #tpu.memory_space<vmem>>, vector<16xi32>, vector<16xi1>
        %all_reduce_population_count3A_986 = tpu.all_reduce %and3A_981 {dim = 0 : i64, kind = #tpu.reduction_kind<sum>} : vector<16xi1> -> vector<16xi32>
        %slice3A_987 = vector.extract_strided_slice %all_reduce_population_count3A_986 {offsets = [0], sizes = [1], strides = [1]} : vector<16xi32> to vector<1xi32>
        %squeeze3A_988 = vector.extract %slice3A_987[0] : i32 from vector<1xi32>
        %add3A_989 = arith.addi %add3A_961, %squeeze3A_988 : i32
        %add3A_990 = arith.constant 2 : i32
        %add3A_991 = arith.addi %mul3A_934, %add3A_990 : i32
        %mul3A_992 = arith.constant 16 : i32
        %mul3A_993 = arith.muli %add3A_991, %mul3A_992 : i32
        %add3A_994 = vector.broadcast %mul3A_993 : i32 to vector<16xi32>
        %add3A_995 = arith.addi %iota3A, %add3A_994 : vector<16xi32>
        %add3A_996 = arith.constant 2 : i32
        %add3A_997 = arith.addi %mul3A_934, %add3A_996 : i32
        %mul3A_998 = arith.constant 16 : i32
        %mul3A_999 = arith.muli %add3A_997, %mul3A_998 : i32
        %add3A_1000 = arith.addi %mul3A_175, %mul3A_999 : i32
        %get3A_1001 = arith.index_cast %add3A_1000 : i32 to index
        %get3A_1002 = tpu.vector_load %arg5[%get3A_1001] {strides = array<i32>} : memref<20096xf32, #tpu.memory_space<vmem>>, vector<16xf32>,
        %bitcast_convert_type3A_1003 = tpu.bitcast %get3A_1002 : vector<16xf32> -> vector<16xi32>
        %ge3A_1004 = vector.broadcast %shift_left3A_587 : i32 to vector<16xi32>
        %ge3A_1005 = arith.cmpi sge, %bitcast_convert_type3A_1003, %ge3A_1004 : vector<16xi32>
        %lt3A_1006 = arith.constant 10000 : i32
        %lt3A_1007 = vector.broadcast %lt3A_1006 : i32 to vector<16xi32>
        %lt3A_1008 = arith.cmpi slt, %add3A_995, %lt3A_1007 : vector<16xi32>
        %and3A_1009 = arith.andi %ge3A_1005, %lt3A_1008 : vector<16xi1>
        %swap3A_1010 = arith.index_cast %add3A_989 : i32 to index
        %swap3A_1011 = tpu.vector_load %arg9[%swap3A_1010] masked %and3A_1009 {strides = array<i32>} : memref<10016xi32, #tpu.memory_space<vmem>>, vector<16xi32>, vector<16xi1>
        tpu.vector_store %arg9[%swap3A_1010], %bitcast_convert_type3A_1003 masked %and3A_1009 {strides = array<i32>} : memref<10016xi32, #tpu.memory_space<vmem>>, vector<16xi32>, vector<16xi1>
        %swap3A_1012 = arith.index_cast %add3A_989 : i32 to index
        %swap3A_1013 = tpu.vector_load %arg10[%swap3A_1012] masked %and3A_1009 {strides = array<i32>} : memref<10016xi32, #tpu.memory_space<vmem>>, vector<16xi32>, vector<16xi1>
        tpu.vector_store %arg10[%swap3A_1012], %add3A_995 masked %and3A_1009 {strides = array<i32>} : memref<10016xi32, #tpu.memory_space<vmem>>, vector<16xi32>, vector<16xi1>
        %all_reduce_population_count3A_1014 = tpu.all_reduce %and3A_1009 {dim = 0 : i64, kind = #tpu.reduction_kind<sum>} : vector<16xi1> -> vector<16xi32>
        %slice3A_1015 = vector.extract_strided_slice %all_reduce_population_count3A_1014 {offsets = [0], sizes = [1], strides = [1]} : vector<16xi32> to vector<1xi32>
        %squeeze3A_1016 = vector.extract %slice3A_1015[0] : i32 from vector<1xi32>
        %add3A_1017 = arith.addi %add3A_989, %squeeze3A_1016 : i32
        %add3A_1018 = arith.constant 3 : i32
        %add3A_1019 = arith.addi %mul3A_934, %add3A_1018 : i32
        %mul3A_1020 = arith.constant 16 : i32
        %mul3A_1021 = arith.muli %add3A_1019, %mul3A_1020 : i32
        %add3A_1022 = vector.broadcast %mul3A_1021 : i32 to vector<16xi32>
        %add3A_1023 = arith.addi %iota3A, %add3A_1022 : vector<16xi32>
        %add3A_1024 = arith.constant 3 : i32
        %add3A_1025 = arith.addi %mul3A_934, %add3A_1024 : i32
        %mul3A_1026 = arith.constant 16 : i32
        %mul3A_1027 = arith.muli %add3A_1025, %mul3A_1026 : i32
        %add3A_1028 = arith.addi %mul3A_175, %mul3A_1027 : i32
        %get3A_1029 = arith.index_cast %add3A_1028 : i32 to index
        %get3A_1030 = tpu.vector_load %arg5[%get3A_1029] {strides = array<i32>} : memref<20096xf32, #tpu.memory_space<vmem>>, vector<16xf32>,
        %bitcast_convert_type3A_1031 = tpu.bitcast %get3A_1030 : vector<16xf32> -> vector<16xi32>
        %ge3A_1032 = vector.broadcast %shift_left3A_587 : i32 to vector<16xi32>
        %ge3A_1033 = arith.cmpi sge, %bitcast_convert_type3A_1031, %ge3A_1032 : vector<16xi32>
        %lt3A_1034 = arith.constant 10000 : i32
        %lt3A_1035 = vector.broadcast %lt3A_1034 : i32 to vector<16xi32>
        %lt3A_1036 = arith.cmpi slt, %add3A_1023, %lt3A_1035 : vector<16xi32>
        %and3A_1037 = arith.andi %ge3A_1033, %lt3A_1036 : vector<16xi1>
        %swap3A_1038 = arith.index_cast %add3A_1017 : i32 to index
        %swap3A_1039 = tpu.vector_load %arg9[%swap3A_1038] masked %and3A_1037 {strides = array<i32>} : memref<10016xi32, #tpu.memory_space<vmem>>, vector<16xi32>, vector<16xi1>
        tpu.vector_store %arg9[%swap3A_1038], %bitcast_convert_type3A_1031 masked %and3A_1037 {strides = array<i32>} : memref<10016xi32, #tpu.memory_space<vmem>>, vector<16xi32>, vector<16xi1>
        %swap3A_1040 = arith.index_cast %add3A_1017 : i32 to index
        %swap3A_1041 = tpu.vector_load %arg10[%swap3A_1040] masked %and3A_1037 {strides = array<i32>} : memref<10016xi32, #tpu.memory_space<vmem>>, vector<16xi32>, vector<16xi1>
        tpu.vector_store %arg10[%swap3A_1040], %add3A_1023 masked %and3A_1037 {strides = array<i32>} : memref<10016xi32, #tpu.memory_space<vmem>>, vector<16xi32>, vector<16xi1>
        %all_reduce_population_count3A_1042 = tpu.all_reduce %and3A_1037 {dim = 0 : i64, kind = #tpu.reduction_kind<sum>} : vector<16xi1> -> vector<16xi32>
        %slice3A_1043 = vector.extract_strided_slice %all_reduce_population_count3A_1042 {offsets = [0], sizes = [1], strides = [1]} : vector<16xi32> to vector<1xi32>
        %squeeze3A_1044 = vector.extract %slice3A_1043[0] : i32 from vector<1xi32>
        %add3A_1045 = arith.addi %add3A_1017, %squeeze3A_1044 : i32
        scf.yield %add3A_1045 : i32
      }
      %while3A_605 = arith.constant 1 : i32
      %while3A_606 = scf.for %while3A_927 = %while3A_602 to %while3A_598 step %while3A_605 iter_args(%while3A_928 = %while3A_604) -> (i32)  : i32 {
        %get3A_929 = arith.index_cast %while3A_927 : i32 to index
        %get3A_930 = tpu.vector_load %arg8[%get3A_929] {strides = array<i32>} : memref<641xi32, #tpu.memory_space<vmem>>, vector<16xi32>,
        %slice3A_931 = vector.extract_strided_slice %get3A_930 {offsets = [0], sizes = [1], strides = [1]} : vector<16xi32> to vector<1xi32>
        %squeeze3A_932 = vector.extract %slice3A_931[0] : i32 from vector<1xi32>
        %mul3A_933 = arith.constant 4 : i32
        %mul3A_934 = arith.muli %squeeze3A_932, %mul3A_933 : i32
        %add3A_935 = arith.constant 0 : i32
        %add3A_936 = arith.addi %mul3A_934, %add3A_935 : i32
        %mul3A_937 = arith.constant 16 : i32
        %mul3A_938 = arith.muli %add3A_936, %mul3A_937 : i32
        %add3A_939 = vector.broadcast %mul3A_938 : i32 to vector<16xi32>
        %add3A_940 = arith.addi %iota3A, %add3A_939 : vector<16xi32>
        %add3A_941 = arith.constant 0 : i32
        %add3A_942 = arith.addi %mul3A_934, %add3A_941 : i32
        %mul3A_943 = arith.constant 16 : i32
        %mul3A_944 = arith.muli %add3A_942, %mul3A_943 : i32
        %add3A_945 = arith.addi %mul3A_175, %mul3A_944 : i32
        %get3A_946 = arith.index_cast %add3A_945 : i32 to index
        %get3A_947 = tpu.vector_load %arg5[%get3A_946] {strides = array<i32>} : memref<20096xf32, #tpu.memory_space<vmem>>, vector<16xf32>,
        %bitcast_convert_type3A_948 = tpu.bitcast %get3A_947 : vector<16xf32> -> vector<16xi32>
        %ge3A_949 = vector.broadcast %shift_left3A_587 : i32 to vector<16xi32>
        %ge3A_950 = arith.cmpi sge, %bitcast_convert_type3A_948, %ge3A_949 : vector<16xi32>
        %lt3A_951 = arith.constant 10000 : i32
        %lt3A_952 = vector.broadcast %lt3A_951 : i32 to vector<16xi32>
        %lt3A_953 = arith.cmpi slt, %add3A_940, %lt3A_952 : vector<16xi32>
        %and3A_954 = arith.andi %ge3A_950, %lt3A_953 : vector<16xi1>
        %swap3A_955 = arith.index_cast %while3A_928 : i32 to index
        %swap3A_956 = tpu.vector_load %arg9[%swap3A_955] masked %and3A_954 {strides = array<i32>} : memref<10016xi32, #tpu.memory_space<vmem>>, vector<16xi32>, vector<16xi1>
        tpu.vector_store %arg9[%swap3A_955], %bitcast_convert_type3A_948 masked %and3A_954 {strides = array<i32>} : memref<10016xi32, #tpu.memory_space<vmem>>, vector<16xi32>, vector<16xi1>
        %swap3A_957 = arith.index_cast %while3A_928 : i32 to index
        %swap3A_958 = tpu.vector_load %arg10[%swap3A_957] masked %and3A_954 {strides = array<i32>} : memref<10016xi32, #tpu.memory_space<vmem>>, vector<16xi32>, vector<16xi1>
        tpu.vector_store %arg10[%swap3A_957], %add3A_940 masked %and3A_954 {strides = array<i32>} : memref<10016xi32, #tpu.memory_space<vmem>>, vector<16xi32>, vector<16xi1>
        %all_reduce_population_count3A = tpu.all_reduce %and3A_954 {dim = 0 : i64, kind = #tpu.reduction_kind<sum>} : vector<16xi1> -> vector<16xi32>
        %slice3A_959 = vector.extract_strided_slice %all_reduce_population_count3A {offsets = [0], sizes = [1], strides = [1]} : vector<16xi32> to vector<1xi32>
        %squeeze3A_960 = vector.extract %slice3A_959[0] : i32 from vector<1xi32>
        %add3A_961 = arith.addi %while3A_928, %squeeze3A_960 : i32
        %add3A_962 = arith.constant 1 : i32
        %add3A_963 = arith.addi %mul3A_934, %add3A_962 : i32
        %mul3A_964 = arith.constant 16 : i32
        %mul3A_965 = arith.muli %add3A_963, %mul3A_964 : i32
        %add3A_966 = vector.broadcast %mul3A_965 : i32 to vector<16xi32>
        %add3A_967 = arith.addi %iota3A, %add3A_966 : vector<16xi32>
        %add3A_968 = arith.constant 1 : i32
        %add3A_969 = arith.addi %mul3A_934, %add3A_968 : i32
        %mul3A_970 = arith.constant 16 : i32
        %mul3A_971 = arith.muli %add3A_969, %mul3A_970 : i32
        %add3A_972 = arith.addi %mul3A_175, %mul3A_971 : i32
        %get3A_973 = arith.index_cast %add3A_972 : i32 to index
        %get3A_974 = tpu.vector_load %arg5[%get3A_973] {strides = array<i32>} : memref<20096xf32, #tpu.memory_space<vmem>>, vector<16xf32>,
        %bitcast_convert_type3A_975 = tpu.bitcast %get3A_974 : vector<16xf32> -> vector<16xi32>
        %ge3A_976 = vector.broadcast %shift_left3A_587 : i32 to vector<16xi32>
        %ge3A_977 = arith.cmpi sge, %bitcast_convert_type3A_975, %ge3A_976 : vector<16xi32>
        %lt3A_978 = arith.constant 10000 : i32
        %lt3A_979 = vector.broadcast %lt3A_978 : i32 to vector<16xi32>
        %lt3A_980 = arith.cmpi slt, %add3A_967, %lt3A_979 : vector<16xi32>
        %and3A_981 = arith.andi %ge3A_977, %lt3A_980 : vector<16xi1>
        %swap3A_982 = arith.index_cast %add3A_961 : i32 to index
        %swap3A_983 = tpu.vector_load %arg9[%swap3A_982] masked %and3A_981 {strides = array<i32>} : memref<10016xi32, #tpu.memory_space<vmem>>, vector<16xi32>, vector<16xi1>
        tpu.vector_store %arg9[%swap3A_982], %bitcast_convert_type3A_975 masked %and3A_981 {strides = array<i32>} : memref<10016xi32, #tpu.memory_space<vmem>>, vector<16xi32>, vector<16xi1>
        %swap3A_984 = arith.index_cast %add3A_961 : i32 to index
        %swap3A_985 = tpu.vector_load %arg10[%swap3A_984] masked %and3A_981 {strides = array<i32>} : memref<10016xi32, #tpu.memory_space<vmem>>, vector<16xi32>, vector<16xi1>
        tpu.vector_store %arg10[%swap3A_984], %add3A_967 masked %and3A_981 {strides = array<i32>} : memref<10016xi32, #tpu.memory_space<vmem>>, vector<16xi32>, vector<16xi1>
        %all_reduce_population_count3A_986 = tpu.all_reduce %and3A_981 {dim = 0 : i64, kind = #tpu.reduction_kind<sum>} : vector<16xi1> -> vector<16xi32>
        %slice3A_987 = vector.extract_strided_slice %all_reduce_population_count3A_986 {offsets = [0], sizes = [1], strides = [1]} : vector<16xi32> to vector<1xi32>
        %squeeze3A_988 = vector.extract %slice3A_987[0] : i32 from vector<1xi32>
        %add3A_989 = arith.addi %add3A_961, %squeeze3A_988 : i32
        %add3A_990 = arith.constant 2 : i32
        %add3A_991 = arith.addi %mul3A_934, %add3A_990 : i32
        %mul3A_992 = arith.constant 16 : i32
        %mul3A_993 = arith.muli %add3A_991, %mul3A_992 : i32
        %add3A_994 = vector.broadcast %mul3A_993 : i32 to vector<16xi32>
        %add3A_995 = arith.addi %iota3A, %add3A_994 : vector<16xi32>
        %add3A_996 = arith.constant 2 : i32
        %add3A_997 = arith.addi %mul3A_934, %add3A_996 : i32
        %mul3A_998 = arith.constant 16 : i32
        %mul3A_999 = arith.muli %add3A_997, %mul3A_998 : i32
        %add3A_1000 = arith.addi %mul3A_175, %mul3A_999 : i32
        %get3A_1001 = arith.index_cast %add3A_1000 : i32 to index
        %get3A_1002 = tpu.vector_load %arg5[%get3A_1001] {strides = array<i32>} : memref<20096xf32, #tpu.memory_space<vmem>>, vector<16xf32>,
        %bitcast_convert_type3A_1003 = tpu.bitcast %get3A_1002 : vector<16xf32> -> vector<16xi32>
        %ge3A_1004 = vector.broadcast %shift_left3A_587 : i32 to vector<16xi32>
        %ge3A_1005 = arith.cmpi sge, %bitcast_convert_type3A_1003, %ge3A_1004 : vector<16xi32>
        %lt3A_1006 = arith.constant 10000 : i32
        %lt3A_1007 = vector.broadcast %lt3A_1006 : i32 to vector<16xi32>
        %lt3A_1008 = arith.cmpi slt, %add3A_995, %lt3A_1007 : vector<16xi32>
        %and3A_1009 = arith.andi %ge3A_1005, %lt3A_1008 : vector<16xi1>
        %swap3A_1010 = arith.index_cast %add3A_989 : i32 to index
        %swap3A_1011 = tpu.vector_load %arg9[%swap3A_1010] masked %and3A_1009 {strides = array<i32>} : memref<10016xi32, #tpu.memory_space<vmem>>, vector<16xi32>, vector<16xi1>
        tpu.vector_store %arg9[%swap3A_1010], %bitcast_convert_type3A_1003 masked %and3A_1009 {strides = array<i32>} : memref<10016xi32, #tpu.memory_space<vmem>>, vector<16xi32>, vector<16xi1>
        %swap3A_1012 = arith.index_cast %add3A_989 : i32 to index
        %swap3A_1013 = tpu.vector_load %arg10[%swap3A_1012] masked %and3A_1009 {strides = array<i32>} : memref<10016xi32, #tpu.memory_space<vmem>>, vector<16xi32>, vector<16xi1>
        tpu.vector_store %arg10[%swap3A_1012], %add3A_995 masked %and3A_1009 {strides = array<i32>} : memref<10016xi32, #tpu.memory_space<vmem>>, vector<16xi32>, vector<16xi1>
        %all_reduce_population_count3A_1014 = tpu.all_reduce %and3A_1009 {dim = 0 : i64, kind = #tpu.reduction_kind<sum>} : vector<16xi1> -> vector<16xi32>
        %slice3A_1015 = vector.extract_strided_slice %all_reduce_population_count3A_1014 {offsets = [0], sizes = [1], strides = [1]} : vector<16xi32> to vector<1xi32>
        %squeeze3A_1016 = vector.extract %slice3A_1015[0] : i32 from vector<1xi32>
        %add3A_1017 = arith.addi %add3A_989, %squeeze3A_1016 : i32
        %add3A_1018 = arith.constant 3 : i32
        %add3A_1019 = arith.addi %mul3A_934, %add3A_1018 : i32
        %mul3A_1020 = arith.constant 16 : i32
        %mul3A_1021 = arith.muli %add3A_1019, %mul3A_1020 : i32
        %add3A_1022 = vector.broadcast %mul3A_1021 : i32 to vector<16xi32>
        %add3A_1023 = arith.addi %iota3A, %add3A_1022 : vector<16xi32>
        %add3A_1024 = arith.constant 3 : i32
        %add3A_1025 = arith.addi %mul3A_934, %add3A_1024 : i32
        %mul3A_1026 = arith.constant 16 : i32
        %mul3A_1027 = arith.muli %add3A_1025, %mul3A_1026 : i32
        %add3A_1028 = arith.addi %mul3A_175, %mul3A_1027 : i32
        %get3A_1029 = arith.index_cast %add3A_1028 : i32 to index
        %get3A_1030 = tpu.vector_load %arg5[%get3A_1029] {strides = array<i32>} : memref<20096xf32, #tpu.memory_space<vmem>>, vector<16xf32>,
        %bitcast_convert_type3A_1031 = tpu.bitcast %get3A_1030 : vector<16xf32> -> vector<16xi32>
        %ge3A_1032 = vector.broadcast %shift_left3A_587 : i32 to vector<16xi32>
        %ge3A_1033 = arith.cmpi sge, %bitcast_convert_type3A_1031, %ge3A_1032 : vector<16xi32>
        %lt3A_1034 = arith.constant 10000 : i32
        %lt3A_1035 = vector.broadcast %lt3A_1034 : i32 to vector<16xi32>
        %lt3A_1036 = arith.cmpi slt, %add3A_1023, %lt3A_1035 : vector<16xi32>
        %and3A_1037 = arith.andi %ge3A_1033, %lt3A_1036 : vector<16xi1>
        %swap3A_1038 = arith.index_cast %add3A_1017 : i32 to index
        %swap3A_1039 = tpu.vector_load %arg9[%swap3A_1038] masked %and3A_1037 {strides = array<i32>} : memref<10016xi32, #tpu.memory_space<vmem>>, vector<16xi32>, vector<16xi1>
        tpu.vector_store %arg9[%swap3A_1038], %bitcast_convert_type3A_1031 masked %and3A_1037 {strides = array<i32>} : memref<10016xi32, #tpu.memory_space<vmem>>, vector<16xi32>, vector<16xi1>
        %swap3A_1040 = arith.index_cast %add3A_1017 : i32 to index
        %swap3A_1041 = tpu.vector_load %arg10[%swap3A_1040] masked %and3A_1037 {strides = array<i32>} : memref<10016xi32, #tpu.memory_space<vmem>>, vector<16xi32>, vector<16xi1>
        tpu.vector_store %arg10[%swap3A_1040], %add3A_1023 masked %and3A_1037 {strides = array<i32>} : memref<10016xi32, #tpu.memory_space<vmem>>, vector<16xi32>, vector<16xi1>
        %all_reduce_population_count3A_1042 = tpu.all_reduce %and3A_1037 {dim = 0 : i64, kind = #tpu.reduction_kind<sum>} : vector<16xi1> -> vector<16xi32>
        %slice3A_1043 = vector.extract_strided_slice %all_reduce_population_count3A_1042 {offsets = [0], sizes = [1], strides = [1]} : vector<16xi32> to vector<1xi32>
        %squeeze3A_1044 = vector.extract %slice3A_1043[0] : i32 from vector<1xi32>
        %add3A_1045 = arith.addi %add3A_1017, %squeeze3A_1044 : i32
        scf.yield %add3A_1045 : i32
      }
      %add3A_607 = arith.constant 16 : i32
      %add3A_608 = arith.addi %while3A_606, %add3A_607 : i32
      %sub3A_609 = arith.constant 1 : i32
      %sub3A_610 = arith.subi %add3A_608, %sub3A_609 : i32
      %jit3A = arith.constant 16 : i32
      %div3A = arith.divsi %sub3A_610, %jit3A : i32
      %sign3A = arith.constant 0 : i32
      %sign3A_611 = arith.cmpi sgt, %sub3A_610, %sign3A : i32
      %sign3A_612 = arith.extui %sign3A_611 : i1 to i32
      %sign3A_613 = arith.constant 0 : i32
      %sign3A_614 = arith.cmpi slt, %sub3A_610, %sign3A_613 : i32
      %sign3A_615 = arith.extui %sign3A_614 : i1 to i32
      %sign3A_616 = arith.subi %sign3A_612, %sign3A_615 : i32
      %sign3A_617 = arith.constant 0 : i32
      %sign3A_618 = arith.cmpi sgt, %jit3A, %sign3A_617 : i32
      %sign3A_619 = arith.extui %sign3A_618 : i1 to i32
      %sign3A_620 = arith.constant 0 : i32
      %sign3A_621 = arith.cmpi slt, %jit3A, %sign3A_620 : i32
      %sign3A_622 = arith.extui %sign3A_621 : i1 to i32
      %sign3A_623 = arith.subi %sign3A_619, %sign3A_622 : i32
      %ne3A = arith.cmpi ne, %sign3A_616, %sign3A_623 : i32
      %rem3A = arith.remsi %sub3A_610, %jit3A : i32
      %ne3A_624 = arith.constant 0 : i32
      %ne3A_625 = arith.cmpi ne, %rem3A, %ne3A_624 : i32
      %and3A_626 = arith.andi %ne3A, %ne3A_625 : i1
      %sub3A_627 = arith.constant 1 : i32
      %sub3A_628 = arith.subi %div3A, %sub3A_627 : i32
      %select_n3A_629 = arith.select %and3A_626, %sub3A_628, %div3A : i32
      %scan3A_630 = arith.constant 0 : i32
      %scan3A_631 = arith.constant 0 : i32
      %scan3A_632 = arith.constant 16 : i32
      %scan3A_633 = arith.addi %scan3A_631, %scan3A_632 : i32
      %scan3A_634 = arith.constant 4 : i32
      scf.for %scan3A_927 = %scan3A_631 to %scan3A_633 step %scan3A_634  : i32 {
        %mul3A_928 = arith.constant 16 : i32
        %mul3A_929 = arith.muli %scan3A_927, %mul3A_928 : i32
        %swap3A_930 = arith.index_cast %mul3A_929 : i32 to index
        %swap3A_931 = tpu.vector_load %arg7[%swap3A_930] {strides = array<i32>} : memref<2064xi32, #tpu.memory_space<vmem>>, vector<16xi32>,
        tpu.vector_store %arg7[%swap3A_930], %broadcast_in_dim3A_7 {strides = array<i32>} : memref<2064xi32, #tpu.memory_space<vmem>>, vector<16xi32>,
        %scan3A_932 = arith.constant 1 : i32
        %scan3A_933 = arith.addi %scan3A_927, %scan3A_932 : i32
        %mul3A_934 = arith.constant 16 : i32
        %mul3A_935 = arith.muli %scan3A_933, %mul3A_934 : i32
        %swap3A_936 = arith.index_cast %mul3A_935 : i32 to index
        %swap3A_937 = tpu.vector_load %arg7[%swap3A_936] {strides = array<i32>} : memref<2064xi32, #tpu.memory_space<vmem>>, vector<16xi32>,
        tpu.vector_store %arg7[%swap3A_936], %broadcast_in_dim3A_7 {strides = array<i32>} : memref<2064xi32, #tpu.memory_space<vmem>>, vector<16xi32>,
        %scan3A_938 = arith.constant 2 : i32
        %scan3A_939 = arith.addi %scan3A_927, %scan3A_938 : i32
        %mul3A_940 = arith.constant 16 : i32
        %mul3A_941 = arith.muli %scan3A_939, %mul3A_940 : i32
        %swap3A_942 = arith.index_cast %mul3A_941 : i32 to index
        %swap3A_943 = tpu.vector_load %arg7[%swap3A_942] {strides = array<i32>} : memref<2064xi32, #tpu.memory_space<vmem>>, vector<16xi32>,
        tpu.vector_store %arg7[%swap3A_942], %broadcast_in_dim3A_7 {strides = array<i32>} : memref<2064xi32, #tpu.memory_space<vmem>>, vector<16xi32>,
        %scan3A_944 = arith.constant 3 : i32
        %scan3A_945 = arith.addi %scan3A_927, %scan3A_944 : i32
        %mul3A_946 = arith.constant 16 : i32
        %mul3A_947 = arith.muli %scan3A_945, %mul3A_946 : i32
        %swap3A_948 = arith.index_cast %mul3A_947 : i32 to index
        %swap3A_949 = tpu.vector_load %arg7[%swap3A_948] {strides = array<i32>} : memref<2064xi32, #tpu.memory_space<vmem>>, vector<16xi32>,
        tpu.vector_store %arg7[%swap3A_948], %broadcast_in_dim3A_7 {strides = array<i32>} : memref<2064xi32, #tpu.memory_space<vmem>>, vector<16xi32>,
      }
      %scan3A_635 = arith.constant 16 : i32
      %while3A_636 = arith.constant 0 : i32
      %while3A_637 = arith.constant 0 : i32
      %while3A_638 = arith.subi %select_n3A_629, %while3A_637 : i32
      %while3A_639 = arith.addi %while3A_637, %while3A_638 : i32
      %while3A_640 = arith.constant 1 : i32
      %while3A_641 = arith.divsi %while3A_638, %while3A_640 : i32
      %while3A_642 = arith.muli %while3A_641, %while3A_640 : i32
      %while3A_643 = arith.addi %while3A_637, %while3A_642 : i32
      %while3A_644 = arith.constant 1 : i32
      scf.for %while3A_927 = %while3A_637 to %while3A_643 step %while3A_644  : i32 {
        %mul3A_928 = arith.constant 16 : i32
        %mul3A_929 = arith.muli %while3A_927, %mul3A_928 : i32
        %get3A_930 = arith.index_cast %mul3A_929 : i32 to index
        %get3A_931 = tpu.vector_load %arg9[%get3A_930] {strides = array<i32>} : memref<10016xi32, #tpu.memory_space<vmem>>, vector<16xi32>,
        %mul3A_932 = arith.constant 16 : i32
        %mul3A_933 = arith.muli %while3A_927, %mul3A_932 : i32
        %add3A_934 = vector.broadcast %mul3A_933 : i32 to vector<16xi32>
        %add3A_935 = arith.addi %iota3A, %add3A_934 : vector<16xi32>
        %lt3A_936 = vector.broadcast %while3A_606 : i32 to vector<16xi32>
        %lt3A_937 = arith.cmpi slt, %add3A_935, %lt3A_936 : vector<16xi32>
        %shift_right_logical3A_938 = arith.constant 24 : i32
        %shift_right_logical3A_939 = vector.broadcast %shift_right_logical3A_938 : i32 to vector<16xi32>
        %shift_right_logical3A_940 = arith.shrui %get3A_931, %shift_right_logical3A_939 : vector<16xi32>
        %and3A_941 = arith.constant 255 : i32
        %and3A_942 = vector.broadcast %and3A_941 : i32 to vector<16xi32>
        %and3A_943 = arith.andi %shift_right_logical3A_940, %and3A_942 : vector<16xi32>
        tpu.vector_store_idx %arg7[%and3A_943], %broadcast_in_dim3A_5 masked %lt3A_937 {add = true} : memref<2064xi32, #tpu.memory_space<vmem>>[vector<16xi32>], vector<16xi32>, vector<16xi1>
      }
      %while3A_645 = arith.constant 1 : i32
      scf.for %while3A_927 = %while3A_643 to %while3A_639 step %while3A_645  : i32 {
        %mul3A_928 = arith.constant 16 : i32
        %mul3A_929 = arith.muli %while3A_927, %mul3A_928 : i32
        %get3A_930 = arith.index_cast %mul3A_929 : i32 to index
        %get3A_931 = tpu.vector_load %arg9[%get3A_930] {strides = array<i32>} : memref<10016xi32, #tpu.memory_space<vmem>>, vector<16xi32>,
        %mul3A_932 = arith.constant 16 : i32
        %mul3A_933 = arith.muli %while3A_927, %mul3A_932 : i32
        %add3A_934 = vector.broadcast %mul3A_933 : i32 to vector<16xi32>
        %add3A_935 = arith.addi %iota3A, %add3A_934 : vector<16xi32>
        %lt3A_936 = vector.broadcast %while3A_606 : i32 to vector<16xi32>
        %lt3A_937 = arith.cmpi slt, %add3A_935, %lt3A_936 : vector<16xi32>
        %shift_right_logical3A_938 = arith.constant 24 : i32
        %shift_right_logical3A_939 = vector.broadcast %shift_right_logical3A_938 : i32 to vector<16xi32>
        %shift_right_logical3A_940 = arith.shrui %get3A_931, %shift_right_logical3A_939 : vector<16xi32>
        %and3A_941 = arith.constant 255 : i32
        %and3A_942 = vector.broadcast %and3A_941 : i32 to vector<16xi32>
        %and3A_943 = arith.andi %shift_right_logical3A_940, %and3A_942 : vector<16xi32>
        tpu.vector_store_idx %arg7[%and3A_943], %broadcast_in_dim3A_5 masked %lt3A_937 {add = true} : memref<2064xi32, #tpu.memory_space<vmem>>[vector<16xi32>], vector<16xi32>, vector<16xi1>
      }
      %while3A_646 = arith.constant 16 : i32
      %while3A_647 = arith.constant 0 : i32
      %while3A_648 = arith.constant 0 : i32
      %while3A_649:3 = scf.while (%while3A_927 = %while3A_646, %while3A_928 = %while3A_647, %while3A_929 = %while3A_648) : (i32, i32, i32) -> (i32, i32, i32) {
        %lt3A_930 = arith.constant 32 : i32
        %lt3A_931 = arith.cmpi slt, %while3A_928, %lt3A_930 : i32
        scf.condition(%lt3A_931) %while3A_927, %while3A_928, %while3A_929 : i32, i32, i32
      } do {
      ^bb0(%while3A_927: i32, %while3A_928: i32, %while3A_929: i32):
        %sub3A_930 = arith.constant 1 : i32
        %sub3A_931 = arith.subi %while3A_927, %sub3A_930 : i32
        %mul3A_932 = arith.constant 16 : i32
        %mul3A_933 = arith.muli %sub3A_931, %mul3A_932 : i32
        %get3A_934 = arith.index_cast %mul3A_933 : i32 to index
        %get3A_935 = tpu.vector_load %arg7[%get3A_934] {strides = array<i32>} : memref<2064xi32, #tpu.memory_space<vmem>>, vector<16xi32>,
        %broadcast_in_dim3A_936 = arith.constant true
        %broadcast_in_dim3A_937 = vector.broadcast %broadcast_in_dim3A_936 : i1 to vector<16xi1>
        %masked_cumsum3A_938 = tpu.scan <sum>, %get3A_935 masked %broadcast_in_dim3A_937 : vector<16xi32>, vector<16xi1> -> vector<16xi32>
        %slice3A_939 = vector.extract_strided_slice %masked_cumsum3A_938 {offsets = [15], sizes = [1], strides = [1]} : vector<16xi32> to vector<1xi32>
        %squeeze3A_940 = vector.extract %slice3A_939[0] : i32 from vector<1xi32>
        %add3A_941 = arith.addi %while3A_928, %squeeze3A_940 : i32
        scf.yield %sub3A_931, %add3A_941, %while3A_928 : i32, i32, i32
      }
      %mul3A_650 = arith.constant 16 : i32
      %mul3A_651 = arith.muli %while3A_649#0, %mul3A_650 : i32
      %get3A_652 = arith.index_cast %mul3A_651 : i32 to index
      %get3A_653 = tpu.vector_load %arg7[%get3A_652] {strides = array<i32>} : memref<2064xi32, #tpu.memory_space<vmem>>, vector<16xi32>,
      %broadcast_in_dim3A_654 = arith.constant true
      %broadcast_in_dim3A_655 = vector.broadcast %broadcast_in_dim3A_654 : i1 to vector<16xi1>
      %masked_cumsum3A_656 = tpu.scan <sum>, %get3A_653 masked %broadcast_in_dim3A_655 : vector<16xi32>, vector<16xi1> -> vector<16xi32>
      %slice3A_657 = vector.extract_strided_slice %masked_cumsum3A_656 {offsets = [15], sizes = [1], strides = [1]} : vector<16xi32> to vector<1xi32>
      %squeeze3A_658 = vector.extract %slice3A_657[0] : i32 from vector<1xi32>
      %add3A_659 = arith.addi %while3A_649#2, %squeeze3A_658 : i32
      %sub3A_660 = arith.subi %get3A_653, %masked_cumsum3A_656 : vector<16xi32>
      %add3A_661 = vector.broadcast %add3A_659 : i32 to vector<16xi32>
      %add3A_662 = arith.addi %add3A_661, %sub3A_660 : vector<16xi32>
      %ge3A_663 = arith.constant 32 : i32
      %ge3A_664 = vector.broadcast %ge3A_663 : i32 to vector<16xi32>
      %ge3A_665 = arith.cmpi sge, %add3A_662, %ge3A_664 : vector<16xi32>
      %select_n3A_666 = arith.select %ge3A_665, %iota3A, %broadcast_in_dim3A_9 : vector<16xi1>, vector<16xi32>
      %broadcast_in_dim3A_667 = arith.constant true
      %broadcast_in_dim3A_668 = vector.broadcast %broadcast_in_dim3A_667 : i1 to vector<16xi1>
      %masked_cummax3A_669 = arith.constant -2147483648 : i32
      %masked_cummax3A_670 = vector.broadcast %masked_cummax3A_669 : i32 to vector<16xi32>
      %masked_cummax3A_671 = arith.xori %select_n3A_666, %masked_cummax3A_670 : vector<16xi32>
      %masked_cummax3A_672 = tpu.scan <max>, %masked_cummax3A_671 masked %broadcast_in_dim3A_668 : vector<16xi32>, vector<16xi1> -> vector<16xi32>
      %masked_cummax3A_673 = arith.xori %masked_cummax3A_672, %masked_cummax3A_670 : vector<16xi32>
      %slice3A_674 = vector.extract_strided_slice %masked_cummax3A_673 {offsets = [15], sizes = [1], strides = [1]} : vector<16xi32> to vector<1xi32>
      %squeeze3A_675 = vector.extract %slice3A_674[0] : i32 from vector<1xi32>
      %mul3A_676 = arith.constant 16 : i32
      %mul3A_677 = arith.muli %while3A_649#0, %mul3A_676 : i32
      %add3A_678 = arith.addi %mul3A_677, %squeeze3A_675 : i32
      %eq3A_679 = vector.broadcast %squeeze3A_675 : i32 to vector<16xi32>
      %eq3A_680 = arith.cmpi eq, %iota3A, %eq3A_679 : vector<16xi32>
      %select_n3A_681 = arith.select %eq3A_680, %masked_cumsum3A_656, %broadcast_in_dim3A_7 : vector<16xi1>, vector<16xi32>
      %add3A_682 = arith.addi %while3A_649#2, %squeeze3A_658 : i32
      %broadcast_in_dim3A_683 = arith.constant true
      %broadcast_in_dim3A_684 = vector.broadcast %broadcast_in_dim3A_683 : i1 to vector<16xi1>
      %masked_cumsum3A_685 = tpu.scan <sum>, %select_n3A_681 masked %broadcast_in_dim3A_684 : vector<16xi32>, vector<16xi1> -> vector<16xi32>
      %slice3A_686 = vector.extract_strided_slice %masked_cumsum3A_685 {offsets = [15], sizes = [1], strides = [1]} : vector<16xi32> to vector<1xi32>
      %squeeze3A_687 = vector.extract %slice3A_686[0] : i32 from vector<1xi32>
      %sub3A_688 = arith.subi %add3A_682, %squeeze3A_687 : i32
      %scan3A_689 = arith.constant 0 : i32
      %scan3A_690 = arith.constant 0 : i32
      %scan3A_691 = arith.constant 16 : i32
      %scan3A_692 = arith.addi %scan3A_690, %scan3A_691 : i32
      %scan3A_693 = arith.constant 4 : i32
      scf.for %scan3A_927 = %scan3A_690 to %scan3A_692 step %scan3A_693  : i32 {
        %mul3A_928 = arith.constant 16 : i32
        %mul3A_929 = arith.muli %scan3A_927, %mul3A_928 : i32
        %swap3A_930 = arith.index_cast %mul3A_929 : i32 to index
        %swap3A_931 = tpu.vector_load %arg7[%swap3A_930] {strides = array<i32>} : memref<2064xi32, #tpu.memory_space<vmem>>, vector<16xi32>,
        tpu.vector_store %arg7[%swap3A_930], %broadcast_in_dim3A_7 {strides = array<i32>} : memref<2064xi32, #tpu.memory_space<vmem>>, vector<16xi32>,
        %scan3A_932 = arith.constant 1 : i32
        %scan3A_933 = arith.addi %scan3A_927, %scan3A_932 : i32
        %mul3A_934 = arith.constant 16 : i32
        %mul3A_935 = arith.muli %scan3A_933, %mul3A_934 : i32
        %swap3A_936 = arith.index_cast %mul3A_935 : i32 to index
        %swap3A_937 = tpu.vector_load %arg7[%swap3A_936] {strides = array<i32>} : memref<2064xi32, #tpu.memory_space<vmem>>, vector<16xi32>,
        tpu.vector_store %arg7[%swap3A_936], %broadcast_in_dim3A_7 {strides = array<i32>} : memref<2064xi32, #tpu.memory_space<vmem>>, vector<16xi32>,
        %scan3A_938 = arith.constant 2 : i32
        %scan3A_939 = arith.addi %scan3A_927, %scan3A_938 : i32
        %mul3A_940 = arith.constant 16 : i32
        %mul3A_941 = arith.muli %scan3A_939, %mul3A_940 : i32
        %swap3A_942 = arith.index_cast %mul3A_941 : i32 to index
        %swap3A_943 = tpu.vector_load %arg7[%swap3A_942] {strides = array<i32>} : memref<2064xi32, #tpu.memory_space<vmem>>, vector<16xi32>,
        tpu.vector_store %arg7[%swap3A_942], %broadcast_in_dim3A_7 {strides = array<i32>} : memref<2064xi32, #tpu.memory_space<vmem>>, vector<16xi32>,
        %scan3A_944 = arith.constant 3 : i32
        %scan3A_945 = arith.addi %scan3A_927, %scan3A_944 : i32
        %mul3A_946 = arith.constant 16 : i32
        %mul3A_947 = arith.muli %scan3A_945, %mul3A_946 : i32
        %swap3A_948 = arith.index_cast %mul3A_947 : i32 to index
        %swap3A_949 = tpu.vector_load %arg7[%swap3A_948] {strides = array<i32>} : memref<2064xi32, #tpu.memory_space<vmem>>, vector<16xi32>,
        tpu.vector_store %arg7[%swap3A_948], %broadcast_in_dim3A_7 {strides = array<i32>} : memref<2064xi32, #tpu.memory_space<vmem>>, vector<16xi32>,
      }
      %scan3A_694 = arith.constant 16 : i32
      %while3A_695 = arith.constant 0 : i32
      %while3A_696 = arith.constant 0 : i32
      %while3A_697 = arith.subi %select_n3A_629, %while3A_696 : i32
      %while3A_698 = arith.addi %while3A_696, %while3A_697 : i32
      %while3A_699 = arith.constant 1 : i32
      %while3A_700 = arith.divsi %while3A_697, %while3A_699 : i32
      %while3A_701 = arith.muli %while3A_700, %while3A_699 : i32
      %while3A_702 = arith.addi %while3A_696, %while3A_701 : i32
      %while3A_703 = arith.constant 1 : i32
      scf.for %while3A_927 = %while3A_696 to %while3A_702 step %while3A_703  : i32 {
        %mul3A_928 = arith.constant 16 : i32
        %mul3A_929 = arith.muli %while3A_927, %mul3A_928 : i32
        %get3A_930 = arith.index_cast %mul3A_929 : i32 to index
        %get3A_931 = tpu.vector_load %arg9[%get3A_930] {strides = array<i32>} : memref<10016xi32, #tpu.memory_space<vmem>>, vector<16xi32>,
        %mul3A_932 = arith.constant 16 : i32
        %mul3A_933 = arith.muli %while3A_927, %mul3A_932 : i32
        %add3A_934 = vector.broadcast %mul3A_933 : i32 to vector<16xi32>
        %add3A_935 = arith.addi %iota3A, %add3A_934 : vector<16xi32>
        %lt3A_936 = vector.broadcast %while3A_606 : i32 to vector<16xi32>
        %lt3A_937 = arith.cmpi slt, %add3A_935, %lt3A_936 : vector<16xi32>
        %shift_right_logical3A_938 = arith.constant 24 : i32
        %shift_right_logical3A_939 = vector.broadcast %shift_right_logical3A_938 : i32 to vector<16xi32>
        %shift_right_logical3A_940 = arith.shrui %get3A_931, %shift_right_logical3A_939 : vector<16xi32>
        %eq3A_941 = vector.broadcast %add3A_678 : i32 to vector<16xi32>
        %eq3A_942 = arith.cmpi eq, %shift_right_logical3A_940, %eq3A_941 : vector<16xi32>
        %and3A_943 = arith.andi %lt3A_937, %eq3A_942 : vector<16xi1>
        %shift_right_logical3A_944 = arith.constant 16 : i32
        %shift_right_logical3A_945 = vector.broadcast %shift_right_logical3A_944 : i32 to vector<16xi32>
        %shift_right_logical3A_946 = arith.shrui %get3A_931, %shift_right_logical3A_945 : vector<16xi32>
        %and3A_947 = arith.constant 255 : i32
        %and3A_948 = vector.broadcast %and3A_947 : i32 to vector<16xi32>
        %and3A_949 = arith.andi %shift_right_logical3A_946, %and3A_948 : vector<16xi32>
        tpu.vector_store_idx %arg7[%and3A_949], %broadcast_in_dim3A_5 masked %and3A_943 {add = true} : memref<2064xi32, #tpu.memory_space<vmem>>[vector<16xi32>], vector<16xi32>, vector<16xi1>
      }
      %while3A_704 = arith.constant 1 : i32
      scf.for %while3A_927 = %while3A_702 to %while3A_698 step %while3A_704  : i32 {
        %mul3A_928 = arith.constant 16 : i32
        %mul3A_929 = arith.muli %while3A_927, %mul3A_928 : i32
        %get3A_930 = arith.index_cast %mul3A_929 : i32 to index
        %get3A_931 = tpu.vector_load %arg9[%get3A_930] {strides = array<i32>} : memref<10016xi32, #tpu.memory_space<vmem>>, vector<16xi32>,
        %mul3A_932 = arith.constant 16 : i32
        %mul3A_933 = arith.muli %while3A_927, %mul3A_932 : i32
        %add3A_934 = vector.broadcast %mul3A_933 : i32 to vector<16xi32>
        %add3A_935 = arith.addi %iota3A, %add3A_934 : vector<16xi32>
        %lt3A_936 = vector.broadcast %while3A_606 : i32 to vector<16xi32>
        %lt3A_937 = arith.cmpi slt, %add3A_935, %lt3A_936 : vector<16xi32>
        %shift_right_logical3A_938 = arith.constant 24 : i32
        %shift_right_logical3A_939 = vector.broadcast %shift_right_logical3A_938 : i32 to vector<16xi32>
        %shift_right_logical3A_940 = arith.shrui %get3A_931, %shift_right_logical3A_939 : vector<16xi32>
        %eq3A_941 = vector.broadcast %add3A_678 : i32 to vector<16xi32>
        %eq3A_942 = arith.cmpi eq, %shift_right_logical3A_940, %eq3A_941 : vector<16xi32>
        %and3A_943 = arith.andi %lt3A_937, %eq3A_942 : vector<16xi1>
        %shift_right_logical3A_944 = arith.constant 16 : i32
        %shift_right_logical3A_945 = vector.broadcast %shift_right_logical3A_944 : i32 to vector<16xi32>
        %shift_right_logical3A_946 = arith.shrui %get3A_931, %shift_right_logical3A_945 : vector<16xi32>
        %and3A_947 = arith.constant 255 : i32
        %and3A_948 = vector.broadcast %and3A_947 : i32 to vector<16xi32>
        %and3A_949 = arith.andi %shift_right_logical3A_946, %and3A_948 : vector<16xi32>
        tpu.vector_store_idx %arg7[%and3A_949], %broadcast_in_dim3A_5 masked %and3A_943 {add = true} : memref<2064xi32, #tpu.memory_space<vmem>>[vector<16xi32>], vector<16xi32>, vector<16xi1>
      }
      %while3A_705 = arith.constant 16 : i32
      %while3A_706:3 = scf.while (%while3A_927 = %while3A_705, %while3A_928 = %sub3A_688, %while3A_929 = %sub3A_688) : (i32, i32, i32) -> (i32, i32, i32) {
        %lt3A_930 = arith.constant 32 : i32
        %lt3A_931 = arith.cmpi slt, %while3A_928, %lt3A_930 : i32
        scf.condition(%lt3A_931) %while3A_927, %while3A_928, %while3A_929 : i32, i32, i32
      } do {
      ^bb0(%while3A_927: i32, %while3A_928: i32, %while3A_929: i32):
        %sub3A_930 = arith.constant 1 : i32
        %sub3A_931 = arith.subi %while3A_927, %sub3A_930 : i32
        %mul3A_932 = arith.constant 16 : i32
        %mul3A_933 = arith.muli %sub3A_931, %mul3A_932 : i32
        %get3A_934 = arith.index_cast %mul3A_933 : i32 to index
        %get3A_935 = tpu.vector_load %arg7[%get3A_934] {strides = array<i32>} : memref<2064xi32, #tpu.memory_space<vmem>>, vector<16xi32>,
        %broadcast_in_dim3A_936 = arith.constant true
        %broadcast_in_dim3A_937 = vector.broadcast %broadcast_in_dim3A_936 : i1 to vector<16xi1>
        %masked_cumsum3A_938 = tpu.scan <sum>, %get3A_935 masked %broadcast_in_dim3A_937 : vector<16xi32>, vector<16xi1> -> vector<16xi32>
        %slice3A_939 = vector.extract_strided_slice %masked_cumsum3A_938 {offsets = [15], sizes = [1], strides = [1]} : vector<16xi32> to vector<1xi32>
        %squeeze3A_940 = vector.extract %slice3A_939[0] : i32 from vector<1xi32>
        %add3A_941 = arith.addi %while3A_928, %squeeze3A_940 : i32
        scf.yield %sub3A_931, %add3A_941, %while3A_928 : i32, i32, i32
      }
      %mul3A_707 = arith.constant 16 : i32
      %mul3A_708 = arith.muli %while3A_706#0, %mul3A_707 : i32
      %get3A_709 = arith.index_cast %mul3A_708 : i32 to index
      %get3A_710 = tpu.vector_load %arg7[%get3A_709] {strides = array<i32>} : memref<2064xi32, #tpu.memory_space<vmem>>, vector<16xi32>,
      %broadcast_in_dim3A_711 = arith.constant true
      %broadcast_in_dim3A_712 = vector.broadcast %broadcast_in_dim3A_711 : i1 to vector<16xi1>
      %masked_cumsum3A_713 = tpu.scan <sum>, %get3A_710 masked %broadcast_in_dim3A_712 : vector<16xi32>, vector<16xi1> -> vector<16xi32>
      %slice3A_714 = vector.extract_strided_slice %masked_cumsum3A_713 {offsets = [15], sizes = [1], strides = [1]} : vector<16xi32> to vector<1xi32>
      %squeeze3A_715 = vector.extract %slice3A_714[0] : i32 from vector<1xi32>
      %add3A_716 = arith.addi %while3A_706#2, %squeeze3A_715 : i32
      %sub3A_717 = arith.subi %get3A_710, %masked_cumsum3A_713 : vector<16xi32>
      %add3A_718 = vector.broadcast %add3A_716 : i32 to vector<16xi32>
      %add3A_719 = arith.addi %add3A_718, %sub3A_717 : vector<16xi32>
      %ge3A_720 = arith.constant 32 : i32
      %ge3A_721 = vector.broadcast %ge3A_720 : i32 to vector<16xi32>
      %ge3A_722 = arith.cmpi sge, %add3A_719, %ge3A_721 : vector<16xi32>
      %select_n3A_723 = arith.select %ge3A_722, %iota3A, %broadcast_in_dim3A_9 : vector<16xi1>, vector<16xi32>
      %broadcast_in_dim3A_724 = arith.constant true
      %broadcast_in_dim3A_725 = vector.broadcast %broadcast_in_dim3A_724 : i1 to vector<16xi1>
      %masked_cummax3A_726 = arith.constant -2147483648 : i32
      %masked_cummax3A_727 = vector.broadcast %masked_cummax3A_726 : i32 to vector<16xi32>
      %masked_cummax3A_728 = arith.xori %select_n3A_723, %masked_cummax3A_727 : vector<16xi32>
      %masked_cummax3A_729 = tpu.scan <max>, %masked_cummax3A_728 masked %broadcast_in_dim3A_725 : vector<16xi32>, vector<16xi1> -> vector<16xi32>
      %masked_cummax3A_730 = arith.xori %masked_cummax3A_729, %masked_cummax3A_727 : vector<16xi32>
      %slice3A_731 = vector.extract_strided_slice %masked_cummax3A_730 {offsets = [15], sizes = [1], strides = [1]} : vector<16xi32> to vector<1xi32>
      %squeeze3A_732 = vector.extract %slice3A_731[0] : i32 from vector<1xi32>
      %mul3A_733 = arith.constant 16 : i32
      %mul3A_734 = arith.muli %while3A_706#0, %mul3A_733 : i32
      %add3A_735 = arith.addi %mul3A_734, %squeeze3A_732 : i32
      %eq3A_736 = vector.broadcast %squeeze3A_732 : i32 to vector<16xi32>
      %eq3A_737 = arith.cmpi eq, %iota3A, %eq3A_736 : vector<16xi32>
      %select_n3A_738 = arith.select %eq3A_737, %masked_cumsum3A_713, %broadcast_in_dim3A_7 : vector<16xi1>, vector<16xi32>
      %add3A_739 = arith.addi %while3A_706#2, %squeeze3A_715 : i32
      %broadcast_in_dim3A_740 = arith.constant true
      %broadcast_in_dim3A_741 = vector.broadcast %broadcast_in_dim3A_740 : i1 to vector<16xi1>
      %masked_cumsum3A_742 = tpu.scan <sum>, %select_n3A_738 masked %broadcast_in_dim3A_741 : vector<16xi32>, vector<16xi1> -> vector<16xi32>
      %slice3A_743 = vector.extract_strided_slice %masked_cumsum3A_742 {offsets = [15], sizes = [1], strides = [1]} : vector<16xi32> to vector<1xi32>
      %squeeze3A_744 = vector.extract %slice3A_743[0] : i32 from vector<1xi32>
      %sub3A_745 = arith.subi %add3A_739, %squeeze3A_744 : i32
      %shift_left3A_746 = arith.constant 8 : i32
      %shift_left3A_747 = arith.shli %add3A_678, %shift_left3A_746 : i32
      %or3A_748 = arith.ori %shift_left3A_747, %add3A_735 : i32
      %scan3A_749 = arith.constant 0 : i32
      %scan3A_750 = arith.constant 0 : i32
      %scan3A_751 = arith.constant 16 : i32
      %scan3A_752 = arith.addi %scan3A_750, %scan3A_751 : i32
      %scan3A_753 = arith.constant 4 : i32
      scf.for %scan3A_927 = %scan3A_750 to %scan3A_752 step %scan3A_753  : i32 {
        %mul3A_928 = arith.constant 16 : i32
        %mul3A_929 = arith.muli %scan3A_927, %mul3A_928 : i32
        %swap3A_930 = arith.index_cast %mul3A_929 : i32 to index
        %swap3A_931 = tpu.vector_load %arg7[%swap3A_930] {strides = array<i32>} : memref<2064xi32, #tpu.memory_space<vmem>>, vector<16xi32>,
        tpu.vector_store %arg7[%swap3A_930], %broadcast_in_dim3A_7 {strides = array<i32>} : memref<2064xi32, #tpu.memory_space<vmem>>, vector<16xi32>,
        %scan3A_932 = arith.constant 1 : i32
        %scan3A_933 = arith.addi %scan3A_927, %scan3A_932 : i32
        %mul3A_934 = arith.constant 16 : i32
        %mul3A_935 = arith.muli %scan3A_933, %mul3A_934 : i32
        %swap3A_936 = arith.index_cast %mul3A_935 : i32 to index
        %swap3A_937 = tpu.vector_load %arg7[%swap3A_936] {strides = array<i32>} : memref<2064xi32, #tpu.memory_space<vmem>>, vector<16xi32>,
        tpu.vector_store %arg7[%swap3A_936], %broadcast_in_dim3A_7 {strides = array<i32>} : memref<2064xi32, #tpu.memory_space<vmem>>, vector<16xi32>,
        %scan3A_938 = arith.constant 2 : i32
        %scan3A_939 = arith.addi %scan3A_927, %scan3A_938 : i32
        %mul3A_940 = arith.constant 16 : i32
        %mul3A_941 = arith.muli %scan3A_939, %mul3A_940 : i32
        %swap3A_942 = arith.index_cast %mul3A_941 : i32 to index
        %swap3A_943 = tpu.vector_load %arg7[%swap3A_942] {strides = array<i32>} : memref<2064xi32, #tpu.memory_space<vmem>>, vector<16xi32>,
        tpu.vector_store %arg7[%swap3A_942], %broadcast_in_dim3A_7 {strides = array<i32>} : memref<2064xi32, #tpu.memory_space<vmem>>, vector<16xi32>,
        %scan3A_944 = arith.constant 3 : i32
        %scan3A_945 = arith.addi %scan3A_927, %scan3A_944 : i32
        %mul3A_946 = arith.constant 16 : i32
        %mul3A_947 = arith.muli %scan3A_945, %mul3A_946 : i32
        %swap3A_948 = arith.index_cast %mul3A_947 : i32 to index
        %swap3A_949 = tpu.vector_load %arg7[%swap3A_948] {strides = array<i32>} : memref<2064xi32, #tpu.memory_space<vmem>>, vector<16xi32>,
        tpu.vector_store %arg7[%swap3A_948], %broadcast_in_dim3A_7 {strides = array<i32>} : memref<2064xi32, #tpu.memory_space<vmem>>, vector<16xi32>,
      }
      %scan3A_754 = arith.constant 16 : i32
      %while3A_755 = arith.constant 0 : i32
      %while3A_756 = arith.constant 0 : i32
      %while3A_757 = arith.subi %select_n3A_629, %while3A_756 : i32
      %while3A_758 = arith.addi %while3A_756, %while3A_757 : i32
      %while3A_759 = arith.constant 1 : i32
      %while3A_760 = arith.divsi %while3A_757, %while3A_759 : i32
      %while3A_761 = arith.muli %while3A_760, %while3A_759 : i32
      %while3A_762 = arith.addi %while3A_756, %while3A_761 : i32
      %while3A_763 = arith.constant 1 : i32
      scf.for %while3A_927 = %while3A_756 to %while3A_762 step %while3A_763  : i32 {
        %mul3A_928 = arith.constant 16 : i32
        %mul3A_929 = arith.muli %while3A_927, %mul3A_928 : i32
        %get3A_930 = arith.index_cast %mul3A_929 : i32 to index
        %get3A_931 = tpu.vector_load %arg9[%get3A_930] {strides = array<i32>} : memref<10016xi32, #tpu.memory_space<vmem>>, vector<16xi32>,
        %mul3A_932 = arith.constant 16 : i32
        %mul3A_933 = arith.muli %while3A_927, %mul3A_932 : i32
        %add3A_934 = vector.broadcast %mul3A_933 : i32 to vector<16xi32>
        %add3A_935 = arith.addi %iota3A, %add3A_934 : vector<16xi32>
        %lt3A_936 = vector.broadcast %while3A_606 : i32 to vector<16xi32>
        %lt3A_937 = arith.cmpi slt, %add3A_935, %lt3A_936 : vector<16xi32>
        %shift_right_logical3A_938 = arith.constant 16 : i32
        %shift_right_logical3A_939 = vector.broadcast %shift_right_logical3A_938 : i32 to vector<16xi32>
        %shift_right_logical3A_940 = arith.shrui %get3A_931, %shift_right_logical3A_939 : vector<16xi32>
        %eq3A_941 = vector.broadcast %or3A_748 : i32 to vector<16xi32>
        %eq3A_942 = arith.cmpi eq, %shift_right_logical3A_940, %eq3A_941 : vector<16xi32>
        %and3A_943 = arith.andi %lt3A_937, %eq3A_942 : vector<16xi1>
        %shift_right_logical3A_944 = arith.constant 8 : i32
        %shift_right_logical3A_945 = vector.broadcast %shift_right_logical3A_944 : i32 to vector<16xi32>
        %shift_right_logical3A_946 = arith.shrui %get3A_931, %shift_right_logical3A_945 : vector<16xi32>
        %and3A_947 = arith.constant 255 : i32
        %and3A_948 = vector.broadcast %and3A_947 : i32 to vector<16xi32>
        %and3A_949 = arith.andi %shift_right_logical3A_946, %and3A_948 : vector<16xi32>
        tpu.vector_store_idx %arg7[%and3A_949], %broadcast_in_dim3A_5 masked %and3A_943 {add = true} : memref<2064xi32, #tpu.memory_space<vmem>>[vector<16xi32>], vector<16xi32>, vector<16xi1>
      }
      %while3A_764 = arith.constant 1 : i32
      scf.for %while3A_927 = %while3A_762 to %while3A_758 step %while3A_764  : i32 {
        %mul3A_928 = arith.constant 16 : i32
        %mul3A_929 = arith.muli %while3A_927, %mul3A_928 : i32
        %get3A_930 = arith.index_cast %mul3A_929 : i32 to index
        %get3A_931 = tpu.vector_load %arg9[%get3A_930] {strides = array<i32>} : memref<10016xi32, #tpu.memory_space<vmem>>, vector<16xi32>,
        %mul3A_932 = arith.constant 16 : i32
        %mul3A_933 = arith.muli %while3A_927, %mul3A_932 : i32
        %add3A_934 = vector.broadcast %mul3A_933 : i32 to vector<16xi32>
        %add3A_935 = arith.addi %iota3A, %add3A_934 : vector<16xi32>
        %lt3A_936 = vector.broadcast %while3A_606 : i32 to vector<16xi32>
        %lt3A_937 = arith.cmpi slt, %add3A_935, %lt3A_936 : vector<16xi32>
        %shift_right_logical3A_938 = arith.constant 16 : i32
        %shift_right_logical3A_939 = vector.broadcast %shift_right_logical3A_938 : i32 to vector<16xi32>
        %shift_right_logical3A_940 = arith.shrui %get3A_931, %shift_right_logical3A_939 : vector<16xi32>
        %eq3A_941 = vector.broadcast %or3A_748 : i32 to vector<16xi32>
        %eq3A_942 = arith.cmpi eq, %shift_right_logical3A_940, %eq3A_941 : vector<16xi32>
        %and3A_943 = arith.andi %lt3A_937, %eq3A_942 : vector<16xi1>
        %shift_right_logical3A_944 = arith.constant 8 : i32
        %shift_right_logical3A_945 = vector.broadcast %shift_right_logical3A_944 : i32 to vector<16xi32>
        %shift_right_logical3A_946 = arith.shrui %get3A_931, %shift_right_logical3A_945 : vector<16xi32>
        %and3A_947 = arith.constant 255 : i32
        %and3A_948 = vector.broadcast %and3A_947 : i32 to vector<16xi32>
        %and3A_949 = arith.andi %shift_right_logical3A_946, %and3A_948 : vector<16xi32>
        tpu.vector_store_idx %arg7[%and3A_949], %broadcast_in_dim3A_5 masked %and3A_943 {add = true} : memref<2064xi32, #tpu.memory_space<vmem>>[vector<16xi32>], vector<16xi32>, vector<16xi1>
      }
      %while3A_765 = arith.constant 16 : i32
      %while3A_766:3 = scf.while (%while3A_927 = %while3A_765, %while3A_928 = %sub3A_745, %while3A_929 = %sub3A_745) : (i32, i32, i32) -> (i32, i32, i32) {
        %lt3A_930 = arith.constant 32 : i32
        %lt3A_931 = arith.cmpi slt, %while3A_928, %lt3A_930 : i32
        scf.condition(%lt3A_931) %while3A_927, %while3A_928, %while3A_929 : i32, i32, i32
      } do {
      ^bb0(%while3A_927: i32, %while3A_928: i32, %while3A_929: i32):
        %sub3A_930 = arith.constant 1 : i32
        %sub3A_931 = arith.subi %while3A_927, %sub3A_930 : i32
        %mul3A_932 = arith.constant 16 : i32
        %mul3A_933 = arith.muli %sub3A_931, %mul3A_932 : i32
        %get3A_934 = arith.index_cast %mul3A_933 : i32 to index
        %get3A_935 = tpu.vector_load %arg7[%get3A_934] {strides = array<i32>} : memref<2064xi32, #tpu.memory_space<vmem>>, vector<16xi32>,
        %broadcast_in_dim3A_936 = arith.constant true
        %broadcast_in_dim3A_937 = vector.broadcast %broadcast_in_dim3A_936 : i1 to vector<16xi1>
        %masked_cumsum3A_938 = tpu.scan <sum>, %get3A_935 masked %broadcast_in_dim3A_937 : vector<16xi32>, vector<16xi1> -> vector<16xi32>
        %slice3A_939 = vector.extract_strided_slice %masked_cumsum3A_938 {offsets = [15], sizes = [1], strides = [1]} : vector<16xi32> to vector<1xi32>
        %squeeze3A_940 = vector.extract %slice3A_939[0] : i32 from vector<1xi32>
        %add3A_941 = arith.addi %while3A_928, %squeeze3A_940 : i32
        scf.yield %sub3A_931, %add3A_941, %while3A_928 : i32, i32, i32
      }
      %mul3A_767 = arith.constant 16 : i32
      %mul3A_768 = arith.muli %while3A_766#0, %mul3A_767 : i32
      %get3A_769 = arith.index_cast %mul3A_768 : i32 to index
      %get3A_770 = tpu.vector_load %arg7[%get3A_769] {strides = array<i32>} : memref<2064xi32, #tpu.memory_space<vmem>>, vector<16xi32>,
      %broadcast_in_dim3A_771 = arith.constant true
      %broadcast_in_dim3A_772 = vector.broadcast %broadcast_in_dim3A_771 : i1 to vector<16xi1>
      %masked_cumsum3A_773 = tpu.scan <sum>, %get3A_770 masked %broadcast_in_dim3A_772 : vector<16xi32>, vector<16xi1> -> vector<16xi32>
      %slice3A_774 = vector.extract_strided_slice %masked_cumsum3A_773 {offsets = [15], sizes = [1], strides = [1]} : vector<16xi32> to vector<1xi32>
      %squeeze3A_775 = vector.extract %slice3A_774[0] : i32 from vector<1xi32>
      %add3A_776 = arith.addi %while3A_766#2, %squeeze3A_775 : i32
      %sub3A_777 = arith.subi %get3A_770, %masked_cumsum3A_773 : vector<16xi32>
      %add3A_778 = vector.broadcast %add3A_776 : i32 to vector<16xi32>
      %add3A_779 = arith.addi %add3A_778, %sub3A_777 : vector<16xi32>
      %ge3A_780 = arith.constant 32 : i32
      %ge3A_781 = vector.broadcast %ge3A_780 : i32 to vector<16xi32>
      %ge3A_782 = arith.cmpi sge, %add3A_779, %ge3A_781 : vector<16xi32>
      %select_n3A_783 = arith.select %ge3A_782, %iota3A, %broadcast_in_dim3A_9 : vector<16xi1>, vector<16xi32>
      %broadcast_in_dim3A_784 = arith.constant true
      %broadcast_in_dim3A_785 = vector.broadcast %broadcast_in_dim3A_784 : i1 to vector<16xi1>
      %masked_cummax3A_786 = arith.constant -2147483648 : i32
      %masked_cummax3A_787 = vector.broadcast %masked_cummax3A_786 : i32 to vector<16xi32>
      %masked_cummax3A_788 = arith.xori %select_n3A_783, %masked_cummax3A_787 : vector<16xi32>
      %masked_cummax3A_789 = tpu.scan <max>, %masked_cummax3A_788 masked %broadcast_in_dim3A_785 : vector<16xi32>, vector<16xi1> -> vector<16xi32>
      %masked_cummax3A_790 = arith.xori %masked_cummax3A_789, %masked_cummax3A_787 : vector<16xi32>
      %slice3A_791 = vector.extract_strided_slice %masked_cummax3A_790 {offsets = [15], sizes = [1], strides = [1]} : vector<16xi32> to vector<1xi32>
      %squeeze3A_792 = vector.extract %slice3A_791[0] : i32 from vector<1xi32>
      %mul3A_793 = arith.constant 16 : i32
      %mul3A_794 = arith.muli %while3A_766#0, %mul3A_793 : i32
      %add3A_795 = arith.addi %mul3A_794, %squeeze3A_792 : i32
      %eq3A_796 = vector.broadcast %squeeze3A_792 : i32 to vector<16xi32>
      %eq3A_797 = arith.cmpi eq, %iota3A, %eq3A_796 : vector<16xi32>
      %select_n3A_798 = arith.select %eq3A_797, %masked_cumsum3A_773, %broadcast_in_dim3A_7 : vector<16xi1>, vector<16xi32>
      %add3A_799 = arith.addi %while3A_766#2, %squeeze3A_775 : i32
      %broadcast_in_dim3A_800 = arith.constant true
      %broadcast_in_dim3A_801 = vector.broadcast %broadcast_in_dim3A_800 : i1 to vector<16xi1>
      %masked_cumsum3A_802 = tpu.scan <sum>, %select_n3A_798 masked %broadcast_in_dim3A_801 : vector<16xi32>, vector<16xi1> -> vector<16xi32>
      %slice3A_803 = vector.extract_strided_slice %masked_cumsum3A_802 {offsets = [15], sizes = [1], strides = [1]} : vector<16xi32> to vector<1xi32>
      %squeeze3A_804 = vector.extract %slice3A_803[0] : i32 from vector<1xi32>
      %sub3A_805 = arith.subi %add3A_799, %squeeze3A_804 : i32
      %shift_left3A_806 = arith.constant 8 : i32
      %shift_left3A_807 = arith.shli %or3A_748, %shift_left3A_806 : i32
      %or3A_808 = arith.ori %shift_left3A_807, %add3A_795 : i32
      %scan3A_809 = arith.constant 0 : i32
      %scan3A_810 = arith.constant 0 : i32
      %scan3A_811 = arith.constant 16 : i32
      %scan3A_812 = arith.addi %scan3A_810, %scan3A_811 : i32
      %scan3A_813 = arith.constant 4 : i32
      scf.for %scan3A_927 = %scan3A_810 to %scan3A_812 step %scan3A_813  : i32 {
        %mul3A_928 = arith.constant 16 : i32
        %mul3A_929 = arith.muli %scan3A_927, %mul3A_928 : i32
        %swap3A_930 = arith.index_cast %mul3A_929 : i32 to index
        %swap3A_931 = tpu.vector_load %arg7[%swap3A_930] {strides = array<i32>} : memref<2064xi32, #tpu.memory_space<vmem>>, vector<16xi32>,
        tpu.vector_store %arg7[%swap3A_930], %broadcast_in_dim3A_7 {strides = array<i32>} : memref<2064xi32, #tpu.memory_space<vmem>>, vector<16xi32>,
        %scan3A_932 = arith.constant 1 : i32
        %scan3A_933 = arith.addi %scan3A_927, %scan3A_932 : i32
        %mul3A_934 = arith.constant 16 : i32
        %mul3A_935 = arith.muli %scan3A_933, %mul3A_934 : i32
        %swap3A_936 = arith.index_cast %mul3A_935 : i32 to index
        %swap3A_937 = tpu.vector_load %arg7[%swap3A_936] {strides = array<i32>} : memref<2064xi32, #tpu.memory_space<vmem>>, vector<16xi32>,
        tpu.vector_store %arg7[%swap3A_936], %broadcast_in_dim3A_7 {strides = array<i32>} : memref<2064xi32, #tpu.memory_space<vmem>>, vector<16xi32>,
        %scan3A_938 = arith.constant 2 : i32
        %scan3A_939 = arith.addi %scan3A_927, %scan3A_938 : i32
        %mul3A_940 = arith.constant 16 : i32
        %mul3A_941 = arith.muli %scan3A_939, %mul3A_940 : i32
        %swap3A_942 = arith.index_cast %mul3A_941 : i32 to index
        %swap3A_943 = tpu.vector_load %arg7[%swap3A_942] {strides = array<i32>} : memref<2064xi32, #tpu.memory_space<vmem>>, vector<16xi32>,
        tpu.vector_store %arg7[%swap3A_942], %broadcast_in_dim3A_7 {strides = array<i32>} : memref<2064xi32, #tpu.memory_space<vmem>>, vector<16xi32>,
        %scan3A_944 = arith.constant 3 : i32
        %scan3A_945 = arith.addi %scan3A_927, %scan3A_944 : i32
        %mul3A_946 = arith.constant 16 : i32
        %mul3A_947 = arith.muli %scan3A_945, %mul3A_946 : i32
        %swap3A_948 = arith.index_cast %mul3A_947 : i32 to index
        %swap3A_949 = tpu.vector_load %arg7[%swap3A_948] {strides = array<i32>} : memref<2064xi32, #tpu.memory_space<vmem>>, vector<16xi32>,
        tpu.vector_store %arg7[%swap3A_948], %broadcast_in_dim3A_7 {strides = array<i32>} : memref<2064xi32, #tpu.memory_space<vmem>>, vector<16xi32>,
      }
      %scan3A_814 = arith.constant 16 : i32
      %while3A_815 = arith.constant 0 : i32
      %while3A_816 = arith.constant 0 : i32
      %while3A_817 = arith.subi %select_n3A_629, %while3A_816 : i32
      %while3A_818 = arith.addi %while3A_816, %while3A_817 : i32
      %while3A_819 = arith.constant 1 : i32
      %while3A_820 = arith.divsi %while3A_817, %while3A_819 : i32
      %while3A_821 = arith.muli %while3A_820, %while3A_819 : i32
      %while3A_822 = arith.addi %while3A_816, %while3A_821 : i32
      %while3A_823 = arith.constant 1 : i32
      scf.for %while3A_927 = %while3A_816 to %while3A_822 step %while3A_823  : i32 {
        %mul3A_928 = arith.constant 16 : i32
        %mul3A_929 = arith.muli %while3A_927, %mul3A_928 : i32
        %get3A_930 = arith.index_cast %mul3A_929 : i32 to index
        %get3A_931 = tpu.vector_load %arg9[%get3A_930] {strides = array<i32>} : memref<10016xi32, #tpu.memory_space<vmem>>, vector<16xi32>,
        %mul3A_932 = arith.constant 16 : i32
        %mul3A_933 = arith.muli %while3A_927, %mul3A_932 : i32
        %add3A_934 = vector.broadcast %mul3A_933 : i32 to vector<16xi32>
        %add3A_935 = arith.addi %iota3A, %add3A_934 : vector<16xi32>
        %lt3A_936 = vector.broadcast %while3A_606 : i32 to vector<16xi32>
        %lt3A_937 = arith.cmpi slt, %add3A_935, %lt3A_936 : vector<16xi32>
        %shift_right_logical3A_938 = arith.constant 8 : i32
        %shift_right_logical3A_939 = vector.broadcast %shift_right_logical3A_938 : i32 to vector<16xi32>
        %shift_right_logical3A_940 = arith.shrui %get3A_931, %shift_right_logical3A_939 : vector<16xi32>
        %eq3A_941 = vector.broadcast %or3A_808 : i32 to vector<16xi32>
        %eq3A_942 = arith.cmpi eq, %shift_right_logical3A_940, %eq3A_941 : vector<16xi32>
        %and3A_943 = arith.andi %lt3A_937, %eq3A_942 : vector<16xi1>
        %shift_right_logical3A_944 = arith.constant 0 : i32
        %shift_right_logical3A_945 = vector.broadcast %shift_right_logical3A_944 : i32 to vector<16xi32>
        %shift_right_logical3A_946 = arith.shrui %get3A_931, %shift_right_logical3A_945 : vector<16xi32>
        %and3A_947 = arith.constant 255 : i32
        %and3A_948 = vector.broadcast %and3A_947 : i32 to vector<16xi32>
        %and3A_949 = arith.andi %shift_right_logical3A_946, %and3A_948 : vector<16xi32>
        tpu.vector_store_idx %arg7[%and3A_949], %broadcast_in_dim3A_5 masked %and3A_943 {add = true} : memref<2064xi32, #tpu.memory_space<vmem>>[vector<16xi32>], vector<16xi32>, vector<16xi1>
      }
      %while3A_824 = arith.constant 1 : i32
      scf.for %while3A_927 = %while3A_822 to %while3A_818 step %while3A_824  : i32 {
        %mul3A_928 = arith.constant 16 : i32
        %mul3A_929 = arith.muli %while3A_927, %mul3A_928 : i32
        %get3A_930 = arith.index_cast %mul3A_929 : i32 to index
        %get3A_931 = tpu.vector_load %arg9[%get3A_930] {strides = array<i32>} : memref<10016xi32, #tpu.memory_space<vmem>>, vector<16xi32>,
        %mul3A_932 = arith.constant 16 : i32
        %mul3A_933 = arith.muli %while3A_927, %mul3A_932 : i32
        %add3A_934 = vector.broadcast %mul3A_933 : i32 to vector<16xi32>
        %add3A_935 = arith.addi %iota3A, %add3A_934 : vector<16xi32>
        %lt3A_936 = vector.broadcast %while3A_606 : i32 to vector<16xi32>
        %lt3A_937 = arith.cmpi slt, %add3A_935, %lt3A_936 : vector<16xi32>
        %shift_right_logical3A_938 = arith.constant 8 : i32
        %shift_right_logical3A_939 = vector.broadcast %shift_right_logical3A_938 : i32 to vector<16xi32>
        %shift_right_logical3A_940 = arith.shrui %get3A_931, %shift_right_logical3A_939 : vector<16xi32>
        %eq3A_941 = vector.broadcast %or3A_808 : i32 to vector<16xi32>
        %eq3A_942 = arith.cmpi eq, %shift_right_logical3A_940, %eq3A_941 : vector<16xi32>
        %and3A_943 = arith.andi %lt3A_937, %eq3A_942 : vector<16xi1>
        %shift_right_logical3A_944 = arith.constant 0 : i32
        %shift_right_logical3A_945 = vector.broadcast %shift_right_logical3A_944 : i32 to vector<16xi32>
        %shift_right_logical3A_946 = arith.shrui %get3A_931, %shift_right_logical3A_945 : vector<16xi32>
        %and3A_947 = arith.constant 255 : i32
        %and3A_948 = vector.broadcast %and3A_947 : i32 to vector<16xi32>
        %and3A_949 = arith.andi %shift_right_logical3A_946, %and3A_948 : vector<16xi32>
        tpu.vector_store_idx %arg7[%and3A_949], %broadcast_in_dim3A_5 masked %and3A_943 {add = true} : memref<2064xi32, #tpu.memory_space<vmem>>[vector<16xi32>], vector<16xi32>, vector<16xi1>
      }
      %while3A_825 = arith.constant 16 : i32
      %while3A_826:3 = scf.while (%while3A_927 = %while3A_825, %while3A_928 = %sub3A_805, %while3A_929 = %sub3A_805) : (i32, i32, i32) -> (i32, i32, i32) {
        %lt3A_930 = arith.constant 32 : i32
        %lt3A_931 = arith.cmpi slt, %while3A_928, %lt3A_930 : i32
        scf.condition(%lt3A_931) %while3A_927, %while3A_928, %while3A_929 : i32, i32, i32
      } do {
      ^bb0(%while3A_927: i32, %while3A_928: i32, %while3A_929: i32):
        %sub3A_930 = arith.constant 1 : i32
        %sub3A_931 = arith.subi %while3A_927, %sub3A_930 : i32
        %mul3A_932 = arith.constant 16 : i32
        %mul3A_933 = arith.muli %sub3A_931, %mul3A_932 : i32
        %get3A_934 = arith.index_cast %mul3A_933 : i32 to index
        %get3A_935 = tpu.vector_load %arg7[%get3A_934] {strides = array<i32>} : memref<2064xi32, #tpu.memory_space<vmem>>, vector<16xi32>,
        %broadcast_in_dim3A_936 = arith.constant true
        %broadcast_in_dim3A_937 = vector.broadcast %broadcast_in_dim3A_936 : i1 to vector<16xi1>
        %masked_cumsum3A_938 = tpu.scan <sum>, %get3A_935 masked %broadcast_in_dim3A_937 : vector<16xi32>, vector<16xi1> -> vector<16xi32>
        %slice3A_939 = vector.extract_strided_slice %masked_cumsum3A_938 {offsets = [15], sizes = [1], strides = [1]} : vector<16xi32> to vector<1xi32>
        %squeeze3A_940 = vector.extract %slice3A_939[0] : i32 from vector<1xi32>
        %add3A_941 = arith.addi %while3A_928, %squeeze3A_940 : i32
        scf.yield %sub3A_931, %add3A_941, %while3A_928 : i32, i32, i32
      }
      %mul3A_827 = arith.constant 16 : i32
      %mul3A_828 = arith.muli %while3A_826#0, %mul3A_827 : i32
      %get3A_829 = arith.index_cast %mul3A_828 : i32 to index
      %get3A_830 = tpu.vector_load %arg7[%get3A_829] {strides = array<i32>} : memref<2064xi32, #tpu.memory_space<vmem>>, vector<16xi32>,
      %broadcast_in_dim3A_831 = arith.constant true
      %broadcast_in_dim3A_832 = vector.broadcast %broadcast_in_dim3A_831 : i1 to vector<16xi1>
      %masked_cumsum3A_833 = tpu.scan <sum>, %get3A_830 masked %broadcast_in_dim3A_832 : vector<16xi32>, vector<16xi1> -> vector<16xi32>
      %slice3A_834 = vector.extract_strided_slice %masked_cumsum3A_833 {offsets = [15], sizes = [1], strides = [1]} : vector<16xi32> to vector<1xi32>
      %squeeze3A_835 = vector.extract %slice3A_834[0] : i32 from vector<1xi32>
      %add3A_836 = arith.addi %while3A_826#2, %squeeze3A_835 : i32
      %sub3A_837 = arith.subi %get3A_830, %masked_cumsum3A_833 : vector<16xi32>
      %add3A_838 = vector.broadcast %add3A_836 : i32 to vector<16xi32>
      %add3A_839 = arith.addi %add3A_838, %sub3A_837 : vector<16xi32>
      %ge3A_840 = arith.constant 32 : i32
      %ge3A_841 = vector.broadcast %ge3A_840 : i32 to vector<16xi32>
      %ge3A_842 = arith.cmpi sge, %add3A_839, %ge3A_841 : vector<16xi32>
      %select_n3A_843 = arith.select %ge3A_842, %iota3A, %broadcast_in_dim3A_9 : vector<16xi1>, vector<16xi32>
      %broadcast_in_dim3A_844 = arith.constant true
      %broadcast_in_dim3A_845 = vector.broadcast %broadcast_in_dim3A_844 : i1 to vector<16xi1>
      %masked_cummax3A_846 = arith.constant -2147483648 : i32
      %masked_cummax3A_847 = vector.broadcast %masked_cummax3A_846 : i32 to vector<16xi32>
      %masked_cummax3A_848 = arith.xori %select_n3A_843, %masked_cummax3A_847 : vector<16xi32>
      %masked_cummax3A_849 = tpu.scan <max>, %masked_cummax3A_848 masked %broadcast_in_dim3A_845 : vector<16xi32>, vector<16xi1> -> vector<16xi32>
      %masked_cummax3A_850 = arith.xori %masked_cummax3A_849, %masked_cummax3A_847 : vector<16xi32>
      %slice3A_851 = vector.extract_strided_slice %masked_cummax3A_850 {offsets = [15], sizes = [1], strides = [1]} : vector<16xi32> to vector<1xi32>
      %squeeze3A_852 = vector.extract %slice3A_851[0] : i32 from vector<1xi32>
      %mul3A_853 = arith.constant 16 : i32
      %mul3A_854 = arith.muli %while3A_826#0, %mul3A_853 : i32
      %add3A_855 = arith.addi %mul3A_854, %squeeze3A_852 : i32
      %eq3A_856 = vector.broadcast %squeeze3A_852 : i32 to vector<16xi32>
      %eq3A_857 = arith.cmpi eq, %iota3A, %eq3A_856 : vector<16xi32>
      %select_n3A_858 = arith.select %eq3A_857, %masked_cumsum3A_833, %broadcast_in_dim3A_7 : vector<16xi1>, vector<16xi32>
      %add3A_859 = arith.addi %while3A_826#2, %squeeze3A_835 : i32
      %broadcast_in_dim3A_860 = arith.constant true
      %broadcast_in_dim3A_861 = vector.broadcast %broadcast_in_dim3A_860 : i1 to vector<16xi1>
      %masked_cumsum3A_862 = tpu.scan <sum>, %select_n3A_858 masked %broadcast_in_dim3A_861 : vector<16xi32>, vector<16xi1> -> vector<16xi32>
      %slice3A_863 = vector.extract_strided_slice %masked_cumsum3A_862 {offsets = [15], sizes = [1], strides = [1]} : vector<16xi32> to vector<1xi32>
      %squeeze3A_864 = vector.extract %slice3A_863[0] : i32 from vector<1xi32>
      %sub3A_865 = arith.subi %add3A_859, %squeeze3A_864 : i32
      %shift_left3A_866 = arith.constant 8 : i32
      %shift_left3A_867 = arith.shli %or3A_808, %shift_left3A_866 : i32
      %or3A_868 = arith.ori %shift_left3A_867, %add3A_855 : i32
      %sub3A_869 = arith.constant 32 : i32
      %sub3A_870 = arith.subi %sub3A_869, %sub3A_865 : i32
      %while3A_871 = arith.constant 0 : i32
      %while3A_872 = arith.subi %select_n3A_629, %while3A_871 : i32
      %while3A_873 = arith.addi %while3A_871, %while3A_872 : i32
      %while3A_874 = arith.constant 1 : i32
      %while3A_875 = arith.divsi %while3A_872, %while3A_874 : i32
      %while3A_876 = arith.muli %while3A_875, %while3A_874 : i32
      %while3A_877 = arith.addi %while3A_871, %while3A_876 : i32
      %while3A_878 = arith.constant 1 : i32
      %while3A_879:2 = scf.for %while3A_927 = %while3A_871 to %while3A_877 step %while3A_878 iter_args(%while3A_928 = %broadcast_in_dim3A_7, %while3A_929 = %broadcast_in_dim3A_7) -> (vector<16xi32>, vector<16xi32>)  : i32 {
        %mul3A_930 = arith.constant 16 : i32
        %mul3A_931 = arith.muli %while3A_927, %mul3A_930 : i32
        %get3A_932 = arith.index_cast %mul3A_931 : i32 to index
        %get3A_933 = tpu.vector_load %arg9[%get3A_932] {strides = array<i32>} : memref<10016xi32, #tpu.memory_space<vmem>>, vector<16xi32>,
        %mul3A_934 = arith.constant 16 : i32
        %mul3A_935 = arith.muli %while3A_927, %mul3A_934 : i32
        %get3A_936 = arith.index_cast %mul3A_935 : i32 to index
        %get3A_937 = tpu.vector_load %arg10[%get3A_936] {strides = array<i32>} : memref<10016xi32, #tpu.memory_space<vmem>>, vector<16xi32>,
        %mul3A_938 = arith.constant 16 : i32
        %mul3A_939 = arith.muli %while3A_927, %mul3A_938 : i32
        %add3A_940 = vector.broadcast %mul3A_939 : i32 to vector<16xi32>
        %add3A_941 = arith.addi %iota3A, %add3A_940 : vector<16xi32>
        %lt3A_942 = vector.broadcast %while3A_606 : i32 to vector<16xi32>
        %lt3A_943 = arith.cmpi slt, %add3A_941, %lt3A_942 : vector<16xi32>
        %gt3A_944 = vector.broadcast %or3A_868 : i32 to vector<16xi32>
        %gt3A_945 = arith.cmpi sgt, %get3A_933, %gt3A_944 : vector<16xi32>
        %and3A_946 = arith.andi %lt3A_943, %gt3A_945 : vector<16xi1>
        %eq3A_947 = vector.broadcast %or3A_868 : i32 to vector<16xi32>
        %eq3A_948 = arith.cmpi eq, %get3A_933, %eq3A_947 : vector<16xi32>
        %and3A_949 = arith.andi %lt3A_943, %eq3A_948 : vector<16xi1>
        %jit3A_950 = arith.constant 1 : i32
        %jit3A_951 = arith.constant 0 : i32
        %broadcast_in_dim3A_952 = vector.broadcast %jit3A_950 : i32 to vector<16xi32>
        %broadcast_in_dim3A_953 = vector.broadcast %jit3A_951 : i32 to vector<16xi32>
        %select_n3A_954 = arith.select %and3A_946, %broadcast_in_dim3A_952, %broadcast_in_dim3A_953 : vector<16xi1>, vector<16xi32>
        %jit3A_955 = arith.constant 1 : i32
        %jit3A_956 = arith.constant 0 : i32
        %broadcast_in_dim3A_957 = vector.broadcast %jit3A_955 : i32 to vector<16xi32>
        %broadcast_in_dim3A_958 = vector.broadcast %jit3A_956 : i32 to vector<16xi32>
        %select_n3A_959 = arith.select %and3A_949, %broadcast_in_dim3A_957, %broadcast_in_dim3A_958 : vector<16xi1>, vector<16xi32>
        %broadcast_in_dim3A_960 = arith.constant true
        %broadcast_in_dim3A_961 = vector.broadcast %broadcast_in_dim3A_960 : i1 to vector<16xi1>
        %masked_cumsum3A_962 = tpu.scan <sum>, %select_n3A_954 masked %broadcast_in_dim3A_961 : vector<16xi32>, vector<16xi1> -> vector<16xi32>
        %add3A_963 = arith.addi %while3A_928, %masked_cumsum3A_962 : vector<16xi32>
        %sub3A_964 = arith.subi %add3A_963, %select_n3A_954 : vector<16xi32>
        %broadcast_in_dim3A_965 = arith.constant true
        %broadcast_in_dim3A_966 = vector.broadcast %broadcast_in_dim3A_965 : i1 to vector<16xi1>
        %masked_cumsum3A_967 = tpu.scan <sum>, %select_n3A_959 masked %broadcast_in_dim3A_966 : vector<16xi32>, vector<16xi1> -> vector<16xi32>
        %add3A_968 = arith.addi %while3A_929, %masked_cumsum3A_967 : vector<16xi32>
        %sub3A_969 = arith.subi %add3A_968, %select_n3A_959 : vector<16xi32>
        tpu.vector_store_idx %arg12[%sub3A_964], %get3A_937 masked %and3A_946 : memref<48xi32, #tpu.memory_space<vmem>>[vector<16xi32>], vector<16xi32>, vector<16xi1>
        tpu.vector_store_idx %arg11[%sub3A_969], %get3A_937 masked %and3A_949 : memref<10016xi32, #tpu.memory_space<vmem>>[vector<16xi32>], vector<16xi32>, vector<16xi1>
        %all_reduce_population_count3A = tpu.all_reduce %and3A_946 {dim = 0 : i64, kind = #tpu.reduction_kind<sum>} : vector<16xi1> -> vector<16xi32>
        %add3A_970 = arith.addi %while3A_928, %all_reduce_population_count3A : vector<16xi32>
        %all_reduce_population_count3A_971 = tpu.all_reduce %and3A_949 {dim = 0 : i64, kind = #tpu.reduction_kind<sum>} : vector<16xi1> -> vector<16xi32>
        %add3A_972 = arith.addi %while3A_929, %all_reduce_population_count3A_971 : vector<16xi32>
        scf.yield %add3A_970, %add3A_972 : vector<16xi32>, vector<16xi32>
      }
      %while3A_880 = arith.constant 1 : i32
      %while3A_881:2 = scf.for %while3A_927 = %while3A_877 to %while3A_873 step %while3A_880 iter_args(%while3A_928 = %while3A_879#0, %while3A_929 = %while3A_879#1) -> (vector<16xi32>, vector<16xi32>)  : i32 {
        %mul3A_930 = arith.constant 16 : i32
        %mul3A_931 = arith.muli %while3A_927, %mul3A_930 : i32
        %get3A_932 = arith.index_cast %mul3A_931 : i32 to index
        %get3A_933 = tpu.vector_load %arg9[%get3A_932] {strides = array<i32>} : memref<10016xi32, #tpu.memory_space<vmem>>, vector<16xi32>,
        %mul3A_934 = arith.constant 16 : i32
        %mul3A_935 = arith.muli %while3A_927, %mul3A_934 : i32
        %get3A_936 = arith.index_cast %mul3A_935 : i32 to index
        %get3A_937 = tpu.vector_load %arg10[%get3A_936] {strides = array<i32>} : memref<10016xi32, #tpu.memory_space<vmem>>, vector<16xi32>,
        %mul3A_938 = arith.constant 16 : i32
        %mul3A_939 = arith.muli %while3A_927, %mul3A_938 : i32
        %add3A_940 = vector.broadcast %mul3A_939 : i32 to vector<16xi32>
        %add3A_941 = arith.addi %iota3A, %add3A_940 : vector<16xi32>
        %lt3A_942 = vector.broadcast %while3A_606 : i32 to vector<16xi32>
        %lt3A_943 = arith.cmpi slt, %add3A_941, %lt3A_942 : vector<16xi32>
        %gt3A_944 = vector.broadcast %or3A_868 : i32 to vector<16xi32>
        %gt3A_945 = arith.cmpi sgt, %get3A_933, %gt3A_944 : vector<16xi32>
        %and3A_946 = arith.andi %lt3A_943, %gt3A_945 : vector<16xi1>
        %eq3A_947 = vector.broadcast %or3A_868 : i32 to vector<16xi32>
        %eq3A_948 = arith.cmpi eq, %get3A_933, %eq3A_947 : vector<16xi32>
        %and3A_949 = arith.andi %lt3A_943, %eq3A_948 : vector<16xi1>
        %jit3A_950 = arith.constant 1 : i32
        %jit3A_951 = arith.constant 0 : i32
        %broadcast_in_dim3A_952 = vector.broadcast %jit3A_950 : i32 to vector<16xi32>
        %broadcast_in_dim3A_953 = vector.broadcast %jit3A_951 : i32 to vector<16xi32>
        %select_n3A_954 = arith.select %and3A_946, %broadcast_in_dim3A_952, %broadcast_in_dim3A_953 : vector<16xi1>, vector<16xi32>
        %jit3A_955 = arith.constant 1 : i32
        %jit3A_956 = arith.constant 0 : i32
        %broadcast_in_dim3A_957 = vector.broadcast %jit3A_955 : i32 to vector<16xi32>
        %broadcast_in_dim3A_958 = vector.broadcast %jit3A_956 : i32 to vector<16xi32>
        %select_n3A_959 = arith.select %and3A_949, %broadcast_in_dim3A_957, %broadcast_in_dim3A_958 : vector<16xi1>, vector<16xi32>
        %broadcast_in_dim3A_960 = arith.constant true
        %broadcast_in_dim3A_961 = vector.broadcast %broadcast_in_dim3A_960 : i1 to vector<16xi1>
        %masked_cumsum3A_962 = tpu.scan <sum>, %select_n3A_954 masked %broadcast_in_dim3A_961 : vector<16xi32>, vector<16xi1> -> vector<16xi32>
        %add3A_963 = arith.addi %while3A_928, %masked_cumsum3A_962 : vector<16xi32>
        %sub3A_964 = arith.subi %add3A_963, %select_n3A_954 : vector<16xi32>
        %broadcast_in_dim3A_965 = arith.constant true
        %broadcast_in_dim3A_966 = vector.broadcast %broadcast_in_dim3A_965 : i1 to vector<16xi1>
        %masked_cumsum3A_967 = tpu.scan <sum>, %select_n3A_959 masked %broadcast_in_dim3A_966 : vector<16xi32>, vector<16xi1> -> vector<16xi32>
        %add3A_968 = arith.addi %while3A_929, %masked_cumsum3A_967 : vector<16xi32>
        %sub3A_969 = arith.subi %add3A_968, %select_n3A_959 : vector<16xi32>
        tpu.vector_store_idx %arg12[%sub3A_964], %get3A_937 masked %and3A_946 : memref<48xi32, #tpu.memory_space<vmem>>[vector<16xi32>], vector<16xi32>, vector<16xi1>
        tpu.vector_store_idx %arg11[%sub3A_969], %get3A_937 masked %and3A_949 : memref<10016xi32, #tpu.memory_space<vmem>>[vector<16xi32>], vector<16xi32>, vector<16xi1>
        %all_reduce_population_count3A = tpu.all_reduce %and3A_946 {dim = 0 : i64, kind = #tpu.reduction_kind<sum>} : vector<16xi1> -> vector<16xi32>
        %add3A_970 = arith.addi %while3A_928, %all_reduce_population_count3A : vector<16xi32>
        %all_reduce_population_count3A_971 = tpu.all_reduce %and3A_949 {dim = 0 : i64, kind = #tpu.reduction_kind<sum>} : vector<16xi1> -> vector<16xi32>
        %add3A_972 = arith.addi %while3A_929, %all_reduce_population_count3A_971 : vector<16xi32>
        scf.yield %add3A_970, %add3A_972 : vector<16xi32>, vector<16xi32>
      }
      %get3A_882 = arith.constant 0 : index
      %get3A_883 = tpu.vector_load %arg11[%get3A_882] {strides = array<i32>} : memref<10016xi32, #tpu.memory_space<vmem>>, vector<16xi32>,
      %min3A_884 = arith.constant 16 : i32
      %min3A_885 = arith.minsi %sub3A_870, %min3A_884 : i32
      %lt3A_886 = vector.broadcast %min3A_885 : i32 to vector<16xi32>
      %lt3A_887 = arith.cmpi slt, %iota3A, %lt3A_886 : vector<16xi32>
      %swap3A_888 = arith.index_cast %sub3A_865 : i32 to index
      %swap3A_889 = tpu.vector_load %arg12[%swap3A_888] masked %lt3A_887 {strides = array<i32>} : memref<48xi32, #tpu.memory_space<vmem>>, vector<16xi32>, vector<16xi1>
      tpu.vector_store %arg12[%swap3A_888], %get3A_883 masked %lt3A_887 {strides = array<i32>} : memref<48xi32, #tpu.memory_space<vmem>>, vector<16xi32>, vector<16xi1>
      %get3A_890 = arith.constant 16 : index
      %get3A_891 = tpu.vector_load %arg11[%get3A_890] {strides = array<i32>} : memref<10016xi32, #tpu.memory_space<vmem>>, vector<16xi32>,
      %min3A_892 = arith.constant 16 : i32
      %min3A_893 = arith.minsi %sub3A_870, %min3A_892 : i32
      %add3A_894 = arith.addi %sub3A_865, %min3A_893 : i32
      %sub3A_895 = arith.constant 16 : i32
      %sub3A_896 = arith.subi %sub3A_870, %sub3A_895 : i32
      %lt3A_897 = vector.broadcast %sub3A_896 : i32 to vector<16xi32>
      %lt3A_898 = arith.cmpi slt, %iota3A, %lt3A_897 : vector<16xi32>
      %swap3A_899 = arith.index_cast %add3A_894 : i32 to index
      %swap3A_900 = tpu.vector_load %arg12[%swap3A_899] masked %lt3A_898 {strides = array<i32>} : memref<48xi32, #tpu.memory_space<vmem>>, vector<16xi32>, vector<16xi1>
      tpu.vector_store %arg12[%swap3A_899], %get3A_891 masked %lt3A_898 {strides = array<i32>} : memref<48xi32, #tpu.memory_space<vmem>>, vector<16xi32>, vector<16xi1>
      %get3A_901 = arith.constant 0 : index
      %get3A_902 = tpu.vector_load %arg12[%get3A_901] {strides = array<i32>} : memref<48xi32, #tpu.memory_space<vmem>>, vector<16xi32>,
      %swap3A_903 = arith.index_cast %and3A_173 : i32 to index
      %swap3A_904 = arith.constant 0 : index
      %swap3A_905 = tpu.vector_load %arg13[%swap3A_903, %swap3A_904] {strides = array<i32>} : memref<2x32xi32, #tpu.memory_space<vmem>>, vector<16xi32>,
      tpu.vector_store %arg13[%swap3A_903, %swap3A_904], %get3A_902 {strides = array<i32>} : memref<2x32xi32, #tpu.memory_space<vmem>>, vector<16xi32>,
      %get3A_906 = arith.constant 16 : index
      %get3A_907 = tpu.vector_load %arg12[%get3A_906] {strides = array<i32>} : memref<48xi32, #tpu.memory_space<vmem>>, vector<16xi32>,
      %swap3A_908 = arith.index_cast %and3A_173 : i32 to index
      %swap3A_909 = arith.constant 16 : index
      %swap3A_910 = tpu.vector_load %arg13[%swap3A_908, %swap3A_909] {strides = array<i32>} : memref<2x32xi32, #tpu.memory_space<vmem>>, vector<16xi32>,
      tpu.vector_store %arg13[%swap3A_908, %swap3A_909], %get3A_907 {strides = array<i32>} : memref<2x32xi32, #tpu.memory_space<vmem>>, vector<16xi32>,
      %dma_start3A_911 = arith.constant 0 : i32
      %dma_start3A_912 = arith.constant 0 : i32
      %dma_start3A_913 = tpu.memref_slice %arg14[%and3A_173, %dma_start3A_911, %dma_start3A_912] : memref<2x32x128xf32, #tpu.memory_space<vmem>> -> memref<1x32x128xf32, #tpu.memory_space<vmem>>
      %dma_start3A_914 = tpu.memref_squeeze %dma_start3A_913 : memref<1x32x128xf32, #tpu.memory_space<vmem>> -> memref<32x128xf32, #tpu.memory_space<vmem>>
      %dma_start3A_915 = arith.constant 0 : i32
      %dma_start3A_916 = tpu.memref_slice %arg13[%and3A_173, %dma_start3A_915] : memref<2x32xi32, #tpu.memory_space<vmem>> -> memref<1x32xi32, #tpu.memory_space<vmem>>
      %dma_start3A_917 = tpu.memref_squeeze %dma_start3A_916 : memref<1x32xi32, #tpu.memory_space<vmem>> -> memref<32xi32, #tpu.memory_space<vmem>>
      %dma_start3A_918 = arith.constant 0 : i32
      %dma_start3A_919 = arith.constant 0 : i32
      %dma_start3A_920 = tpu.memref_slice %arg3[%dma_start3A_918, %dma_start3A_919] : memref<10000x128xf32, #tpu.memory_space<hbm>> -> memref<10000x128xf32, #tpu.memory_space<hbm>>
      %dma_start3A_921 = tpu.memref_slice %arg16[%and3A_173] : memref<2x!tpu.dma_semaphore, #tpu.memory_space<semaphore_mem>> -> memref<1x!tpu.dma_semaphore, #tpu.memory_space<semaphore_mem>>
      %dma_start3A_922 = tpu.memref_squeeze %dma_start3A_921 : memref<1x!tpu.dma_semaphore, #tpu.memory_space<semaphore_mem>> -> memref<!tpu.dma_semaphore, #tpu.memory_space<semaphore_mem>>
      tpu.enqueue_indirect_dma source(%dma_start3A_920 : memref<10000x128xf32, #tpu.memory_space<hbm>>) target(%dma_start3A_914 : memref<32x128xf32, #tpu.memory_space<vmem>>) offsets(%dma_start3A_917 : memref<32xi32, #tpu.memory_space<vmem>>) semaphore(%dma_start3A_922 : memref<!tpu.dma_semaphore, #tpu.memory_space<semaphore_mem>>)
      %gt3A = arith.constant 0 : i32
      %gt3A_923 = arith.cmpi sgt, %while3A_170, %gt3A : i32
      %convert_element_type3A_924 = arith.extui %gt3A_923 : i1 to i32
      %cond3A_925 = arith.constant 0 : i32
      %cond3A_926 = arith.cmpi ne, %convert_element_type3A_924, %cond3A_925 : i32
      scf.if %cond3A_926 {
        %sub3A_927 = arith.constant 1 : i32
        %sub3A_928 = arith.subi %while3A_170, %sub3A_927 : i32
        %and3A_929 = arith.constant 1 : i32
        %and3A_930 = arith.andi %sub3A_928, %and3A_929 : i32
        %dma_wait3A_931 = arith.constant 0 : i32
        %dma_wait3A_932 = arith.constant 0 : i32
        %dma_wait3A_933 = tpu.memref_slice %arg14[%and3A_930, %dma_wait3A_931, %dma_wait3A_932] : memref<2x32x128xf32, #tpu.memory_space<vmem>> -> memref<1x32x128xf32, #tpu.memory_space<vmem>>
        %dma_wait3A_934 = tpu.memref_squeeze %dma_wait3A_933 : memref<1x32x128xf32, #tpu.memory_space<vmem>> -> memref<32x128xf32, #tpu.memory_space<vmem>>
        %dma_wait3A_935 = arith.constant 0 : i32
        %dma_wait3A_936 = tpu.memref_slice %arg13[%and3A_930, %dma_wait3A_935] : memref<2x32xi32, #tpu.memory_space<vmem>> -> memref<1x32xi32, #tpu.memory_space<vmem>>
        %dma_wait3A_937 = tpu.memref_squeeze %dma_wait3A_936 : memref<1x32xi32, #tpu.memory_space<vmem>> -> memref<32xi32, #tpu.memory_space<vmem>>
        %dma_wait3A_938 = arith.constant 0 : i32
        %dma_wait3A_939 = arith.constant 0 : i32
        %dma_wait3A_940 = tpu.memref_slice %arg3[%dma_wait3A_938, %dma_wait3A_939] : memref<10000x128xf32, #tpu.memory_space<hbm>> -> memref<10000x128xf32, #tpu.memory_space<hbm>>
        %dma_wait3A_941 = tpu.memref_slice %arg16[%and3A_930] : memref<2x!tpu.dma_semaphore, #tpu.memory_space<semaphore_mem>> -> memref<1x!tpu.dma_semaphore, #tpu.memory_space<semaphore_mem>>
        %dma_wait3A_942 = tpu.memref_squeeze %dma_wait3A_941 : memref<1x!tpu.dma_semaphore, #tpu.memory_space<semaphore_mem>> -> memref<!tpu.dma_semaphore, #tpu.memory_space<semaphore_mem>>
        tpu.wait_indirect_dma semaphore(%dma_wait3A_942 : memref<!tpu.dma_semaphore, #tpu.memory_space<semaphore_mem>>) src(%dma_wait3A_940 : memref<10000x128xf32, #tpu.memory_space<hbm>>) dst(%dma_wait3A_934 : memref<32x128xf32, #tpu.memory_space<vmem>>)
        %ge3A_943 = arith.constant 2 : i32
        %ge3A_944 = arith.cmpi sge, %sub3A_928, %ge3A_943 : i32
        %convert_element_type3A_945 = arith.extui %ge3A_944 : i1 to i32
        %cond3A_946 = arith.constant 0 : i32
        %cond3A_947 = arith.cmpi ne, %convert_element_type3A_945, %cond3A_946 : i32
        scf.if %cond3A_947 {
          %add3A_1009 = arith.addi %mul3A_2, %sub3A_928 : i32
          %sub3A_1010 = arith.constant 2 : i32
          %sub3A_1011 = arith.subi %add3A_1009, %sub3A_1010 : i32
          %dma_wait3A_1012 = arith.constant 0 : i32
          %dma_wait3A_1013 = tpu.memref_slice %arg15[%and3A_930, %dma_wait3A_1012] : memref<2x128xf32, #tpu.memory_space<vmem>> -> memref<1x128xf32, #tpu.memory_space<vmem>>
          %dma_wait3A_1014 = tpu.memref_squeeze %dma_wait3A_1013 : memref<1x128xf32, #tpu.memory_space<vmem>> -> memref<128xf32, #tpu.memory_space<vmem>>
          %dma_wait3A_1015 = arith.constant 0 : i32
          %dma_wait3A_1016 = tpu.memref_slice %arg4[%sub3A_1011, %dma_wait3A_1015] : memref<10000x128xf32, #tpu.memory_space<hbm>> -> memref<1x128xf32, #tpu.memory_space<hbm>>
          %dma_wait3A_1017 = tpu.memref_squeeze %dma_wait3A_1016 : memref<1x128xf32, #tpu.memory_space<hbm>> -> memref<128xf32, #tpu.memory_space<hbm>>
          %dma_wait3A_1018 = tpu.memref_slice %arg18[%and3A_930] : memref<2x!tpu.dma_semaphore, #tpu.memory_space<semaphore_mem>> -> memref<1x!tpu.dma_semaphore, #tpu.memory_space<semaphore_mem>>
          %dma_wait3A_1019 = tpu.memref_squeeze %dma_wait3A_1018 : memref<1x!tpu.dma_semaphore, #tpu.memory_space<semaphore_mem>> -> memref<!tpu.dma_semaphore, #tpu.memory_space<semaphore_mem>>
          %dma_wait3A_1020 = arith.constant 0 : i32
          %dma_wait3A_1021 = tpu.memref_slice %arg4[%sub3A_1011, %dma_wait3A_1020] : memref<10000x128xf32, #tpu.memory_space<hbm>> -> memref<1x128xf32, #tpu.memory_space<hbm>>
          %dma_wait3A_1022 = tpu.memref_squeeze %dma_wait3A_1021 : memref<1x128xf32, #tpu.memory_space<hbm>> -> memref<128xf32, #tpu.memory_space<hbm>>
          %dma_wait3A_1023 = arith.constant 0 : i32
          %dma_wait3A_1024 = tpu.memref_slice %arg15[%and3A_930, %dma_wait3A_1023] : memref<2x128xf32, #tpu.memory_space<vmem>> -> memref<1x128xf32, #tpu.memory_space<vmem>>
          %dma_wait3A_1025 = tpu.memref_squeeze %dma_wait3A_1024 : memref<1x128xf32, #tpu.memory_space<vmem>> -> memref<128xf32, #tpu.memory_space<vmem>>
          tpu.wait_dma2 semaphore(%dma_wait3A_1019 : memref<!tpu.dma_semaphore, #tpu.memory_space<semaphore_mem>>) src(%dma_wait3A_1025 : memref<128xf32, #tpu.memory_space<vmem>>) dst(%dma_wait3A_1022 : memref<128xf32, #tpu.memory_space<hbm>>)
        } else {
        }
        %broadcast_in_dim3A_948 = arith.constant 0xFF800000 : f32
        %broadcast_in_dim3A_949 = vector.broadcast %broadcast_in_dim3A_948 : f32 to vector<16xf32>
        %broadcast_in_dim3A_950 = arith.constant 0xFF800000 : f32
        %broadcast_in_dim3A_951 = vector.broadcast %broadcast_in_dim3A_950 : f32 to vector<16xf32>
        %broadcast_in_dim3A_952 = arith.constant 0xFF800000 : f32
        %broadcast_in_dim3A_953 = vector.broadcast %broadcast_in_dim3A_952 : f32 to vector<16xf32>
        %broadcast_in_dim3A_954 = arith.constant 0xFF800000 : f32
        %broadcast_in_dim3A_955 = vector.broadcast %broadcast_in_dim3A_954 : f32 to vector<16xf32>
        %broadcast_in_dim3A_956 = arith.constant 0xFF800000 : f32
        %broadcast_in_dim3A_957 = vector.broadcast %broadcast_in_dim3A_956 : f32 to vector<16xf32>
        %broadcast_in_dim3A_958 = arith.constant 0xFF800000 : f32
        %broadcast_in_dim3A_959 = vector.broadcast %broadcast_in_dim3A_958 : f32 to vector<16xf32>
        %broadcast_in_dim3A_960 = arith.constant 0xFF800000 : f32
        %broadcast_in_dim3A_961 = vector.broadcast %broadcast_in_dim3A_960 : f32 to vector<16xf32>
        %broadcast_in_dim3A_962 = arith.constant 0xFF800000 : f32
        %broadcast_in_dim3A_963 = vector.broadcast %broadcast_in_dim3A_962 : f32 to vector<16xf32>
        %scan3A_964 = arith.constant 0 : i32
        %scan3A_965 = arith.constant 32 : i32
        %scan3A_966 = arith.addi %scan3A_964, %scan3A_965 : i32
        %scan3A_967 = arith.constant 1 : i32
        %scan3A_968:8 = scf.for %scan3A_1009 = %scan3A_964 to %scan3A_966 step %scan3A_967 iter_args(%scan3A_1010 = %broadcast_in_dim3A_949, %scan3A_1011 = %broadcast_in_dim3A_951, %scan3A_1012 = %broadcast_in_dim3A_953, %scan3A_1013 = %broadcast_in_dim3A_955, %scan3A_1014 = %broadcast_in_dim3A_957, %scan3A_1015 = %broadcast_in_dim3A_959, %scan3A_1016 = %broadcast_in_dim3A_961, %scan3A_1017 = %broadcast_in_dim3A_963) -> (vector<16xf32>, vector<16xf32>, vector<16xf32>, vector<16xf32>, vector<16xf32>, vector<16xf32>, vector<16xf32>, vector<16xf32>)  : i32 {
          %get3A_1018 = arith.index_cast %and3A_930 : i32 to index
          %get3A_1019 = arith.index_cast %scan3A_1009 : i32 to index
          %get3A_1020 = arith.constant 0 : index
          %get3A_1021 = tpu.vector_load %arg14[%get3A_1018, %get3A_1019, %get3A_1020] {strides = array<i32>} : memref<2x32x128xf32, #tpu.memory_space<vmem>>, vector<16xf32>,
          %max3A_1022 = arith.maximumf %scan3A_1010, %get3A_1021 : vector<16xf32>
          %get3A_1023 = arith.index_cast %and3A_930 : i32 to index
          %get3A_1024 = arith.index_cast %scan3A_1009 : i32 to index
          %get3A_1025 = arith.constant 16 : index
          %get3A_1026 = tpu.vector_load %arg14[%get3A_1023, %get3A_1024, %get3A_1025] {strides = array<i32>} : memref<2x32x128xf32, #tpu.memory_space<vmem>>, vector<16xf32>,
          %max3A_1027 = arith.maximumf %scan3A_1011, %get3A_1026 : vector<16xf32>
          %get3A_1028 = arith.index_cast %and3A_930 : i32 to index
          %get3A_1029 = arith.index_cast %scan3A_1009 : i32 to index
          %get3A_1030 = arith.constant 32 : index
          %get3A_1031 = tpu.vector_load %arg14[%get3A_1028, %get3A_1029, %get3A_1030] {strides = array<i32>} : memref<2x32x128xf32, #tpu.memory_space<vmem>>, vector<16xf32>,
          %max3A_1032 = arith.maximumf %scan3A_1012, %get3A_1031 : vector<16xf32>
          %get3A_1033 = arith.index_cast %and3A_930 : i32 to index
          %get3A_1034 = arith.index_cast %scan3A_1009 : i32 to index
          %get3A_1035 = arith.constant 48 : index
          %get3A_1036 = tpu.vector_load %arg14[%get3A_1033, %get3A_1034, %get3A_1035] {strides = array<i32>} : memref<2x32x128xf32, #tpu.memory_space<vmem>>, vector<16xf32>,
          %max3A_1037 = arith.maximumf %scan3A_1013, %get3A_1036 : vector<16xf32>
          %get3A_1038 = arith.index_cast %and3A_930 : i32 to index
          %get3A_1039 = arith.index_cast %scan3A_1009 : i32 to index
          %get3A_1040 = arith.constant 64 : index
          %get3A_1041 = tpu.vector_load %arg14[%get3A_1038, %get3A_1039, %get3A_1040] {strides = array<i32>} : memref<2x32x128xf32, #tpu.memory_space<vmem>>, vector<16xf32>,
          %max3A_1042 = arith.maximumf %scan3A_1014, %get3A_1041 : vector<16xf32>
          %get3A_1043 = arith.index_cast %and3A_930 : i32 to index
          %get3A_1044 = arith.index_cast %scan3A_1009 : i32 to index
          %get3A_1045 = arith.constant 80 : index
          %get3A_1046 = tpu.vector_load %arg14[%get3A_1043, %get3A_1044, %get3A_1045] {strides = array<i32>} : memref<2x32x128xf32, #tpu.memory_space<vmem>>, vector<16xf32>,
          %max3A_1047 = arith.maximumf %scan3A_1015, %get3A_1046 : vector<16xf32>
          %get3A_1048 = arith.index_cast %and3A_930 : i32 to index
          %get3A_1049 = arith.index_cast %scan3A_1009 : i32 to index
          %get3A_1050 = arith.constant 96 : index
          %get3A_1051 = tpu.vector_load %arg14[%get3A_1048, %get3A_1049, %get3A_1050] {strides = array<i32>} : memref<2x32x128xf32, #tpu.memory_space<vmem>>, vector<16xf32>,
          %max3A_1052 = arith.maximumf %scan3A_1016, %get3A_1051 : vector<16xf32>
          %get3A_1053 = arith.index_cast %and3A_930 : i32 to index
          %get3A_1054 = arith.index_cast %scan3A_1009 : i32 to index
          %get3A_1055 = arith.constant 112 : index
          %get3A_1056 = tpu.vector_load %arg14[%get3A_1053, %get3A_1054, %get3A_1055] {strides = array<i32>} : memref<2x32x128xf32, #tpu.memory_space<vmem>>, vector<16xf32>,
          %max3A_1057 = arith.maximumf %scan3A_1017, %get3A_1056 : vector<16xf32>
          scf.yield %max3A_1022, %max3A_1027, %max3A_1032, %max3A_1037, %max3A_1042, %max3A_1047, %max3A_1052, %max3A_1057 : vector<16xf32>, vector<16xf32>, vector<16xf32>, vector<16xf32>, vector<16xf32>, vector<16xf32>, vector<16xf32>, vector<16xf32>
        }
        %scan3A_969 = arith.constant 32 : i32
        %swap3A_970 = arith.index_cast %and3A_930 : i32 to index
        %swap3A_971 = arith.constant 0 : index
        %swap3A_972 = tpu.vector_load %arg15[%swap3A_970, %swap3A_971] {strides = array<i32>} : memref<2x128xf32, #tpu.memory_space<vmem>>, vector<16xf32>,
        tpu.vector_store %arg15[%swap3A_970, %swap3A_971], %scan3A_968#0 {strides = array<i32>} : memref<2x128xf32, #tpu.memory_space<vmem>>, vector<16xf32>,
        %swap3A_973 = arith.index_cast %and3A_930 : i32 to index
        %swap3A_974 = arith.constant 16 : index
        %swap3A_975 = tpu.vector_load %arg15[%swap3A_973, %swap3A_974] {strides = array<i32>} : memref<2x128xf32, #tpu.memory_space<vmem>>, vector<16xf32>,
        tpu.vector_store %arg15[%swap3A_973, %swap3A_974], %scan3A_968#1 {strides = array<i32>} : memref<2x128xf32, #tpu.memory_space<vmem>>, vector<16xf32>,
        %swap3A_976 = arith.index_cast %and3A_930 : i32 to index
        %swap3A_977 = arith.constant 32 : index
        %swap3A_978 = tpu.vector_load %arg15[%swap3A_976, %swap3A_977] {strides = array<i32>} : memref<2x128xf32, #tpu.memory_space<vmem>>, vector<16xf32>,
        tpu.vector_store %arg15[%swap3A_976, %swap3A_977], %scan3A_968#2 {strides = array<i32>} : memref<2x128xf32, #tpu.memory_space<vmem>>, vector<16xf32>,
        %swap3A_979 = arith.index_cast %and3A_930 : i32 to index
        %swap3A_980 = arith.constant 48 : index
        %swap3A_981 = tpu.vector_load %arg15[%swap3A_979, %swap3A_980] {strides = array<i32>} : memref<2x128xf32, #tpu.memory_space<vmem>>, vector<16xf32>,
        tpu.vector_store %arg15[%swap3A_979, %swap3A_980], %scan3A_968#3 {strides = array<i32>} : memref<2x128xf32, #tpu.memory_space<vmem>>, vector<16xf32>,
        %swap3A_982 = arith.index_cast %and3A_930 : i32 to index
        %swap3A_983 = arith.constant 64 : index
        %swap3A_984 = tpu.vector_load %arg15[%swap3A_982, %swap3A_983] {strides = array<i32>} : memref<2x128xf32, #tpu.memory_space<vmem>>, vector<16xf32>,
        tpu.vector_store %arg15[%swap3A_982, %swap3A_983], %scan3A_968#4 {strides = array<i32>} : memref<2x128xf32, #tpu.memory_space<vmem>>, vector<16xf32>,
        %swap3A_985 = arith.index_cast %and3A_930 : i32 to index
        %swap3A_986 = arith.constant 80 : index
        %swap3A_987 = tpu.vector_load %arg15[%swap3A_985, %swap3A_986] {strides = array<i32>} : memref<2x128xf32, #tpu.memory_space<vmem>>, vector<16xf32>,
        tpu.vector_store %arg15[%swap3A_985, %swap3A_986], %scan3A_968#5 {strides = array<i32>} : memref<2x128xf32, #tpu.memory_space<vmem>>, vector<16xf32>,
        %swap3A_988 = arith.index_cast %and3A_930 : i32 to index
        %swap3A_989 = arith.constant 96 : index
        %swap3A_990 = tpu.vector_load %arg15[%swap3A_988, %swap3A_989] {strides = array<i32>} : memref<2x128xf32, #tpu.memory_space<vmem>>, vector<16xf32>,
        tpu.vector_store %arg15[%swap3A_988, %swap3A_989], %scan3A_968#6 {strides = array<i32>} : memref<2x128xf32, #tpu.memory_space<vmem>>, vector<16xf32>,
        %swap3A_991 = arith.index_cast %and3A_930 : i32 to index
        %swap3A_992 = arith.constant 112 : index
        %swap3A_993 = tpu.vector_load %arg15[%swap3A_991, %swap3A_992] {strides = array<i32>} : memref<2x128xf32, #tpu.memory_space<vmem>>, vector<16xf32>,
        tpu.vector_store %arg15[%swap3A_991, %swap3A_992], %scan3A_968#7 {strides = array<i32>} : memref<2x128xf32, #tpu.memory_space<vmem>>, vector<16xf32>,
        %add3A_994 = arith.addi %mul3A_2, %sub3A_928 : i32
        %dma_start3A_995 = arith.constant 0 : i32
        %dma_start3A_996 = tpu.memref_slice %arg15[%and3A_930, %dma_start3A_995] : memref<2x128xf32, #tpu.memory_space<vmem>> -> memref<1x128xf32, #tpu.memory_space<vmem>>
        %dma_start3A_997 = tpu.memref_squeeze %dma_start3A_996 : memref<1x128xf32, #tpu.memory_space<vmem>> -> memref<128xf32, #tpu.memory_space<vmem>>
        %dma_start3A_998 = arith.constant 0 : i32
        %dma_start3A_999 = tpu.memref_slice %arg4[%add3A_994, %dma_start3A_998] : memref<10000x128xf32, #tpu.memory_space<hbm>> -> memref<1x128xf32, #tpu.memory_space<hbm>>
        %dma_start3A_1000 = tpu.memref_squeeze %dma_start3A_999 : memref<1x128xf32, #tpu.memory_space<hbm>> -> memref<128xf32, #tpu.memory_space<hbm>>
        %dma_start3A_1001 = tpu.memref_slice %arg18[%and3A_930] : memref<2x!tpu.dma_semaphore, #tpu.memory_space<semaphore_mem>> -> memref<1x!tpu.dma_semaphore, #tpu.memory_space<semaphore_mem>>
        %dma_start3A_1002 = tpu.memref_squeeze %dma_start3A_1001 : memref<1x!tpu.dma_semaphore, #tpu.memory_space<semaphore_mem>> -> memref<!tpu.dma_semaphore, #tpu.memory_space<semaphore_mem>>
        %dma_start3A_1003 = arith.constant 0 : i32
        %dma_start3A_1004 = tpu.memref_slice %arg4[%add3A_994, %dma_start3A_1003] : memref<10000x128xf32, #tpu.memory_space<hbm>> -> memref<1x128xf32, #tpu.memory_space<hbm>>
        %dma_start3A_1005 = tpu.memref_squeeze %dma_start3A_1004 : memref<1x128xf32, #tpu.memory_space<hbm>> -> memref<128xf32, #tpu.memory_space<hbm>>
        %dma_start3A_1006 = arith.constant 0 : i32
        %dma_start3A_1007 = tpu.memref_slice %arg15[%and3A_930, %dma_start3A_1006] : memref<2x128xf32, #tpu.memory_space<vmem>> -> memref<1x128xf32, #tpu.memory_space<vmem>>
        %dma_start3A_1008 = tpu.memref_squeeze %dma_start3A_1007 : memref<1x128xf32, #tpu.memory_space<vmem>> -> memref<128xf32, #tpu.memory_space<vmem>>
        tpu.enqueue_dma source(%dma_start3A_1008 : memref<128xf32, #tpu.memory_space<vmem>>) target(%dma_start3A_1005 : memref<128xf32, #tpu.memory_space<hbm>>) target_semaphore(%dma_start3A_1002 : memref<!tpu.dma_semaphore, #tpu.memory_space<semaphore_mem>>)
      } else {
      }
    }
    %sub3A_44 = arith.constant 1 : i32
    %sub3A_45 = arith.subi %min3A_4, %sub3A_44 : i32
    %and3A = arith.constant 1 : i32
    %and3A_46 = arith.andi %sub3A_45, %and3A : i32
    %dma_wait3A = arith.constant 0 : i32
    %dma_wait3A_47 = arith.constant 0 : i32
    %dma_wait3A_48 = tpu.memref_slice %arg14[%and3A_46, %dma_wait3A, %dma_wait3A_47] : memref<2x32x128xf32, #tpu.memory_space<vmem>> -> memref<1x32x128xf32, #tpu.memory_space<vmem>>
    %dma_wait3A_49 = tpu.memref_squeeze %dma_wait3A_48 : memref<1x32x128xf32, #tpu.memory_space<vmem>> -> memref<32x128xf32, #tpu.memory_space<vmem>>
    %dma_wait3A_50 = arith.constant 0 : i32
    %dma_wait3A_51 = tpu.memref_slice %arg13[%and3A_46, %dma_wait3A_50] : memref<2x32xi32, #tpu.memory_space<vmem>> -> memref<1x32xi32, #tpu.memory_space<vmem>>
    %dma_wait3A_52 = tpu.memref_squeeze %dma_wait3A_51 : memref<1x32xi32, #tpu.memory_space<vmem>> -> memref<32xi32, #tpu.memory_space<vmem>>
    %dma_wait3A_53 = arith.constant 0 : i32
    %dma_wait3A_54 = arith.constant 0 : i32
    %dma_wait3A_55 = tpu.memref_slice %arg3[%dma_wait3A_53, %dma_wait3A_54] : memref<10000x128xf32, #tpu.memory_space<hbm>> -> memref<10000x128xf32, #tpu.memory_space<hbm>>
    %dma_wait3A_56 = tpu.memref_slice %arg16[%and3A_46] : memref<2x!tpu.dma_semaphore, #tpu.memory_space<semaphore_mem>> -> memref<1x!tpu.dma_semaphore, #tpu.memory_space<semaphore_mem>>
    %dma_wait3A_57 = tpu.memref_squeeze %dma_wait3A_56 : memref<1x!tpu.dma_semaphore, #tpu.memory_space<semaphore_mem>> -> memref<!tpu.dma_semaphore, #tpu.memory_space<semaphore_mem>>
    tpu.wait_indirect_dma semaphore(%dma_wait3A_57 : memref<!tpu.dma_semaphore, #tpu.memory_space<semaphore_mem>>) src(%dma_wait3A_55 : memref<10000x128xf32, #tpu.memory_space<hbm>>) dst(%dma_wait3A_49 : memref<32x128xf32, #tpu.memory_space<vmem>>)
    %ge3A = arith.constant 2 : i32
    %ge3A_58 = arith.cmpi sge, %sub3A_45, %ge3A : i32
    %convert_element_type3A = arith.extui %ge3A_58 : i1 to i32
    %cond3A = arith.constant 0 : i32
    %cond3A_59 = arith.cmpi ne, %convert_element_type3A, %cond3A : i32
    scf.if %cond3A_59 {
      %add3A_170 = arith.addi %mul3A_2, %sub3A_45 : i32
      %sub3A_171 = arith.constant 2 : i32
      %sub3A_172 = arith.subi %add3A_170, %sub3A_171 : i32
      %dma_wait3A_173 = arith.constant 0 : i32
      %dma_wait3A_174 = tpu.memref_slice %arg15[%and3A_46, %dma_wait3A_173] : memref<2x128xf32, #tpu.memory_space<vmem>> -> memref<1x128xf32, #tpu.memory_space<vmem>>
      %dma_wait3A_175 = tpu.memref_squeeze %dma_wait3A_174 : memref<1x128xf32, #tpu.memory_space<vmem>> -> memref<128xf32, #tpu.memory_space<vmem>>
      %dma_wait3A_176 = arith.constant 0 : i32
      %dma_wait3A_177 = tpu.memref_slice %arg4[%sub3A_172, %dma_wait3A_176] : memref<10000x128xf32, #tpu.memory_space<hbm>> -> memref<1x128xf32, #tpu.memory_space<hbm>>
      %dma_wait3A_178 = tpu.memref_squeeze %dma_wait3A_177 : memref<1x128xf32, #tpu.memory_space<hbm>> -> memref<128xf32, #tpu.memory_space<hbm>>
      %dma_wait3A_179 = tpu.memref_slice %arg18[%and3A_46] : memref<2x!tpu.dma_semaphore, #tpu.memory_space<semaphore_mem>> -> memref<1x!tpu.dma_semaphore, #tpu.memory_space<semaphore_mem>>
      %dma_wait3A_180 = tpu.memref_squeeze %dma_wait3A_179 : memref<1x!tpu.dma_semaphore, #tpu.memory_space<semaphore_mem>> -> memref<!tpu.dma_semaphore, #tpu.memory_space<semaphore_mem>>
      %dma_wait3A_181 = arith.constant 0 : i32
      %dma_wait3A_182 = tpu.memref_slice %arg4[%sub3A_172, %dma_wait3A_181] : memref<10000x128xf32, #tpu.memory_space<hbm>> -> memref<1x128xf32, #tpu.memory_space<hbm>>
      %dma_wait3A_183 = tpu.memref_squeeze %dma_wait3A_182 : memref<1x128xf32, #tpu.memory_space<hbm>> -> memref<128xf32, #tpu.memory_space<hbm>>
      %dma_wait3A_184 = arith.constant 0 : i32
      %dma_wait3A_185 = tpu.memref_slice %arg15[%and3A_46, %dma_wait3A_184] : memref<2x128xf32, #tpu.memory_space<vmem>> -> memref<1x128xf32, #tpu.memory_space<vmem>>
      %dma_wait3A_186 = tpu.memref_squeeze %dma_wait3A_185 : memref<1x128xf32, #tpu.memory_space<vmem>> -> memref<128xf32, #tpu.memory_space<vmem>>
      tpu.wait_dma2 semaphore(%dma_wait3A_180 : memref<!tpu.dma_semaphore, #tpu.memory_space<semaphore_mem>>) src(%dma_wait3A_186 : memref<128xf32, #tpu.memory_space<vmem>>) dst(%dma_wait3A_183 : memref<128xf32, #tpu.memory_space<hbm>>)
    } else {
    }
    %broadcast_in_dim3A_60 = arith.constant 0xFF800000 : f32
    %broadcast_in_dim3A_61 = vector.broadcast %broadcast_in_dim3A_60 : f32 to vector<16xf32>
    %broadcast_in_dim3A_62 = arith.constant 0xFF800000 : f32
    %broadcast_in_dim3A_63 = vector.broadcast %broadcast_in_dim3A_62 : f32 to vector<16xf32>
    %broadcast_in_dim3A_64 = arith.constant 0xFF800000 : f32
    %broadcast_in_dim3A_65 = vector.broadcast %broadcast_in_dim3A_64 : f32 to vector<16xf32>
    %broadcast_in_dim3A_66 = arith.constant 0xFF800000 : f32
    %broadcast_in_dim3A_67 = vector.broadcast %broadcast_in_dim3A_66 : f32 to vector<16xf32>
    %broadcast_in_dim3A_68 = arith.constant 0xFF800000 : f32
    %broadcast_in_dim3A_69 = vector.broadcast %broadcast_in_dim3A_68 : f32 to vector<16xf32>
    %broadcast_in_dim3A_70 = arith.constant 0xFF800000 : f32
    %broadcast_in_dim3A_71 = vector.broadcast %broadcast_in_dim3A_70 : f32 to vector<16xf32>
    %broadcast_in_dim3A_72 = arith.constant 0xFF800000 : f32
    %broadcast_in_dim3A_73 = vector.broadcast %broadcast_in_dim3A_72 : f32 to vector<16xf32>
    %broadcast_in_dim3A_74 = arith.constant 0xFF800000 : f32
    %broadcast_in_dim3A_75 = vector.broadcast %broadcast_in_dim3A_74 : f32 to vector<16xf32>
    %scan3A = arith.constant 0 : i32
    %scan3A_76 = arith.constant 32 : i32
    %scan3A_77 = arith.addi %scan3A, %scan3A_76 : i32
    %scan3A_78 = arith.constant 1 : i32
    %scan3A_79:8 = scf.for %scan3A_170 = %scan3A to %scan3A_77 step %scan3A_78 iter_args(%scan3A_171 = %broadcast_in_dim3A_61, %scan3A_172 = %broadcast_in_dim3A_63, %scan3A_173 = %broadcast_in_dim3A_65, %scan3A_174 = %broadcast_in_dim3A_67, %scan3A_175 = %broadcast_in_dim3A_69, %scan3A_176 = %broadcast_in_dim3A_71, %scan3A_177 = %broadcast_in_dim3A_73, %scan3A_178 = %broadcast_in_dim3A_75) -> (vector<16xf32>, vector<16xf32>, vector<16xf32>, vector<16xf32>, vector<16xf32>, vector<16xf32>, vector<16xf32>, vector<16xf32>)  : i32 {
      %get3A = arith.index_cast %and3A_46 : i32 to index
      %get3A_179 = arith.index_cast %scan3A_170 : i32 to index
      %get3A_180 = arith.constant 0 : index
      %get3A_181 = tpu.vector_load %arg14[%get3A, %get3A_179, %get3A_180] {strides = array<i32>} : memref<2x32x128xf32, #tpu.memory_space<vmem>>, vector<16xf32>,
      %max3A = arith.maximumf %scan3A_171, %get3A_181 : vector<16xf32>
      %get3A_182 = arith.index_cast %and3A_46 : i32 to index
      %get3A_183 = arith.index_cast %scan3A_170 : i32 to index
      %get3A_184 = arith.constant 16 : index
      %get3A_185 = tpu.vector_load %arg14[%get3A_182, %get3A_183, %get3A_184] {strides = array<i32>} : memref<2x32x128xf32, #tpu.memory_space<vmem>>, vector<16xf32>,
      %max3A_186 = arith.maximumf %scan3A_172, %get3A_185 : vector<16xf32>
      %get3A_187 = arith.index_cast %and3A_46 : i32 to index
      %get3A_188 = arith.index_cast %scan3A_170 : i32 to index
      %get3A_189 = arith.constant 32 : index
      %get3A_190 = tpu.vector_load %arg14[%get3A_187, %get3A_188, %get3A_189] {strides = array<i32>} : memref<2x32x128xf32, #tpu.memory_space<vmem>>, vector<16xf32>,
      %max3A_191 = arith.maximumf %scan3A_173, %get3A_190 : vector<16xf32>
      %get3A_192 = arith.index_cast %and3A_46 : i32 to index
      %get3A_193 = arith.index_cast %scan3A_170 : i32 to index
      %get3A_194 = arith.constant 48 : index
      %get3A_195 = tpu.vector_load %arg14[%get3A_192, %get3A_193, %get3A_194] {strides = array<i32>} : memref<2x32x128xf32, #tpu.memory_space<vmem>>, vector<16xf32>,
      %max3A_196 = arith.maximumf %scan3A_174, %get3A_195 : vector<16xf32>
      %get3A_197 = arith.index_cast %and3A_46 : i32 to index
      %get3A_198 = arith.index_cast %scan3A_170 : i32 to index
      %get3A_199 = arith.constant 64 : index
      %get3A_200 = tpu.vector_load %arg14[%get3A_197, %get3A_198, %get3A_199] {strides = array<i32>} : memref<2x32x128xf32, #tpu.memory_space<vmem>>, vector<16xf32>,
      %max3A_201 = arith.maximumf %scan3A_175, %get3A_200 : vector<16xf32>
      %get3A_202 = arith.index_cast %and3A_46 : i32 to index
      %get3A_203 = arith.index_cast %scan3A_170 : i32 to index
      %get3A_204 = arith.constant 80 : index
      %get3A_205 = tpu.vector_load %arg14[%get3A_202, %get3A_203, %get3A_204] {strides = array<i32>} : memref<2x32x128xf32, #tpu.memory_space<vmem>>, vector<16xf32>,
      %max3A_206 = arith.maximumf %scan3A_176, %get3A_205 : vector<16xf32>
      %get3A_207 = arith.index_cast %and3A_46 : i32 to index
      %get3A_208 = arith.index_cast %scan3A_170 : i32 to index
      %get3A_209 = arith.constant 96 : index
      %get3A_210 = tpu.vector_load %arg14[%get3A_207, %get3A_208, %get3A_209] {strides = array<i32>} : memref<2x32x128xf32, #tpu.memory_space<vmem>>, vector<16xf32>,
      %max3A_211 = arith.maximumf %scan3A_177, %get3A_210 : vector<16xf32>
      %get3A_212 = arith.index_cast %and3A_46 : i32 to index
      %get3A_213 = arith.index_cast %scan3A_170 : i32 to index
      %get3A_214 = arith.constant 112 : index
      %get3A_215 = tpu.vector_load %arg14[%get3A_212, %get3A_213, %get3A_214] {strides = array<i32>} : memref<2x32x128xf32, #tpu.memory_space<vmem>>, vector<16xf32>,
      %max3A_216 = arith.maximumf %scan3A_178, %get3A_215 : vector<16xf32>
      scf.yield %max3A, %max3A_186, %max3A_191, %max3A_196, %max3A_201, %max3A_206, %max3A_211, %max3A_216 : vector<16xf32>, vector<16xf32>, vector<16xf32>, vector<16xf32>, vector<16xf32>, vector<16xf32>, vector<16xf32>, vector<16xf32>
    }
    %scan3A_80 = arith.constant 32 : i32
    %swap3A_81 = arith.index_cast %and3A_46 : i32 to index
    %swap3A_82 = arith.constant 0 : index
    %swap3A_83 = tpu.vector_load %arg15[%swap3A_81, %swap3A_82] {strides = array<i32>} : memref<2x128xf32, #tpu.memory_space<vmem>>, vector<16xf32>,
    tpu.vector_store %arg15[%swap3A_81, %swap3A_82], %scan3A_79#0 {strides = array<i32>} : memref<2x128xf32, #tpu.memory_space<vmem>>, vector<16xf32>,
    %swap3A_84 = arith.index_cast %and3A_46 : i32 to index
    %swap3A_85 = arith.constant 16 : index
    %swap3A_86 = tpu.vector_load %arg15[%swap3A_84, %swap3A_85] {strides = array<i32>} : memref<2x128xf32, #tpu.memory_space<vmem>>, vector<16xf32>,
    tpu.vector_store %arg15[%swap3A_84, %swap3A_85], %scan3A_79#1 {strides = array<i32>} : memref<2x128xf32, #tpu.memory_space<vmem>>, vector<16xf32>,
    %swap3A_87 = arith.index_cast %and3A_46 : i32 to index
    %swap3A_88 = arith.constant 32 : index
    %swap3A_89 = tpu.vector_load %arg15[%swap3A_87, %swap3A_88] {strides = array<i32>} : memref<2x128xf32, #tpu.memory_space<vmem>>, vector<16xf32>,
    tpu.vector_store %arg15[%swap3A_87, %swap3A_88], %scan3A_79#2 {strides = array<i32>} : memref<2x128xf32, #tpu.memory_space<vmem>>, vector<16xf32>,
    %swap3A_90 = arith.index_cast %and3A_46 : i32 to index
    %swap3A_91 = arith.constant 48 : index
    %swap3A_92 = tpu.vector_load %arg15[%swap3A_90, %swap3A_91] {strides = array<i32>} : memref<2x128xf32, #tpu.memory_space<vmem>>, vector<16xf32>,
    tpu.vector_store %arg15[%swap3A_90, %swap3A_91], %scan3A_79#3 {strides = array<i32>} : memref<2x128xf32, #tpu.memory_space<vmem>>, vector<16xf32>,
    %swap3A_93 = arith.index_cast %and3A_46 : i32 to index
    %swap3A_94 = arith.constant 64 : index
    %swap3A_95 = tpu.vector_load %arg15[%swap3A_93, %swap3A_94] {strides = array<i32>} : memref<2x128xf32, #tpu.memory_space<vmem>>, vector<16xf32>,
    tpu.vector_store %arg15[%swap3A_93, %swap3A_94], %scan3A_79#4 {strides = array<i32>} : memref<2x128xf32, #tpu.memory_space<vmem>>, vector<16xf32>,
    %swap3A_96 = arith.index_cast %and3A_46 : i32 to index
    %swap3A_97 = arith.constant 80 : index
    %swap3A_98 = tpu.vector_load %arg15[%swap3A_96, %swap3A_97] {strides = array<i32>} : memref<2x128xf32, #tpu.memory_space<vmem>>, vector<16xf32>,
    tpu.vector_store %arg15[%swap3A_96, %swap3A_97], %scan3A_79#5 {strides = array<i32>} : memref<2x128xf32, #tpu.memory_space<vmem>>, vector<16xf32>,
    %swap3A_99 = arith.index_cast %and3A_46 : i32 to index
    %swap3A_100 = arith.constant 96 : index
    %swap3A_101 = tpu.vector_load %arg15[%swap3A_99, %swap3A_100] {strides = array<i32>} : memref<2x128xf32, #tpu.memory_space<vmem>>, vector<16xf32>,
    tpu.vector_store %arg15[%swap3A_99, %swap3A_100], %scan3A_79#6 {strides = array<i32>} : memref<2x128xf32, #tpu.memory_space<vmem>>, vector<16xf32>,
    %swap3A_102 = arith.index_cast %and3A_46 : i32 to index
    %swap3A_103 = arith.constant 112 : index
    %swap3A_104 = tpu.vector_load %arg15[%swap3A_102, %swap3A_103] {strides = array<i32>} : memref<2x128xf32, #tpu.memory_space<vmem>>, vector<16xf32>,
    tpu.vector_store %arg15[%swap3A_102, %swap3A_103], %scan3A_79#7 {strides = array<i32>} : memref<2x128xf32, #tpu.memory_space<vmem>>, vector<16xf32>,
    %add3A_105 = arith.addi %mul3A_2, %sub3A_45 : i32
    %dma_start3A_106 = arith.constant 0 : i32
    %dma_start3A_107 = tpu.memref_slice %arg15[%and3A_46, %dma_start3A_106] : memref<2x128xf32, #tpu.memory_space<vmem>> -> memref<1x128xf32, #tpu.memory_space<vmem>>
    %dma_start3A_108 = tpu.memref_squeeze %dma_start3A_107 : memref<1x128xf32, #tpu.memory_space<vmem>> -> memref<128xf32, #tpu.memory_space<vmem>>
    %dma_start3A_109 = arith.constant 0 : i32
    %dma_start3A_110 = tpu.memref_slice %arg4[%add3A_105, %dma_start3A_109] : memref<10000x128xf32, #tpu.memory_space<hbm>> -> memref<1x128xf32, #tpu.memory_space<hbm>>
    %dma_start3A_111 = tpu.memref_squeeze %dma_start3A_110 : memref<1x128xf32, #tpu.memory_space<hbm>> -> memref<128xf32, #tpu.memory_space<hbm>>
    %dma_start3A_112 = tpu.memref_slice %arg18[%and3A_46] : memref<2x!tpu.dma_semaphore, #tpu.memory_space<semaphore_mem>> -> memref<1x!tpu.dma_semaphore, #tpu.memory_space<semaphore_mem>>
    %dma_start3A_113 = tpu.memref_squeeze %dma_start3A_112 : memref<1x!tpu.dma_semaphore, #tpu.memory_space<semaphore_mem>> -> memref<!tpu.dma_semaphore, #tpu.memory_space<semaphore_mem>>
    %dma_start3A_114 = arith.constant 0 : i32
    %dma_start3A_115 = tpu.memref_slice %arg4[%add3A_105, %dma_start3A_114] : memref<10000x128xf32, #tpu.memory_space<hbm>> -> memref<1x128xf32, #tpu.memory_space<hbm>>
    %dma_start3A_116 = tpu.memref_squeeze %dma_start3A_115 : memref<1x128xf32, #tpu.memory_space<hbm>> -> memref<128xf32, #tpu.memory_space<hbm>>
    %dma_start3A_117 = arith.constant 0 : i32
    %dma_start3A_118 = tpu.memref_slice %arg15[%and3A_46, %dma_start3A_117] : memref<2x128xf32, #tpu.memory_space<vmem>> -> memref<1x128xf32, #tpu.memory_space<vmem>>
    %dma_start3A_119 = tpu.memref_squeeze %dma_start3A_118 : memref<1x128xf32, #tpu.memory_space<vmem>> -> memref<128xf32, #tpu.memory_space<vmem>>
    tpu.enqueue_dma source(%dma_start3A_119 : memref<128xf32, #tpu.memory_space<vmem>>) target(%dma_start3A_116 : memref<128xf32, #tpu.memory_space<hbm>>) target_semaphore(%dma_start3A_113 : memref<!tpu.dma_semaphore, #tpu.memory_space<semaphore_mem>>)
    %sub3A_120 = arith.constant 2 : i32
    %sub3A_121 = arith.subi %min3A_4, %sub3A_120 : i32
    %and3A_122 = arith.constant 1 : i32
    %and3A_123 = arith.andi %sub3A_121, %and3A_122 : i32
    %add3A_124 = arith.addi %mul3A_2, %min3A_4 : i32
    %sub3A_125 = arith.constant 2 : i32
    %sub3A_126 = arith.subi %add3A_124, %sub3A_125 : i32
    %sub3A_127 = arith.constant 2 : i32
    %sub3A_128 = arith.subi %min3A_4, %sub3A_127 : i32
    %and3A_129 = arith.constant 1 : i32
    %and3A_130 = arith.andi %sub3A_128, %and3A_129 : i32
    %dma_wait3A_131 = arith.constant 0 : i32
    %dma_wait3A_132 = tpu.memref_slice %arg15[%and3A_123, %dma_wait3A_131] : memref<2x128xf32, #tpu.memory_space<vmem>> -> memref<1x128xf32, #tpu.memory_space<vmem>>
    %dma_wait3A_133 = tpu.memref_squeeze %dma_wait3A_132 : memref<1x128xf32, #tpu.memory_space<vmem>> -> memref<128xf32, #tpu.memory_space<vmem>>
    %dma_wait3A_134 = arith.constant 0 : i32
    %dma_wait3A_135 = tpu.memref_slice %arg4[%sub3A_126, %dma_wait3A_134] : memref<10000x128xf32, #tpu.memory_space<hbm>> -> memref<1x128xf32, #tpu.memory_space<hbm>>
    %dma_wait3A_136 = tpu.memref_squeeze %dma_wait3A_135 : memref<1x128xf32, #tpu.memory_space<hbm>> -> memref<128xf32, #tpu.memory_space<hbm>>
    %dma_wait3A_137 = tpu.memref_slice %arg18[%and3A_130] : memref<2x!tpu.dma_semaphore, #tpu.memory_space<semaphore_mem>> -> memref<1x!tpu.dma_semaphore, #tpu.memory_space<semaphore_mem>>
    %dma_wait3A_138 = tpu.memref_squeeze %dma_wait3A_137 : memref<1x!tpu.dma_semaphore, #tpu.memory_space<semaphore_mem>> -> memref<!tpu.dma_semaphore, #tpu.memory_space<semaphore_mem>>
    %dma_wait3A_139 = arith.constant 0 : i32
    %dma_wait3A_140 = tpu.memref_slice %arg4[%sub3A_126, %dma_wait3A_139] : memref<10000x128xf32, #tpu.memory_space<hbm>> -> memref<1x128xf32, #tpu.memory_space<hbm>>
    %dma_wait3A_141 = tpu.memref_squeeze %dma_wait3A_140 : memref<1x128xf32, #tpu.memory_space<hbm>> -> memref<128xf32, #tpu.memory_space<hbm>>
    %dma_wait3A_142 = arith.constant 0 : i32
    %dma_wait3A_143 = tpu.memref_slice %arg15[%and3A_123, %dma_wait3A_142] : memref<2x128xf32, #tpu.memory_space<vmem>> -> memref<1x128xf32, #tpu.memory_space<vmem>>
    %dma_wait3A_144 = tpu.memref_squeeze %dma_wait3A_143 : memref<1x128xf32, #tpu.memory_space<vmem>> -> memref<128xf32, #tpu.memory_space<vmem>>
    tpu.wait_dma2 semaphore(%dma_wait3A_138 : memref<!tpu.dma_semaphore, #tpu.memory_space<semaphore_mem>>) src(%dma_wait3A_144 : memref<128xf32, #tpu.memory_space<vmem>>) dst(%dma_wait3A_141 : memref<128xf32, #tpu.memory_space<hbm>>)
    %sub3A_145 = arith.constant 1 : i32
    %sub3A_146 = arith.subi %min3A_4, %sub3A_145 : i32
    %and3A_147 = arith.constant 1 : i32
    %and3A_148 = arith.andi %sub3A_146, %and3A_147 : i32
    %add3A_149 = arith.addi %mul3A_2, %min3A_4 : i32
    %sub3A_150 = arith.constant 1 : i32
    %sub3A_151 = arith.subi %add3A_149, %sub3A_150 : i32
    %sub3A_152 = arith.constant 1 : i32
    %sub3A_153 = arith.subi %min3A_4, %sub3A_152 : i32
    %and3A_154 = arith.constant 1 : i32
    %and3A_155 = arith.andi %sub3A_153, %and3A_154 : i32
    %dma_wait3A_156 = arith.constant 0 : i32
    %dma_wait3A_157 = tpu.memref_slice %arg15[%and3A_148, %dma_wait3A_156] : memref<2x128xf32, #tpu.memory_space<vmem>> -> memref<1x128xf32, #tpu.memory_space<vmem>>
    %dma_wait3A_158 = tpu.memref_squeeze %dma_wait3A_157 : memref<1x128xf32, #tpu.memory_space<vmem>> -> memref<128xf32, #tpu.memory_space<vmem>>
    %dma_wait3A_159 = arith.constant 0 : i32
    %dma_wait3A_160 = tpu.memref_slice %arg4[%sub3A_151, %dma_wait3A_159] : memref<10000x128xf32, #tpu.memory_space<hbm>> -> memref<1x128xf32, #tpu.memory_space<hbm>>
    %dma_wait3A_161 = tpu.memref_squeeze %dma_wait3A_160 : memref<1x128xf32, #tpu.memory_space<hbm>> -> memref<128xf32, #tpu.memory_space<hbm>>
    %dma_wait3A_162 = tpu.memref_slice %arg18[%and3A_155] : memref<2x!tpu.dma_semaphore, #tpu.memory_space<semaphore_mem>> -> memref<1x!tpu.dma_semaphore, #tpu.memory_space<semaphore_mem>>
    %dma_wait3A_163 = tpu.memref_squeeze %dma_wait3A_162 : memref<1x!tpu.dma_semaphore, #tpu.memory_space<semaphore_mem>> -> memref<!tpu.dma_semaphore, #tpu.memory_space<semaphore_mem>>
    %dma_wait3A_164 = arith.constant 0 : i32
    %dma_wait3A_165 = tpu.memref_slice %arg4[%sub3A_151, %dma_wait3A_164] : memref<10000x128xf32, #tpu.memory_space<hbm>> -> memref<1x128xf32, #tpu.memory_space<hbm>>
    %dma_wait3A_166 = tpu.memref_squeeze %dma_wait3A_165 : memref<1x128xf32, #tpu.memory_space<hbm>> -> memref<128xf32, #tpu.memory_space<hbm>>
    %dma_wait3A_167 = arith.constant 0 : i32
    %dma_wait3A_168 = tpu.memref_slice %arg15[%and3A_148, %dma_wait3A_167] : memref<2x128xf32, #tpu.memory_space<vmem>> -> memref<1x128xf32, #tpu.memory_space<vmem>>
    %dma_wait3A_169 = tpu.memref_squeeze %dma_wait3A_168 : memref<1x128xf32, #tpu.memory_space<vmem>> -> memref<128xf32, #tpu.memory_space<vmem>>
    tpu.wait_dma2 semaphore(%dma_wait3A_163 : memref<!tpu.dma_semaphore, #tpu.memory_space<semaphore_mem>>) src(%dma_wait3A_169 : memref<128xf32, #tpu.memory_space<vmem>>) dst(%dma_wait3A_166 : memref<128xf32, #tpu.memory_space<hbm>>)
    return
  }
}

module attributes {stable_mosaic.version = 14 : i64} {
  func.func @_mm_body(%arg0: i32, %arg1: memref<400x128xf32, #tpu.memory_space<vmem>>, %arg2: memref<128x128xf32, #tpu.memory_space<vmem>>, %arg3: memref<1x128xf32, #tpu.memory_space<vmem>>, %arg4: memref<400x128xf32, #tpu.memory_space<vmem>>) attributes {dimension_semantics = [#tpu.dimension_semantics<arbitrary>], iteration_bounds = array<i64: 25>, scalar_prefetch = 0 : i64, scratch_operands = 0 : i64, tpu.core_type = #tpu.core_type<tc>, window_params = [{transform_indices = @transform_0, window_bounds = array<i64: 400, 128>}, {pipeline_mode = #tpu.pipeline_mode<synchronous>, transform_indices = @transform_1, window_bounds = array<i64: 128, 128>}, {pipeline_mode = #tpu.pipeline_mode<synchronous>, transform_indices = @transform_2, window_bounds = array<i64: 1, 128>}, {transform_indices = @transform_3, window_bounds = array<i64: 400, 128>}]} {
    %get3A = arith.constant 0 : index
    %get3A_0 = arith.constant 0 : index
    %get3A_1 = vector.load %arg1[%get3A, %get3A_0] : memref<400x128xf32, #tpu.memory_space<vmem>>, vector<400x128xf32>
    %get3A_2 = arith.constant 0 : index
    %get3A_3 = arith.constant 0 : index
    %get3A_4 = vector.load %arg2[%get3A_2, %get3A_3] : memref<128x128xf32, #tpu.memory_space<vmem>>, vector<128x128xf32>
    %dot_general3A = arith.constant dense<0.000000e+00> : vector<400x128xf32>
    %dot_general3A_5 = tpu.matmul %get3A_1, %get3A_4, %dot_general3A {dimension_numbers = #tpu.dot_dimension_numbers<[1], [1], [0], [0], [0, 0, 1, 0], [], []>, transpose_lhs_hint = false} : vector<400x128xf32>, vector<128x128xf32>, vector<400x128xf32> -> vector<400x128xf32>
    %get3A_6 = arith.constant 0 : index
    %get3A_7 = arith.constant 0 : index
    %get3A_8 = vector.load %arg3[%get3A_6, %get3A_7] : memref<1x128xf32, #tpu.memory_space<vmem>>, vector<1x128xf32>
    %add3A = vector.broadcast %get3A_8 : vector<1x128xf32> to vector<400x128xf32>
    %add3A_9 = arith.addf %dot_general3A_5, %add3A : vector<400x128xf32>
    %swap3A = arith.constant 0 : index
    %swap3A_10 = arith.constant 0 : index
    %swap3A_11 = vector.load %arg4[%swap3A, %swap3A_10] : memref<400x128xf32, #tpu.memory_space<vmem>>, vector<400x128xf32>
    tpu.vector_store %arg4[%swap3A, %swap3A_10], %add3A_9 {strides = array<i32>} : memref<400x128xf32, #tpu.memory_space<vmem>>, vector<400x128xf32>,
    return
  }
  func.func @transform_0(%arg0: i32) -> (i32, i32) {
    %c0_i32 = arith.constant 0 : i32
    %c0_i32_0 = arith.constant 0 : i32
    return %arg0, %c0_i32 : i32, i32
  }
  func.func @transform_1(%arg0: i32) -> (i32, i32) {
    %c0_i32 = arith.constant 0 : i32
    %c0_i32_0 = arith.constant 0 : i32
    %c0_i32_1 = arith.constant 0 : i32
    return %c0_i32, %c0_i32_0 : i32, i32
  }
  func.func @transform_2(%arg0: i32) -> (i32, i32) {
    %c0_i32 = arith.constant 0 : i32
    %c0_i32_0 = arith.constant 0 : i32
    %c0_i32_1 = arith.constant 0 : i32
    return %c0_i32, %c0_i32_0 : i32, i32
  }
  func.func @transform_3(%arg0: i32) -> (i32, i32) {
    %c0_i32 = arith.constant 0 : i32
    %c0_i32_0 = arith.constant 0 : i32
    return %arg0, %c0_i32 : i32, i32
  }
}

</mosaic_0001>

<sc_bundles>
// kernel: kernel.4.cloned.1.call-start
scs
__scs_entry_jumppad:
0x0: {  	(pc) =	sbr.rel $0x88, $3  }
0x1: {  	(tag) =	ssettag $0x0;
	lr =	simm.s32 $0x1  }
0x2: {  	[smem:$0x3F9D] =	sst lr;
	_ =	strace $0xD0000000  }
0x3: {  	_ = 	snop  }
0x4: {  	_ = 	snop  }
0x5: {  	_ = 	snop  }
0x6: {  	_ = 	snop  }
0x7: {  	_ = 	snop  }
__scs_overlays_trampoline_lowered:
0x8: {  	[smem:$0x3FAC] =	sst s0  }
0x9: {  	[smem:$0x3FAD] =	sst s1  }
0xa: {  	[smem:$0x3FAE] =	sst s2  }
0xb: {  	[smem:$0x3FAF] =	sst s3  }
0xc: {  	[smem:$0x3FB0] =	sst s4  }
0xd: {  	[smem:$0x3FB1] =	sst s5  }
0xe: {  	[smem:$0x3FB2] =	sst s6  }
0xf: {  	[smem:$0x3FB3] =	sst s7  }
0x10: {  	[smem:$0x3FB4] =	sst s8  }
0x11: {  	[smem:$0x3FB5] =	sst s9;
	s0 =	simm.s32 @!p0 $0x0  }
0x12: {  	s1 =	sld [smem:$0x3F9B];
	s0 =	simm.s32 @p0 $0x1  }
0x13: {  	[smem:$0x3FB6] =	sst s0;
	s0 =	simm.s32 @!p1 $0x0  }
0x14: {  	s2 =	sld [smem:$0x3F9A];
	s0 =	simm.s32 @p1 $0x1  }
0x15: {  	[smem:$0x3FB7] =	sst s0;
	s0 =	simm.s32 @!p2 $0x0  }
0x16: {  	s3 =	sld [smem:$0x3FDB];
	s0 =	simm.s32 @p2 $0x1  }
0x17: {  	s4 =	simm.s32 $0x1BF5;
	[smem:$0x3FB9] =	sst s0  }
0x18: {  	s0 =	sld [smem:$0x3F9C];
	_ =	swait.ge [sflag:s4], $0x0  }
0x19: {  	s7 =	sld [smem:$0x3F9D]  }
0x1a: {  	s8 =	sadd.s32 $0xFFFFE003, lr  }
0x1b: {  	s9 =	sadd.s32 $0xFFFFFEF7, lr;
	s5 =	simm.s32 $0xFFFFFFFF;
	p2 =	slt.u32 s8, $0xFFFFF086  }
0x1c: {  	p1 =	slt.u32 s9, $0xF7A;
	s5 =	simm.s32 @!p2 $0x0  }
0x1d: {  	s5 =	simm.s32 @p1 $0x1;
	p0 =	seq.s32 s7, s2  }
0x1e: {  	s7 =	smul.u32 @!p0 $0xF7A, s2;
	p2 =	seq.s32 @!p0 s5, $0x0  }
0x1f: {  	s9 =	smul.u32 $0xF7A, s1;
	s8 =	simm.s32 @!p0 $0x1BF5;
	p2 =	por !p2, p0  }
0x20: {  	[sflag:s8] =	ssyncset.s32 @!p0 $0xFFFFF086;
	s6 =	sadd.s32 @!p0 s3, s7;
	s7 =	simm.s32 @!p0 $0x108  }
0x21: {  	s3 =	sadd.s32 s3, s9;
	s6 =	sadd.s32 @!p0 $0x88, s6;
	s7 =	simm.s32 @p2 $0x1082  }
0x22: {  	[simem:s7], [sflag:s8] =	dma.local @!p0 [hbm:s6], $0xF7A  }
0x23: {  	s9 =	sor.u32 $0xD0000000, s2;
	s6 =	simm.s32 $0x108;
	_ =	swait.ge @!p0 [sflag:s8], $0x0  }
0x24: {  	s3 =	sadd.s32 $0x88, s3;
	s6 =	simm.s32 @!p1 $0x1082;
	[sflag:s4] =	ssyncset.s32 $0xFFFFF086  }
0x25: {  	[simem:s6], [sflag:s4] =	dma.local [hbm:s3], $0xF7A  }
0x26: {  	[smem:$0x3F9D] =	sst s1;
	(tag) =	ssettag s2;
	_ =	strace s9  }
0x27: {  	s1 =	sld [smem:$0x3FAD]  }
0x28: {  	s2 =	sld [smem:$0x3FAE]  }
0x29: {  	s4 =	sld [smem:$0x3FB0]  }
0x2a: {  	p0 =	seq.s32 s5, $0x0;
	s5 =	sld [smem:$0x3FB1]  }
0x2b: {  	s6 =	sld [smem:$0x3FB2]  }
0x2c: {  	s7 =	sld [smem:$0x3FB3]  }
0x2d: {  	s3 =	simm.s32 $0x108;
	s8 =	sld [smem:$0x3FB4]  }
0x2e: {  	s3 =	simm.s32 @!p0 $0x1082;
	s9 =	sld [smem:$0x3FB5]  }
0x2f: {  	lr =	sadd.s32 s0, s3;
	s0 =	sld [smem:$0x3FAC]  }
0x30: {  	s3 =	sld [smem:$0x3FAF]  }
0x31: {  	[smem:$0x3FB8] =	sst s10  }
0x32: {  	s10 =	sld [smem:$0x3FB6];
	_ =	sdelay $0x3  }
0x33: {  	p0 =	seq.s32 s10, $0x1;
	s10 =	sld [smem:$0x3FB8];
	_ =	sdelay $0x3  }
0x34: {  	[smem:$0x3FB8] =	sst s10  }
0x35: {  	s10 =	sld [smem:$0x3FB7];
	_ =	sdelay $0x3  }
0x36: {  	p1 =	seq.s32 s10, $0x1;
	s10 =	sld [smem:$0x3FB8];
	_ =	sdelay $0x3  }
0x37: {  	[smem:$0x3FB8] =	sst s10  }
0x38: {  	s10 =	sld [smem:$0x3FB9]  }
0x39: {  	_ = 	snop;
	(pc) =	sbr.ind lr, $3  }
0x3a: {  	_ = 	snop  }
0x3b: {  	_ = 	snop  }
0x3c: {  	p2 =	seq.s32 s10, $0x1;
	s10 =	sld [smem:$0x3FB8]  }
0x3d: {  	_ =	shalt  }
0x3e: {  	_ =	shalt  }
0x3f: {  	_ =	shalt  }
0x40: {  	_ =	shalt  }
0x41: {  	_ =	shalt  }
0x42: {  	_ =	shalt  }
0x43: {  	_ =	shalt  }
0x44: {  	_ =	shalt  }
0x45: {  	_ =	shalt  }
0x46: {  	_ =	shalt  }
0x47: {  	_ =	shalt  }
0x48: {  	_ =	shalt  }
0x49: {  	_ =	shalt  }
0x4a: {  	_ =	shalt  }
0x4b: {  	_ =	shalt  }
0x4c: {  	_ =	shalt  }
0x4d: {  	_ =	shalt  }
0x4e: {  	_ =	shalt  }
0x4f: {  	_ =	shalt  }
0x50: {  	_ =	shalt  }
0x51: {  	_ =	shalt  }
0x52: {  	_ =	shalt  }
0x53: {  	_ =	shalt  }
0x54: {  	_ =	shalt  }
0x55: {  	_ =	shalt  }
0x56: {  	_ =	shalt  }
0x57: {  	_ =	shalt  }
0x58: {  	_ =	shalt  }
0x59: {  	_ =	shalt  }
0x5a: {  	_ =	shalt  }
0x5b: {  	_ =	shalt  }
0x5c: {  	_ =	shalt  }
0x5d: {  	_ =	shalt  }
0x5e: {  	_ =	shalt  }
0x5f: {  	_ =	shalt  }
0x60: {  	_ =	shalt  }
0x61: {  	_ =	shalt  }
0x62: {  	_ =	shalt  }
0x63: {  	_ =	shalt  }
0x64: {  	_ =	shalt  }
0x65: {  	_ =	shalt  }
0x66: {  	_ =	shalt  }
0x67: {  	_ =	shalt  }
0x68: {  	_ =	shalt  }
0x69: {  	_ =	shalt  }
0x6a: {  	_ =	shalt  }
0x6b: {  	_ =	shalt  }
0x6c: {  	_ =	shalt  }
0x6d: {  	_ =	shalt  }
0x6e: {  	_ =	shalt  }
0x6f: {  	_ =	shalt  }
0x70: {  	_ =	shalt  }
0x71: {  	_ =	shalt  }
0x72: {  	_ =	shalt  }
0x73: {  	_ =	shalt  }
0x74: {  	_ =	shalt  }
0x75: {  	_ =	shalt  }
0x76: {  	_ =	shalt  }
0x77: {  	_ =	shalt  }
0x78: {  	_ =	shalt  }
0x79: {  	_ =	shalt  }
0x7a: {  	_ =	shalt  }
0x7b: {  	_ =	shalt  }
0x7c: {  	_ =	shalt  }
0x7d: {  	_ =	shalt  }
0x7e: {  	_ =	shalt  }
0x7f: {  	_ =	shalt  }
0x80: {  	_ =	shalt  }
0x81: {  	_ =	shalt  }
0x82: {  	_ =	shalt  }
0x83: {  	_ =	shalt  }
0x84: {  	_ =	shalt  }
0x85: {  	_ =	shalt  }
0x86: {  	_ =	shalt  }
0x87: {  	_ =	shalt  }
.Lfunc_end0:
.L_simem_size_0:
called_computation_lowered:
.L_overlay_start_0:
0x88: {  	s2 =	sld [smem:$0x3FD9]  }
0x89: {  	s3 =	sld [smem:$0x3FFE];
	_ =	sdelay $0x1  }
0x8a: {  	s1 =	srdreg.scid  }
0x8b: {  	s0 =	sand.u32 $0x1, s1  }
0x8c: {  	s17 =	sshll.u32 s0, $0xA;
	s2 =	sadd.s32 s3, s2  }
0x8d: {  	s2 =	sadd.s32 s2, s17  }
0x8e: {  	[smem:$0x3FC4] =	sst s2  }
0x8f: {  	_ = 	snop  }
0x90: {  	s2 =	sld [smem:$0x3FD0];
	(tm) =	ssettm $0x1  }
0x91: {  	s18 =	sld [smem:$0x3FFB];
	_ =	sdelay $0x3  }
0x92: {  	_ =	strace s18  }
0x93: {  	s3 =	sld [smem:$0x3FFC];
	_ =	sdelay $0x3  }
0x94: {  	_ =	strace s3  }
0x95: {  	s3 =	sld [smem:$0x3FFD];
	_ =	sdelay $0x3  }
0x96: {  	_ =	strace s3  }
0x97: {  	_ =	strace $0x8FFFFFFF  }
0x98: {  	s19 =	sld [smem:$0x3FDB];
	_ =	sdelay $0x1  }
0x99: {  	s4 =	simm.s32 $_scs_section_size  }
0x9a: {  	s5 =	simm.s32 $_size__tile_overlayer_lowered;
	s6 =	simm.s32 $_tile_overlayer_lowered  }
0x9b: {  	s22 =	simm.s32 $0x1BFF;
	s21 =	sshll.u32 s6, $0x1;
	s3 =	sadd.s32 s4, s19  }
0x9c: {  	s7 =	simm.s32 $0x0;
	s20 =	sshll.u32 s5, $0x1;
	s5 =	sadd.s32 s21, s3  }
0x9d: {  	[timem:s7], [sflag:s22] =	dma.local [hbm:s5], s20  }
0x9e: {  	_ =	swait.ge [sflag:s22], s20  }
0x9f: {  	s4 =	ssub.s32 $0x0, s20;
	[sflag:s22] =	ssyncset.done $0x0  }
0xa0: {  	[sflag:s22] =	ssyncadd.s32 s4;
	_ =	sdelay $0x1  }
0xa1: {  	s23 =	simm.s32 $0x1B8B  }
0xa2: {  	_ =	swait.ge [sflag:s23], $0x1  }
0xa3: {  	[sflag:s23] =	ssyncset.done $0x0  }
0xa4: {  	s25 =	simm.s32 $0x1B8E;
	s24 =	sld [smem:$0x3FFE];
	[sflag:s23] =	ssyncadd.s32 $0xFFFFFFFF  }
0xa5: {  	s26 =	simm.s32 $execute0_lowered;
	[smem:$0x3FD2] =	sst s25  }
0xa6: {  	s5 =	sshll.u32 s26, $0x1;
	_ =	strace $0x80000046;
	[dreg:$0x1] =	wrdreg $0xFFFFFFFF  }
0xa7: {  	s28 =	simm.s32 $_size_execute0_lowered;
	s3 =	sadd.s32 s3, s5;
	[dreg:$0x0] =	wrdreg $0x0  }
0xa8: {  	s5 =	sshll.u32 s28, $0x1;
	[dreg:$0x2] =	wrdreg s3  }
0xa9: {  	[dreg:$0x3] =	wrdreg s5  }
0xaa: {  	[dreg:$0x4] =	wrdreg $0xC0  }
0xab: {  	_ =	task [dreg:s7], $0x5FFFF  }
0xac: {  	[dreg:$0x1] =	wrdreg $0xFFFFFFFF  }
0xad: {  	[dreg:$0x0] =	wrdreg $0x60  }
0xae: {  	[dreg:$0x2] =	wrdreg s24  }
0xaf: {  	[dreg:$0x3] =	wrdreg s2  }
0xb0: {  	[dreg:$0x4] =	wrdreg $0x9  }
0xb1: {  	_ =	task.clear_ibuf [dreg:s7], $0x5FFFF;
	_ =	strace $0x90000046  }
0xb2: {  	s29 =	simm.s32 $0x9;
	_ =	strace $0x80000048  }
0xb3: {  	_ =	swait.ge [sflag:s29], $0x1  }
0xb4: {  	[sflag:s29] =	ssyncadd.s32 $0xFFFFFFFF  }
0xb5: {  	_ =	strace $0x90000048  }
0xb6: {  	_ =	sfence  }
0xb7: {  	s30 =	sld [smem:$0x0];
	_ =	sdelay $0x2  }
0xb8: {  	s31 =	sshll.u32 s1, $0xD;
	s1 =	sshrl.u32 s1, $0x2  }
0xb9: {  	s3 =	sand.u32 $0x4000, s31;
	s1 =	sadd.s32 s1, s30  }
0xba: {  	s0 =	sor.u32 s3, s0;
	s1 =	sshll.u32 s1, $0x11  }
0xbb: {  	s0 =	sor.u32 s1, s0  }
0xbc: {  	s0 =	sadd.s32 $0x8F2B, s0  }
0xbd: {  	[sflag:s0] =	ssyncadd.remote.s32 $0x1  }
0xbe: {  	_ =	sfence.sel $0xFFFF  }
0xbf: {  	[dreg:$0x0] =	wrdreg $0xFFFFFFFF;
	(pc) =	sbr.abs _section_cstart, $3  }
0xc0: {  	[dreg:$0x1] =	wrdreg $0xFFFFFFFF  }
0xc1: {  	_ =	task.clear_ibuf [dreg:s7], $0x2FFFF;
	_ =	strace $0x9FFFFFFF  }
0xc2: {  	(tm) =	ssettm $0x7FFFFFFF  }
0xc3: {  	_ =	shalt  }
tec
execute0_lowered:
.L_overlay_start_1:
0x0: {  	(tag) =	ssettag $0x1  }
0x1: {  	s0 =	srdreg.scid;
	s1 =	rddreg [dreg:$0x0]  }
0x2: {  	s6 =	stileid.u32;
	s2 =	rddreg [dreg:$0x1]  }
0x3: {  	s17 =	simm.s32 $0x4E80;
	s0 =	sand.u32 $0x1, s0;
	s10 =	smul.u32 $0xFFFFFD8E, s6  }
0x4: {  	s18 =	simm.s32 $0x4F80;
	s19 =	simm.s32 $0xD180;
	s9 =	smul.u32 $0xFFFFFEC7, s0  }
0x5: {  	s20 =	simm.s32 $0xAA00;
	s3 =	sshll.u32 s6, $0x1;
	s5 =	sadd.s32 $0xC00, s1  }
0x6: {  	s6 =	sadd.s32 $0xBECA00, s1;
	s8 =	sor.u32 s0, s3;
	s22 =	sadd.s32 s10, s9  }
0x7: {  	s3 =	simm.s32 $0x0;
	s4 =	smul.u32 $0x139, s8;
	s1 =	sadd.s32 $0x2710, s22  }
0x8: {  	s0 =	ssub.s32 $0x2, s0;
	s23 =	smul.u32 $0x5F852, s8;
	s8 =	smin.u32 s1, $0x139  }
0x9: {  	[smem:$0x7FF] =	sst s3;
	s11 =	sshrl.u32 s0, $0x1;
	s26 =	sand.u32 $0x1, s8  }
0xa: {  	_ =	strace $0x80000047;
	s0 =	ssub.s32 s0, s11;
	p0 =	seq.s32 s26, $0x1  }
0xb: {  	s9 =	simm.s32 $0x1;
	s21 =	ssub.s32 $0x2710, s4;
	p0 =	por !p0, !p0  }
0xc: {  	s24 =	sadd.s32 s5, s23;
	s0 =	smax.u32 s0, $0x1;
	s9 =	simm.s32 @!p0 $0x0  }
0xd: {  	s22 =	simm.s32 $0x0;
	s7 =	smin.u32 s21, $0x139;
	s9 =	sshll.u32 s9, $0xC  }
0xe: {  	[dreg:$0x3] =	wrdreg s24;
	s13 =	sadd.s32 $0xFFFFFFFF, s7;
	s31 =	sadd.s32 $0xD340, s9  }
0xf: {  	[dreg:$0x7] =	wrdreg s0;
	s12 =	sand.u32 $0x1, s13;
	s28 =	sadd.s32 s4, s13;
	v10 =	vmov s31  }
0x10: {  	v0 =	vimm.f32 $0.0e+00;
	vm0 =	vcmask $0x3F3C;
	v1 =	vimm.s32 $0x98;
	s25 =	sadd.s32 $0x1, s12;
	s11 =	sadd.s32 $0x5, s12;
	s12 =	sshll.u32 s12, $0x7  }
0x11: {  	v2 =	vimm.s32 $0x99;
	v3 =	vimm.s32 $0x9A;
	v4 =	vimm.s32 $0x9B;
	s1 =	sshll.u32 s28, $0x4;
	[dreg:$0x4] =	wrdreg s25;
	s29 =	sor.u32 $0xF300, s12  }
0x12: {  	v5 =	vimm.s32 $0x9C;
	v6 =	vimm.s32 $0x0;
	v8 =	vlaneseq.u32;
	s30 =	sand.u32 $0x1, s7;
	s1 =	sadd.s32 s2, s1;
	[dreg:$0x5] =	wrdreg s29  }
0x13: {  	v7 =	vimm.s32 $0x1;
	vm1 =	vmmov $0x1fff;
	v9 =	vor.u32 $0x80000000, v8;
	s21 =	simm.s32 $0x20;
	s15 =	sadd.s32 $0x5, s30;
	[dreg:$0x6] =	wrdreg s1  }
.LBB2_1:
0x14: {  	[tilespmem:$0x2710] =	vst v0  }
0x15: {  	[tilespmem:$0x4E50] =	vst v0  }
.Ltmp0:
0x16: {  	[tilespmem:$0x2720] =	vst v0;
	(pc) =	sbr.rel .LBB2_2-.Ltmp0, $4  }
0x17: {  	[tilespmem:$0x4E60] =	vst v0  }
0x18: {  	[tilespmem:$0x2730] =	vst v0;
	s0 =	rddreg [dreg:$0x3]  }
0x19: {  	[tilespmem:$0x4E70] =	vst v0;
	p0 =	por $0x0, $0x0;
	p1 =	por $0x1, $0x1;
	s23 =	simm.s32 $0x0  }
0x1a: {  	[tilespmem:s3], [sflag:$0x3] =	stream.linear.gather [hbm4b:s0+s3], $0x2710, $0x38;
	[tilespmem:$0xF400] =	vst v63  }
.LBB2_67:
0x1b: {  	p2 =	sne.s32 s23, s8  }
.Ltmp1:
0x1c: {  	_ = 	snop;
	(pc) =	sbr.rel @!p2 .LBB2_68-.Ltmp1, $2  }
0x1d: {  	_ =	sdelay $0x2  }
0x1e: {  	p0 =	por !p0, !p0;
	p1 =	por !p1, !p1  }
.LBB2_2:
0x1f: {  	s1 =	simm.s32 $0x1  }
0x20: {  	s1 =	simm.s32 @!p0 $0x0  }
0x21: {  	s0 =	smul.u32 $0x9D00, s1  }
0x22: {  	s24 =	smov.u32 s23;
	s23 =	sadd.s32 $0x1, s23  }
0x23: {  	p2 =	sge.u32 s23, s7;
	s9 =	sshll.u32 s1, $0x8;
	s13 =	sand.u32 $0xFE00, s0  }
0x24: {  	s25 =	sand.u32 $0x1, s24;
	s1 =	sor.u32 s9, s13;
	s13 =	sadd.s32 @!p2 s4, s24  }
0x25: {  	s14 =	sadd.s32 $0x3, s25;
	s26 =	sxor.u32 @!p2 $0x1, s25;
	s13 =	smul.u32 @!p2 $0x2710, s13  }
0x26: {  	_ =	swait.ge [sflag:s14], $0x2710;
	s30 =	smul.u32 @!p2 $0x9D00, s26;
	s26 =	sadd.s32 @!p2 $0x3, s26  }
0x27: {  	s28 =	sshrl.u32 s0, $0x2;
	[sflag:s14] =	ssyncset.done $0x0;
	s13 =	sshrl.u32 @!p2 s13, $0x3  }
0x28: {  	s29 =	sadd.s32 $0x110, s28;
	[sflag:s14] =	ssyncadd.s32 $0xFFFFD8F0;
	s13 =	sadd.s32 @!p2 s5, s13  }
0x29: {  	s14 =	sshrl.u32 @!p2 s30, $0x2;
	s28 =	simm.s32 @!p2 $0x0;
	s13 =	sadd.s32 @!p2 $0x4E2, s13  }
0x2a: {  	[tilespmem:s14], [sflag:s26] =	stream.linear.gather @!p2 [hbm4b:s13+s28], $0x2710, $0x38;
	[tilespmem:$0xF400] =	vst v63  }
0x2b: {  	s30 =	sshrl.u32 s1, $0x2;
	v11 =	vld [tilespmem:s29+$0xFFFFFF00]  }
0x2c: {  	v12 =	vld [tilespmem:s30+$0x0]  }
0x2d: {  	v13 =	vld [tilespmem:s29+$0xFFFFFF10]  }
0x2e: {  	v14 =	vld [tilespmem:s29+$0xFFFFFF20];
	_ =	sdelay $0x2  }
0x2f: {  	v11 =	vmax.f32 v12, v11  }
0x30: {  	s31 =	simm.s32 $0x0;
	v11 =	vmax.f32 v11, v13  }
0x31: {  	v12 =	vmov s31;
	v11 =	vmax.f32 v11, v14  }
0x32: {  	v12 =	vand.u32 $0xFFFFFFF8, v12;
	(xrf0) =	vmax.scan.msk.f32 $0xffff, v11  }
0x33: {  	v11 =	vbroadcast v12, $0x0;
	_ =	sdelay $0x4  }
0x34: {  	v12, _, _ =	vpop (xrf0)  }
0x35: {  	[tilespmem:v11+s17+$0x0] =	vst.idx.msk vm0, v12  }
0x36: {  	v11 =	vld [tilespmem:s29+$0xFFFFFF30]  }
0x37: {  	v12 =	vld [tilespmem:s29+$0xFFFFFF40]  }
0x38: {  	v13 =	vld [tilespmem:s29+$0xFFFFFF50]  }
0x39: {  	v14 =	vld [tilespmem:s29+$0xFFFFFF60];
	_ =	sdelay $0x2  }
0x3a: {  	v11 =	vmax.f32 v11, v12  }
0x3b: {  	s16 =	simm.s32 $0x1;
	v11 =	vmax.f32 v11, v13  }
0x3c: {  	v12 =	vmov s16;
	v11 =	vmax.f32 v11, v14  }
0x3d: {  	v12 =	vand.u32 $0xFFFFFFF9, v12;
	(xrf0) =	vmax.scan.msk.f32 $0xffff, v11  }
0x3e: {  	v11 =	vbroadcast v12, $0x0;
	_ =	sdelay $0x2  }
0x3f: {  	s26 =	sadd.s32 $0x200, s0  }
0x40: {  	s1 =	sand.u32 $0x1FE00, s26  }
0x41: {  	s1 =	sor.u32 s9, s1;
	v12, _, _ =	vpop (xrf0)  }
0x42: {  	s1 =	sshrl.u32 s1, $0x2;
	[tilespmem:v11+s17+$0x0] =	vst.idx.msk vm0, v12  }
0x43: {  	v11 =	vld [tilespmem:s1+$0x0]  }
0x44: {  	v12 =	vld [tilespmem:s29+$0xFFFFFF80]  }
0x45: {  	v13 =	vld [tilespmem:s29+$0xFFFFFF90]  }
0x46: {  	v14 =	vld [tilespmem:s29+$0xFFFFFFA0];
	_ =	sdelay $0x2  }
0x47: {  	v11 =	vmax.f32 v11, v12  }
0x48: {  	s10 =	simm.s32 $0x2;
	v11 =	vmax.f32 v11, v13  }
0x49: {  	v12 =	vmov s10;
	v11 =	vmax.f32 v11, v14  }
0x4a: {  	v12 =	vand.u32 $0xFFFFFFFA, v12;
	(xrf0) =	vmax.scan.msk.f32 $0xffff, v11  }
0x4b: {  	v11 =	vbroadcast v12, $0x0;
	_ =	sdelay $0x4  }
0x4c: {  	v12, _, _ =	vpop (xrf0)  }
0x4d: {  	[tilespmem:v11+s17+$0x0] =	vst.idx.msk vm0, v12  }
0x4e: {  	v11 =	vld [tilespmem:s29+$0xFFFFFFB0]  }
0x4f: {  	v12 =	vld [tilespmem:s29+$0xFFFFFFC0]  }
0x50: {  	v13 =	vld [tilespmem:s29+$0xFFFFFFD0]  }
0x51: {  	v14 =	vld [tilespmem:s29+$0xFFFFFFE0];
	_ =	sdelay $0x2  }
0x52: {  	v11 =	vmax.f32 v11, v12  }
0x53: {  	s14 =	simm.s32 $0x3;
	v11 =	vmax.f32 v11, v13  }
0x54: {  	v12 =	vmov s14;
	v11 =	vmax.f32 v11, v14  }
0x55: {  	v12 =	vand.u32 $0xFFFFFFFB, v12;
	(xrf0) =	vmax.scan.msk.f32 $0xffff, v11  }
0x56: {  	v11 =	vbroadcast v12, $0x0;
	_ =	sdelay $0x2  }
0x57: {  	s16 =	sadd.s32 $0x400, s0  }
0x58: {  	s13 =	sand.u32 $0x1FE00, s16  }
0x59: {  	s13 =	sor.u32 s9, s13;
	v12, _, _ =	vpop (xrf0)  }
0x5a: {  	s13 =	sshrl.u32 s13, $0x2;
	[tilespmem:v11+s17+$0x0] =	vst.idx.msk vm0, v12  }
0x5b: {  	v11 =	vld [tilespmem:s13+$0x0]  }
0x5c: {  	v12 =	vld [tilespmem:s29+$0x0]  }
0x5d: {  	v13 =	vld [tilespmem:s29+$0x10]  }
0x5e: {  	v14 =	vld [tilespmem:s29+$0x20];
	_ =	sdelay $0x2  }
0x5f: {  	v11 =	vmax.f32 v11, v12  }
0x60: {  	s26 =	simm.s32 $0x4;
	v11 =	vmax.f32 v11, v13  }
0x61: {  	v12 =	vmov s26;
	v11 =	vmax.f32 v11, v14  }
0x62: {  	v12 =	vand.u32 $0xFFFFFFFC, v12;
	(xrf0) =	vmax.scan.msk.f32 $0xffff, v11  }
0x63: {  	v11 =	vbroadcast v12, $0x0;
	_ =	sdelay $0x4  }
0x64: {  	v12, _, _ =	vpop (xrf0)  }
0x65: {  	[tilespmem:v11+s17+$0x0] =	vst.idx.msk vm0, v12  }
0x66: {  	v11 =	vld [tilespmem:s29+$0x30]  }
0x67: {  	v12 =	vld [tilespmem:s29+$0x40]  }
0x68: {  	v13 =	vld [tilespmem:s29+$0x50]  }
0x69: {  	v14 =	vld [tilespmem:s29+$0x60];
	_ =	sdelay $0x2  }
0x6a: {  	v11 =	vmax.f32 v11, v12  }
0x6b: {  	s10 =	simm.s32 $0x5;
	v11 =	vmax.f32 v11, v13  }
0x6c: {  	v12 =	vmov s10;
	v11 =	vmax.f32 v11, v14  }
0x6d: {  	v12 =	vand.u32 $0xFFFFFFFD, v12;
	(xrf0) =	vmax.scan.msk.f32 $0xffff, v11  }
0x6e: {  	v11 =	vbroadcast v12, $0x0;
	_ =	sdelay $0x3  }
0x6f: {  	s0 =	sadd.s32 $0x600, s0  }
0x70: {  	s0 =	sand.u32 $0x1FE00, s0;
	v12, _, _ =	vpop (xrf0)  }
0x71: {  	s0 =	sor.u32 s9, s0;
	[tilespmem:v11+s17+$0x0] =	vst.idx.msk vm0, v12  }
0x72: {  	s16 =	sshrl.u32 s0, $0x2;
	v11 =	vld [tilespmem:s29+$0x80]  }
0x73: {  	v12 =	vld [tilespmem:s16+$0x0]  }
0x74: {  	v13 =	vld [tilespmem:s29+$0x90]  }
0x75: {  	v14 =	vld [tilespmem:s29+$0xA0];
	_ =	sdelay $0x2  }
0x76: {  	v11 =	vmax.f32 v12, v11  }
0x77: {  	s26 =	simm.s32 $0x6;
	v11 =	vmax.f32 v11, v13  }
0x78: {  	v12 =	vmov s26;
	v11 =	vmax.f32 v11, v14  }
0x79: {  	v12 =	vand.u32 $0xFFFFFFFE, v12;
	(xrf0) =	vmax.scan.msk.f32 $0xffff, v11  }
0x7a: {  	v11 =	vbroadcast v12, $0x0;
	_ =	sdelay $0x4  }
0x7b: {  	v12, _, _ =	vpop (xrf0)  }
0x7c: {  	[tilespmem:v11+s17+$0x0] =	vst.idx.msk vm0, v12  }
0x7d: {  	v11 =	vld [tilespmem:s29+$0xB0]  }
0x7e: {  	v14 =	vld [tilespmem:s29+$0xC0]  }
0x7f: {  	s0 =	simm.s32 $0x1;
	v13 =	vld [tilespmem:s29+$0xD0]  }
0x80: {  	s28 =	smul.u32 $0x2740, s25;
	s0 =	simm.s32 @!p1 $0x0;
	v12 =	vld [tilespmem:s29+$0xE0]  }
0x81: {  	s9 =	simm.s32 $0x8;
	s0 =	sshll.u32 s0, $0xC;
	s14 =	sadd.s32 $0x200, s16  }
0x82: {  	s13 =	sadd.s32 $0x200, s13;
	s26 =	sadd.s32 $0xD340, s0;
	s0 =	sand.u32 $0x40, s28  }
.LBB2_3:
0x83: {  	v11 =	vmax.f32 v11, v14;
	s30 =	sadd.s32 $0x200, s30;
	s1 =	sadd.s32 $0x200, s1;
	s29 =	sadd.s32 $0x200, s29  }
0x84: {  	p2 =	slt.u32 s9, $0x90;
	s16 =	smov.u32 s9;
	s9 =	sadd.s32 $0x8, s9;
	v11 =	vmax.f32 v11, v13  }
0x85: {  	v11 =	vmax.f32 v11, v12  }
0x86: {  	(xrf0) =	vmax.scan.msk.f32 $0xffff, v11  }
0x87: {  	s10 =	sadd.s32 $0x7, s31;
	s31 =	smov.u32 s16  }
0x88: {  	v11 =	vmov s10;
	_ =	sdelay $0x3  }
0x89: {  	v12, _, _ =	vpop (xrf0)  }
0x8a: {  	[tilespmem:v11+s17+$0x0] =	vst.idx.msk vm0, v12  }
0x8b: {  	v11 =	vld [tilespmem:s29+$0xFFFFFF00]  }
0x8c: {  	v12 =	vld [tilespmem:s30+$0x0]  }
0x8d: {  	v13 =	vld [tilespmem:s29+$0xFFFFFF10]  }
0x8e: {  	v14 =	vld [tilespmem:s29+$0xFFFFFF20];
	_ =	sdelay $0x2  }
0x8f: {  	v11 =	vmax.f32 v12, v11  }
0x90: {  	v11 =	vmax.f32 v11, v13  }
0x91: {  	v12 =	vmov s31;
	v11 =	vmax.f32 v11, v14  }
0x92: {  	v12 =	vand.u32 $0xFFFFFFF8, v12;
	(xrf0) =	vmax.scan.msk.f32 $0xffff, v11  }
0x93: {  	v11 =	vbroadcast v12, $0x0;
	_ =	sdelay $0x4  }
0x94: {  	v12, _, _ =	vpop (xrf0)  }
0x95: {  	[tilespmem:v11+s17+$0x0] =	vst.idx.msk vm0, v12  }
0x96: {  	v11 =	vld [tilespmem:s29+$0xFFFFFF30]  }
0x97: {  	v12 =	vld [tilespmem:s29+$0xFFFFFF40]  }
0x98: {  	v13 =	vld [tilespmem:s29+$0xFFFFFF50]  }
0x99: {  	v14 =	vld [tilespmem:s29+$0xFFFFFF60];
	_ =	sdelay $0x2  }
0x9a: {  	v11 =	vmax.f32 v11, v12  }
0x9b: {  	s10 =	sadd.s32 $0x1, s31;
	v11 =	vmax.f32 v11, v13  }
0x9c: {  	v12 =	vmov s10;
	v11 =	vmax.f32 v11, v14  }
0x9d: {  	v12 =	vand.u32 $0xFFFFFFF9, v12;
	(xrf0) =	vmax.scan.msk.f32 $0xffff, v11  }
0x9e: {  	v11 =	vbroadcast v12, $0x0;
	_ =	sdelay $0x4  }
0x9f: {  	v12, _, _ =	vpop (xrf0)  }
0xa0: {  	[tilespmem:v11+s17+$0x0] =	vst.idx.msk vm0, v12  }
0xa1: {  	v11 =	vld [tilespmem:s1+$0x0]  }
0xa2: {  	v12 =	vld [tilespmem:s29+$0xFFFFFF80]  }
0xa3: {  	v13 =	vld [tilespmem:s29+$0xFFFFFF90]  }
0xa4: {  	v14 =	vld [tilespmem:s29+$0xFFFFFFA0];
	_ =	sdelay $0x2  }
0xa5: {  	v11 =	vmax.f32 v11, v12  }
0xa6: {  	s10 =	sadd.s32 $0x2, s31;
	v11 =	vmax.f32 v11, v13  }
0xa7: {  	v12 =	vmov s10;
	v11 =	vmax.f32 v11, v14  }
0xa8: {  	v12 =	vand.u32 $0xFFFFFFFA, v12;
	(xrf0) =	vmax.scan.msk.f32 $0xffff, v11  }
0xa9: {  	v11 =	vbroadcast v12, $0x0;
	_ =	sdelay $0x4  }
0xaa: {  	v12, _, _ =	vpop (xrf0)  }
0xab: {  	[tilespmem:v11+s17+$0x0] =	vst.idx.msk vm0, v12  }
0xac: {  	v11 =	vld [tilespmem:s29+$0xFFFFFFB0]  }
0xad: {  	v12 =	vld [tilespmem:s29+$0xFFFFFFC0]  }
0xae: {  	v13 =	vld [tilespmem:s29+$0xFFFFFFD0]  }
0xaf: {  	v14 =	vld [tilespmem:s29+$0xFFFFFFE0];
	_ =	sdelay $0x2  }
0xb0: {  	v11 =	vmax.f32 v11, v12  }
0xb1: {  	s10 =	sadd.s32 $0x3, s31;
	v11 =	vmax.f32 v11, v13  }
0xb2: {  	v12 =	vmov s10;
	v11 =	vmax.f32 v11, v14  }
0xb3: {  	v12 =	vand.u32 $0xFFFFFFFB, v12;
	(xrf0) =	vmax.scan.msk.f32 $0xffff, v11  }
0xb4: {  	v11 =	vbroadcast v12, $0x0;
	_ =	sdelay $0x4  }
0xb5: {  	v12, _, _ =	vpop (xrf0)  }
0xb6: {  	[tilespmem:v11+s17+$0x0] =	vst.idx.msk vm0, v12  }
0xb7: {  	v11 =	vld [tilespmem:s13+$0x0]  }
0xb8: {  	v12 =	vld [tilespmem:s29+$0x0]  }
0xb9: {  	v13 =	vld [tilespmem:s29+$0x10]  }
0xba: {  	v14 =	vld [tilespmem:s29+$0x20];
	_ =	sdelay $0x2  }
0xbb: {  	v11 =	vmax.f32 v11, v12  }
0xbc: {  	s10 =	sadd.s32 $0x4, s31;
	v11 =	vmax.f32 v11, v13  }
0xbd: {  	v12 =	vmov s10;
	v11 =	vmax.f32 v11, v14  }
0xbe: {  	v12 =	vand.u32 $0xFFFFFFFC, v12;
	(xrf0) =	vmax.scan.msk.f32 $0xffff, v11  }
0xbf: {  	v11 =	vbroadcast v12, $0x0;
	_ =	sdelay $0x4  }
0xc0: {  	v12, _, _ =	vpop (xrf0)  }
0xc1: {  	[tilespmem:v11+s17+$0x0] =	vst.idx.msk vm0, v12  }
0xc2: {  	v11 =	vld [tilespmem:s29+$0x30]  }
0xc3: {  	v12 =	vld [tilespmem:s29+$0x40]  }
0xc4: {  	v13 =	vld [tilespmem:s29+$0x50]  }
0xc5: {  	v14 =	vld [tilespmem:s29+$0x60];
	_ =	sdelay $0x2  }
0xc6: {  	v11 =	vmax.f32 v11, v12  }
0xc7: {  	s10 =	sadd.s32 $0x5, s31;
	v11 =	vmax.f32 v11, v13  }
0xc8: {  	v12 =	vmov s10;
	v11 =	vmax.f32 v11, v14  }
0xc9: {  	v12 =	vand.u32 $0xFFFFFFFD, v12;
	(xrf0) =	vmax.scan.msk.f32 $0xffff, v11  }
0xca: {  	v11 =	vbroadcast v12, $0x0;
	_ =	sdelay $0x4  }
0xcb: {  	v12, _, _ =	vpop (xrf0)  }
0xcc: {  	[tilespmem:v11+s17+$0x0] =	vst.idx.msk vm0, v12  }
0xcd: {  	v11 =	vld [tilespmem:s29+$0x80]  }
0xce: {  	v12 =	vld [tilespmem:s14+$0x0]  }
0xcf: {  	v13 =	vld [tilespmem:s29+$0x90]  }
0xd0: {  	v14 =	vld [tilespmem:s29+$0xA0];
	_ =	sdelay $0x2  }
0xd1: {  	v11 =	vmax.f32 v12, v11  }
0xd2: {  	s10 =	sadd.s32 $0x6, s31;
	v11 =	vmax.f32 v11, v13  }
0xd3: {  	v12 =	vmov s10;
	v11 =	vmax.f32 v11, v14  }
0xd4: {  	v12 =	vand.u32 $0xFFFFFFFE, v12;
	(xrf0) =	vmax.scan.msk.f32 $0xffff, v11  }
0xd5: {  	v11 =	vbroadcast v12, $0x0;
	_ =	sdelay $0x4  }
0xd6: {  	v12, _, _ =	vpop (xrf0)  }
0xd7: {  	[tilespmem:v11+s17+$0x0] =	vst.idx.msk vm0, v12  }
0xd8: {  	v11 =	vld [tilespmem:s29+$0xB0]  }
.Ltmp2:
0xd9: {  	v14 =	vld [tilespmem:s29+$0xC0];
	(pc) =	sbr.rel @p2 .LBB2_3-.Ltmp2, $3  }
0xda: {  	v13 =	vld [tilespmem:s29+$0xD0]  }
0xdb: {  	v12 =	vld [tilespmem:s29+$0xE0];
	_ =	sdelay $0x1  }
0xdc: {  	s13 =	sadd.s32 $0x200, s13;
	s14 =	sadd.s32 $0x200, s14  }
0xdd: {  	v11 =	vmax.f32 v11, v14  }
0xde: {  	v11 =	vmax.f32 v11, v13  }
0xdf: {  	v11 =	vmax.f32 v11, v12  }
0xe0: {  	(xrf0) =	vmax.scan.msk.f32 $0xffff, v11  }
0xe1: {  	s1 =	sadd.s32 $0x7, s31  }
0xe2: {  	v11 =	vmov s1;
	_ =	sdelay $0x2  }
0xe3: {  	s16 =	sadd.s32 $0x2600, s28  }
0xe4: {  	s1 =	sand.u32 $0x7F80, s16;
	v49, _, _ =	vpop (xrf0)  }
0xe5: {  	s1 =	sor.u32 s0, s1;
	[tilespmem:v11+s17+$0x0] =	vst.idx.msk vm0, v49  }
0xe6: {  	v11 =	vld [tilespmem:s1+$0x0]  }
0xe7: {  	v12 =	vld [tilespmem:s28+$0x2610]  }
0xe8: {  	v50 =	vld [tilespmem:s28+$0x2620]  }
0xe9: {  	v51 =	vld [tilespmem:s28+$0x2630];
	_ =	sdelay $0x2  }
0xea: {  	v11 =	vmax.f32 v11, v12  }
0xeb: {  	v11 =	vmax.f32 v11, v50  }
0xec: {  	v11 =	vmax.f32 v11, v51  }
0xed: {  	(xrf0) =	vmax.scan.msk.f32 $0xffff, v11;
	_ =	sdelay $0x5  }
0xee: {  	v11, _, _ =	vpop (xrf0)  }
0xef: {  	[tilespmem:v1+s17+$0x0] =	vst.idx.msk vm0, v11  }
0xf0: {  	v11 =	vld [tilespmem:s28+$0x2640]  }
0xf1: {  	v52 =	vld [tilespmem:s28+$0x2650]  }
0xf2: {  	v53 =	vld [tilespmem:s28+$0x2660]  }
0xf3: {  	v54 =	vld [tilespmem:s28+$0x2670];
	_ =	sdelay $0x2  }
0xf4: {  	v11 =	vmax.f32 v11, v52  }
0xf5: {  	v11 =	vmax.f32 v11, v53  }
0xf6: {  	v11 =	vmax.f32 v11, v54  }
0xf7: {  	(xrf0) =	vmax.scan.msk.f32 $0xffff, v11;
	_ =	sdelay $0x4  }
0xf8: {  	s29 =	sadd.s32 $0x2680, s28  }
0xf9: {  	s1 =	sand.u32 $0x7F80, s29;
	v11, _, _ =	vpop (xrf0)  }
0xfa: {  	s1 =	sor.u32 s0, s1;
	[tilespmem:v2+s17+$0x0] =	vst.idx.msk vm0, v11  }
0xfb: {  	v11 =	vld [tilespmem:s1+$0x0]  }
0xfc: {  	v55 =	vld [tilespmem:s28+$0x2690]  }
0xfd: {  	v56 =	vld [tilespmem:s28+$0x26A0]  }
0xfe: {  	v57 =	vld [tilespmem:s28+$0x26B0];
	_ =	sdelay $0x2  }
0xff: {  	v11 =	vmax.f32 v11, v55  }
0x100: {  	v11 =	vmax.f32 v11, v56  }
0x101: {  	v11 =	vmax.f32 v11, v57  }
0x102: {  	(xrf0) =	vmax.scan.msk.f32 $0xffff, v11;
	_ =	sdelay $0x5  }
0x103: {  	v11, _, _ =	vpop (xrf0)  }
0x104: {  	[tilespmem:v3+s17+$0x0] =	vst.idx.msk vm0, v11  }
0x105: {  	v11 =	vld [tilespmem:s28+$0x26C0]  }
0x106: {  	v58 =	vld [tilespmem:s28+$0x26D0]  }
0x107: {  	v59 =	vld [tilespmem:s28+$0x26E0]  }
0x108: {  	v60 =	vld [tilespmem:s28+$0x26F0];
	_ =	sdelay $0x2  }
0x109: {  	v11 =	vmax.f32 v11, v58  }
0x10a: {  	v11 =	vmax.f32 v11, v59  }
0x10b: {  	v11 =	vmax.f32 v11, v60  }
0x10c: {  	(xrf0) =	vmax.scan.msk.f32 $0xffff, v11;
	_ =	sdelay $0x4  }
0x10d: {  	s30 =	sadd.s32 $0x2700, s28  }
0x10e: {  	s1 =	sand.u32 $0x7F80, s30;
	v11, _, _ =	vpop (xrf0)  }
0x10f: {  	s31 =	sor.u32 s0, s1;
	[tilespmem:v4+s17+$0x0] =	vst.idx.msk vm0, v11  }
0x110: {  	v11 =	vld [tilespmem:s31+$0x0]  }
0x111: {  	v61 =	vld [tilespmem:s28+$0x2710]  }
0x112: {  	v62 =	vld [tilespmem:s28+$0x2720]  }
0x113: {  	v63 =	vld [tilespmem:s28+$0x2730];
	_ =	sdelay $0x2  }
0x114: {  	v11 =	vmax.f32 v11, v61  }
0x115: {  	v11 =	vmax.f32 v11, v62  }
0x116: {  	v11 =	vmax.f32 v11, v63  }
0x117: {  	(xrf0) =	vmax.scan.msk.f32 $0xffff, v11;
	_ =	sdelay $0x5  }
0x118: {  	v11, _, _ =	vpop (xrf0)  }
0x119: {  	s0 =	simm.s32 $0x4FA0;
	[tilespmem:v5+s17+$0x0] =	vst.idx.msk vm0, v11  }
0x11a: {  	[tilespmem:s0+$0xFFFFFFE0] =	vst v6  }
0x11b: {  	[tilespmem:s0+$0x10] =	vst v6  }
0x11c: {  	s1 =	simm.s32 $0x0;
	[tilespmem:s0+$0x0] =	vst v6  }
.LBB2_5:
0x11d: {  	s1 =	sadd.s32 $0x4, s1  }
0x11e: {  	[tilespmem:s0+$0xFFFFFFF0] =	vst v6;
	s0 =	sadd.s32 $0x40, s0;
	p2 =	slt.u32 s1, $0x7C  }
.Ltmp3:
0x11f: {  	[tilespmem:s0+$0xFFFFFFE0] =	vst v6;
	(pc) =	sbr.rel @p2 .LBB2_5-.Ltmp3, $3  }
0x120: {  	_ =	sdelay $0x1  }
0x121: {  	[tilespmem:s0+$0x10] =	vst v6  }
0x122: {  	[tilespmem:s0+$0x0] =	vst v6  }
0x123: {  	[tilespmem:s0+$0xFFFFFFF0] =	vst v6  }
0x124: {  	v11 =	vld [tilespmem:$0x4E80];
	_ =	sdelay $0x4  }
0x125: {  	v11 =	vshrl.u32 v11, $0x13;
	_ =	sdelay $0x4  }
0x126: {  	[tilespmem:v11+s18+$0x0] =	vst.idx.add.s32.msk $0xffff, v7  }
0x127: {  	v11 =	vld [tilespmem:$0x4E90];
	_ =	sdelay $0x4  }
0x128: {  	v11 =	vshrl.u32 v11, $0x13;
	_ =	sdelay $0x4  }
0x129: {  	[tilespmem:v11+s18+$0x0] =	vst.idx.add.s32.msk $0xffff, v7  }
0x12a: {  	v11 =	vld [tilespmem:$0x4EA0];
	_ =	sdelay $0x4  }
0x12b: {  	v11 =	vshrl.u32 v11, $0x13;
	_ =	sdelay $0x4  }
0x12c: {  	[tilespmem:v11+s18+$0x0] =	vst.idx.add.s32.msk $0xffff, v7  }
0x12d: {  	v11 =	vld [tilespmem:$0x4EB0];
	_ =	sdelay $0x4  }
0x12e: {  	v11 =	vshrl.u32 v11, $0x13;
	_ =	sdelay $0x4  }
0x12f: {  	[tilespmem:v11+s18+$0x0] =	vst.idx.add.s32.msk $0xffff, v7  }
0x130: {  	v11 =	vld [tilespmem:$0x4EC0];
	_ =	sdelay $0x4  }
0x131: {  	v11 =	vshrl.u32 v11, $0x13;
	_ =	sdelay $0x4  }
0x132: {  	[tilespmem:v11+s18+$0x0] =	vst.idx.add.s32.msk $0xffff, v7  }
0x133: {  	v11 =	vld [tilespmem:$0x4ED0];
	_ =	sdelay $0x4  }
0x134: {  	v11 =	vshrl.u32 v11, $0x13;
	_ =	sdelay $0x4  }
0x135: {  	[tilespmem:v11+s18+$0x0] =	vst.idx.add.s32.msk $0xffff, v7  }
0x136: {  	v11 =	vld [tilespmem:$0x4EE0];
	_ =	sdelay $0x4  }
0x137: {  	v11 =	vshrl.u32 v11, $0x13;
	_ =	sdelay $0x4  }
0x138: {  	[tilespmem:v11+s18+$0x0] =	vst.idx.add.s32.msk $0xffff, v7  }
0x139: {  	v11 =	vld [tilespmem:$0x4EF0];
	_ =	sdelay $0x4  }
0x13a: {  	v11 =	vshrl.u32 v11, $0x13;
	_ =	sdelay $0x4  }
0x13b: {  	[tilespmem:v11+s18+$0x0] =	vst.idx.add.s32.msk $0xffff, v7  }
0x13c: {  	v11 =	vld [tilespmem:$0x4F00];
	_ =	sdelay $0x4  }
0x13d: {  	v11 =	vshrl.u32 v11, $0x13;
	_ =	sdelay $0x4  }
0x13e: {  	[tilespmem:v11+s18+$0x0] =	vst.idx.add.s32.msk $0xffff, v7  }
0x13f: {  	v11 =	vld [tilespmem:$0x4F10];
	_ =	sdelay $0x4  }
0x140: {  	v11 =	vshrl.u32 v11, $0x13;
	_ =	sdelay $0x4  }
0x141: {  	s1 =	simm.s32 $0x0;
	s14 =	simm.s32 $0x5780;
	s0 =	simm.s32 $0x80000800;
	[tilespmem:v11+s18+$0x0] =	vst.idx.add.s32.msk $0x1fff, v7  }
.LBB2_7:
0x142: {  	v11 =	vld [tilespmem:s14+$0xFFFFFFF0];
	_ =	sdelay $0x4  }
0x143: {  	(xrf0) =	vadd.scan.msk.s32 $0xffff, v11;
	_ =	sdelay $0x5  }
0x144: {  	v11, _, _ =	vpop (xrf0)  }
0x145: {  	(v2sf) =	vpush v11, $0xF;
	_ =	sdelay $0xe  }
0x146: {  	s13 =	smov.u32 s1;
	s31 =	spop (v2sf)  }
0x147: {  	s1 =	sadd.s32 s13, s31  }
0x148: {  	p2 =	slt.s32 s1, $0x20  }
.Ltmp4:
0x149: {  	_ = 	snop;
	(pc) =	sbr.rel @p2 .LBB2_7-.Ltmp4, $2  }
0x14a: {  	_ =	sdelay $0x2  }
0x14b: {  	s9 =	smov.u32 s14;
	s14 =	sadd.s32 $0xFFFFFFF0, s14;
	s0 =	sadd.s32 $0xFFFFFFF0, s0  }
0x14c: {  	v11 =	vld [tilespmem:s9+$0xFFFFFFF0];
	_ =	sdelay $0x4  }
0x14d: {  	(xrf0) =	vadd.scan.msk.s32 $0xffff, v11;
	_ =	sdelay $0x5  }
0x14e: {  	v12, _, _ =	vpop (xrf0)  }
0x14f: {  	(v2sf) =	vpush v12, $0xF;
	_ =	sdelay $0xe  }
0x150: {  	s1 =	spop (v2sf)  }
0x151: {  	v11 =	vsub.s32 v11, v12;
	s1 =	sadd.s32 s13, s1  }
0x152: {  	v11 =	vadd.s32 s1, v11  }
0x153: {  	vm2 =	vgt.s32 v11, $0x1F  }
0x154: {  	v11 =	vnsel vm2, $0x7FFFFFFF, v9  }
0x155: {  	(xrf0) =	vmax.scan.msk.u32 $0xffff, v11;
	_ =	sdelay $0x5  }
0x156: {  	v11, _, _ =	vpop (xrf0)  }
0x157: {  	(v2sf) =	vpush v11, $0xF;
	_ =	sdelay $0x6  }
0x158: {  	[tilespmem:$0x4F80] =	vst v6  }
0x159: {  	[tilespmem:$0x4F90] =	vst v6  }
0x15a: {  	[tilespmem:$0x4FA0] =	vst v6  }
0x15b: {  	[tilespmem:$0x4FB0] =	vst v6  }
0x15c: {  	[tilespmem:$0x4FC0] =	vst v6;
	v11 =	vld [tilespmem:$0x4E80]  }
0x15d: {  	[tilespmem:$0x4FD0] =	vst v6  }
0x15e: {  	[tilespmem:$0x4FE0] =	vst v6  }
0x15f: {  	[tilespmem:$0x4FF0] =	vst v6  }
0x160: {  	[tilespmem:$0x5000] =	vst v6;
	s30 =	spop (v2sf)  }
0x161: {  	[tilespmem:$0x5010] =	vst v6;
	v13 =	vshrl.u32 v11, $0x13;
	s0 =	sadd.s32 s0, s30  }
0x162: {  	[tilespmem:$0x5020] =	vst v6;
	v11 =	vshrl.u32 v11, $0xB;
	vm2 =	veq.s32 v13, s0  }
0x163: {  	[tilespmem:$0x5030] =	vst v6;
	v11 =	vand.u32 $0xFF, v11  }
0x164: {  	[tilespmem:$0x5040] =	vst v6  }
0x165: {  	[tilespmem:$0x5050] =	vst v6  }
0x166: {  	[tilespmem:$0x5060] =	vst v6  }
0x167: {  	[tilespmem:$0x5070] =	vst v6  }
0x168: {  	[tilespmem:v11+s18+$0x0] =	vst.idx.add.s32.msk vm2, v7  }
0x169: {  	v11 =	vld [tilespmem:$0x4E90];
	_ =	sdelay $0x4  }
0x16a: {  	v53 =	vshrl.u32 v11, $0x13  }
0x16b: {  	v11 =	vshrl.u32 v11, $0xB;
	vm2 =	veq.s32 v53, s0  }
0x16c: {  	v11 =	vand.u32 $0xFF, v11;
	_ =	sdelay $0x4  }
0x16d: {  	[tilespmem:v11+s18+$0x0] =	vst.idx.add.s32.msk vm2, v7  }
0x16e: {  	v11 =	vld [tilespmem:$0x4EA0];
	_ =	sdelay $0x4  }
0x16f: {  	v54 =	vshrl.u32 v11, $0x13  }
0x170: {  	v11 =	vshrl.u32 v11, $0xB;
	vm2 =	veq.s32 v54, s0  }
0x171: {  	v11 =	vand.u32 $0xFF, v11;
	_ =	sdelay $0x4  }
0x172: {  	[tilespmem:v11+s18+$0x0] =	vst.idx.add.s32.msk vm2, v7  }
0x173: {  	v11 =	vld [tilespmem:$0x4EB0];
	_ =	sdelay $0x4  }
0x174: {  	v55 =	vshrl.u32 v11, $0x13  }
0x175: {  	v11 =	vshrl.u32 v11, $0xB;
	vm2 =	veq.s32 v55, s0  }
0x176: {  	v11 =	vand.u32 $0xFF, v11;
	_ =	sdelay $0x4  }
0x177: {  	[tilespmem:v11+s18+$0x0] =	vst.idx.add.s32.msk vm2, v7  }
0x178: {  	v11 =	vld [tilespmem:$0x4EC0];
	_ =	sdelay $0x4  }
0x179: {  	v56 =	vshrl.u32 v11, $0x13  }
0x17a: {  	v11 =	vshrl.u32 v11, $0xB;
	vm2 =	veq.s32 v56, s0  }
0x17b: {  	v11 =	vand.u32 $0xFF, v11;
	_ =	sdelay $0x4  }
0x17c: {  	[tilespmem:v11+s18+$0x0] =	vst.idx.add.s32.msk vm2, v7  }
0x17d: {  	v11 =	vld [tilespmem:$0x4ED0];
	_ =	sdelay $0x4  }
0x17e: {  	v57 =	vshrl.u32 v11, $0x13  }
0x17f: {  	v11 =	vshrl.u32 v11, $0xB;
	vm2 =	veq.s32 v57, s0  }
0x180: {  	v11 =	vand.u32 $0xFF, v11;
	_ =	sdelay $0x4  }
0x181: {  	[tilespmem:v11+s18+$0x0] =	vst.idx.add.s32.msk vm2, v7  }
0x182: {  	v11 =	vld [tilespmem:$0x4EE0];
	_ =	sdelay $0x4  }
0x183: {  	v58 =	vshrl.u32 v11, $0x13  }
0x184: {  	v11 =	vshrl.u32 v11, $0xB;
	vm2 =	veq.s32 v58, s0  }
0x185: {  	v11 =	vand.u32 $0xFF, v11;
	_ =	sdelay $0x4  }
0x186: {  	[tilespmem:v11+s18+$0x0] =	vst.idx.add.s32.msk vm2, v7  }
0x187: {  	v11 =	vld [tilespmem:$0x4EF0];
	_ =	sdelay $0x4  }
0x188: {  	v59 =	vshrl.u32 v11, $0x13  }
0x189: {  	v11 =	vshrl.u32 v11, $0xB;
	vm2 =	veq.s32 v59, s0  }
0x18a: {  	v11 =	vand.u32 $0xFF, v11;
	_ =	sdelay $0x2  }
0x18b: {  	s9 =	sxor.u32 $0x80000000, s30  }
0x18c: {  	v60 =	vmov s9  }
0x18d: {  	[tilespmem:v11+s18+$0x0] =	vst.idx.add.s32.msk vm2, v7;
	vm2 =	veq.s32 v60, v8  }
0x18e: {  	v11 =	vnsel vm2, $0x0, v12  }
0x18f: {  	(xrf0) =	vadd.scan.msk.s32 $0xffff, v11;
	_ =	sdelay $0x2  }
0x190: {  	v61 =	vld [tilespmem:$0x4F00];
	_ =	sdelay $0x2  }
0x191: {  	v62, _, _ =	vpop (xrf0)  }
0x192: {  	(v2sf) =	vpush v62, $0xF  }
0x193: {  	v11 =	vshrl.u32 v61, $0x13  }
0x194: {  	vm2 =	veq.s32 v11, s0;
	v11 =	vshrl.u32 v61, $0xB  }
0x195: {  	v11 =	vand.u32 $0xFF, v11;
	_ =	sdelay $0x4  }
0x196: {  	[tilespmem:v11+s18+$0x0] =	vst.idx.add.s32.msk vm2, v7  }
0x197: {  	v11 =	vld [tilespmem:$0x4F10];
	_ =	sdelay $0x4  }
0x198: {  	v63 =	vshrl.u32 v11, $0x13  }
0x199: {  	vm2 =	veq.s32 v63, s0;
	s31 =	spop (v2sf)  }
0x19a: {  	v11 =	vshrl.u32 v11, $0xB;
	vm2 =	vmand vm2, vm1;
	s9 =	ssub.s32 s1, s31  }
0x19b: {  	v11 =	vand.u32 $0xFF, v11;
	p2 =	sgt.s32 s9, $0x1F  }
.Ltmp5:
0x19c: {  	_ = 	snop;
	(pc) =	sbr.rel @p2 .LBB2_10-.Ltmp5, $2  }
0x19d: {  	_ =	sdelay $0x2  }
0x19e: {  	s13 =	simm.s32 $0x5070;
	s1 =	simm.s32 $0x100;
	s14 =	smov.u32 s9;
	[tilespmem:v11+s18+$0x0] =	vst.idx.add.s32.msk vm2, v7  }
.LBB2_9:
0x19f: {  	v11 =	vld [tilespmem:s13+$0x0];
	_ =	sdelay $0x4  }
0x1a0: {  	(xrf0) =	vadd.scan.msk.s32 $0xffff, v11;
	_ =	sdelay $0x5  }
0x1a1: {  	v11, _, _ =	vpop (xrf0)  }
0x1a2: {  	(v2sf) =	vpush v11, $0xF;
	_ =	sdelay $0xe  }
0x1a3: {  	s14 =	smov.u32 s9;
	s31 =	spop (v2sf)  }
0x1a4: {  	s9 =	sadd.s32 s14, s31  }
0x1a5: {  	p2 =	slt.s32 s9, $0x20  }
.Ltmp6:
0x1a6: {  	_ = 	snop;
	(pc) =	sbr.rel @p2 .LBB2_9-.Ltmp6, $2  }
0x1a7: {  	_ =	sdelay $0x2  }
0x1a8: {  	s1 =	sadd.s32 $0xFFFFFFF0, s1;
	s13 =	sadd.s32 $0xFFFFFFF0, s13  }
.LBB2_10:
0x1a9: {  	v11 =	vld [tilespmem:s1+$0x4F80];
	_ =	sdelay $0x4  }
0x1aa: {  	(xrf0) =	vadd.scan.msk.s32 $0xffff, v11;
	_ =	sdelay $0x5  }
0x1ab: {  	v12, _, _ =	vpop (xrf0)  }
0x1ac: {  	(v2sf) =	vpush v12, $0xF;
	_ =	sdelay $0xe  }
0x1ad: {  	s9 =	spop (v2sf)  }
0x1ae: {  	v11 =	vsub.s32 v11, v12;
	s9 =	sadd.s32 s14, s9  }
0x1af: {  	v11 =	vadd.s32 s9, v11  }
0x1b0: {  	vm2 =	vgt.s32 v11, $0x1F  }
0x1b1: {  	v11 =	vnsel vm2, $0x7FFFFFFF, v9  }
0x1b2: {  	(xrf0) =	vmax.scan.msk.u32 $0xffff, v11;
	_ =	sdelay $0x5  }
0x1b3: {  	v11, _, _ =	vpop (xrf0)  }
0x1b4: {  	(v2sf) =	vpush v11, $0xF;
	_ =	sdelay $0xd  }
0x1b5: {  	s16 =	simm.s32 $0x4E90  }
0x1b6: {  	v12 =	vld [tilespmem:s16+$0xFFFFFFF0];
	s10 =	spop (v2sf)  }
0x1b7: {  	s13 =	sadd.s32 s1, s10  }
0x1b8: {  	s0 =	sshll.u32 s0, $0x13;
	s1 =	sshll.u32 s13, $0xB  }
0x1b9: {  	s10 =	simm.s32 $0x0;
	s0 =	sor.u32 s0, s1  }
0x1ba: {  	v13 =	vor.u32 s10, v8;
	v11 =	vmov s0  }
0x1bb: {  	vm2 =	vlt.u32 v13, $0x9D;
	vm3 =	vge.s32 v12, v11  }
0x1bc: {  	s14 =	simm.s32 $0x0;
	vm2 =	vmand vm2, vm3  }
0x1bd: {  	[tilespmem:s14+$0x5800] =	vst.msk vm2, v13;
	v12 =	vmpcnt.ones.xlane vm2  }
0x1be: {  	v13 =	vld [tilespmem:s16+$0x0]  }
0x1bf: {  	(v2sf) =	vpush v12, $0x0;
	_ =	sdelay $0x1  }
0x1c0: {  	s29 =	simm.s32 $0x10  }
0x1c1: {  	v12 =	vor.u32 s29, v8  }
0x1c2: {  	vm2 =	vlt.u32 v12, $0x9D;
	vm3 =	vge.s32 v13, v11  }
0x1c3: {  	vm2 =	vmand vm2, vm3  }
0x1c4: {  	v13 =	vmpcnt.ones.xlane vm2;
	_ =	sdelay $0x1  }
0x1c5: {  	(v2sf) =	vpush v13, $0x0;
	_ =	sdelay $0x6  }
0x1c6: {  	s30 =	spop (v2sf)  }
0x1c7: {  	s13 =	sadd.s32 $0x0, s30  }
0x1c8: {  	s0 =	simm.s32 $0x4EB0;
	[tilespmem:s13+$0x5800] =	vst.msk vm2, v12  }
0x1c9: {  	v13 =	vld [tilespmem:s0+$0xFFFFFFF0];
	_ =	sdelay $0x2  }
0x1ca: {  	s31 =	simm.s32 $0x20  }
0x1cb: {  	v12 =	vor.u32 s31, v8  }
0x1cc: {  	s9 =	simm.s32 $0x2;
	s1 =	simm.s32 $0x30;
	vm2 =	vlt.u32 v12, $0x9D;
	vm3 =	vge.s32 v13, v11;
	s14 =	spop (v2sf)  }
.LBB2_11:
0x1cd: {  	s9 =	sadd.s32 $0x2, s9;
	vm2 =	vmand vm2, vm3;
	s10 =	sadd.s32 s13, s14  }
0x1ce: {  	p2 =	slt.u32 s9, $0x8;
	[tilespmem:s10+$0x5800] =	vst.msk vm2, v12;
	v12 =	vmpcnt.ones.xlane vm2  }
0x1cf: {  	v13 =	vld [tilespmem:s0+$0x0]  }
0x1d0: {  	(v2sf) =	vpush v12, $0x0;
	_ =	sdelay $0x2  }
0x1d1: {  	v12 =	vor.u32 s1, v8  }
0x1d2: {  	vm2 =	vlt.u32 v12, $0x9D;
	vm3 =	vge.s32 v13, v11  }
0x1d3: {  	vm2 =	vmand vm2, vm3  }
0x1d4: {  	v13 =	vmpcnt.ones.xlane vm2;
	_ =	sdelay $0x1  }
0x1d5: {  	(v2sf) =	vpush v13, $0x0;
	_ =	sdelay $0x6  }
0x1d6: {  	s13 =	spop (v2sf)  }
0x1d7: {  	s13 =	sadd.s32 s10, s13  }
0x1d8: {  	s0 =	sadd.s32 $0x20, s0;
	[tilespmem:s13+$0x5800] =	vst.msk vm2, v12  }
0x1d9: {  	v13 =	vld [tilespmem:s0+$0xFFFFFFF0]  }
.Ltmp7:
0x1da: {  	(pc) =	sbr.rel @p2 .LBB2_11-.Ltmp7, $4  }
0x1db: {  	s1 =	sadd.s32 $0x20, s1  }
0x1dc: {  	s10 =	sadd.s32 $0xFFFFFFF0, s1  }
0x1dd: {  	v12 =	vor.u32 s10, v8  }
0x1de: {  	vm2 =	vlt.u32 v12, $0x9D;
	vm3 =	vge.s32 v13, v11;
	s14 =	spop (v2sf)  }
0x1df: {  	vm2 =	vmand vm2, vm3;
	s9 =	sadd.s32 s13, s14  }
0x1e0: {  	[tilespmem:s9+$0x5800] =	vst.msk vm2, v12  }
0x1e1: {  	v12 =	vld [tilespmem:s0+$0x0];
	_ =	sdelay $0x3  }
0x1e2: {  	v13 =	vor.u32 s1, v8  }
0x1e3: {  	vm3 =	vlt.u32 v13, $0x9D;
	vm4 =	vge.s32 v12, v11  }
0x1e4: {  	v63 =	vmpcnt.ones.xlane vm2;
	vm2 =	vmand vm3, vm4  }
0x1e5: {  	v14 =	vmpcnt.ones.xlane vm2  }
0x1e6: {  	(v2sf) =	vpush v63, $0x0  }
0x1e7: {  	(v2sf) =	vpush v14, $0x0;
	_ =	sdelay $0xd  }
0x1e8: {  	s0 =	spop (v2sf)  }
0x1e9: {  	s10 =	sadd.s32 s9, s0;
	s1 =	spop (v2sf)  }
0x1ea: {  	s31 =	sadd.s32 s10, s1  }
0x1eb: {  	p2 =	slt.s32 s31, $0x1  }
.Ltmp8:
0x1ec: {  	_ = 	snop;
	(pc) =	sbr.rel @p2 .LBB2_13-.Ltmp8, $2  }
0x1ed: {  	_ =	sdelay $0x2  }
0x1ee: {  	[tilespmem:s10+$0x5800] =	vst.msk vm2, v13  }
0x1ef: {  	s0 =	sadd.s32 s1, s0  }
0x1f0: {  	s31 =	simm.s32 $0x5800;
	s1 =	sadd.s32 s9, s0  }
0x1f1: {  	v13 =	vld [tilespmem:s31+$0x0];
	p3 =	sne.s32 s1, $0x1  }
.Ltmp9:
0x1f2: {  	_ = 	snop;
	(pc) =	sbr.rel @!p3 .LBB2_15-.Ltmp9, $2  }
0x1f3: {  	_ =	sdelay $0x2  }
0x1f4: {  	v12 =	vmov s28;
	p2 =	por $0x0, $0x0;
	s0 =	simm.s32 $0x0;
	s9 =	sadd.s32 $0xFFFFFFFF, s1;
	(v2sf) =	vpush v13, $0x0  }
0x1f5: {  	_ =	sdelay $0xd  }
0x1f6: {  	s1 =	spop (v2sf)  }
0x1f7: {  	s1 =	sshll.u32 s1, $0x6  }
0x1f8: {  	v13 =	vld.idx.msk [tilespmem:v12+s1+$0x0 ss:$0x1], $0xffff;
	_ =	sdelay $0x3  }
0x1f9: {  	v14 =	vor.u32 s1, v8  }
0x1fa: {  	vm3 =	vlt.s32 v14, $0x2710;
	vm2 =	vge.s32 v13, v11  }
0x1fb: {  	vm2 =	vmand vm2, vm3  }
0x1fc: {  	[tilespmem:s0+$0x5B00] =	vst.msk vm2, v13;
	v13 =	vmpcnt.ones.xlane vm2  }
0x1fd: {  	s10 =	sor.u32 $0x10, s1;
	[tilespmem:s0+$0x8280] =	vst.msk vm2, v14  }
0x1fe: {  	v14 =	vld.idx.msk [tilespmem:v12+s10+$0x0 ss:$0x1], $0xffff;
	(v2sf) =	vpush v13, $0x0;
	_ =	sdelay $0x3  }
0x1ff: {  	v13 =	vor.u32 s10, v8  }
0x200: {  	vm3 =	vlt.s32 v13, $0x2710;
	vm2 =	vge.s32 v14, v11  }
0x201: {  	vm2 =	vmand vm2, vm3  }
0x202: {  	v15 =	vmpcnt.ones.xlane vm2;
	_ =	sdelay $0x1  }
0x203: {  	(v2sf) =	vpush v15, $0x0;
	_ =	sdelay $0x5  }
0x204: {  	s29 =	spop (v2sf)  }
0x205: {  	s10 =	sadd.s32 $0x0, s29  }
0x206: {  	[tilespmem:s10+$0x5B00] =	vst.msk vm2, v14  }
0x207: {  	s13 =	sor.u32 $0x20, s1;
	[tilespmem:s10+$0x8280] =	vst.msk vm2, v13  }
0x208: {  	v13 =	vld.idx.msk [tilespmem:v12+s13+$0x0 ss:$0x1], $0xffff;
	_ =	sdelay $0x3  }
0x209: {  	v14 =	vor.u32 s13, v8  }
0x20a: {  	vm3 =	vlt.s32 v14, $0x2710;
	vm2 =	vge.s32 v13, v11;
	s30 =	spop (v2sf)  }
0x20b: {  	s10 =	sadd.s32 s10, s30;
	vm2 =	vmand vm3, vm2  }
0x20c: {  	[tilespmem:s10+$0x5B00] =	vst.msk vm2, v13;
	v13 =	vmpcnt.ones.xlane vm2;
	_ =	sdelay $0x1  }
0x20d: {  	s1 =	sor.u32 $0x30, s1;
	[tilespmem:s10+$0x8280] =	vst.msk vm2, v14;
	(v2sf) =	vpush v13, $0x0  }
0x20e: {  	v14 =	vld.idx.msk [tilespmem:v12+s1+$0x0 ss:$0x1], $0xffff;
	_ =	sdelay $0x3  }
0x20f: {  	v13 =	vor.u32 s1, v8  }
0x210: {  	vm3 =	vlt.s32 v13, $0x2710;
	vm2 =	vge.s32 v14, v11  }
0x211: {  	vm2 =	vmand vm3, vm2  }
0x212: {  	v15 =	vmpcnt.ones.xlane vm2;
	_ =	sdelay $0x1  }
0x213: {  	(v2sf) =	vpush v15, $0x0;
	_ =	sdelay $0x4  }
0x214: {  	s31 =	spop (v2sf)  }
0x215: {  	s13 =	sadd.s32 s10, s31  }
0x216: {  	[tilespmem:s13+$0x5B00] =	vst.msk vm2, v14  }
0x217: {  	s1 =	simm.s32 $0x5801;
	[tilespmem:s13+$0x8280] =	vst.msk vm2, v13  }
0x218: {  	v13 =	vld [tilespmem:s1+$0x0]  }
0x219: {  	p3 =	sne.s32 s9, $0x1  }
.Ltmp10:
0x21a: {  	_ = 	snop;
	(pc) =	sbr.rel @!p3 .LBB2_18-.Ltmp10, $3  }
0x21b: {  	_ =	sdelay $0x1  }
0x21c: {  	(v2sf) =	vpush v13, $0x0  }
0x21d: {  	s9 =	sadd.s32 $0xFFFFFFFF, s9;
	p2 =	por $0x1, $0x1;
	s14 =	spop (v2sf)  }
.LBB2_17:
0x21e: {  	p3 =	sne.s32 s9, $0x1;
	s9 =	sadd.s32 $0xFFFFFFFF, s9;
	s10 =	sadd.s32 s13, s14  }
0x21f: {  	_ =	sdelay $0xb  }
0x220: {  	s13 =	spop (v2sf)  }
0x221: {  	s13 =	sshll.u32 s13, $0x6  }
0x222: {  	v13 =	vld.idx.msk [tilespmem:v12+s13+$0x0 ss:$0x1], $0xffff;
	_ =	sdelay $0x4  }
0x223: {  	v14 =	vor.u32 s13, v8  }
0x224: {  	vm3 =	vlt.s32 v14, $0x2710;
	vm2 =	vge.s32 v13, v11  }
0x225: {  	vm2 =	vmand vm2, vm3  }
0x226: {  	[tilespmem:s10+$0x5B00] =	vst.msk vm2, v13;
	v13 =	vmpcnt.ones.xlane vm2  }
0x227: {  	s14 =	sor.u32 $0x10, s13;
	[tilespmem:s10+$0x8280] =	vst.msk vm2, v14  }
0x228: {  	v14 =	vld.idx.msk [tilespmem:v12+s14+$0x0 ss:$0x1], $0xffff;
	(v2sf) =	vpush v13, $0x0;
	_ =	sdelay $0x4  }
0x229: {  	v13 =	vor.u32 s14, v8  }
0x22a: {  	vm3 =	vlt.s32 v13, $0x2710;
	vm2 =	vge.s32 v14, v11  }
0x22b: {  	vm2 =	vmand vm2, vm3  }
0x22c: {  	v15 =	vmpcnt.ones.xlane vm2;
	_ =	sdelay $0x1  }
0x22d: {  	(v2sf) =	vpush v15, $0x0;
	_ =	sdelay $0x4  }
0x22e: {  	s14 =	spop (v2sf)  }
0x22f: {  	s10 =	sadd.s32 s10, s14  }
0x230: {  	[tilespmem:s10+$0x5B00] =	vst.msk vm2, v14  }
0x231: {  	s14 =	sor.u32 $0x20, s13;
	[tilespmem:s10+$0x8280] =	vst.msk vm2, v13  }
0x232: {  	v13 =	vld.idx.msk [tilespmem:v12+s14+$0x0 ss:$0x1], $0xffff;
	_ =	sdelay $0x4  }
0x233: {  	v14 =	vor.u32 s14, v8  }
0x234: {  	vm3 =	vlt.s32 v14, $0x2710;
	vm2 =	vge.s32 v13, v11;
	s14 =	spop (v2sf)  }
0x235: {  	vm2 =	vmand vm3, vm2;
	s10 =	sadd.s32 s10, s14  }
0x236: {  	[tilespmem:s10+$0x5B00] =	vst.msk vm2, v13;
	v13 =	vmpcnt.ones.xlane vm2  }
0x237: {  	s13 =	sor.u32 $0x30, s13;
	[tilespmem:s10+$0x8280] =	vst.msk vm2, v14  }
0x238: {  	v14 =	vld.idx.msk [tilespmem:v12+s13+$0x0 ss:$0x1], $0xffff;
	(v2sf) =	vpush v13, $0x0;
	_ =	sdelay $0x4  }
0x239: {  	v13 =	vor.u32 s13, v8  }
0x23a: {  	vm3 =	vlt.s32 v13, $0x2710;
	vm2 =	vge.s32 v14, v11  }
0x23b: {  	vm2 =	vmand vm3, vm2  }
0x23c: {  	v15 =	vmpcnt.ones.xlane vm2;
	_ =	sdelay $0x1  }
0x23d: {  	(v2sf) =	vpush v15, $0x0;
	_ =	sdelay $0x4  }
0x23e: {  	s13 =	spop (v2sf)  }
0x23f: {  	s13 =	sadd.s32 s10, s13  }
0x240: {  	[tilespmem:s13+$0x5B00] =	vst.msk vm2, v14  }
0x241: {  	s1 =	sadd.s32 $0x1, s1;
	[tilespmem:s13+$0x8280] =	vst.msk vm2, v13  }
0x242: {  	v13 =	vld [tilespmem:s1+$0x0];
	_ =	sdelay $0x1  }
.Ltmp11:
0x243: {  	(pc) =	sbr.rel @p3 .LBB2_17-.Ltmp11, $3  }
0x244: {  	_ =	sdelay $0x1  }
0x245: {  	(v2sf) =	vpush v13, $0x0  }
0x246: {  	s14 =	spop (v2sf)  }
.LBB2_18:
0x247: {  	_ =	sdelay $0xc  }
0x248: {  	s1 =	spop (v2sf)  }
0x249: {  	s1 =	sshll.u32 s1, $0x6  }
0x24a: {  	v13 =	vld.idx.msk [tilespmem:v12+s1+$0x0 ss:$0x1], $0xffff;
	_ =	sdelay $0x3  }
0x24b: {  	v14 =	vor.u32 s1, v8  }
0x24c: {  	s9 =	sadd.s32 @p2 s13, s14;
	vm3 =	vlt.s32 v14, $0x2710;
	vm2 =	vge.s32 v13, v11  }
0x24d: {  	s0 =	smov.u32 @p2 s9;
	vm2 =	vmand vm2, vm3  }
0x24e: {  	[tilespmem:s0+$0x5B00] =	vst.msk vm2, v13;
	v58 =	vmpcnt.ones.xlane vm2  }
0x24f: {  	s14 =	sor.u32 $0x10, s1;
	[tilespmem:s0+$0x8280] =	vst.msk vm2, v14  }
0x250: {  	v14 =	vld.idx.msk [tilespmem:v12+s14+$0x0 ss:$0x1], $0xffff;
	(v2sf) =	vpush v58, $0x0;
	_ =	sdelay $0x3  }
0x251: {  	v59 =	vor.u32 s14, v8  }
0x252: {  	vm3 =	vlt.s32 v59, $0x2710;
	vm2 =	vge.s32 v14, v11  }
0x253: {  	vm2 =	vmand vm2, vm3  }
0x254: {  	v15 =	vmpcnt.ones.xlane vm2;
	_ =	sdelay $0x1  }
0x255: {  	(v2sf) =	vpush v15, $0x0;
	_ =	sdelay $0x5  }
0x256: {  	s16 =	spop (v2sf)  }
0x257: {  	s0 =	sadd.s32 s0, s16  }
0x258: {  	[tilespmem:s0+$0x5B00] =	vst.msk vm2, v14  }
0x259: {  	s28 =	sor.u32 $0x20, s1;
	[tilespmem:s0+$0x8280] =	vst.msk vm2, v59  }
0x25a: {  	v13 =	vld.idx.msk [tilespmem:v12+s28+$0x0 ss:$0x1], $0xffff;
	_ =	sdelay $0x3  }
0x25b: {  	v60 =	vor.u32 s28, v8  }
0x25c: {  	vm3 =	vlt.s32 v60, $0x2710;
	vm2 =	vge.s32 v13, v11;
	s29 =	spop (v2sf)  }
0x25d: {  	s0 =	sadd.s32 s0, s29;
	vm2 =	vmand vm3, vm2  }
0x25e: {  	[tilespmem:s0+$0x5B00] =	vst.msk vm2, v13  }
0x25f: {  	s1 =	sor.u32 $0x30, s1;
	[tilespmem:s0+$0x8280] =	vst.msk vm2, v60  }
0x260: {  	v61 =	vld.idx.msk [tilespmem:v12+s1+$0x0 ss:$0x1], $0xffff;
	_ =	sdelay $0x3  }
0x261: {  	v62 =	vor.u32 s1, v8  }
0x262: {  	vm3 =	vlt.s32 v62, $0x2710;
	v63 =	vmpcnt.ones.xlane vm2;
	vm2 =	vge.s32 v61, v11  }
0x263: {  	vm2 =	vmand vm3, vm2  }
0x264: {  	(v2sf) =	vpush v63, $0x0;
	v11 =	vmpcnt.ones.xlane vm2;
	_ =	sdelay $0x1  }
0x265: {  	(v2sf) =	vpush v11, $0x0;
	_ =	sdelay $0xb  }
.Ltmp12:
0x266: {  	_ = 	snop;
	(pc) =	sbr.rel .LBB2_19-.Ltmp12, $4  }
0x267: {  	s30 =	spop (v2sf)  }
0x268: {  	s0 =	sadd.s32 s0, s30  }
0x269: {  	[tilespmem:s0+$0x5B00] =	vst.msk vm2, v61;
	s31 =	spop (v2sf)  }
0x26a: {  	[tilespmem:s0+$0x8280] =	vst.msk vm2, v62;
	s0 =	sadd.s32 s0, s31  }
.LBB2_13:
0x26b: {  	s0 =	simm.s32 $0x0  }
.LBB2_19:
0x26c: {  	[tilespmem:$0x4F80] =	vst v6  }
0x26d: {  	[tilespmem:$0x4F90] =	vst v6  }
0x26e: {  	[tilespmem:$0x4FA0] =	vst v6  }
0x26f: {  	[tilespmem:$0x4FB0] =	vst v6;
	s1 =	sadd.s32 $0xF, s0  }
0x270: {  	[tilespmem:$0x4FC0] =	vst v6;
	s9 =	sand.u32 $0xF, s1  }
0x271: {  	[tilespmem:$0x4FD0] =	vst v6;
	s31 =	sshra.s32 s1, $0x1F;
	p3 =	slt.s32 s1, $0x1;
	p2 =	sne.s32 s9, $0x0  }
0x272: {  	[tilespmem:$0x4FE0] =	vst v6;
	s9 =	sshrl.u32 s31, $0x1C;
	p2 =	por !p3, !p2  }
0x273: {  	[tilespmem:$0x4FF0] =	vst v6;
	s1 =	sadd.s32 s9, s1;
	s9 =	simm.s32 $0x1;
	p2 =	por !p2, !p2  }
0x274: {  	[tilespmem:$0x5000] =	vst v6;
	s1 =	sshra.s32 s1, $0x4;
	s9 =	simm.s32 @!p2 $0x0  }
0x275: {  	[tilespmem:$0x5010] =	vst v6;
	s28 =	ssub.s32 s1, s9  }
0x276: {  	[tilespmem:$0x5020] =	vst v6;
	p3 =	slt.s32 s28, $0x1  }
.Ltmp13:
0x277: {  	[tilespmem:$0x5030] =	vst v6;
	(pc) =	sbr.rel @p3 .LBB2_26-.Ltmp13, $4  }
0x278: {  	[tilespmem:$0x5040] =	vst v6  }
0x279: {  	[tilespmem:$0x5050] =	vst v6  }
0x27a: {  	[tilespmem:$0x5060] =	vst v6  }
0x27b: {  	[tilespmem:$0x5070] =	vst v6;
	v11 =	vmov s0;
	p2 =	sne.s32 s28, $0x1  }
.Ltmp14:
0x27c: {  	(pc) =	sbr.rel @!p2 .LBB2_21-.Ltmp14, $3  }
0x27d: {  	_ =	sdelay $0x1  }
0x27e: {  	s1 =	simm.s32 $0x5B00  }
0x27f: {  	s0 =	simm.s32 $0x0;
	p4 =	por $0x0, $0x0;
	v12 =	vld [tilespmem:s1+$0x0];
	s1 =	sadd.s32 $0xFFFFFFFF, s28  }
0x280: {  	_ =	sdelay $0x1  }
0x281: {  	v13 =	vor.u32 s0, v8  }
0x282: {  	vm2 =	vlt.s32 v13, v11  }
0x283: {  	v12 =	vshrl.u32 v12, $0x18  }
0x284: {  	p5 =	sne.s32 s1, $0x1  }
.Ltmp15:
0x285: {  	_ = 	snop;
	(pc) =	sbr.rel @!p5 .LBB2_23-.Ltmp15, $3  }
0x286: {  	_ =	sdelay $0x1  }
0x287: {  	s9 =	simm.s32 $0x5B10;
	[tilespmem:v12+s18+$0x0] =	vst.idx.add.s32.msk vm2, v7  }
0x288: {  	s13 =	sadd.s32 $0xFFFFFFFF, s1;
	p4 =	por $0x1, $0x1;
	s1 =	simm.s32 $0x0;
	v12 =	vld [tilespmem:s9+$0x0]  }
.LBB2_24:
0x289: {  	p5 =	sne.s32 s13, $0x1  }
0x28a: {  	s1 =	sadd.s32 $0x10, s1  }
0x28b: {  	v13 =	vor.u32 s1, v8  }
0x28c: {  	vm2 =	vlt.s32 v13, v11  }
0x28d: {  	v12 =	vshrl.u32 v12, $0x18;
	_ =	sdelay $0x1  }
.Ltmp16:
0x28e: {  	(pc) =	sbr.rel @p5 .LBB2_24-.Ltmp16, $3  }
0x28f: {  	_ =	sdelay $0x1  }
0x290: {  	s9 =	sadd.s32 $0x10, s9;
	[tilespmem:v12+s18+$0x0] =	vst.idx.add.s32.msk vm2, v7  }
0x291: {  	s13 =	sadd.s32 $0xFFFFFFFF, s13;
	v12 =	vld [tilespmem:s9+$0x0]  }
.LBB2_25:
0x292: {  	s1 =	sadd.s32 @p4 $0x10, s1  }
0x293: {  	s0 =	smov.u32 @p4 s1  }
0x294: {  	v13 =	vor.u32 s0, v8  }
0x295: {  	vm2 =	vlt.s32 v13, v11  }
0x296: {  	v12 =	vshrl.u32 v12, $0x18;
	_ =	sdelay $0x4  }
0x297: {  	[tilespmem:v12+s18+$0x0] =	vst.idx.add.s32.msk vm2, v7  }
.LBB2_26:
0x298: {  	s1 =	simm.s32 $0x0;
	s14 =	simm.s32 $0x5080;
	s0 =	simm.s32 $0x80000100  }
.LBB2_27:
0x299: {  	v12 =	vld [tilespmem:s14+$0xFFFFFFF0];
	_ =	sdelay $0x4  }
0x29a: {  	(xrf0) =	vadd.scan.msk.s32 $0xffff, v12;
	_ =	sdelay $0x5  }
0x29b: {  	v12, _, _ =	vpop (xrf0)  }
0x29c: {  	(v2sf) =	vpush v12, $0xF;
	_ =	sdelay $0xe  }
0x29d: {  	s13 =	smov.u32 s1;
	s31 =	spop (v2sf)  }
0x29e: {  	s1 =	sadd.s32 s13, s31  }
0x29f: {  	p4 =	slt.s32 s1, $0x20  }
.Ltmp17:
0x2a0: {  	_ = 	snop;
	(pc) =	sbr.rel @p4 .LBB2_27-.Ltmp17, $2  }
0x2a1: {  	_ =	sdelay $0x2  }
0x2a2: {  	s9 =	smov.u32 s14;
	s14 =	sadd.s32 $0xFFFFFFF0, s14;
	s0 =	sadd.s32 $0xFFFFFFF0, s0  }
0x2a3: {  	v12 =	vld [tilespmem:s9+$0xFFFFFFF0];
	_ =	sdelay $0x4  }
0x2a4: {  	(xrf0) =	vadd.scan.msk.s32 $0xffff, v12;
	_ =	sdelay $0x5  }
0x2a5: {  	v13, _, _ =	vpop (xrf0)  }
0x2a6: {  	(v2sf) =	vpush v13, $0xF;
	_ =	sdelay $0xe  }
0x2a7: {  	s1 =	spop (v2sf)  }
0x2a8: {  	v12 =	vsub.s32 v12, v13;
	s1 =	sadd.s32 s13, s1  }
0x2a9: {  	v12 =	vadd.s32 s1, v12  }
0x2aa: {  	vm2 =	vgt.s32 v12, $0x1F  }
0x2ab: {  	v12 =	vnsel vm2, $0x7FFFFFFF, v9  }
0x2ac: {  	(xrf0) =	vmax.scan.msk.u32 $0xffff, v12;
	_ =	sdelay $0x5  }
0x2ad: {  	v12, _, _ =	vpop (xrf0)  }
0x2ae: {  	(v2sf) =	vpush v12, $0xF;
	_ =	sdelay $0xe  }
0x2af: {  	s31 =	spop (v2sf)  }
0x2b0: {  	s10 =	sxor.u32 $0x80000000, s31  }
0x2b1: {  	v63 =	vmov s10  }
0x2b2: {  	vm2 =	veq.s32 v63, v8  }
0x2b3: {  	v12 =	vnsel vm2, $0x0, v13  }
0x2b4: {  	(xrf0) =	vadd.scan.msk.s32 $0xffff, v12;
	_ =	sdelay $0x5  }
0x2b5: {  	v12, _, _ =	vpop (xrf0)  }
0x2b6: {  	[tilespmem:$0x4F80] =	vst v6;
	(v2sf) =	vpush v12, $0xF  }
0x2b7: {  	[tilespmem:$0x4F90] =	vst v6  }
0x2b8: {  	[tilespmem:$0x4FA0] =	vst v6  }
0x2b9: {  	[tilespmem:$0x4FB0] =	vst v6  }
0x2ba: {  	[tilespmem:$0x4FC0] =	vst v6  }
0x2bb: {  	[tilespmem:$0x4FD0] =	vst v6  }
0x2bc: {  	[tilespmem:$0x4FE0] =	vst v6  }
0x2bd: {  	[tilespmem:$0x4FF0] =	vst v6  }
0x2be: {  	[tilespmem:$0x5000] =	vst v6  }
0x2bf: {  	[tilespmem:$0x5010] =	vst v6  }
0x2c0: {  	[tilespmem:$0x5020] =	vst v6  }
.Ltmp18:
0x2c1: {  	[tilespmem:$0x5030] =	vst v6;
	(pc) =	sbr.rel @p3 .LBB2_35-.Ltmp18, $4  }
0x2c2: {  	[tilespmem:$0x5040] =	vst v6  }
0x2c3: {  	[tilespmem:$0x5050] =	vst v6  }
0x2c4: {  	[tilespmem:$0x5060] =	vst v6  }
0x2c5: {  	[tilespmem:$0x5070] =	vst v6;
	s0 =	sadd.s32 s0, s31;
	s9 =	spop (v2sf)  }
0x2c6: {  	p5 =	seq.s32 s28, $0x1  }
.Ltmp19:
0x2c7: {  	_ = 	snop;
	(pc) =	sbr.rel @p5 .LBB2_30-.Ltmp19, $3  }
0x2c8: {  	_ =	sdelay $0x1  }
0x2c9: {  	s14 =	simm.s32 $0x5B00  }
0x2ca: {  	v12 =	vmov s0;
	s13 =	simm.s32 $0x0;
	p4 =	por $0x0, $0x0;
	v13 =	vld [tilespmem:s14+$0x0];
	s14 =	sadd.s32 $0xFFFFFFFF, s28  }
0x2cb: {  	_ =	sdelay $0x3  }
0x2cc: {  	v14 =	vor.u32 s13, v8;
	v15 =	vshrl.u32 v13, $0x18  }
0x2cd: {  	vm2 =	vlt.s32 v14, v11;
	vm3 =	veq.s32 v15, v12  }
0x2ce: {  	v13 =	vshrl.u32 v13, $0x10;
	vm2 =	vmand vm2, vm3  }
0x2cf: {  	v13 =	vand.u32 $0xFF, v13  }
0x2d0: {  	p5 =	seq.s32 s14, $0x1  }
.Ltmp20:
0x2d1: {  	_ = 	snop;
	(pc) =	sbr.rel @p5 .LBB2_32-.Ltmp20, $3  }
0x2d2: {  	_ =	sdelay $0x1  }
0x2d3: {  	s29 =	simm.s32 $0x5B10;
	[tilespmem:v13+s18+$0x0] =	vst.idx.add.s32.msk vm2, v7  }
0x2d4: {  	s30 =	sadd.s32 $0xFFFFFFFF, s14;
	p4 =	por $0x1, $0x1;
	s14 =	simm.s32 $0x0;
	v13 =	vld [tilespmem:s29+$0x0]  }
.LBB2_33:
0x2d5: {  	p5 =	seq.s32 s30, $0x1;
	_ =	sdelay $0x2  }
0x2d6: {  	s14 =	sadd.s32 $0x10, s14  }
0x2d7: {  	v14 =	vor.u32 s14, v8;
	v15 =	vshrl.u32 v13, $0x18  }
0x2d8: {  	vm2 =	vlt.s32 v14, v11;
	vm3 =	veq.s32 v15, v12  }
0x2d9: {  	v13 =	vshrl.u32 v13, $0x10;
	vm2 =	vmand vm2, vm3  }
0x2da: {  	v13 =	vand.u32 $0xFF, v13;
	_ =	sdelay $0x1  }
.Ltmp21:
0x2db: {  	(pc) =	sbr.rel @!p5 .LBB2_33-.Ltmp21, $3  }
0x2dc: {  	_ =	sdelay $0x1  }
0x2dd: {  	s29 =	sadd.s32 $0x10, s29;
	[tilespmem:v13+s18+$0x0] =	vst.idx.add.s32.msk vm2, v7  }
0x2de: {  	s30 =	sadd.s32 $0xFFFFFFFF, s30;
	v13 =	vld [tilespmem:s29+$0x0]  }
.LBB2_34:
0x2df: {  	_ =	sdelay $0x1  }
0x2e0: {  	s10 =	sadd.s32 @p4 $0x10, s14  }
0x2e1: {  	s13 =	smov.u32 @p4 s10  }
0x2e2: {  	v14 =	vor.u32 s13, v8;
	v15 =	vshrl.u32 v13, $0x18  }
0x2e3: {  	vm2 =	vlt.s32 v14, v11;
	vm3 =	veq.s32 v15, v12  }
0x2e4: {  	v63 =	vshrl.u32 v13, $0x10;
	vm2 =	vmand vm2, vm3  }
0x2e5: {  	v12 =	vand.u32 $0xFF, v63;
	_ =	sdelay $0x4  }
0x2e6: {  	[tilespmem:v12+s18+$0x0] =	vst.idx.add.s32.msk vm2, v7  }
.LBB2_35:
0x2e7: {  	s1 =	ssub.s32 s1, s9  }
0x2e8: {  	p4 =	slt.s32 s1, $0x20  }
.Ltmp22:
0x2e9: {  	_ = 	snop;
	(pc) =	sbr.rel @!p4 .LBB2_37-.Ltmp22, $2  }
0x2ea: {  	_ =	sdelay $0x2  }
0x2eb: {  	s9 =	simm.s32 $0x100;
	s13 =	simm.s32 $0x5070;
	s14 =	smov.u32 s1  }
.LBB2_36:
0x2ec: {  	v12 =	vld [tilespmem:s13+$0x0];
	_ =	sdelay $0x4  }
0x2ed: {  	(xrf0) =	vadd.scan.msk.s32 $0xffff, v12;
	_ =	sdelay $0x5  }
0x2ee: {  	v12, _, _ =	vpop (xrf0)  }
0x2ef: {  	(v2sf) =	vpush v12, $0xF;
	_ =	sdelay $0xe  }
0x2f0: {  	s14 =	smov.u32 s1;
	s31 =	spop (v2sf)  }
0x2f1: {  	s1 =	sadd.s32 s14, s31  }
0x2f2: {  	p4 =	slt.s32 s1, $0x20  }
.Ltmp23:
0x2f3: {  	_ = 	snop;
	(pc) =	sbr.rel @p4 .LBB2_36-.Ltmp23, $2  }
0x2f4: {  	_ =	sdelay $0x2  }
0x2f5: {  	s9 =	sadd.s32 $0xFFFFFFF0, s9;
	s13 =	sadd.s32 $0xFFFFFFF0, s13  }
.LBB2_37:
0x2f6: {  	v12 =	vld [tilespmem:s9+$0x4F80];
	_ =	sdelay $0x4  }
0x2f7: {  	(xrf0) =	vadd.scan.msk.s32 $0xffff, v12;
	_ =	sdelay $0x5  }
0x2f8: {  	v13, _, _ =	vpop (xrf0)  }
0x2f9: {  	(v2sf) =	vpush v13, $0xF;
	_ =	sdelay $0xe  }
0x2fa: {  	s1 =	spop (v2sf)  }
0x2fb: {  	v12 =	vsub.s32 v12, v13;
	s1 =	sadd.s32 s14, s1  }
0x2fc: {  	v12 =	vadd.s32 s1, v12  }
0x2fd: {  	vm2 =	vgt.s32 v12, $0x1F  }
0x2fe: {  	v12 =	vnsel vm2, $0x7FFFFFFF, v9  }
0x2ff: {  	(xrf0) =	vmax.scan.msk.u32 $0xffff, v12;
	_ =	sdelay $0x5  }
0x300: {  	v12, _, _ =	vpop (xrf0)  }
0x301: {  	(v2sf) =	vpush v12, $0xF;
	_ =	sdelay $0xe  }
0x302: {  	s10 =	spop (v2sf)  }
0x303: {  	s10 =	sxor.u32 $0x80000000, s10  }
0x304: {  	v63 =	vmov s10  }
0x305: {  	vm2 =	veq.s32 v63, v8  }
0x306: {  	v12 =	vnsel vm2, $0x0, v13  }
0x307: {  	(xrf0) =	vadd.scan.msk.s32 $0xffff, v12;
	_ =	sdelay $0x5  }
0x308: {  	v12, _, _ =	vpop (xrf0)  }
0x309: {  	[tilespmem:$0x4F80] =	vst v6;
	(v2sf) =	vpush v12, $0xF  }
0x30a: {  	[tilespmem:$0x4F90] =	vst v6  }
0x30b: {  	[tilespmem:$0x4FA0] =	vst v6  }
0x30c: {  	[tilespmem:$0x4FB0] =	vst v6  }
0x30d: {  	[tilespmem:$0x4FC0] =	vst v6  }
0x30e: {  	[tilespmem:$0x4FD0] =	vst v6  }
0x30f: {  	[tilespmem:$0x4FE0] =	vst v6  }
0x310: {  	[tilespmem:$0x4FF0] =	vst v6  }
0x311: {  	[tilespmem:$0x5000] =	vst v6  }
0x312: {  	[tilespmem:$0x5010] =	vst v6  }
0x313: {  	[tilespmem:$0x5020] =	vst v6  }
.Ltmp24:
0x314: {  	[tilespmem:$0x5030] =	vst v6;
	(pc) =	sbr.rel @p3 .LBB2_44-.Ltmp24, $4  }
0x315: {  	[tilespmem:$0x5040] =	vst v6  }
0x316: {  	[tilespmem:$0x5050] =	vst v6  }
0x317: {  	[tilespmem:$0x5060] =	vst v6;
	s0 =	sshll.u32 s0, $0x8;
	s10 =	sadd.s32 s9, s10  }
0x318: {  	[tilespmem:$0x5070] =	vst v6;
	s0 =	sor.u32 s0, s10;
	s9 =	spop (v2sf)  }
0x319: {  	p5 =	seq.s32 s28, $0x1  }
.Ltmp25:
0x31a: {  	_ = 	snop;
	(pc) =	sbr.rel @p5 .LBB2_39-.Ltmp25, $3  }
0x31b: {  	_ =	sdelay $0x1  }
0x31c: {  	s14 =	simm.s32 $0x5B00  }
0x31d: {  	v12 =	vmov s0;
	s13 =	simm.s32 $0x0;
	p4 =	por $0x0, $0x0;
	v13 =	vld [tilespmem:s14+$0x0];
	s14 =	sadd.s32 $0xFFFFFFFF, s28  }
0x31e: {  	_ =	sdelay $0x3  }
0x31f: {  	v14 =	vor.u32 s13, v8;
	v15 =	vshrl.u32 v13, $0x10  }
0x320: {  	vm2 =	vlt.s32 v14, v11;
	vm3 =	veq.s32 v15, v12  }
0x321: {  	v13 =	vshrl.u32 v13, $0x8;
	vm2 =	vmand vm2, vm3  }
0x322: {  	v13 =	vand.u32 $0xFF, v13  }
0x323: {  	p5 =	seq.s32 s14, $0x1  }
.Ltmp26:
0x324: {  	_ = 	snop;
	(pc) =	sbr.rel @p5 .LBB2_41-.Ltmp26, $3  }
0x325: {  	_ =	sdelay $0x1  }
0x326: {  	s29 =	simm.s32 $0x5B10;
	[tilespmem:v13+s18+$0x0] =	vst.idx.add.s32.msk vm2, v7  }
0x327: {  	s30 =	sadd.s32 $0xFFFFFFFF, s14;
	p4 =	por $0x1, $0x1;
	s14 =	simm.s32 $0x0;
	v13 =	vld [tilespmem:s29+$0x0]  }
.LBB2_42:
0x328: {  	p5 =	seq.s32 s30, $0x1;
	_ =	sdelay $0x2  }
0x329: {  	s14 =	sadd.s32 $0x10, s14  }
0x32a: {  	v14 =	vor.u32 s14, v8;
	v15 =	vshrl.u32 v13, $0x10  }
0x32b: {  	vm2 =	vlt.s32 v14, v11;
	vm3 =	veq.s32 v15, v12  }
0x32c: {  	v13 =	vshrl.u32 v13, $0x8;
	vm2 =	vmand vm2, vm3  }
0x32d: {  	v13 =	vand.u32 $0xFF, v13;
	_ =	sdelay $0x1  }
.Ltmp27:
0x32e: {  	(pc) =	sbr.rel @!p5 .LBB2_42-.Ltmp27, $3  }
0x32f: {  	_ =	sdelay $0x1  }
0x330: {  	s29 =	sadd.s32 $0x10, s29;
	[tilespmem:v13+s18+$0x0] =	vst.idx.add.s32.msk vm2, v7  }
0x331: {  	s30 =	sadd.s32 $0xFFFFFFFF, s30;
	v13 =	vld [tilespmem:s29+$0x0]  }
.LBB2_43:
0x332: {  	_ =	sdelay $0x1  }
0x333: {  	s10 =	sadd.s32 @p4 $0x10, s14  }
0x334: {  	s13 =	smov.u32 @p4 s10  }
0x335: {  	v14 =	vor.u32 s13, v8;
	v15 =	vshrl.u32 v13, $0x10  }
0x336: {  	vm2 =	vlt.s32 v14, v11;
	vm3 =	veq.s32 v15, v12  }
0x337: {  	v63 =	vshrl.u32 v13, $0x8;
	vm2 =	vmand vm2, vm3  }
0x338: {  	v12 =	vand.u32 $0xFF, v63;
	_ =	sdelay $0x4  }
0x339: {  	[tilespmem:v12+s18+$0x0] =	vst.idx.add.s32.msk vm2, v7  }
.LBB2_44:
0x33a: {  	s1 =	ssub.s32 s1, s9  }
0x33b: {  	p4 =	slt.s32 s1, $0x20  }
.Ltmp28:
0x33c: {  	_ = 	snop;
	(pc) =	sbr.rel @!p4 .LBB2_46-.Ltmp28, $2  }
0x33d: {  	_ =	sdelay $0x2  }
0x33e: {  	s9 =	simm.s32 $0x100;
	s13 =	simm.s32 $0x5070;
	s14 =	smov.u32 s1  }
.LBB2_45:
0x33f: {  	v12 =	vld [tilespmem:s13+$0x0];
	_ =	sdelay $0x4  }
0x340: {  	(xrf0) =	vadd.scan.msk.s32 $0xffff, v12;
	_ =	sdelay $0x5  }
0x341: {  	v12, _, _ =	vpop (xrf0)  }
0x342: {  	(v2sf) =	vpush v12, $0xF;
	_ =	sdelay $0xe  }
0x343: {  	s14 =	smov.u32 s1;
	s31 =	spop (v2sf)  }
0x344: {  	s1 =	sadd.s32 s14, s31  }
0x345: {  	p4 =	slt.s32 s1, $0x20  }
.Ltmp29:
0x346: {  	_ = 	snop;
	(pc) =	sbr.rel @p4 .LBB2_45-.Ltmp29, $2  }
0x347: {  	_ =	sdelay $0x2  }
0x348: {  	s9 =	sadd.s32 $0xFFFFFFF0, s9;
	s13 =	sadd.s32 $0xFFFFFFF0, s13  }
.LBB2_46:
0x349: {  	v12 =	vld [tilespmem:s9+$0x4F80];
	_ =	sdelay $0x4  }
0x34a: {  	(xrf0) =	vadd.scan.msk.s32 $0xffff, v12;
	_ =	sdelay $0x5  }
0x34b: {  	v13, _, _ =	vpop (xrf0)  }
0x34c: {  	(v2sf) =	vpush v13, $0xF;
	_ =	sdelay $0xe  }
0x34d: {  	s1 =	spop (v2sf)  }
0x34e: {  	v12 =	vsub.s32 v12, v13;
	s1 =	sadd.s32 s14, s1  }
0x34f: {  	v12 =	vadd.s32 s1, v12  }
0x350: {  	vm2 =	vgt.s32 v12, $0x1F  }
0x351: {  	v12 =	vnsel vm2, $0x7FFFFFFF, v9  }
0x352: {  	(xrf0) =	vmax.scan.msk.u32 $0xffff, v12;
	_ =	sdelay $0x5  }
0x353: {  	v12, _, _ =	vpop (xrf0)  }
0x354: {  	(v2sf) =	vpush v12, $0xF;
	_ =	sdelay $0xe  }
0x355: {  	s10 =	spop (v2sf)  }
0x356: {  	s10 =	sxor.u32 $0x80000000, s10  }
0x357: {  	v63 =	vmov s10  }
0x358: {  	vm2 =	veq.s32 v63, v8  }
0x359: {  	v12 =	vnsel vm2, $0x0, v13  }
0x35a: {  	(xrf0) =	vadd.scan.msk.s32 $0xffff, v12;
	_ =	sdelay $0x5  }
0x35b: {  	v12, _, _ =	vpop (xrf0)  }
0x35c: {  	[tilespmem:$0x4F80] =	vst v6;
	(v2sf) =	vpush v12, $0xF  }
0x35d: {  	[tilespmem:$0x4F90] =	vst v6  }
0x35e: {  	[tilespmem:$0x4FA0] =	vst v6  }
0x35f: {  	[tilespmem:$0x4FB0] =	vst v6  }
0x360: {  	[tilespmem:$0x4FC0] =	vst v6  }
0x361: {  	[tilespmem:$0x4FD0] =	vst v6  }
0x362: {  	[tilespmem:$0x4FE0] =	vst v6  }
0x363: {  	[tilespmem:$0x4FF0] =	vst v6  }
0x364: {  	[tilespmem:$0x5000] =	vst v6  }
0x365: {  	[tilespmem:$0x5010] =	vst v6  }
0x366: {  	[tilespmem:$0x5020] =	vst v6  }
.Ltmp30:
0x367: {  	[tilespmem:$0x5030] =	vst v6;
	(pc) =	sbr.rel @p3 .LBB2_53-.Ltmp30, $4  }
0x368: {  	[tilespmem:$0x5040] =	vst v6  }
0x369: {  	[tilespmem:$0x5050] =	vst v6  }
0x36a: {  	[tilespmem:$0x5060] =	vst v6;
	s31 =	sshll.u32 s0, $0x8;
	s30 =	sadd.s32 s9, s10  }
0x36b: {  	[tilespmem:$0x5070] =	vst v6;
	s9 =	sor.u32 s31, s30;
	s0 =	spop (v2sf)  }
0x36c: {  	p5 =	seq.s32 s28, $0x1  }
.Ltmp31:
0x36d: {  	_ = 	snop;
	(pc) =	sbr.rel @p5 .LBB2_48-.Ltmp31, $3  }
0x36e: {  	_ =	sdelay $0x1  }
0x36f: {  	s14 =	simm.s32 $0x5B00  }
0x370: {  	v12 =	vmov s9;
	s13 =	simm.s32 $0x0;
	p4 =	por $0x0, $0x0;
	v13 =	vld [tilespmem:s14+$0x0];
	s14 =	sadd.s32 $0xFFFFFFFF, s28  }
0x371: {  	_ =	sdelay $0x3  }
0x372: {  	v14 =	vor.u32 s13, v8;
	v15 =	vshrl.u32 v13, $0x8  }
0x373: {  	vm2 =	vlt.s32 v14, v11;
	vm3 =	veq.s32 v15, v12  }
0x374: {  	vm2 =	vmand vm2, vm3  }
0x375: {  	v13 =	vand.u32 $0xFF, v13  }
0x376: {  	p5 =	seq.s32 s14, $0x1  }
.Ltmp32:
0x377: {  	_ = 	snop;
	(pc) =	sbr.rel @p5 .LBB2_50-.Ltmp32, $3  }
0x378: {  	_ =	sdelay $0x1  }
0x379: {  	s29 =	simm.s32 $0x5B10;
	[tilespmem:v13+s18+$0x0] =	vst.idx.add.s32.msk vm2, v7  }
0x37a: {  	s30 =	sadd.s32 $0xFFFFFFFF, s14;
	p4 =	por $0x1, $0x1;
	s14 =	simm.s32 $0x0;
	v13 =	vld [tilespmem:s29+$0x0]  }
.LBB2_51:
0x37b: {  	p5 =	seq.s32 s30, $0x1;
	_ =	sdelay $0x2  }
0x37c: {  	s14 =	sadd.s32 $0x10, s14  }
0x37d: {  	v14 =	vor.u32 s14, v8;
	v15 =	vshrl.u32 v13, $0x8  }
0x37e: {  	vm2 =	vlt.s32 v14, v11;
	vm3 =	veq.s32 v15, v12  }
0x37f: {  	vm2 =	vmand vm2, vm3  }
0x380: {  	v13 =	vand.u32 $0xFF, v13;
	_ =	sdelay $0x1  }
.Ltmp33:
0x381: {  	(pc) =	sbr.rel @!p5 .LBB2_51-.Ltmp33, $3  }
0x382: {  	_ =	sdelay $0x1  }
0x383: {  	s29 =	sadd.s32 $0x10, s29;
	[tilespmem:v13+s18+$0x0] =	vst.idx.add.s32.msk vm2, v7  }
0x384: {  	s30 =	sadd.s32 $0xFFFFFFFF, s30;
	v13 =	vld [tilespmem:s29+$0x0]  }
.LBB2_52:
0x385: {  	_ =	sdelay $0x1  }
0x386: {  	s10 =	sadd.s32 @p4 $0x10, s14  }
0x387: {  	s13 =	smov.u32 @p4 s10  }
0x388: {  	v14 =	vor.u32 s13, v8;
	v15 =	vshrl.u32 v13, $0x8  }
0x389: {  	vm2 =	vlt.s32 v14, v11;
	vm3 =	veq.s32 v15, v12  }
0x38a: {  	vm2 =	vmand vm2, vm3  }
0x38b: {  	v63 =	vand.u32 $0xFF, v13;
	_ =	sdelay $0x4  }
0x38c: {  	[tilespmem:v63+s18+$0x0] =	vst.idx.add.s32.msk vm2, v7  }
.LBB2_53:
0x38d: {  	s0 =	ssub.s32 s1, s0  }
0x38e: {  	p4 =	slt.s32 s0, $0x20  }
.Ltmp34:
0x38f: {  	_ = 	snop;
	(pc) =	sbr.rel @!p4 .LBB2_55-.Ltmp34, $2  }
0x390: {  	_ =	sdelay $0x2  }
0x391: {  	s13 =	simm.s32 $0x100;
	s1 =	simm.s32 $0x5070;
	s14 =	smov.u32 s0  }
.LBB2_54:
0x392: {  	v12 =	vld [tilespmem:s1+$0x0];
	_ =	sdelay $0x4  }
0x393: {  	(xrf0) =	vadd.scan.msk.s32 $0xffff, v12;
	_ =	sdelay $0x5  }
0x394: {  	v12, _, _ =	vpop (xrf0)  }
0x395: {  	(v2sf) =	vpush v12, $0xF;
	_ =	sdelay $0xe  }
0x396: {  	s14 =	smov.u32 s0;
	s31 =	spop (v2sf)  }
0x397: {  	s0 =	sadd.s32 s14, s31  }
0x398: {  	p4 =	slt.s32 s0, $0x20  }
.Ltmp35:
0x399: {  	_ = 	snop;
	(pc) =	sbr.rel @p4 .LBB2_54-.Ltmp35, $2  }
0x39a: {  	_ =	sdelay $0x2  }
0x39b: {  	s13 =	sadd.s32 $0xFFFFFFF0, s13;
	s1 =	sadd.s32 $0xFFFFFFF0, s1  }
.LBB2_55:
0x39c: {  	v12 =	vld [tilespmem:s13+$0x4F80];
	_ =	sdelay $0x4  }
0x39d: {  	(xrf0) =	vadd.scan.msk.s32 $0xffff, v12;
	_ =	sdelay $0x5  }
0x39e: {  	v13, _, _ =	vpop (xrf0)  }
0x39f: {  	(v2sf) =	vpush v13, $0xF;
	_ =	sdelay $0xe  }
0x3a0: {  	s0 =	spop (v2sf)  }
0x3a1: {  	v12 =	vsub.s32 v12, v13;
	s0 =	sadd.s32 s14, s0  }
0x3a2: {  	v12 =	vadd.s32 s0, v12  }
0x3a3: {  	vm2 =	vgt.s32 v12, $0x1F  }
0x3a4: {  	v12 =	vnsel vm2, $0x7FFFFFFF, v9  }
0x3a5: {  	(xrf0) =	vmax.scan.msk.u32 $0xffff, v12;
	_ =	sdelay $0x5  }
0x3a6: {  	v12, _, _ =	vpop (xrf0)  }
0x3a7: {  	(v2sf) =	vpush v12, $0xF;
	_ =	sdelay $0xe  }
0x3a8: {  	s1 =	spop (v2sf)  }
0x3a9: {  	s14 =	sxor.u32 $0x80000000, s1  }
0x3aa: {  	v63 =	vmov s14  }
0x3ab: {  	vm2 =	veq.s32 v63, v8  }
0x3ac: {  	v12 =	vnsel vm2, $0x0, v13  }
0x3ad: {  	(xrf0) =	vadd.scan.msk.s32 $0xffff, v12;
	_ =	sdelay $0x5  }
0x3ae: {  	v12, _, _ =	vpop (xrf0)  }
0x3af: {  	(v2sf) =	vpush v12, $0xF;
	_ =	sdelay $0xa  }
.Ltmp36:
0x3b0: {  	_ = 	snop;
	(pc) =	sbr.rel @p3 .LBB2_63-.Ltmp36, $2  }
0x3b1: {  	_ =	sdelay $0x2  }
0x3b2: {  	s1 =	spop (v2sf)  }
.Ltmp37:
0x3b3: {  	(pc) =	sbr.rel @!p2 .LBB2_57-.Ltmp37, $4  }
0x3b4: {  	_ = 	snop  }
0x3b5: {  	s10 =	sadd.s32 s13, s14;
	s9 =	sshll.u32 s9, $0x8  }
0x3b6: {  	s31 =	simm.s32 $0x5B00;
	s13 =	simm.s32 $0x0;
	s10 =	sor.u32 s9, s10  }
0x3b7: {  	v15 =	vimm.s32 $0x0;
	s14 =	sadd.s32 $0xFFFFFFFF, s28;
	p3 =	por $0x0, $0x0;
	s9 =	simm.s32 $0x8280;
	v17 =	vld [tilespmem:s31+$0x0];
	v12 =	vmov s10  }
0x3b8: {  	_ =	sdelay $0x2  }
0x3b9: {  	v13 =	vor.u32 s13, v8  }
0x3ba: {  	vm2 =	vlt.s32 v13, v11;
	vm3 =	vgt.s32 v17, v12  }
0x3bb: {  	vm4 =	veq.s32 v17, v12;
	vm3 =	vmand vm2, vm3  }
0x3bc: {  	vm2 =	vmand vm2, vm4;
	v13 =	vsel vm3, $0x1, v6  }
0x3bd: {  	v14 =	vsel vm2, $0x1, v6;
	(xrf0) =	vadd.scan.msk.s32 $0xffff, v13  }
0x3be: {  	(xrf0) =	vadd.scan.msk.s32 $0xffff, v14;
	_ =	sdelay $0x3  }
0x3bf: {  	v13 =	vsel vm3, $0xFFFFFFFF, v6  }
0x3c0: {  	v14 =	vsel vm2, $0xFFFFFFFF, v6;
	v13 =	vadd.s32 v13, v15;
	v16, _, _ =	vpop (xrf0)  }
0x3c1: {  	v17 =	vld [tilespmem:s9+$0x0];
	v14 =	vadd.s32 v14, v15;
	v13 =	vadd.s32 v16, v13;
	v16, _, _ =	vpop (xrf0)  }
0x3c2: {  	v16 =	vadd.s32 v16, v14;
	_ =	sdelay $0x1  }
0x3c3: {  	p2 =	sne.s32 s14, $0x1  }
.Ltmp38:
0x3c4: {  	_ = 	snop;
	(pc) =	sbr.rel @!p2 .LBB2_59-.Ltmp38, $4  }
0x3c5: {  	v18 =	vmpcnt.ones.xlane vm2;
	v14 =	vmpcnt.ones.xlane vm3;
	[tilespmem:v13+s19+$0x0] =	vst.idx.msk vm3, v17  }
0x3c6: {  	s29 =	simm.s32 $0x5B10;
	[tilespmem:v16+s20+$0x0] =	vst.idx.msk vm2, v17  }
0x3c7: {  	s30 =	sadd.s32 $0xFFFFFFFF, s14;
	v14 =	vadd.s32 v15, v14;
	v13 =	vadd.s32 v15, v18;
	v17 =	vld [tilespmem:s29+$0x0]  }
0x3c8: {  	p3 =	por $0x1, $0x1;
	s28 =	simm.s32 $0x0;
	s14 =	simm.s32 $0x8280;
	v15 =	vmov v14;
	v16 =	vmov v13  }
.LBB2_60:
0x3c9: {  	p2 =	sne.s32 s30, $0x1  }
0x3ca: {  	s28 =	sadd.s32 $0x10, s28  }
0x3cb: {  	v18 =	vor.u32 s28, v8  }
0x3cc: {  	vm3 =	vlt.s32 v18, v11;
	vm2 =	vgt.s32 v17, v12  }
0x3cd: {  	vm4 =	veq.s32 v17, v12;
	vm2 =	vmand vm3, vm2  }
0x3ce: {  	vm3 =	vmand vm3, vm4;
	v17 =	vsel vm2, $0x1, v6;
	v18 =	vmpcnt.ones.xlane vm2  }
0x3cf: {  	v19 =	vsel vm3, $0x1, v6;
	v20 =	vmpcnt.ones.xlane vm3;
	(xrf0) =	vadd.scan.msk.s32 $0xffff, v17  }
0x3d0: {  	v15 =	vadd.s32 v15, v18;
	(xrf0) =	vadd.scan.msk.s32 $0xffff, v19  }
0x3d1: {  	v16 =	vadd.s32 v16, v20;
	_ =	sdelay $0x2  }
0x3d2: {  	v17 =	vsel vm2, $0xFFFFFFFF, v6  }
0x3d3: {  	s14 =	sadd.s32 $0x10, s14;
	v18 =	vsel vm3, $0xFFFFFFFF, v6;
	v17 =	vadd.s32 v17, v14;
	v14 =	vmov v15;
	v19, _, _ =	vpop (xrf0)  }
0x3d4: {  	v18 =	vadd.s32 v18, v13;
	v13 =	vmov v16;
	v20 =	vld [tilespmem:s14+$0x0];
	v17 =	vadd.s32 v19, v17;
	v19, _, _ =	vpop (xrf0)  }
0x3d5: {  	v18 =	vadd.s32 v19, v18;
	_ =	sdelay $0x2  }
.Ltmp39:
0x3d6: {  	(pc) =	sbr.rel @p2 .LBB2_60-.Ltmp39, $4  }
0x3d7: {  	[tilespmem:v17+s19+$0x0] =	vst.idx.msk vm2, v20  }
0x3d8: {  	s29 =	sadd.s32 $0x10, s29;
	[tilespmem:v18+s20+$0x0] =	vst.idx.msk vm3, v20  }
0x3d9: {  	v17 =	vld [tilespmem:s29+$0x0]  }
0x3da: {  	s30 =	sadd.s32 $0xFFFFFFFF, s30  }
0x3db: {  	v15 =	vmov v14  }
.LBB2_62:
0x3dc: {  	s10 =	sadd.s32 @p3 $0x10, s28  }
0x3dd: {  	s13 =	smov.u32 @p3 s10  }
0x3de: {  	v14 =	vor.u32 s13, v8  }
0x3df: {  	vm3 =	vgt.s32 v17, v12;
	vm2 =	vlt.s32 v14, v11  }
0x3e0: {  	vm4 =	veq.s32 v17, v12;
	vm3 =	vmand vm2, vm3  }
0x3e1: {  	vm2 =	vmand vm2, vm4;
	v11 =	vsel vm3, $0x1, v6  }
0x3e2: {  	v59 =	vsel vm2, $0x1, v6;
	(xrf0) =	vadd.scan.msk.s32 $0xffff, v11  }
0x3e3: {  	(xrf0) =	vadd.scan.msk.s32 $0xffff, v59;
	_ =	sdelay $0x3  }
0x3e4: {  	s10 =	sadd.s32 @p3 $0x10, s14;
	v11 =	vsel vm3, $0xFFFFFFFF, v6  }
0x3e5: {  	s9 =	smov.u32 @p3 s10;
	v60 =	vsel vm2, $0xFFFFFFFF, v6;
	v11 =	vadd.s32 v11, v15;
	v61, _, _ =	vpop (xrf0)  }
0x3e6: {  	v62 =	vld [tilespmem:s9+$0x0];
	v12 =	vadd.s32 v60, v13;
	v11 =	vadd.s32 v61, v11;
	v63, _, _ =	vpop (xrf0)  }
0x3e7: {  	v12 =	vadd.s32 v63, v12;
	_ =	sdelay $0x3  }
0x3e8: {  	[tilespmem:v11+s19+$0x0] =	vst.idx.msk vm3, v62  }
0x3e9: {  	[tilespmem:v12+s20+$0x0] =	vst.idx.msk vm2, v62  }
.LBB2_63:
0x3ea: {  	s0 =	ssub.s32 s0, s1  }
0x3eb: {  	v11 =	vld [tilespmem:$0xAA00];
	s1 =	ssub.s32 $0x20, s0  }
0x3ec: {  	p2 =	slt.s32 s1, $0x10  }
0x3ed: {  	s1 =	simm.s32 @!p2 $0x10  }
0x3ee: {  	v12 =	vmov s1  }
0x3ef: {  	vm2 =	vgt.s32 v12, v8  }
0x3f0: {  	[tilespmem:s0+$0xD180] =	vst.msk vm2, v11  }
0x3f1: {  	v11 =	vld [tilespmem:$0xAA10];
	_ =	sdelay $0x1  }
0x3f2: {  	s9 =	ssub.s32 $0x10, s0  }
0x3f3: {  	v63 =	vmov s9;
	s0 =	sadd.s32 $0xD180, s0  }
0x3f4: {  	vm2 =	vgt.s32 v63, v8;
	s0 =	sadd.s32 s1, s0  }
0x3f5: {  	[tilespmem:s0+$0x0] =	vst.msk vm2, v11  }
0x3f6: {  	v11 =	vld [tilespmem:$0xD180];
	_ =	sdelay $0x3  }
0x3f7: {  	s16 =	sshll.u32 s25, $0x7  }
0x3f8: {  	[tilespmem:s16+$0xD200] =	vst v11  }
0x3f9: {  	v11 =	vld [tilespmem:$0xD190]  }
0x3fa: {  	p2 =	seq.s32 s24, $0x0  }
.Ltmp40:
0x3fb: {  	_ = 	snop;
	(pc) =	sbr.rel @p2 .LBB2_67-.Ltmp40, $4  }
0x3fc: {  	_ = 	snop  }
0x3fd: {  	s28 =	sshll.u32 s25, $0xC  }
0x3fe: {  	s31 =	sadd.s32 $0x1, s25;
	s29 =	sor.u32 $0xD200, s16;
	s30 =	sadd.s32 $0xD300, s28;
	[tilespmem:s16+$0xD210] =	vst v11  }
0x3ff: {  	[tilespmem:s30], [sflag:s31] =	stream.indirect.gather [hbm4b:s6+s21], $0x80, s29, s21, $0xb8;
	[tilespmem:$0xF400] =	vst v63  }
0x400: {  	s1 =	sadd.s32 $0xFFFFFFFF, s24  }
0x401: {  	s0 =	sand.u32 $0x1, s1  }
0x402: {  	s9 =	sadd.s32 $0x1, s0  }
0x403: {  	_ =	swait.ge [sflag:s9], $0x1000  }
0x404: {  	p2 =	slt.u32 s24, $0x3;
	v12 =	vmov s26;
	[sflag:s9] =	ssyncset.done $0x0  }
0x405: {  	[sflag:s9] =	ssyncadd.s32 $0xFFFFF000;
	s9 =	sadd.s32 @!p2 $0x5, s0  }
0x406: {  	_ =	swait.ge @!p2 [sflag:s9], $0x80  }
0x407: {  	[sflag:s9] =	ssyncset.done @!p2 $0x0  }
0x408: {  	s10 =	simm.s32 $0x0;
	[sflag:s9] =	ssyncadd.s32 @!p2 $0xFFFFFF80  }
0x409: {  	v11 =	vld.idx.msk [tilespmem:v12+s10+$0x30 ss:$0x1], $0xffff  }
0x40a: {  	v15 =	vld.idx.msk [tilespmem:v12+s10+$0xFFFFFFC0 ss:$0x1], $0xffff  }
0x40b: {  	v24 =	vld.idx.msk [tilespmem:v12+s10+$0xFFFFFFD0 ss:$0x1], $0xffff  }
0x40c: {  	v19 =	vld.idx.msk [tilespmem:v12+s10+$0xFFFFFFE0 ss:$0x1], $0xffff  }
0x40d: {  	v16 =	vld.idx.msk [tilespmem:v12+s10+$0xFFFFFFF0 ss:$0x1], $0xffff  }
0x40e: {  	v18 =	vimm.f32 $-Inf;
	v23 =	vimm.f32 $-Inf;
	v14 =	vld.idx.msk [tilespmem:v12+s10+$0x0 ss:$0x1], $0xffff  }
0x40f: {  	v20 =	vimm.f32 $-Inf;
	v22 =	vimm.f32 $-Inf;
	v17 =	vimm.f32 $-Inf;
	v13 =	vld.idx.msk [tilespmem:v12+s10+$0x10 ss:$0x1], $0xffff  }
0x410: {  	s13 =	simm.s32 $0x400;
	s9 =	simm.s32 $0x80;
	v21 =	vld.idx.msk [tilespmem:v12+s10+$0x20 ss:$0x1], $0xffff;
	v11 =	vmax.f32 v18, v11;
	v25 =	vmax.f32 v18, v15;
	v15 =	vimm.f32 $-Inf  }
.LBB2_65:
0x411: {  	p2 =	sne.s32 s13, $0x3E00;
	v26 =	vld.idx.msk [tilespmem:v12+s9+$0x30 ss:$0x1], $0xffff;
	v18 =	vmax.f32 v18, v24  }
0x412: {  	v23 =	vmax.f32 v23, v19;
	v27 =	vld.idx.msk [tilespmem:v12+s9+$0xFFFFFFC0 ss:$0x1], $0xffff  }
0x413: {  	v20 =	vmax.f32 v20, v16;
	v24 =	vld.idx.msk [tilespmem:v12+s9+$0xFFFFFFD0 ss:$0x1], $0xffff  }
.Ltmp41:
0x414: {  	v22 =	vmax.f32 v22, v14;
	v19 =	vld.idx.msk [tilespmem:v12+s9+$0xFFFFFFE0 ss:$0x1], $0xffff;
	(pc) =	sbr.rel @p2 .LBB2_65-.Ltmp41, $4  }
0x415: {  	v17 =	vmax.f32 v17, v13;
	v16 =	vld.idx.msk [tilespmem:v12+s9+$0xFFFFFFF0 ss:$0x1], $0xffff  }
0x416: {  	v15 =	vmax.f32 v15, v21;
	v14 =	vld.idx.msk [tilespmem:v12+s9+$0x0 ss:$0x1], $0xffff  }
0x417: {  	v11 =	vmax.f32 v11, v26;
	v13 =	vld.idx.msk [tilespmem:v12+s9+$0x10 ss:$0x1], $0xffff  }
0x418: {  	v25 =	vmax.f32 v25, v27;
	v21 =	vld.idx.msk [tilespmem:v12+s9+$0x20 ss:$0x1], $0xffff;
	s9 =	sshra.s32 s13, $0x2;
	s13 =	sadd.s32 $0x200, s13  }
0x419: {  	_ =	sdelay $0x3  }
0x41a: {  	v26 =	vld.idx.msk [tilespmem:v12+s9+$0x30 ss:$0x1], $0xffff  }
0x41b: {  	v27 =	vld.idx.msk [tilespmem:v12+s9+$0xFFFFFFC0 ss:$0x1], $0xffff  }
0x41c: {  	v28 =	vld.idx.msk [tilespmem:v12+s9+$0xFFFFFFD0 ss:$0x1], $0xffff  }
0x41d: {  	v29 =	vld.idx.msk [tilespmem:v12+s9+$0xFFFFFFE0 ss:$0x1], $0xffff  }
0x41e: {  	v30 =	vld.idx.msk [tilespmem:v12+s9+$0xFFFFFFF0 ss:$0x1], $0xffff  }
0x41f: {  	v31 =	vld.idx.msk [tilespmem:v12+s9+$0x0 ss:$0x1], $0xffff  }
0x420: {  	v32 =	vld.idx.msk [tilespmem:v12+s9+$0x10 ss:$0x1], $0xffff;
	v18 =	vmax.f32 v18, v24;
	s30 =	sshll.u32 s0, $0x7;
	v62 =	vmax.f32 v25, v27  }
0x421: {  	v63 =	vld.idx.msk [tilespmem:v12+s9+$0x20 ss:$0x1], $0xffff;
	v19 =	vmax.f32 v23, v19;
	v18 =	vmax.f32 v18, v28;
	[tilespmem:s30+$0xF300] =	vst v62  }
0x422: {  	v16 =	vmax.f32 v20, v16;
	v19 =	vmax.f32 v19, v29;
	[tilespmem:s30+$0xF310] =	vst v18  }
0x423: {  	v14 =	vmax.f32 v22, v14;
	v16 =	vmax.f32 v16, v30;
	[tilespmem:s30+$0xF320] =	vst v19  }
0x424: {  	v13 =	vmax.f32 v17, v13;
	v14 =	vmax.f32 v14, v31;
	[tilespmem:s30+$0xF330] =	vst v16  }
.Ltmp42:
0x425: {  	v15 =	vmax.f32 v15, v21;
	v13 =	vmax.f32 v13, v32;
	[tilespmem:s30+$0xF340] =	vst v14;
	(pc) =	sbr.rel .LBB2_67-.Ltmp42, $4  }
0x426: {  	s1 =	sadd.s32 s4, s1;
	v12 =	vmax.f32 v15, v63;
	[tilespmem:s30+$0xF350] =	vst v13  }
0x427: {  	s1 =	sshll.u32 s1, $0x4;
	v11 =	vmax.f32 v11, v26;
	[tilespmem:s30+$0xF360] =	vst v12  }
0x428: {  	s31 =	sadd.s32 $0x5, s0;
	s10 =	sor.u32 $0xF300, s30;
	s1 =	sadd.s32 s2, s1;
	[tilespmem:s30+$0xF370] =	vst v11  }
0x429: {  	[hbm4b:s1+s3] =	stream.linear.scatter [tilespmem:s10], [sflag:s31], $0x80, $0x38;
	[tilespmem:$0xF400] =	vst v63  }
.LBB2_15:
.Ltmp43:
0x42a: {  	(pc) =	sbr.rel .LBB2_18-.Ltmp43, $2  }
0x42b: {  	_ =	sdelay $0x2  }
0x42c: {  	_ = 	snop  }
.LBB2_21:
.Ltmp44:
0x42d: {  	(pc) =	sbr.rel .LBB2_25-.Ltmp44, $2  }
0x42e: {  	_ =	sdelay $0x2  }
0x42f: {  	s1 =	simm.s32 $0x0  }
.LBB2_30:
.Ltmp45:
0x430: {  	(pc) =	sbr.rel .LBB2_34-.Ltmp45, $2  }
0x431: {  	_ =	sdelay $0x2  }
0x432: {  	s14 =	simm.s32 $0x0  }
.LBB2_39:
.Ltmp46:
0x433: {  	(pc) =	sbr.rel .LBB2_43-.Ltmp46, $2  }
0x434: {  	_ =	sdelay $0x2  }
0x435: {  	s14 =	simm.s32 $0x0  }
.LBB2_48:
.Ltmp47:
0x436: {  	(pc) =	sbr.rel .LBB2_52-.Ltmp47, $2  }
0x437: {  	_ =	sdelay $0x2  }
0x438: {  	s14 =	simm.s32 $0x0  }
.LBB2_57:
.Ltmp48:
0x439: {  	(pc) =	sbr.rel .LBB2_62-.Ltmp48, $2  }
0x43a: {  	_ =	sdelay $0x2  }
0x43b: {  	s28 =	simm.s32 $0x0;
	s14 =	simm.s32 $0x8280;
	v13 =	vimm.s32 $0x0  }
.LBB2_23:
.Ltmp49:
0x43c: {  	(pc) =	sbr.rel .LBB2_25-.Ltmp49, $2  }
0x43d: {  	_ =	sdelay $0x2  }
0x43e: {  	s1 =	simm.s32 $0x0  }
.LBB2_32:
.Ltmp50:
0x43f: {  	(pc) =	sbr.rel .LBB2_34-.Ltmp50, $2  }
0x440: {  	_ =	sdelay $0x2  }
0x441: {  	s14 =	simm.s32 $0x0  }
.LBB2_41:
.Ltmp51:
0x442: {  	(pc) =	sbr.rel .LBB2_43-.Ltmp51, $2  }
0x443: {  	_ =	sdelay $0x2  }
0x444: {  	s14 =	simm.s32 $0x0  }
.LBB2_50:
.Ltmp52:
0x445: {  	(pc) =	sbr.rel .LBB2_52-.Ltmp52, $2  }
0x446: {  	_ =	sdelay $0x2  }
0x447: {  	s14 =	simm.s32 $0x0  }
.LBB2_59:
.Ltmp53:
0x448: {  	(pc) =	sbr.rel .LBB2_62-.Ltmp53, $2  }
0x449: {  	_ =	sdelay $0x2  }
0x44a: {  	s28 =	simm.s32 $0x0;
	v15 =	vmov v14;
	s14 =	simm.s32 $0x8280  }
.LBB2_68:
0x44b: {  	s0 =	rddreg [dreg:$0x4]  }
0x44c: {  	_ =	swait.ge [sflag:s0], $0x1000  }
0x44d: {  	[sflag:s0] =	ssyncset.done $0x0  }
0x44e: {  	[sflag:s0] =	ssyncadd.s32 $0xFFFFF000  }
0x44f: {  	_ =	swait.ge [sflag:s11], $0x80  }
0x450: {  	[sflag:s11] =	ssyncset.done $0x0  }
0x451: {  	s9 =	simm.s32 $0x0;
	[sflag:s11] =	ssyncadd.s32 $0xFFFFFF80  }
0x452: {  	v11 =	vld.idx.msk [tilespmem:v10+s9+$0x30 ss:$0x1], $0xffff  }
0x453: {  	v14 =	vld.idx.msk [tilespmem:v10+s9+$0xFFFFFFC0 ss:$0x1], $0xffff  }
0x454: {  	v22 =	vld.idx.msk [tilespmem:v10+s9+$0xFFFFFFD0 ss:$0x1], $0xffff  }
0x455: {  	v18 =	vld.idx.msk [tilespmem:v10+s9+$0xFFFFFFE0 ss:$0x1], $0xffff  }
0x456: {  	v16 =	vld.idx.msk [tilespmem:v10+s9+$0xFFFFFFF0 ss:$0x1], $0xffff  }
0x457: {  	v15 =	vimm.f32 $-Inf;
	v23 =	vimm.f32 $-Inf;
	v13 =	vld.idx.msk [tilespmem:v10+s9+$0x0 ss:$0x1], $0xffff  }
0x458: {  	v19 =	vimm.f32 $-Inf;
	v21 =	vimm.f32 $-Inf;
	v17 =	vimm.f32 $-Inf;
	v12 =	vld.idx.msk [tilespmem:v10+s9+$0x10 ss:$0x1], $0xffff  }
0x459: {  	s1 =	simm.s32 $0x400;
	s0 =	simm.s32 $0x80;
	v20 =	vld.idx.msk [tilespmem:v10+s9+$0x20 ss:$0x1], $0xffff;
	v11 =	vmax.f32 v15, v11;
	v24 =	vmax.f32 v15, v14;
	v14 =	vimm.f32 $-Inf  }
.LBB2_69:
0x45a: {  	p0 =	sne.s32 s1, $0x3E00;
	v25 =	vld.idx.msk [tilespmem:v10+s0+$0x30 ss:$0x1], $0xffff;
	v15 =	vmax.f32 v15, v22  }
0x45b: {  	v23 =	vmax.f32 v23, v18;
	v26 =	vld.idx.msk [tilespmem:v10+s0+$0xFFFFFFC0 ss:$0x1], $0xffff  }
0x45c: {  	v19 =	vmax.f32 v19, v16;
	v22 =	vld.idx.msk [tilespmem:v10+s0+$0xFFFFFFD0 ss:$0x1], $0xffff  }
.Ltmp54:
0x45d: {  	v21 =	vmax.f32 v21, v13;
	v18 =	vld.idx.msk [tilespmem:v10+s0+$0xFFFFFFE0 ss:$0x1], $0xffff;
	(pc) =	sbr.rel @p0 .LBB2_69-.Ltmp54, $4  }
0x45e: {  	v17 =	vmax.f32 v17, v12;
	v16 =	vld.idx.msk [tilespmem:v10+s0+$0xFFFFFFF0 ss:$0x1], $0xffff  }
0x45f: {  	v14 =	vmax.f32 v14, v20;
	v13 =	vld.idx.msk [tilespmem:v10+s0+$0x0 ss:$0x1], $0xffff  }
0x460: {  	v11 =	vmax.f32 v11, v25;
	v12 =	vld.idx.msk [tilespmem:v10+s0+$0x10 ss:$0x1], $0xffff  }
0x461: {  	v24 =	vmax.f32 v24, v26;
	v20 =	vld.idx.msk [tilespmem:v10+s0+$0x20 ss:$0x1], $0xffff;
	s0 =	sshra.s32 s1, $0x2;
	s1 =	sadd.s32 $0x200, s1  }
0x462: {  	_ =	sdelay $0x3  }
0x463: {  	v25 =	vld.idx.msk [tilespmem:v10+s0+$0x30 ss:$0x1], $0xffff  }
0x464: {  	v26 =	vld.idx.msk [tilespmem:v10+s0+$0xFFFFFFC0 ss:$0x1], $0xffff  }
0x465: {  	v27 =	vld.idx.msk [tilespmem:v10+s0+$0xFFFFFFD0 ss:$0x1], $0xffff  }
0x466: {  	v28 =	vld.idx.msk [tilespmem:v10+s0+$0xFFFFFFE0 ss:$0x1], $0xffff  }
0x467: {  	v29 =	vld.idx.msk [tilespmem:v10+s0+$0xFFFFFFF0 ss:$0x1], $0xffff  }
0x468: {  	v30 =	vld.idx.msk [tilespmem:v10+s0+$0x0 ss:$0x1], $0xffff  }
0x469: {  	v31 =	vld.idx.msk [tilespmem:v10+s0+$0x10 ss:$0x1], $0xffff;
	v15 =	vmax.f32 v15, v22;
	v60 =	vmax.f32 v24, v26  }
0x46a: {  	v61 =	vld.idx.msk [tilespmem:v10+s0+$0x20 ss:$0x1], $0xffff;
	v18 =	vmax.f32 v23, v18;
	v15 =	vmax.f32 v15, v27;
	[tilespmem:s12+$0xF300] =	vst v60  }
0x46b: {  	v16 =	vmax.f32 v19, v16;
	v18 =	vmax.f32 v18, v28;
	[tilespmem:s12+$0xF310] =	vst v15  }
0x46c: {  	v13 =	vmax.f32 v21, v13;
	v62 =	vmax.f32 v16, v29;
	[tilespmem:s12+$0xF320] =	vst v18  }
0x46d: {  	v12 =	vmax.f32 v17, v12;
	v13 =	vmax.f32 v13, v30;
	[tilespmem:s12+$0xF330] =	vst v62  }
0x46e: {  	v14 =	vmax.f32 v14, v20;
	v12 =	vmax.f32 v12, v31;
	[tilespmem:s12+$0xF340] =	vst v13  }
0x46f: {  	v63 =	vmax.f32 v14, v61;
	[tilespmem:s12+$0xF350] =	vst v12  }
0x470: {  	s30 =	rddreg [dreg:$0x5];
	v11 =	vmax.f32 v11, v25;
	[tilespmem:s12+$0xF360] =	vst v63  }
0x471: {  	s1 =	rddreg [dreg:$0x6];
	[tilespmem:s12+$0xF370] =	vst v11  }
0x472: {  	[hbm4b:s1+s3] =	stream.linear.scatter [tilespmem:s30], [sflag:s11], $0x80, $0x38;
	[tilespmem:$0xF400] =	vst v63  }
0x473: {  	_ =	swait.ge [sflag:s15], $0x80  }
0x474: {  	[sflag:s15] =	ssyncset.done $0x0  }
0x475: {  	[sflag:s15] =	ssyncadd.s32 $0xFFFFFF80  }
0x476: {  	_ =	swait.ge [sflag:s11], $0x80  }
0x477: {  	s22 =	sadd.s32 $0x1, s22;
	s31 =	rddreg [dreg:$0x7]  }
0x478: {  	p0 =	sne.s32 s22, s31  }
.Ltmp55:
0x479: {  	_ = 	snop;
	(pc) =	sbr.rel @p0 .LBB2_1-.Ltmp55, $3  }
0x47a: {  	_ =	sdelay $0x1  }
0x47b: {  	[sflag:s11] =	ssyncset.done $0x0  }
0x47c: {  	[sflag:s11] =	ssyncadd.s32 $0xFFFFFF80  }
0x47d: {  	_ =	sfence.sel $0x180000  }
0x47e: {  	[bflag:$0x0] =	sbarrier.arrive $0xFFFF  }
0x47f: {  	_ =	strace $0x90000047  }
0x480: {  	s0 =	stileid.u32;
	[bflag:$0x2] =	sbarrier.arrive $0xFFFF  }
0x481: {  	p0 =	sne.s32 s0, $0x0;
	s0 =	rddreg [dreg:$0x2]  }
0x482: {  	s0 =	sadd.s32 @!p0 $0x100000, s0  }
0x483: {  	[sflag:s0] =	ssyncadd.tile.s32 @!p0 $0x1;
	_ =	shalt  }
.Lfunc_end2:
_tile_overlayer_lowered:
.L_overlay_start_2:
0x484: {  	(tag) =	ssettag $0x2  }
0x485: {  	s0 =	rddreg [dreg:$0x0];
	s2 =	stileid.u32  }
0x486: {  	s1 =	rddreg [dreg:$0x1];
	p0 =	sne.s32 s2, $0x0  }
0x487: {  	s3 =	rddreg [dreg:$0x2];
	[bflag:$0x3] =	sbarrier.arrive $0xFFFF;
	s2 =	simm.s32 @!p0 $0x1C07  }
0x488: {  	[timem:s3], [sflag:s2] =	dma.local @!p0 [hbm:s0], s1  }
0x489: {  	s0 =	simm.s32 @!p0 $0x7  }
0x48a: {  	_ =	swait.ge @!p0 [sflag:s0], s1  }
0x48b: {  	s1 =	ssub.s32 @!p0 $0x0, s1;
	[sflag:s0] =	ssyncset.done @!p0 $0x0  }
0x48c: {  	[sflag:s0] =	ssyncadd.s32 @!p0 s1  }
0x48d: {  	[bflag:$0x3] =	sbarrier.arrive $0xFFFF  }
0x48e: {  	_ =	shalt  }

</sc_bundles>
